<compile_context>
chip_gen: v7x
topology: tpu7x:2x2x1
jax: 0.10.2.dev20260603
libtpu: 0.0.44.dev20260713+nightly
codegen_flags: <defaults>
</compile_context>

<pallas_src>
import jax
import jax.numpy as jnp
from jax import lax
from jax.experimental import pallas as pl
from jax.experimental.pallas import tpu as pltpu
from jax.experimental.pallas import tpu_sc as plsc

N = 50000
E = 200000
D = 128
ODIM = 16

NC, NS, L = 2, 16, 16
NCHUNK = 6
CH = 8336
CH_LAST = N - 5 * CH
TRASH = CH
EPT = 12544
CAP_B = 100
ZR = 48
RPT = 528
CPT = 520
SROWS = NS * RPT

_mesh = plsc.VectorSubcoreMesh(core_axis_name="c", subcore_axis_name="s")


def _sc_agg_body(table, edges, agg, eseg, gsrc, gdst, rows3, zbuf, acc,
                 sem_ga):
    cid = lax.axis_index("c")
    sid = lax.axis_index("s")

    zv = jnp.zeros((L,), jnp.float32)

    def zrow(r, carry):
        for j in range(8):
            zbuf[r, pl.ds(j * L, L)] = zv
        return carry

    lax.fori_loop(0, ZR, zrow, 0)

    pltpu.sync_copy(edges.at[sid, 0], eseg)

    lane = lax.iota(jnp.int32, L)
    zero16 = jnp.zeros((L,), jnp.int32)
    pad_dst = jnp.full((L,), TRASH, jnp.int32)

    def chunk_body(ccc, carry0):
        chunk = cid * (NCHUNK // NC) + ccc
        base = pl.multiple_of(chunk * CH, 8)
        size = jnp.where(chunk == NCHUNK - 1, CH_LAST, CH)

        for z in range(RPT // ZR):
            off0 = pl.multiple_of(sid * RPT + z * ZR, 8)
            pltpu.sync_copy(zbuf, acc.at[pl.ds(off0, ZR)])
        plsc.subcore_barrier()

        def scan(i, off):
            v = eseg[pl.ds(pl.multiple_of(i * L, L), L)]
            local = (v & 0xFFFF) - base
            m = (local >= 0) & (local < size)
            mi = m.astype(jnp.int32)
            pos = off + plsc.cumsum(mi) - 1
            idx = [pos >> 7, zero16, pos & 127]
            plsc.store_scatter(gsrc, idx, lax.shift_right_logical(v, 16),
                               mask=m)
            plsc.store_scatter(gdst, idx, local, mask=m)
            return pos[L - 1] + 1

        off = lax.fori_loop(0, EPT // L, scan, jnp.int32(0))

        for j in range(8):
            p = off + j * L + lane
            idx = [p >> 7, zero16, p & 127]
            plsc.store_scatter(gsrc, idx, zero16)
            plsc.store_scatter(gdst, idx, pad_dst)
        nb = (off + 127) >> 7

        def gbatch(b, carry):
            pltpu.async_copy(table.at[gsrc.at[b, 0]], rows3, sem_ga).wait()
            pltpu.sync_copy(rows3, acc.at[gdst.at[b, 0]], add=True)
            return carry

        lax.fori_loop(0, nb, gbatch, 0)
        plsc.subcore_barrier()

        @pl.when(sid < NS - 1)
        def _():
            r0 = pl.multiple_of(sid * CPT, 8)
            pltpu.sync_copy(acc.at[pl.ds(r0, CPT)],
                            agg.at[pl.ds(base + r0, CPT)])

        @pl.when(jnp.logical_and(sid == NS - 1, chunk < NCHUNK - 1))
        def _():
            pltpu.sync_copy(acc.at[pl.ds(15 * CPT, CH - 15 * CPT)],
                            agg.at[pl.ds(base + 15 * CPT, CH - 15 * CPT)])

        @pl.when(jnp.logical_and(sid == NS - 1, chunk == NCHUNK - 1))
        def _():
            pltpu.sync_copy(acc.at[pl.ds(15 * CPT, CH_LAST - 15 * CPT)],
                            agg.at[pl.ds(base + 15 * CPT, CH_LAST - 15 * CPT)])

        plsc.subcore_barrier()
        return carry0

    lax.fori_loop(0, NCHUNK // NC, chunk_body, 0)


_sc_agg = pl.kernel(
    _sc_agg_body,
    out_type=jax.ShapeDtypeStruct((N, D), jnp.float32),
    mesh=_mesh,
    compiler_params=pltpu.CompilerParams(needs_layout_passes=False),
    scratch_types=[
        pltpu.VMEM((EPT,), jnp.int32),
        pltpu.VMEM((CAP_B, 1, 128), jnp.int32),
        pltpu.VMEM((CAP_B, 1, 128), jnp.int32),
        pltpu.VMEM((128, D), jnp.float32),
        pltpu.VMEM((ZR, D), jnp.float32),
        pltpu.VMEM_SHARED((SROWS, D), jnp.float32),
        pltpu.SemaphoreType.DMA,
    ],
)


def _prep_edges(edge_index):
    packed = (edge_index[0] << 16) | edge_index[1]
    packed = jnp.concatenate(
        [packed, jnp.full((NS * EPT - E,), 0xFFFF, jnp.int32)])
    return packed.reshape(NS, 1, EPT)



BR = 2000


def _fc_body(x_ref, w_ref, b_ref, o_ref):
    o_ref[...] = jnp.maximum(
        jnp.dot(x_ref[...], w_ref[...], preferred_element_type=jnp.float32)
        + b_ref[...], 0.0)


def _gin2_body(x_ref, a1_ref, a2_ref, w1_ref, b1_ref, e1_ref, w2_ref, b2_ref,
               e2_ref, o_ref):
    x = x_ref[...]
    h1 = (1.0 + e1_ref[0, 0]) * x + a1_ref[...]
    h2 = (1.0 + e2_ref[0, 0]) * x + a2_ref[...]
    o1 = jnp.dot(h1, w1_ref[...], preferred_element_type=jnp.float32) + b1_ref[...]
    o2 = jnp.dot(h2, w2_ref[...], preferred_element_type=jnp.float32) + b2_ref[...]
    o_ref[...] = jnp.maximum(o1, 0.0) + jnp.maximum(o2, 0.0)


def _gin1_body(x_ref, a_ref, w_ref, b_ref, e_ref, o_ref):
    h = (1.0 + e_ref[0, 0]) * x_ref[...] + a_ref[...]
    o_ref[...] = jnp.maximum(
        jnp.dot(h, w_ref[...], preferred_element_type=jnp.float32)
        + b_ref[...], 0.0)


def _out_body(x_ref, w_ref, b_ref, o_ref):
    logits = (jnp.dot(x_ref[...], w_ref[...], preferred_element_type=jnp.float32)
              + b_ref[...])
    m = jnp.max(logits, axis=1, keepdims=True)
    e = jnp.exp(logits - m)
    o_ref[...] = e / jnp.sum(e, axis=1, keepdims=True)


_row_spec = pl.BlockSpec((BR, D), lambda i: (i, 0))
_w_spec = pl.BlockSpec((D, D), lambda i: (0, 0))
_b_spec = pl.BlockSpec((1, D), lambda i: (0, 0))
_s_spec = pl.BlockSpec((1, 1), lambda i: (0, 0))
_grid = (N // BR,)


def _fc(x, w, b):
    return pl.pallas_call(
        _fc_body,
        grid=_grid,
        in_specs=[_row_spec, _w_spec, _b_spec],
        out_specs=_row_spec,
        out_shape=jax.ShapeDtypeStruct((N, D), jnp.float32),
    )(x, w, b.reshape(1, D))


def _gin2(x, a1, a2, w1, b1, e1, w2, b2, e2):
    return pl.pallas_call(
        _gin2_body,
        grid=_grid,
        in_specs=[_row_spec, _row_spec, _row_spec, _w_spec, _b_spec, _s_spec,
                  _w_spec, _b_spec, _s_spec],
        out_specs=_row_spec,
        out_shape=jax.ShapeDtypeStruct((N, D), jnp.float32),
    )(x, a1, a2, w1, b1.reshape(1, D), e1.reshape(1, 1), w2, b2.reshape(1, D),
      e2.reshape(1, 1))


def _gin1(x, a, w, b, e):
    return pl.pallas_call(
        _gin1_body,
        grid=_grid,
        in_specs=[_row_spec, _row_spec, _w_spec, _b_spec, _s_spec],
        out_specs=_row_spec,
        out_shape=jax.ShapeDtypeStruct((N, D), jnp.float32),
    )(x, a, w, b.reshape(1, D), e.reshape(1, 1))


def _head(x, w, b):
    return pl.pallas_call(
        _out_body,
        grid=_grid,
        in_specs=[_row_spec, pl.BlockSpec((D, ODIM), lambda i: (0, 0)),
                  pl.BlockSpec((1, ODIM), lambda i: (0, 0))],
        out_specs=pl.BlockSpec((BR, ODIM), lambda i: (i, 0)),
        out_shape=jax.ShapeDtypeStruct((N, ODIM), jnp.float32),
    )(x, w, b.reshape(1, ODIM))


def kernel(x_glomeruli, x_cell, edge_index_gg, edge_index_cg, edge_index_cc,
           W_fc_g, b_fc_g, W_fc_c, b_fc_c,
           W0_gg, b0_gg, eps0_gg, W0_cg, b0_cg, eps0_cg, W0_cc, b0_cc, eps0_cc,
           W1_gg, b1_gg, eps1_gg, W1_cg, b1_cg, eps1_cg, W1_cc, b1_cc, eps1_cc,
           W_out, b_out):
    e_gg = _prep_edges(edge_index_gg)
    e_cg = _prep_edges(edge_index_cg)
    e_cc = _prep_edges(edge_index_cc)

    xg = _fc(x_glomeruli, W_fc_g, b_fc_g)
    xc = _fc(x_cell, W_fc_c, b_fc_c)

    agg_gg = _sc_agg(xg, e_gg)
    agg_cg = _sc_agg(xc, e_cg)
    agg_cc = _sc_agg(xc, e_cc)
    xg1 = _gin2(xg, agg_gg, agg_cg, W0_gg, b0_gg, eps0_gg, W0_cg, b0_cg, eps0_cg)
    xc1 = _gin1(xc, agg_cc, W0_cc, b0_cc, eps0_cc)

    agg1_gg = _sc_agg(xg1, e_gg)
    agg1_cg = _sc_agg(xc1, e_cg)
    xg2 = _gin2(xg1, agg1_gg, agg1_cg, W1_gg, b1_gg, eps1_gg, W1_cg, b1_cg,
                eps1_cg)

    return _head(xg2, W_out, b_out)

# --- scband reference (transcript-rebuilt; emitter-appended) ---
"""Pipeline reference for scband-hetero-gnn-51745765982901 (READ-ONLY COPY).

The authoritative reference and input builder live on the scoring server;
editing this copy changes nothing except your own understanding.
"""

import jax, jax.numpy as jnp
import numpy as np

N_GLOM = 50000
N_CELL = 50000
E = 200000
D = 128
OUT_DIM = 16


def _gin(x_src, x_dst, edge_index, eps, W, b):
    # GINConv (bipartite): nn((1+eps)*x_dst + sum_{j->i} x_src[j]), nn = Linear + ReLU
    agg = jnp.zeros((x_dst.shape[0], x_src.shape[1]), dtype=x_src.dtype).at[edge_index[1]].add(x_src[edge_index[0]])
    h = (1.0 + eps) * x_dst + agg
    return jax.nn.relu(h @ W + b)


def setup_inputs(seed: int = 0):
    key = jax.random.key(seed)
    ks = jax.random.split(key, 40)

    def w(k, shape):
        return jax.random.normal(k, shape, dtype=jnp.float32) * 0.05

    inp = {}
    inp["x_glomeruli"] = jax.random.normal(ks[0], (N_GLOM, D), dtype=jnp.float32)
    inp["x_cell"] = jax.random.normal(ks[1], (N_CELL, D), dtype=jnp.float32)
    inp["edge_index_gg"] = jax.random.randint(ks[2], (2, E), 0, N_GLOM, dtype=jnp.int32)
    inp["edge_index_cg"] = jnp.stack([
        jax.random.randint(ks[3], (E,), 0, N_CELL, dtype=jnp.int32),
        jax.random.randint(ks[4], (E,), 0, N_GLOM, dtype=jnp.int32),
    ])
    inp["edge_index_cc"] = jax.random.randint(ks[5], (2, E), 0, N_CELL, dtype=jnp.int32)
    # input projection (LazyLinear per node type) + ReLU (dropout=0, Identity norm)
    inp["W_fc_g"] = w(ks[6], (D, D)); inp["b_fc_g"] = jnp.zeros((D,), jnp.float32)
    inp["W_fc_c"] = w(ks[7], (D, D)); inp["b_fc_c"] = jnp.zeros((D,), jnp.float32)
    # 2 hetero message passing layers x 3 GIN convs (gg, cg, cc)
    i = 8
    for l in range(2):
        for t in ["gg", "cg", "cc"]:
            inp["W%d_%s" % (l, t)] = w(ks[i], (D, D)); i += 1
            inp["b%d_%s" % (l, t)] = jnp.zeros((D,), jnp.float32)
            inp["eps%d_%s" % (l, t)] = jnp.zeros((), jnp.float32)  # train_eps init 0
    inp["W_out"] = w(ks[i], (D, OUT_DIM)); inp["b_out"] = jnp.zeros((OUT_DIM,), jnp.float32)
    return inp


def reference(x_glomeruli, x_cell, edge_index_gg, edge_index_cg, edge_index_cc,
              W_fc_g, b_fc_g, W_fc_c, b_fc_c,
              W0_gg, b0_gg, eps0_gg, W0_cg, b0_cg, eps0_cg, W0_cc, b0_cc, eps0_cc,
              W1_gg, b1_gg, eps1_gg, W1_cg, b1_cg, eps1_cg, W1_cc, b1_cc, eps1_cc,
              W_out, b_out):
    # per-node-type input FC + ReLU
    xg = jax.nn.relu(x_glomeruli @ W_fc_g + b_fc_g)
    xc = jax.nn.relu(x_cell @ W_fc_c + b_fc_c)
    # message passing layer 0: HeteroConv aggr='sum' over edge types per dst type, then Identity norm + ReLU
    og = _gin(xg, xg, edge_index_gg, eps0_gg, W0_gg, b0_gg) + _gin(xc, xg, edge_index_cg, eps0_cg, W0_cg, b0_cg)
    oc = _gin(xc, xc, edge_index_cc, eps0_cc, W0_cc, b0_cc)
    xg, xc = jax.nn.relu(og), jax.nn.relu(oc)
    # message passing layer 1
    og = _gin(xg, xg, edge_index_gg, eps1_gg, W1_gg, b1_gg) + _gin(xc, xg, edge_index_cg, eps1_cg, W1_cg, b1_cg)
    oc = _gin(xc, xc, edge_index_cc, eps1_cc, W1_cc, b1_cc)
    xg = jax.nn.relu(og)
    # output layer on 'glomeruli' + softmax
    logits = xg @ W_out + b_out
    return jax.nn.softmax(logits, axis=1)

if __name__ == "__main__":
    import jax
    _d = setup_inputs()
    print(jax.jit(kernel)(*tuple(_d.values())))

</pallas_src>

<mosaic_0001>
#map = affine_map<(d0, d1) -> (0, 0)>
#map1 = affine_map<(d0, d1) -> (0, 0, 0)>
module attributes {stable_mosaic.version = 14 : i64} {
  func.func @_sc_agg_body(%arg0: i32, %arg1: i32, %arg2: memref<50000x128xf32, #tpu.memory_space<hbm>>, %arg3: memref<16x1x12544xi32, #tpu.memory_space<hbm>>, %arg4: memref<50000x128xf32, #tpu.memory_space<hbm>>, %arg5: memref<12544xi32, #tpu.memory_space<vmem>>, %arg6: memref<100x1x128xi32, #tpu.memory_space<vmem>>, %arg7: memref<100x1x128xi32, #tpu.memory_space<vmem>>, %arg8: memref<128x128xf32, #tpu.memory_space<vmem>>, %arg9: memref<48x128xf32, #tpu.memory_space<vmem>>, %arg10: memref<8448x128xf32, #tpu.memory_space<vmem_shared>>, %arg11: memref<!tpu.dma_semaphore, #tpu.memory_space<semaphore_mem>>) attributes {dimension_semantics = [#tpu.dimension_semantics<core_parallel>, #tpu.dimension_semantics<subcore_parallel>], iteration_bounds = array<i64: 2, 16>, scalar_prefetch = 0 : i64, scratch_operands = 7 : i64, tpu.core_type = #tpu.core_type<sc_vector_subcore>, window_params = [{transform_indices = #map}, {transform_indices = #map1}, {transform_indices = #map}]} {
    %broadcast_in_dim3A = arith.constant 0.000000e+00 : f32
    %broadcast_in_dim3A_0 = vector.broadcast %broadcast_in_dim3A : f32 to vector<16xf32>
    %scan3A = arith.constant 0 : i32
    %scan3A_1 = arith.constant 0 : i32
    %scan3A_2 = arith.constant 48 : i32
    %scan3A_3 = arith.addi %scan3A_1, %scan3A_2 : i32
    %scan3A_4 = arith.constant 1 : i32
    scf.for %scan3A_16 = %scan3A_1 to %scan3A_3 step %scan3A_4  : i32 {
      %swap3A = arith.index_cast %scan3A_16 : i32 to index
      %swap3A_17 = arith.constant 0 : index
      %swap3A_18 = tpu.vector_load %arg9[%swap3A, %swap3A_17] {strides = array<i32>} : memref<48x128xf32, #tpu.memory_space<vmem>>, vector<16xf32>,
      tpu.vector_store %arg9[%swap3A, %swap3A_17], %broadcast_in_dim3A_0 {strides = array<i32>} : memref<48x128xf32, #tpu.memory_space<vmem>>, vector<16xf32>,
      %swap3A_19 = arith.index_cast %scan3A_16 : i32 to index
      %swap3A_20 = arith.constant 16 : index
      %swap3A_21 = tpu.vector_load %arg9[%swap3A_19, %swap3A_20] {strides = array<i32>} : memref<48x128xf32, #tpu.memory_space<vmem>>, vector<16xf32>,
      tpu.vector_store %arg9[%swap3A_19, %swap3A_20], %broadcast_in_dim3A_0 {strides = array<i32>} : memref<48x128xf32, #tpu.memory_space<vmem>>, vector<16xf32>,
      %swap3A_22 = arith.index_cast %scan3A_16 : i32 to index
      %swap3A_23 = arith.constant 32 : index
      %swap3A_24 = tpu.vector_load %arg9[%swap3A_22, %swap3A_23] {strides = array<i32>} : memref<48x128xf32, #tpu.memory_space<vmem>>, vector<16xf32>,
      tpu.vector_store %arg9[%swap3A_22, %swap3A_23], %broadcast_in_dim3A_0 {strides = array<i32>} : memref<48x128xf32, #tpu.memory_space<vmem>>, vector<16xf32>,
      %swap3A_25 = arith.index_cast %scan3A_16 : i32 to index
      %swap3A_26 = arith.constant 48 : index
      %swap3A_27 = tpu.vector_load %arg9[%swap3A_25, %swap3A_26] {strides = array<i32>} : memref<48x128xf32, #tpu.memory_space<vmem>>, vector<16xf32>,
      tpu.vector_store %arg9[%swap3A_25, %swap3A_26], %broadcast_in_dim3A_0 {strides = array<i32>} : memref<48x128xf32, #tpu.memory_space<vmem>>, vector<16xf32>,
      %swap3A_28 = arith.index_cast %scan3A_16 : i32 to index
      %swap3A_29 = arith.constant 64 : index
      %swap3A_30 = tpu.vector_load %arg9[%swap3A_28, %swap3A_29] {strides = array<i32>} : memref<48x128xf32, #tpu.memory_space<vmem>>, vector<16xf32>,
      tpu.vector_store %arg9[%swap3A_28, %swap3A_29], %broadcast_in_dim3A_0 {strides = array<i32>} : memref<48x128xf32, #tpu.memory_space<vmem>>, vector<16xf32>,
      %swap3A_31 = arith.index_cast %scan3A_16 : i32 to index
      %swap3A_32 = arith.constant 80 : index
      %swap3A_33 = tpu.vector_load %arg9[%swap3A_31, %swap3A_32] {strides = array<i32>} : memref<48x128xf32, #tpu.memory_space<vmem>>, vector<16xf32>,
      tpu.vector_store %arg9[%swap3A_31, %swap3A_32], %broadcast_in_dim3A_0 {strides = array<i32>} : memref<48x128xf32, #tpu.memory_space<vmem>>, vector<16xf32>,
      %swap3A_34 = arith.index_cast %scan3A_16 : i32 to index
      %swap3A_35 = arith.constant 96 : index
      %swap3A_36 = tpu.vector_load %arg9[%swap3A_34, %swap3A_35] {strides = array<i32>} : memref<48x128xf32, #tpu.memory_space<vmem>>, vector<16xf32>,
      tpu.vector_store %arg9[%swap3A_34, %swap3A_35], %broadcast_in_dim3A_0 {strides = array<i32>} : memref<48x128xf32, #tpu.memory_space<vmem>>, vector<16xf32>,
      %swap3A_37 = arith.index_cast %scan3A_16 : i32 to index
      %swap3A_38 = arith.constant 112 : index
      %swap3A_39 = tpu.vector_load %arg9[%swap3A_37, %swap3A_38] {strides = array<i32>} : memref<48x128xf32, #tpu.memory_space<vmem>>, vector<16xf32>,
      tpu.vector_store %arg9[%swap3A_37, %swap3A_38], %broadcast_in_dim3A_0 {strides = array<i32>} : memref<48x128xf32, #tpu.memory_space<vmem>>, vector<16xf32>,
    }
    %scan3A_5 = arith.constant 48 : i32
    %run_scoped3A = arith.constant 0 : i32
    "tpu.region"() ({
      %run_scoped3A_16 = tpu.sem_alloc : memref<!tpu.dma_semaphore, #tpu.memory_space<semaphore_mem>>
      %dma_start3A = arith.constant 0 : i32
      %dma_start3A_17 = tpu.memref_slice %arg3[%arg1, %run_scoped3A, %dma_start3A] : memref<16x1x12544xi32, #tpu.memory_space<hbm>> -> memref<1x1x12544xi32, #tpu.memory_space<hbm>>
      %dma_start3A_18 = tpu.memref_squeeze %dma_start3A_17 : memref<1x1x12544xi32, #tpu.memory_space<hbm>> -> memref<12544xi32, #tpu.memory_space<hbm>>
      %dma_start3A_19 = arith.constant 0 : i32
      %dma_start3A_20 = tpu.memref_slice %arg3[%arg1, %run_scoped3A, %dma_start3A_19] : memref<16x1x12544xi32, #tpu.memory_space<hbm>> -> memref<1x1x12544xi32, #tpu.memory_space<hbm>>
      %dma_start3A_21 = tpu.memref_squeeze %dma_start3A_20 : memref<1x1x12544xi32, #tpu.memory_space<hbm>> -> memref<12544xi32, #tpu.memory_space<hbm>>
      tpu.enqueue_dma source(%dma_start3A_21 : memref<12544xi32, #tpu.memory_space<hbm>>) target(%arg5 : memref<12544xi32, #tpu.memory_space<vmem>>) target_semaphore(%run_scoped3A_16 : memref<!tpu.dma_semaphore, #tpu.memory_space<semaphore_mem>>)
      %dma_wait3A = arith.constant 0 : i32
      %dma_wait3A_22 = tpu.memref_slice %arg3[%arg1, %run_scoped3A, %dma_wait3A] : memref<16x1x12544xi32, #tpu.memory_space<hbm>> -> memref<1x1x12544xi32, #tpu.memory_space<hbm>>
      %dma_wait3A_23 = tpu.memref_squeeze %dma_wait3A_22 : memref<1x1x12544xi32, #tpu.memory_space<hbm>> -> memref<12544xi32, #tpu.memory_space<hbm>>
      %dma_wait3A_24 = arith.constant 0 : i32
      %dma_wait3A_25 = tpu.memref_slice %arg3[%arg1, %run_scoped3A, %dma_wait3A_24] : memref<16x1x12544xi32, #tpu.memory_space<hbm>> -> memref<1x1x12544xi32, #tpu.memory_space<hbm>>
      %dma_wait3A_26 = tpu.memref_squeeze %dma_wait3A_25 : memref<1x1x12544xi32, #tpu.memory_space<hbm>> -> memref<12544xi32, #tpu.memory_space<hbm>>
      tpu.wait_dma2 semaphore(%run_scoped3A_16 : memref<!tpu.dma_semaphore, #tpu.memory_space<semaphore_mem>>) src(%dma_wait3A_26 : memref<12544xi32, #tpu.memory_space<hbm>>) dst(%arg5 : memref<12544xi32, #tpu.memory_space<vmem>>)
      tpu.yield
    }) : () -> ()
    %iota3A = tpu.iota {dimensions = array<i32: 0>} : vector<16xi32>
    %broadcast_in_dim3A_6 = arith.constant 0 : i32
    %broadcast_in_dim3A_7 = vector.broadcast %broadcast_in_dim3A_6 : i32 to vector<16xi32>
    %broadcast_in_dim3A_8 = arith.constant 8336 : i32
    %broadcast_in_dim3A_9 = vector.broadcast %broadcast_in_dim3A_8 : i32 to vector<16xi32>
    %scan3A_10 = arith.constant 0 : i32
    %scan3A_11 = arith.constant 0 : i32
    %scan3A_12 = arith.constant 3 : i32
    %scan3A_13 = arith.addi %scan3A_11, %scan3A_12 : i32
    %scan3A_14 = arith.constant 1 : i32
    scf.for %scan3A_16 = %scan3A_11 to %scan3A_13 step %scan3A_14  : i32 {
      %mul3A = arith.constant 3 : i32
      %mul3A_17 = arith.muli %arg0, %mul3A : i32
      %add3A = arith.addi %mul3A_17, %scan3A_16 : i32
      %mul3A_18 = arith.constant 8336 : i32
      %mul3A_19 = arith.muli %add3A, %mul3A_18 : i32
      %multiple_of3A = tpu.assume_multiple %mul3A_19, 8 : i32
      %eq3A = arith.constant 5 : i32
      %eq3A_20 = arith.cmpi eq, %add3A, %eq3A : i32
      %jit3A = arith.constant 8320 : i32
      %jit3A_21 = arith.constant 8336 : i32
      %select_n3A = arith.select %eq3A_20, %jit3A, %jit3A_21 : i32
      %mul3A_22 = arith.constant 528 : i32
      %mul3A_23 = arith.muli %arg1, %mul3A_22 : i32
      %add3A_24 = arith.constant 0 : i32
      %add3A_25 = arith.addi %mul3A_23, %add3A_24 : i32
      %multiple_of3A_26 = tpu.assume_multiple %add3A_25, 8 : i32
      "tpu.region"() ({
        %run_scoped3A_195 = tpu.sem_alloc : memref<!tpu.dma_semaphore, #tpu.memory_space<semaphore_mem>>
        %dma_start3A = arith.constant 0 : i32
        %dma_start3A_196 = tpu.memref_slice %arg10[%multiple_of3A_26, %dma_start3A] : memref<8448x128xf32, #tpu.memory_space<vmem_shared>> -> memref<48x128xf32, #tpu.memory_space<vmem_shared>>
        %dma_start3A_197 = arith.constant 0 : i32
        %dma_start3A_198 = tpu.memref_slice %arg10[%multiple_of3A_26, %dma_start3A_197] : memref<8448x128xf32, #tpu.memory_space<vmem_shared>> -> memref<48x128xf32, #tpu.memory_space<vmem_shared>>
        tpu.enqueue_dma source(%arg9 : memref<48x128xf32, #tpu.memory_space<vmem>>) target(%dma_start3A_198 : memref<48x128xf32, #tpu.memory_space<vmem_shared>>) target_semaphore(%run_scoped3A_195 : memref<!tpu.dma_semaphore, #tpu.memory_space<semaphore_mem>>)
        %dma_wait3A = arith.constant 0 : i32
        %dma_wait3A_199 = tpu.memref_slice %arg10[%multiple_of3A_26, %dma_wait3A] : memref<8448x128xf32, #tpu.memory_space<vmem_shared>> -> memref<48x128xf32, #tpu.memory_space<vmem_shared>>
        %dma_wait3A_200 = arith.constant 0 : i32
        %dma_wait3A_201 = tpu.memref_slice %arg10[%multiple_of3A_26, %dma_wait3A_200] : memref<8448x128xf32, #tpu.memory_space<vmem_shared>> -> memref<48x128xf32, #tpu.memory_space<vmem_shared>>
        tpu.wait_dma2 semaphore(%run_scoped3A_195 : memref<!tpu.dma_semaphore, #tpu.memory_space<semaphore_mem>>) src(%arg9 : memref<48x128xf32, #tpu.memory_space<vmem>>) dst(%dma_wait3A_201 : memref<48x128xf32, #tpu.memory_space<vmem_shared>>)
        tpu.yield
      }) : () -> ()
      %mul3A_27 = arith.constant 528 : i32
      %mul3A_28 = arith.muli %arg1, %mul3A_27 : i32
      %add3A_29 = arith.constant 48 : i32
      %add3A_30 = arith.addi %mul3A_28, %add3A_29 : i32
      %multiple_of3A_31 = tpu.assume_multiple %add3A_30, 8 : i32
      "tpu.region"() ({
        %run_scoped3A_195 = tpu.sem_alloc : memref<!tpu.dma_semaphore, #tpu.memory_space<semaphore_mem>>
        %dma_start3A = arith.constant 0 : i32
        %dma_start3A_196 = tpu.memref_slice %arg10[%multiple_of3A_31, %dma_start3A] : memref<8448x128xf32, #tpu.memory_space<vmem_shared>> -> memref<48x128xf32, #tpu.memory_space<vmem_shared>>
        %dma_start3A_197 = arith.constant 0 : i32
        %dma_start3A_198 = tpu.memref_slice %arg10[%multiple_of3A_31, %dma_start3A_197] : memref<8448x128xf32, #tpu.memory_space<vmem_shared>> -> memref<48x128xf32, #tpu.memory_space<vmem_shared>>
        tpu.enqueue_dma source(%arg9 : memref<48x128xf32, #tpu.memory_space<vmem>>) target(%dma_start3A_198 : memref<48x128xf32, #tpu.memory_space<vmem_shared>>) target_semaphore(%run_scoped3A_195 : memref<!tpu.dma_semaphore, #tpu.memory_space<semaphore_mem>>)
        %dma_wait3A = arith.constant 0 : i32
        %dma_wait3A_199 = tpu.memref_slice %arg10[%multiple_of3A_31, %dma_wait3A] : memref<8448x128xf32, #tpu.memory_space<vmem_shared>> -> memref<48x128xf32, #tpu.memory_space<vmem_shared>>
        %dma_wait3A_200 = arith.constant 0 : i32
        %dma_wait3A_201 = tpu.memref_slice %arg10[%multiple_of3A_31, %dma_wait3A_200] : memref<8448x128xf32, #tpu.memory_space<vmem_shared>> -> memref<48x128xf32, #tpu.memory_space<vmem_shared>>
        tpu.wait_dma2 semaphore(%run_scoped3A_195 : memref<!tpu.dma_semaphore, #tpu.memory_space<semaphore_mem>>) src(%arg9 : memref<48x128xf32, #tpu.memory_space<vmem>>) dst(%dma_wait3A_201 : memref<48x128xf32, #tpu.memory_space<vmem_shared>>)
        tpu.yield
      }) : () -> ()
      %mul3A_32 = arith.constant 528 : i32
      %mul3A_33 = arith.muli %arg1, %mul3A_32 : i32
      %add3A_34 = arith.constant 96 : i32
      %add3A_35 = arith.addi %mul3A_33, %add3A_34 : i32
      %multiple_of3A_36 = tpu.assume_multiple %add3A_35, 8 : i32
      "tpu.region"() ({
        %run_scoped3A_195 = tpu.sem_alloc : memref<!tpu.dma_semaphore, #tpu.memory_space<semaphore_mem>>
        %dma_start3A = arith.constant 0 : i32
        %dma_start3A_196 = tpu.memref_slice %arg10[%multiple_of3A_36, %dma_start3A] : memref<8448x128xf32, #tpu.memory_space<vmem_shared>> -> memref<48x128xf32, #tpu.memory_space<vmem_shared>>
        %dma_start3A_197 = arith.constant 0 : i32
        %dma_start3A_198 = tpu.memref_slice %arg10[%multiple_of3A_36, %dma_start3A_197] : memref<8448x128xf32, #tpu.memory_space<vmem_shared>> -> memref<48x128xf32, #tpu.memory_space<vmem_shared>>
        tpu.enqueue_dma source(%arg9 : memref<48x128xf32, #tpu.memory_space<vmem>>) target(%dma_start3A_198 : memref<48x128xf32, #tpu.memory_space<vmem_shared>>) target_semaphore(%run_scoped3A_195 : memref<!tpu.dma_semaphore, #tpu.memory_space<semaphore_mem>>)
        %dma_wait3A = arith.constant 0 : i32
        %dma_wait3A_199 = tpu.memref_slice %arg10[%multiple_of3A_36, %dma_wait3A] : memref<8448x128xf32, #tpu.memory_space<vmem_shared>> -> memref<48x128xf32, #tpu.memory_space<vmem_shared>>
        %dma_wait3A_200 = arith.constant 0 : i32
        %dma_wait3A_201 = tpu.memref_slice %arg10[%multiple_of3A_36, %dma_wait3A_200] : memref<8448x128xf32, #tpu.memory_space<vmem_shared>> -> memref<48x128xf32, #tpu.memory_space<vmem_shared>>
        tpu.wait_dma2 semaphore(%run_scoped3A_195 : memref<!tpu.dma_semaphore, #tpu.memory_space<semaphore_mem>>) src(%arg9 : memref<48x128xf32, #tpu.memory_space<vmem>>) dst(%dma_wait3A_201 : memref<48x128xf32, #tpu.memory_space<vmem_shared>>)
        tpu.yield
      }) : () -> ()
      %mul3A_37 = arith.constant 528 : i32
      %mul3A_38 = arith.muli %arg1, %mul3A_37 : i32
      %add3A_39 = arith.constant 144 : i32
      %add3A_40 = arith.addi %mul3A_38, %add3A_39 : i32
      %multiple_of3A_41 = tpu.assume_multiple %add3A_40, 8 : i32
      "tpu.region"() ({
        %run_scoped3A_195 = tpu.sem_alloc : memref<!tpu.dma_semaphore, #tpu.memory_space<semaphore_mem>>
        %dma_start3A = arith.constant 0 : i32
        %dma_start3A_196 = tpu.memref_slice %arg10[%multiple_of3A_41, %dma_start3A] : memref<8448x128xf32, #tpu.memory_space<vmem_shared>> -> memref<48x128xf32, #tpu.memory_space<vmem_shared>>
        %dma_start3A_197 = arith.constant 0 : i32
        %dma_start3A_198 = tpu.memref_slice %arg10[%multiple_of3A_41, %dma_start3A_197] : memref<8448x128xf32, #tpu.memory_space<vmem_shared>> -> memref<48x128xf32, #tpu.memory_space<vmem_shared>>
        tpu.enqueue_dma source(%arg9 : memref<48x128xf32, #tpu.memory_space<vmem>>) target(%dma_start3A_198 : memref<48x128xf32, #tpu.memory_space<vmem_shared>>) target_semaphore(%run_scoped3A_195 : memref<!tpu.dma_semaphore, #tpu.memory_space<semaphore_mem>>)
        %dma_wait3A = arith.constant 0 : i32
        %dma_wait3A_199 = tpu.memref_slice %arg10[%multiple_of3A_41, %dma_wait3A] : memref<8448x128xf32, #tpu.memory_space<vmem_shared>> -> memref<48x128xf32, #tpu.memory_space<vmem_shared>>
        %dma_wait3A_200 = arith.constant 0 : i32
        %dma_wait3A_201 = tpu.memref_slice %arg10[%multiple_of3A_41, %dma_wait3A_200] : memref<8448x128xf32, #tpu.memory_space<vmem_shared>> -> memref<48x128xf32, #tpu.memory_space<vmem_shared>>
        tpu.wait_dma2 semaphore(%run_scoped3A_195 : memref<!tpu.dma_semaphore, #tpu.memory_space<semaphore_mem>>) src(%arg9 : memref<48x128xf32, #tpu.memory_space<vmem>>) dst(%dma_wait3A_201 : memref<48x128xf32, #tpu.memory_space<vmem_shared>>)
        tpu.yield
      }) : () -> ()
      %mul3A_42 = arith.constant 528 : i32
      %mul3A_43 = arith.muli %arg1, %mul3A_42 : i32
      %add3A_44 = arith.constant 192 : i32
      %add3A_45 = arith.addi %mul3A_43, %add3A_44 : i32
      %multiple_of3A_46 = tpu.assume_multiple %add3A_45, 8 : i32
      "tpu.region"() ({
        %run_scoped3A_195 = tpu.sem_alloc : memref<!tpu.dma_semaphore, #tpu.memory_space<semaphore_mem>>
        %dma_start3A = arith.constant 0 : i32
        %dma_start3A_196 = tpu.memref_slice %arg10[%multiple_of3A_46, %dma_start3A] : memref<8448x128xf32, #tpu.memory_space<vmem_shared>> -> memref<48x128xf32, #tpu.memory_space<vmem_shared>>
        %dma_start3A_197 = arith.constant 0 : i32
        %dma_start3A_198 = tpu.memref_slice %arg10[%multiple_of3A_46, %dma_start3A_197] : memref<8448x128xf32, #tpu.memory_space<vmem_shared>> -> memref<48x128xf32, #tpu.memory_space<vmem_shared>>
        tpu.enqueue_dma source(%arg9 : memref<48x128xf32, #tpu.memory_space<vmem>>) target(%dma_start3A_198 : memref<48x128xf32, #tpu.memory_space<vmem_shared>>) target_semaphore(%run_scoped3A_195 : memref<!tpu.dma_semaphore, #tpu.memory_space<semaphore_mem>>)
        %dma_wait3A = arith.constant 0 : i32
        %dma_wait3A_199 = tpu.memref_slice %arg10[%multiple_of3A_46, %dma_wait3A] : memref<8448x128xf32, #tpu.memory_space<vmem_shared>> -> memref<48x128xf32, #tpu.memory_space<vmem_shared>>
        %dma_wait3A_200 = arith.constant 0 : i32
        %dma_wait3A_201 = tpu.memref_slice %arg10[%multiple_of3A_46, %dma_wait3A_200] : memref<8448x128xf32, #tpu.memory_space<vmem_shared>> -> memref<48x128xf32, #tpu.memory_space<vmem_shared>>
        tpu.wait_dma2 semaphore(%run_scoped3A_195 : memref<!tpu.dma_semaphore, #tpu.memory_space<semaphore_mem>>) src(%arg9 : memref<48x128xf32, #tpu.memory_space<vmem>>) dst(%dma_wait3A_201 : memref<48x128xf32, #tpu.memory_space<vmem_shared>>)
        tpu.yield
      }) : () -> ()
      %mul3A_47 = arith.constant 528 : i32
      %mul3A_48 = arith.muli %arg1, %mul3A_47 : i32
      %add3A_49 = arith.constant 240 : i32
      %add3A_50 = arith.addi %mul3A_48, %add3A_49 : i32
      %multiple_of3A_51 = tpu.assume_multiple %add3A_50, 8 : i32
      "tpu.region"() ({
        %run_scoped3A_195 = tpu.sem_alloc : memref<!tpu.dma_semaphore, #tpu.memory_space<semaphore_mem>>
        %dma_start3A = arith.constant 0 : i32
        %dma_start3A_196 = tpu.memref_slice %arg10[%multiple_of3A_51, %dma_start3A] : memref<8448x128xf32, #tpu.memory_space<vmem_shared>> -> memref<48x128xf32, #tpu.memory_space<vmem_shared>>
        %dma_start3A_197 = arith.constant 0 : i32
        %dma_start3A_198 = tpu.memref_slice %arg10[%multiple_of3A_51, %dma_start3A_197] : memref<8448x128xf32, #tpu.memory_space<vmem_shared>> -> memref<48x128xf32, #tpu.memory_space<vmem_shared>>
        tpu.enqueue_dma source(%arg9 : memref<48x128xf32, #tpu.memory_space<vmem>>) target(%dma_start3A_198 : memref<48x128xf32, #tpu.memory_space<vmem_shared>>) target_semaphore(%run_scoped3A_195 : memref<!tpu.dma_semaphore, #tpu.memory_space<semaphore_mem>>)
        %dma_wait3A = arith.constant 0 : i32
        %dma_wait3A_199 = tpu.memref_slice %arg10[%multiple_of3A_51, %dma_wait3A] : memref<8448x128xf32, #tpu.memory_space<vmem_shared>> -> memref<48x128xf32, #tpu.memory_space<vmem_shared>>
        %dma_wait3A_200 = arith.constant 0 : i32
        %dma_wait3A_201 = tpu.memref_slice %arg10[%multiple_of3A_51, %dma_wait3A_200] : memref<8448x128xf32, #tpu.memory_space<vmem_shared>> -> memref<48x128xf32, #tpu.memory_space<vmem_shared>>
        tpu.wait_dma2 semaphore(%run_scoped3A_195 : memref<!tpu.dma_semaphore, #tpu.memory_space<semaphore_mem>>) src(%arg9 : memref<48x128xf32, #tpu.memory_space<vmem>>) dst(%dma_wait3A_201 : memref<48x128xf32, #tpu.memory_space<vmem_shared>>)
        tpu.yield
      }) : () -> ()
      %mul3A_52 = arith.constant 528 : i32
      %mul3A_53 = arith.muli %arg1, %mul3A_52 : i32
      %add3A_54 = arith.constant 288 : i32
      %add3A_55 = arith.addi %mul3A_53, %add3A_54 : i32
      %multiple_of3A_56 = tpu.assume_multiple %add3A_55, 8 : i32
      "tpu.region"() ({
        %run_scoped3A_195 = tpu.sem_alloc : memref<!tpu.dma_semaphore, #tpu.memory_space<semaphore_mem>>
        %dma_start3A = arith.constant 0 : i32
        %dma_start3A_196 = tpu.memref_slice %arg10[%multiple_of3A_56, %dma_start3A] : memref<8448x128xf32, #tpu.memory_space<vmem_shared>> -> memref<48x128xf32, #tpu.memory_space<vmem_shared>>
        %dma_start3A_197 = arith.constant 0 : i32
        %dma_start3A_198 = tpu.memref_slice %arg10[%multiple_of3A_56, %dma_start3A_197] : memref<8448x128xf32, #tpu.memory_space<vmem_shared>> -> memref<48x128xf32, #tpu.memory_space<vmem_shared>>
        tpu.enqueue_dma source(%arg9 : memref<48x128xf32, #tpu.memory_space<vmem>>) target(%dma_start3A_198 : memref<48x128xf32, #tpu.memory_space<vmem_shared>>) target_semaphore(%run_scoped3A_195 : memref<!tpu.dma_semaphore, #tpu.memory_space<semaphore_mem>>)
        %dma_wait3A = arith.constant 0 : i32
        %dma_wait3A_199 = tpu.memref_slice %arg10[%multiple_of3A_56, %dma_wait3A] : memref<8448x128xf32, #tpu.memory_space<vmem_shared>> -> memref<48x128xf32, #tpu.memory_space<vmem_shared>>
        %dma_wait3A_200 = arith.constant 0 : i32
        %dma_wait3A_201 = tpu.memref_slice %arg10[%multiple_of3A_56, %dma_wait3A_200] : memref<8448x128xf32, #tpu.memory_space<vmem_shared>> -> memref<48x128xf32, #tpu.memory_space<vmem_shared>>
        tpu.wait_dma2 semaphore(%run_scoped3A_195 : memref<!tpu.dma_semaphore, #tpu.memory_space<semaphore_mem>>) src(%arg9 : memref<48x128xf32, #tpu.memory_space<vmem>>) dst(%dma_wait3A_201 : memref<48x128xf32, #tpu.memory_space<vmem_shared>>)
        tpu.yield
      }) : () -> ()
      %mul3A_57 = arith.constant 528 : i32
      %mul3A_58 = arith.muli %arg1, %mul3A_57 : i32
      %add3A_59 = arith.constant 336 : i32
      %add3A_60 = arith.addi %mul3A_58, %add3A_59 : i32
      %multiple_of3A_61 = tpu.assume_multiple %add3A_60, 8 : i32
      "tpu.region"() ({
        %run_scoped3A_195 = tpu.sem_alloc : memref<!tpu.dma_semaphore, #tpu.memory_space<semaphore_mem>>
        %dma_start3A = arith.constant 0 : i32
        %dma_start3A_196 = tpu.memref_slice %arg10[%multiple_of3A_61, %dma_start3A] : memref<8448x128xf32, #tpu.memory_space<vmem_shared>> -> memref<48x128xf32, #tpu.memory_space<vmem_shared>>
        %dma_start3A_197 = arith.constant 0 : i32
        %dma_start3A_198 = tpu.memref_slice %arg10[%multiple_of3A_61, %dma_start3A_197] : memref<8448x128xf32, #tpu.memory_space<vmem_shared>> -> memref<48x128xf32, #tpu.memory_space<vmem_shared>>
        tpu.enqueue_dma source(%arg9 : memref<48x128xf32, #tpu.memory_space<vmem>>) target(%dma_start3A_198 : memref<48x128xf32, #tpu.memory_space<vmem_shared>>) target_semaphore(%run_scoped3A_195 : memref<!tpu.dma_semaphore, #tpu.memory_space<semaphore_mem>>)
        %dma_wait3A = arith.constant 0 : i32
        %dma_wait3A_199 = tpu.memref_slice %arg10[%multiple_of3A_61, %dma_wait3A] : memref<8448x128xf32, #tpu.memory_space<vmem_shared>> -> memref<48x128xf32, #tpu.memory_space<vmem_shared>>
        %dma_wait3A_200 = arith.constant 0 : i32
        %dma_wait3A_201 = tpu.memref_slice %arg10[%multiple_of3A_61, %dma_wait3A_200] : memref<8448x128xf32, #tpu.memory_space<vmem_shared>> -> memref<48x128xf32, #tpu.memory_space<vmem_shared>>
        tpu.wait_dma2 semaphore(%run_scoped3A_195 : memref<!tpu.dma_semaphore, #tpu.memory_space<semaphore_mem>>) src(%arg9 : memref<48x128xf32, #tpu.memory_space<vmem>>) dst(%dma_wait3A_201 : memref<48x128xf32, #tpu.memory_space<vmem_shared>>)
        tpu.yield
      }) : () -> ()
      %mul3A_62 = arith.constant 528 : i32
      %mul3A_63 = arith.muli %arg1, %mul3A_62 : i32
      %add3A_64 = arith.constant 384 : i32
      %add3A_65 = arith.addi %mul3A_63, %add3A_64 : i32
      %multiple_of3A_66 = tpu.assume_multiple %add3A_65, 8 : i32
      "tpu.region"() ({
        %run_scoped3A_195 = tpu.sem_alloc : memref<!tpu.dma_semaphore, #tpu.memory_space<semaphore_mem>>
        %dma_start3A = arith.constant 0 : i32
        %dma_start3A_196 = tpu.memref_slice %arg10[%multiple_of3A_66, %dma_start3A] : memref<8448x128xf32, #tpu.memory_space<vmem_shared>> -> memref<48x128xf32, #tpu.memory_space<vmem_shared>>
        %dma_start3A_197 = arith.constant 0 : i32
        %dma_start3A_198 = tpu.memref_slice %arg10[%multiple_of3A_66, %dma_start3A_197] : memref<8448x128xf32, #tpu.memory_space<vmem_shared>> -> memref<48x128xf32, #tpu.memory_space<vmem_shared>>
        tpu.enqueue_dma source(%arg9 : memref<48x128xf32, #tpu.memory_space<vmem>>) target(%dma_start3A_198 : memref<48x128xf32, #tpu.memory_space<vmem_shared>>) target_semaphore(%run_scoped3A_195 : memref<!tpu.dma_semaphore, #tpu.memory_space<semaphore_mem>>)
        %dma_wait3A = arith.constant 0 : i32
        %dma_wait3A_199 = tpu.memref_slice %arg10[%multiple_of3A_66, %dma_wait3A] : memref<8448x128xf32, #tpu.memory_space<vmem_shared>> -> memref<48x128xf32, #tpu.memory_space<vmem_shared>>
        %dma_wait3A_200 = arith.constant 0 : i32
        %dma_wait3A_201 = tpu.memref_slice %arg10[%multiple_of3A_66, %dma_wait3A_200] : memref<8448x128xf32, #tpu.memory_space<vmem_shared>> -> memref<48x128xf32, #tpu.memory_space<vmem_shared>>
        tpu.wait_dma2 semaphore(%run_scoped3A_195 : memref<!tpu.dma_semaphore, #tpu.memory_space<semaphore_mem>>) src(%arg9 : memref<48x128xf32, #tpu.memory_space<vmem>>) dst(%dma_wait3A_201 : memref<48x128xf32, #tpu.memory_space<vmem_shared>>)
        tpu.yield
      }) : () -> ()
      %mul3A_67 = arith.constant 528 : i32
      %mul3A_68 = arith.muli %arg1, %mul3A_67 : i32
      %add3A_69 = arith.constant 432 : i32
      %add3A_70 = arith.addi %mul3A_68, %add3A_69 : i32
      %multiple_of3A_71 = tpu.assume_multiple %add3A_70, 8 : i32
      "tpu.region"() ({
        %run_scoped3A_195 = tpu.sem_alloc : memref<!tpu.dma_semaphore, #tpu.memory_space<semaphore_mem>>
        %dma_start3A = arith.constant 0 : i32
        %dma_start3A_196 = tpu.memref_slice %arg10[%multiple_of3A_71, %dma_start3A] : memref<8448x128xf32, #tpu.memory_space<vmem_shared>> -> memref<48x128xf32, #tpu.memory_space<vmem_shared>>
        %dma_start3A_197 = arith.constant 0 : i32
        %dma_start3A_198 = tpu.memref_slice %arg10[%multiple_of3A_71, %dma_start3A_197] : memref<8448x128xf32, #tpu.memory_space<vmem_shared>> -> memref<48x128xf32, #tpu.memory_space<vmem_shared>>
        tpu.enqueue_dma source(%arg9 : memref<48x128xf32, #tpu.memory_space<vmem>>) target(%dma_start3A_198 : memref<48x128xf32, #tpu.memory_space<vmem_shared>>) target_semaphore(%run_scoped3A_195 : memref<!tpu.dma_semaphore, #tpu.memory_space<semaphore_mem>>)
        %dma_wait3A = arith.constant 0 : i32
        %dma_wait3A_199 = tpu.memref_slice %arg10[%multiple_of3A_71, %dma_wait3A] : memref<8448x128xf32, #tpu.memory_space<vmem_shared>> -> memref<48x128xf32, #tpu.memory_space<vmem_shared>>
        %dma_wait3A_200 = arith.constant 0 : i32
        %dma_wait3A_201 = tpu.memref_slice %arg10[%multiple_of3A_71, %dma_wait3A_200] : memref<8448x128xf32, #tpu.memory_space<vmem_shared>> -> memref<48x128xf32, #tpu.memory_space<vmem_shared>>
        tpu.wait_dma2 semaphore(%run_scoped3A_195 : memref<!tpu.dma_semaphore, #tpu.memory_space<semaphore_mem>>) src(%arg9 : memref<48x128xf32, #tpu.memory_space<vmem>>) dst(%dma_wait3A_201 : memref<48x128xf32, #tpu.memory_space<vmem_shared>>)
        tpu.yield
      }) : () -> ()
      %mul3A_72 = arith.constant 528 : i32
      %mul3A_73 = arith.muli %arg1, %mul3A_72 : i32
      %add3A_74 = arith.constant 480 : i32
      %add3A_75 = arith.addi %mul3A_73, %add3A_74 : i32
      %multiple_of3A_76 = tpu.assume_multiple %add3A_75, 8 : i32
      "tpu.region"() ({
        %run_scoped3A_195 = tpu.sem_alloc : memref<!tpu.dma_semaphore, #tpu.memory_space<semaphore_mem>>
        %dma_start3A = arith.constant 0 : i32
        %dma_start3A_196 = tpu.memref_slice %arg10[%multiple_of3A_76, %dma_start3A] : memref<8448x128xf32, #tpu.memory_space<vmem_shared>> -> memref<48x128xf32, #tpu.memory_space<vmem_shared>>
        %dma_start3A_197 = arith.constant 0 : i32
        %dma_start3A_198 = tpu.memref_slice %arg10[%multiple_of3A_76, %dma_start3A_197] : memref<8448x128xf32, #tpu.memory_space<vmem_shared>> -> memref<48x128xf32, #tpu.memory_space<vmem_shared>>
        tpu.enqueue_dma source(%arg9 : memref<48x128xf32, #tpu.memory_space<vmem>>) target(%dma_start3A_198 : memref<48x128xf32, #tpu.memory_space<vmem_shared>>) target_semaphore(%run_scoped3A_195 : memref<!tpu.dma_semaphore, #tpu.memory_space<semaphore_mem>>)
        %dma_wait3A = arith.constant 0 : i32
        %dma_wait3A_199 = tpu.memref_slice %arg10[%multiple_of3A_76, %dma_wait3A] : memref<8448x128xf32, #tpu.memory_space<vmem_shared>> -> memref<48x128xf32, #tpu.memory_space<vmem_shared>>
        %dma_wait3A_200 = arith.constant 0 : i32
        %dma_wait3A_201 = tpu.memref_slice %arg10[%multiple_of3A_76, %dma_wait3A_200] : memref<8448x128xf32, #tpu.memory_space<vmem_shared>> -> memref<48x128xf32, #tpu.memory_space<vmem_shared>>
        tpu.wait_dma2 semaphore(%run_scoped3A_195 : memref<!tpu.dma_semaphore, #tpu.memory_space<semaphore_mem>>) src(%arg9 : memref<48x128xf32, #tpu.memory_space<vmem>>) dst(%dma_wait3A_201 : memref<48x128xf32, #tpu.memory_space<vmem_shared>>)
        tpu.yield
      }) : () -> ()
      %barrier3A = arith.constant 0 : index
      tpu.barrier barrier_id(%barrier3A)
      %scan3A_77 = arith.constant 0 : i32
      %scan3A_78 = arith.constant 0 : i32
      %scan3A_79 = arith.constant 784 : i32
      %scan3A_80 = arith.addi %scan3A_78, %scan3A_79 : i32
      %scan3A_81 = arith.constant 1 : i32
      %scan3A_82 = scf.for %scan3A_195 = %scan3A_78 to %scan3A_80 step %scan3A_81 iter_args(%scan3A_196 = %scan3A_77) -> (i32)  : i32 {
        %mul3A_197 = arith.constant 16 : i32
        %mul3A_198 = arith.muli %scan3A_195, %mul3A_197 : i32
        %multiple_of3A_199 = tpu.assume_multiple %mul3A_198, 16 : i32
        %get3A = arith.index_cast %multiple_of3A_199 : i32 to index
        %get3A_200 = tpu.vector_load %arg5[%get3A] {strides = array<i32>} : memref<12544xi32, #tpu.memory_space<vmem>>, vector<16xi32>,
        %and3A_201 = arith.constant 65535 : i32
        %and3A_202 = vector.broadcast %and3A_201 : i32 to vector<16xi32>
        %and3A_203 = arith.andi %get3A_200, %and3A_202 : vector<16xi32>
        %sub3A = vector.broadcast %multiple_of3A : i32 to vector<16xi32>
        %sub3A_204 = arith.subi %and3A_203, %sub3A : vector<16xi32>
        %ge3A = arith.constant 0 : i32
        %ge3A_205 = vector.broadcast %ge3A : i32 to vector<16xi32>
        %ge3A_206 = arith.cmpi sge, %sub3A_204, %ge3A_205 : vector<16xi32>
        %lt3A_207 = vector.broadcast %select_n3A : i32 to vector<16xi32>
        %lt3A_208 = arith.cmpi slt, %sub3A_204, %lt3A_207 : vector<16xi32>
        %and3A_209 = arith.andi %ge3A_206, %lt3A_208 : vector<16xi1>
        %convert_element_type3A_210 = arith.extui %and3A_209 : vector<16xi1> to vector<16xi32>
        %broadcast_in_dim3A_211 = arith.constant true
        %broadcast_in_dim3A_212 = vector.broadcast %broadcast_in_dim3A_211 : i1 to vector<16xi1>
        %masked_cumsum3A = tpu.scan <sum>, %convert_element_type3A_210 masked %broadcast_in_dim3A_212 : vector<16xi32>, vector<16xi1> -> vector<16xi32>
        %add3A_213 = vector.broadcast %scan3A_196 : i32 to vector<16xi32>
        %add3A_214 = arith.addi %add3A_213, %masked_cumsum3A : vector<16xi32>
        %sub3A_215 = arith.constant 1 : i32
        %sub3A_216 = vector.broadcast %sub3A_215 : i32 to vector<16xi32>
        %sub3A_217 = arith.subi %add3A_214, %sub3A_216 : vector<16xi32>
        %shift_right_arithmetic3A_218 = arith.constant 7 : i32
        %shift_right_arithmetic3A_219 = vector.broadcast %shift_right_arithmetic3A_218 : i32 to vector<16xi32>
        %shift_right_arithmetic3A_220 = arith.shrsi %sub3A_217, %shift_right_arithmetic3A_219 : vector<16xi32>
        %and3A_221 = arith.constant 127 : i32
        %and3A_222 = vector.broadcast %and3A_221 : i32 to vector<16xi32>
        %and3A_223 = arith.andi %sub3A_217, %and3A_222 : vector<16xi32>
        %shift_right_logical3A = arith.constant 16 : i32
        %shift_right_logical3A_224 = vector.broadcast %shift_right_logical3A : i32 to vector<16xi32>
        %shift_right_logical3A_225 = arith.shrui %get3A_200, %shift_right_logical3A_224 : vector<16xi32>
        tpu.vector_store_idx %arg6[%shift_right_arithmetic3A_220, %broadcast_in_dim3A_7, %and3A_223], %shift_right_logical3A_225 masked %and3A_209 : memref<100x1x128xi32, #tpu.memory_space<vmem>>[vector<16xi32>, vector<16xi32>, vector<16xi32>], vector<16xi32>, vector<16xi1>
        tpu.vector_store_idx %arg7[%shift_right_arithmetic3A_220, %broadcast_in_dim3A_7, %and3A_223], %sub3A_204 masked %and3A_209 : memref<100x1x128xi32, #tpu.memory_space<vmem>>[vector<16xi32>, vector<16xi32>, vector<16xi32>], vector<16xi32>, vector<16xi1>
        %slice3A = vector.extract_strided_slice %sub3A_217 {offsets = [15], sizes = [1], strides = [1]} : vector<16xi32> to vector<1xi32>
        %squeeze3A = vector.extract %slice3A[0] : i32 from vector<1xi32>
        %add3A_226 = arith.constant 1 : i32
        %add3A_227 = arith.addi %squeeze3A, %add3A_226 : i32
        scf.yield %add3A_227 : i32
      }
      %scan3A_83 = arith.constant 784 : i32
      %add3A_84 = arith.constant 0 : i32
      %add3A_85 = arith.addi %scan3A_82, %add3A_84 : i32
      %add3A_86 = vector.broadcast %add3A_85 : i32 to vector<16xi32>
      %add3A_87 = arith.addi %add3A_86, %iota3A : vector<16xi32>
      %shift_right_arithmetic3A = arith.constant 7 : i32
      %shift_right_arithmetic3A_88 = vector.broadcast %shift_right_arithmetic3A : i32 to vector<16xi32>
      %shift_right_arithmetic3A_89 = arith.shrsi %add3A_87, %shift_right_arithmetic3A_88 : vector<16xi32>
      %and3A = arith.constant 127 : i32
      %and3A_90 = vector.broadcast %and3A : i32 to vector<16xi32>
      %and3A_91 = arith.andi %add3A_87, %and3A_90 : vector<16xi32>
      tpu.vector_store_idx %arg6[%shift_right_arithmetic3A_89, %broadcast_in_dim3A_7, %and3A_91], %broadcast_in_dim3A_7 : memref<100x1x128xi32, #tpu.memory_space<vmem>>[vector<16xi32>, vector<16xi32>, vector<16xi32>], vector<16xi32>,
      tpu.vector_store_idx %arg7[%shift_right_arithmetic3A_89, %broadcast_in_dim3A_7, %and3A_91], %broadcast_in_dim3A_9 : memref<100x1x128xi32, #tpu.memory_space<vmem>>[vector<16xi32>, vector<16xi32>, vector<16xi32>], vector<16xi32>,
      %add3A_92 = arith.constant 16 : i32
      %add3A_93 = arith.addi %scan3A_82, %add3A_92 : i32
      %add3A_94 = vector.broadcast %add3A_93 : i32 to vector<16xi32>
      %add3A_95 = arith.addi %add3A_94, %iota3A : vector<16xi32>
      %shift_right_arithmetic3A_96 = arith.constant 7 : i32
      %shift_right_arithmetic3A_97 = vector.broadcast %shift_right_arithmetic3A_96 : i32 to vector<16xi32>
      %shift_right_arithmetic3A_98 = arith.shrsi %add3A_95, %shift_right_arithmetic3A_97 : vector<16xi32>
      %and3A_99 = arith.constant 127 : i32
      %and3A_100 = vector.broadcast %and3A_99 : i32 to vector<16xi32>
      %and3A_101 = arith.andi %add3A_95, %and3A_100 : vector<16xi32>
      tpu.vector_store_idx %arg6[%shift_right_arithmetic3A_98, %broadcast_in_dim3A_7, %and3A_101], %broadcast_in_dim3A_7 : memref<100x1x128xi32, #tpu.memory_space<vmem>>[vector<16xi32>, vector<16xi32>, vector<16xi32>], vector<16xi32>,
      tpu.vector_store_idx %arg7[%shift_right_arithmetic3A_98, %broadcast_in_dim3A_7, %and3A_101], %broadcast_in_dim3A_9 : memref<100x1x128xi32, #tpu.memory_space<vmem>>[vector<16xi32>, vector<16xi32>, vector<16xi32>], vector<16xi32>,
      %add3A_102 = arith.constant 32 : i32
      %add3A_103 = arith.addi %scan3A_82, %add3A_102 : i32
      %add3A_104 = vector.broadcast %add3A_103 : i32 to vector<16xi32>
      %add3A_105 = arith.addi %add3A_104, %iota3A : vector<16xi32>
      %shift_right_arithmetic3A_106 = arith.constant 7 : i32
      %shift_right_arithmetic3A_107 = vector.broadcast %shift_right_arithmetic3A_106 : i32 to vector<16xi32>
      %shift_right_arithmetic3A_108 = arith.shrsi %add3A_105, %shift_right_arithmetic3A_107 : vector<16xi32>
      %and3A_109 = arith.constant 127 : i32
      %and3A_110 = vector.broadcast %and3A_109 : i32 to vector<16xi32>
      %and3A_111 = arith.andi %add3A_105, %and3A_110 : vector<16xi32>
      tpu.vector_store_idx %arg6[%shift_right_arithmetic3A_108, %broadcast_in_dim3A_7, %and3A_111], %broadcast_in_dim3A_7 : memref<100x1x128xi32, #tpu.memory_space<vmem>>[vector<16xi32>, vector<16xi32>, vector<16xi32>], vector<16xi32>,
      tpu.vector_store_idx %arg7[%shift_right_arithmetic3A_108, %broadcast_in_dim3A_7, %and3A_111], %broadcast_in_dim3A_9 : memref<100x1x128xi32, #tpu.memory_space<vmem>>[vector<16xi32>, vector<16xi32>, vector<16xi32>], vector<16xi32>,
      %add3A_112 = arith.constant 48 : i32
      %add3A_113 = arith.addi %scan3A_82, %add3A_112 : i32
      %add3A_114 = vector.broadcast %add3A_113 : i32 to vector<16xi32>
      %add3A_115 = arith.addi %add3A_114, %iota3A : vector<16xi32>
      %shift_right_arithmetic3A_116 = arith.constant 7 : i32
      %shift_right_arithmetic3A_117 = vector.broadcast %shift_right_arithmetic3A_116 : i32 to vector<16xi32>
      %shift_right_arithmetic3A_118 = arith.shrsi %add3A_115, %shift_right_arithmetic3A_117 : vector<16xi32>
      %and3A_119 = arith.constant 127 : i32
      %and3A_120 = vector.broadcast %and3A_119 : i32 to vector<16xi32>
      %and3A_121 = arith.andi %add3A_115, %and3A_120 : vector<16xi32>
      tpu.vector_store_idx %arg6[%shift_right_arithmetic3A_118, %broadcast_in_dim3A_7, %and3A_121], %broadcast_in_dim3A_7 : memref<100x1x128xi32, #tpu.memory_space<vmem>>[vector<16xi32>, vector<16xi32>, vector<16xi32>], vector<16xi32>,
      tpu.vector_store_idx %arg7[%shift_right_arithmetic3A_118, %broadcast_in_dim3A_7, %and3A_121], %broadcast_in_dim3A_9 : memref<100x1x128xi32, #tpu.memory_space<vmem>>[vector<16xi32>, vector<16xi32>, vector<16xi32>], vector<16xi32>,
      %add3A_122 = arith.constant 64 : i32
      %add3A_123 = arith.addi %scan3A_82, %add3A_122 : i32
      %add3A_124 = vector.broadcast %add3A_123 : i32 to vector<16xi32>
      %add3A_125 = arith.addi %add3A_124, %iota3A : vector<16xi32>
      %shift_right_arithmetic3A_126 = arith.constant 7 : i32
      %shift_right_arithmetic3A_127 = vector.broadcast %shift_right_arithmetic3A_126 : i32 to vector<16xi32>
      %shift_right_arithmetic3A_128 = arith.shrsi %add3A_125, %shift_right_arithmetic3A_127 : vector<16xi32>
      %and3A_129 = arith.constant 127 : i32
      %and3A_130 = vector.broadcast %and3A_129 : i32 to vector<16xi32>
      %and3A_131 = arith.andi %add3A_125, %and3A_130 : vector<16xi32>
      tpu.vector_store_idx %arg6[%shift_right_arithmetic3A_128, %broadcast_in_dim3A_7, %and3A_131], %broadcast_in_dim3A_7 : memref<100x1x128xi32, #tpu.memory_space<vmem>>[vector<16xi32>, vector<16xi32>, vector<16xi32>], vector<16xi32>,
      tpu.vector_store_idx %arg7[%shift_right_arithmetic3A_128, %broadcast_in_dim3A_7, %and3A_131], %broadcast_in_dim3A_9 : memref<100x1x128xi32, #tpu.memory_space<vmem>>[vector<16xi32>, vector<16xi32>, vector<16xi32>], vector<16xi32>,
      %add3A_132 = arith.constant 80 : i32
      %add3A_133 = arith.addi %scan3A_82, %add3A_132 : i32
      %add3A_134 = vector.broadcast %add3A_133 : i32 to vector<16xi32>
      %add3A_135 = arith.addi %add3A_134, %iota3A : vector<16xi32>
      %shift_right_arithmetic3A_136 = arith.constant 7 : i32
      %shift_right_arithmetic3A_137 = vector.broadcast %shift_right_arithmetic3A_136 : i32 to vector<16xi32>
      %shift_right_arithmetic3A_138 = arith.shrsi %add3A_135, %shift_right_arithmetic3A_137 : vector<16xi32>
      %and3A_139 = arith.constant 127 : i32
      %and3A_140 = vector.broadcast %and3A_139 : i32 to vector<16xi32>
      %and3A_141 = arith.andi %add3A_135, %and3A_140 : vector<16xi32>
      tpu.vector_store_idx %arg6[%shift_right_arithmetic3A_138, %broadcast_in_dim3A_7, %and3A_141], %broadcast_in_dim3A_7 : memref<100x1x128xi32, #tpu.memory_space<vmem>>[vector<16xi32>, vector<16xi32>, vector<16xi32>], vector<16xi32>,
      tpu.vector_store_idx %arg7[%shift_right_arithmetic3A_138, %broadcast_in_dim3A_7, %and3A_141], %broadcast_in_dim3A_9 : memref<100x1x128xi32, #tpu.memory_space<vmem>>[vector<16xi32>, vector<16xi32>, vector<16xi32>], vector<16xi32>,
      %add3A_142 = arith.constant 96 : i32
      %add3A_143 = arith.addi %scan3A_82, %add3A_142 : i32
      %add3A_144 = vector.broadcast %add3A_143 : i32 to vector<16xi32>
      %add3A_145 = arith.addi %add3A_144, %iota3A : vector<16xi32>
      %shift_right_arithmetic3A_146 = arith.constant 7 : i32
      %shift_right_arithmetic3A_147 = vector.broadcast %shift_right_arithmetic3A_146 : i32 to vector<16xi32>
      %shift_right_arithmetic3A_148 = arith.shrsi %add3A_145, %shift_right_arithmetic3A_147 : vector<16xi32>
      %and3A_149 = arith.constant 127 : i32
      %and3A_150 = vector.broadcast %and3A_149 : i32 to vector<16xi32>
      %and3A_151 = arith.andi %add3A_145, %and3A_150 : vector<16xi32>
      tpu.vector_store_idx %arg6[%shift_right_arithmetic3A_148, %broadcast_in_dim3A_7, %and3A_151], %broadcast_in_dim3A_7 : memref<100x1x128xi32, #tpu.memory_space<vmem>>[vector<16xi32>, vector<16xi32>, vector<16xi32>], vector<16xi32>,
      tpu.vector_store_idx %arg7[%shift_right_arithmetic3A_148, %broadcast_in_dim3A_7, %and3A_151], %broadcast_in_dim3A_9 : memref<100x1x128xi32, #tpu.memory_space<vmem>>[vector<16xi32>, vector<16xi32>, vector<16xi32>], vector<16xi32>,
      %add3A_152 = arith.constant 112 : i32
      %add3A_153 = arith.addi %scan3A_82, %add3A_152 : i32
      %add3A_154 = vector.broadcast %add3A_153 : i32 to vector<16xi32>
      %add3A_155 = arith.addi %add3A_154, %iota3A : vector<16xi32>
      %shift_right_arithmetic3A_156 = arith.constant 7 : i32
      %shift_right_arithmetic3A_157 = vector.broadcast %shift_right_arithmetic3A_156 : i32 to vector<16xi32>
      %shift_right_arithmetic3A_158 = arith.shrsi %add3A_155, %shift_right_arithmetic3A_157 : vector<16xi32>
      %and3A_159 = arith.constant 127 : i32
      %and3A_160 = vector.broadcast %and3A_159 : i32 to vector<16xi32>
      %and3A_161 = arith.andi %add3A_155, %and3A_160 : vector<16xi32>
      tpu.vector_store_idx %arg6[%shift_right_arithmetic3A_158, %broadcast_in_dim3A_7, %and3A_161], %broadcast_in_dim3A_7 : memref<100x1x128xi32, #tpu.memory_space<vmem>>[vector<16xi32>, vector<16xi32>, vector<16xi32>], vector<16xi32>,
      tpu.vector_store_idx %arg7[%shift_right_arithmetic3A_158, %broadcast_in_dim3A_7, %and3A_161], %broadcast_in_dim3A_9 : memref<100x1x128xi32, #tpu.memory_space<vmem>>[vector<16xi32>, vector<16xi32>, vector<16xi32>], vector<16xi32>,
      %add3A_162 = arith.constant 127 : i32
      %add3A_163 = arith.addi %scan3A_82, %add3A_162 : i32
      %shift_right_arithmetic3A_164 = arith.constant 7 : i32
      %shift_right_arithmetic3A_165 = arith.shrsi %add3A_163, %shift_right_arithmetic3A_164 : i32
      %while3A = arith.constant 0 : i32
      %while3A_166 = arith.constant 0 : i32
      %while3A_167 = arith.subi %shift_right_arithmetic3A_165, %while3A_166 : i32
      %while3A_168 = arith.addi %while3A_166, %while3A_167 : i32
      %while3A_169 = arith.constant 1 : i32
      %while3A_170 = arith.divsi %while3A_167, %while3A_169 : i32
      %while3A_171 = arith.muli %while3A_170, %while3A_169 : i32
      %while3A_172 = arith.addi %while3A_166, %while3A_171 : i32
      %while3A_173 = arith.constant 1 : i32
      scf.for %while3A_195 = %while3A_166 to %while3A_172 step %while3A_173  : i32 {
        %dma_start3A = arith.constant 0 : i32
        %dma_start3A_196 = arith.constant 0 : i32
        %dma_start3A_197 = tpu.memref_slice %arg6[%while3A_195, %dma_start3A, %dma_start3A_196] : memref<100x1x128xi32, #tpu.memory_space<vmem>> -> memref<1x1x128xi32, #tpu.memory_space<vmem>>
        %dma_start3A_198 = tpu.memref_squeeze %dma_start3A_197 : memref<1x1x128xi32, #tpu.memory_space<vmem>> -> memref<128xi32, #tpu.memory_space<vmem>>
        %dma_start3A_199 = arith.constant 0 : i32
        %dma_start3A_200 = arith.constant 0 : i32
        %dma_start3A_201 = tpu.memref_slice %arg2[%dma_start3A_199, %dma_start3A_200] : memref<50000x128xf32, #tpu.memory_space<hbm>> -> memref<50000x128xf32, #tpu.memory_space<hbm>>
        tpu.enqueue_indirect_dma source(%dma_start3A_201 : memref<50000x128xf32, #tpu.memory_space<hbm>>) target(%arg8 : memref<128x128xf32, #tpu.memory_space<vmem>>) offsets(%dma_start3A_198 : memref<128xi32, #tpu.memory_space<vmem>>) semaphore(%arg11 : memref<!tpu.dma_semaphore, #tpu.memory_space<semaphore_mem>>)
        %dma_wait3A = arith.constant 0 : i32
        %dma_wait3A_202 = arith.constant 0 : i32
        %dma_wait3A_203 = tpu.memref_slice %arg6[%while3A_195, %dma_wait3A, %dma_wait3A_202] : memref<100x1x128xi32, #tpu.memory_space<vmem>> -> memref<1x1x128xi32, #tpu.memory_space<vmem>>
        %dma_wait3A_204 = tpu.memref_squeeze %dma_wait3A_203 : memref<1x1x128xi32, #tpu.memory_space<vmem>> -> memref<128xi32, #tpu.memory_space<vmem>>
        %dma_wait3A_205 = arith.constant 0 : i32
        %dma_wait3A_206 = arith.constant 0 : i32
        %dma_wait3A_207 = tpu.memref_slice %arg2[%dma_wait3A_205, %dma_wait3A_206] : memref<50000x128xf32, #tpu.memory_space<hbm>> -> memref<50000x128xf32, #tpu.memory_space<hbm>>
        tpu.wait_indirect_dma semaphore(%arg11 : memref<!tpu.dma_semaphore, #tpu.memory_space<semaphore_mem>>) src(%dma_wait3A_207 : memref<50000x128xf32, #tpu.memory_space<hbm>>) dst(%arg8 : memref<128x128xf32, #tpu.memory_space<vmem>>)
        %run_scoped3A_208 = arith.constant 0 : i32
        "tpu.region"() ({
          %run_scoped3A_209 = tpu.sem_alloc : memref<!tpu.dma_semaphore, #tpu.memory_space<semaphore_mem>>
          %dma_start3A_210 = arith.constant 0 : i32
          %dma_start3A_211 = tpu.memref_slice %arg7[%while3A_195, %run_scoped3A_208, %dma_start3A_210] : memref<100x1x128xi32, #tpu.memory_space<vmem>> -> memref<1x1x128xi32, #tpu.memory_space<vmem>>
          %dma_start3A_212 = tpu.memref_squeeze %dma_start3A_211 : memref<1x1x128xi32, #tpu.memory_space<vmem>> -> memref<128xi32, #tpu.memory_space<vmem>>
          %dma_start3A_213 = arith.constant 0 : i32
          %dma_start3A_214 = arith.constant 0 : i32
          %dma_start3A_215 = tpu.memref_slice %arg10[%dma_start3A_213, %dma_start3A_214] : memref<8448x128xf32, #tpu.memory_space<vmem_shared>> -> memref<8448x128xf32, #tpu.memory_space<vmem_shared>>
          tpu.enqueue_indirect_dma source(%arg8 : memref<128x128xf32, #tpu.memory_space<vmem>>) target(%dma_start3A_215 : memref<8448x128xf32, #tpu.memory_space<vmem_shared>>) offsets(%dma_start3A_212 : memref<128xi32, #tpu.memory_space<vmem>>) semaphore(%run_scoped3A_209 : memref<!tpu.dma_semaphore, #tpu.memory_space<semaphore_mem>>) {add = true}
          %dma_wait3A_216 = arith.constant 0 : i32
          %dma_wait3A_217 = tpu.memref_slice %arg7[%while3A_195, %run_scoped3A_208, %dma_wait3A_216] : memref<100x1x128xi32, #tpu.memory_space<vmem>> -> memref<1x1x128xi32, #tpu.memory_space<vmem>>
          %dma_wait3A_218 = tpu.memref_squeeze %dma_wait3A_217 : memref<1x1x128xi32, #tpu.memory_space<vmem>> -> memref<128xi32, #tpu.memory_space<vmem>>
          %dma_wait3A_219 = arith.constant 0 : i32
          %dma_wait3A_220 = arith.constant 0 : i32
          %dma_wait3A_221 = tpu.memref_slice %arg10[%dma_wait3A_219, %dma_wait3A_220] : memref<8448x128xf32, #tpu.memory_space<vmem_shared>> -> memref<8448x128xf32, #tpu.memory_space<vmem_shared>>
          tpu.wait_indirect_dma semaphore(%run_scoped3A_209 : memref<!tpu.dma_semaphore, #tpu.memory_space<semaphore_mem>>) src(%arg8 : memref<128x128xf32, #tpu.memory_space<vmem>>) dst(%dma_wait3A_221 : memref<8448x128xf32, #tpu.memory_space<vmem_shared>>)
          tpu.yield
        }) : () -> ()
      }
      %while3A_174 = arith.constant 1 : i32
      scf.for %while3A_195 = %while3A_172 to %while3A_168 step %while3A_174  : i32 {
        %dma_start3A = arith.constant 0 : i32
        %dma_start3A_196 = arith.constant 0 : i32
        %dma_start3A_197 = tpu.memref_slice %arg6[%while3A_195, %dma_start3A, %dma_start3A_196] : memref<100x1x128xi32, #tpu.memory_space<vmem>> -> memref<1x1x128xi32, #tpu.memory_space<vmem>>
        %dma_start3A_198 = tpu.memref_squeeze %dma_start3A_197 : memref<1x1x128xi32, #tpu.memory_space<vmem>> -> memref<128xi32, #tpu.memory_space<vmem>>
        %dma_start3A_199 = arith.constant 0 : i32
        %dma_start3A_200 = arith.constant 0 : i32
        %dma_start3A_201 = tpu.memref_slice %arg2[%dma_start3A_199, %dma_start3A_200] : memref<50000x128xf32, #tpu.memory_space<hbm>> -> memref<50000x128xf32, #tpu.memory_space<hbm>>
        tpu.enqueue_indirect_dma source(%dma_start3A_201 : memref<50000x128xf32, #tpu.memory_space<hbm>>) target(%arg8 : memref<128x128xf32, #tpu.memory_space<vmem>>) offsets(%dma_start3A_198 : memref<128xi32, #tpu.memory_space<vmem>>) semaphore(%arg11 : memref<!tpu.dma_semaphore, #tpu.memory_space<semaphore_mem>>)
        %dma_wait3A = arith.constant 0 : i32
        %dma_wait3A_202 = arith.constant 0 : i32
        %dma_wait3A_203 = tpu.memref_slice %arg6[%while3A_195, %dma_wait3A, %dma_wait3A_202] : memref<100x1x128xi32, #tpu.memory_space<vmem>> -> memref<1x1x128xi32, #tpu.memory_space<vmem>>
        %dma_wait3A_204 = tpu.memref_squeeze %dma_wait3A_203 : memref<1x1x128xi32, #tpu.memory_space<vmem>> -> memref<128xi32, #tpu.memory_space<vmem>>
        %dma_wait3A_205 = arith.constant 0 : i32
        %dma_wait3A_206 = arith.constant 0 : i32
        %dma_wait3A_207 = tpu.memref_slice %arg2[%dma_wait3A_205, %dma_wait3A_206] : memref<50000x128xf32, #tpu.memory_space<hbm>> -> memref<50000x128xf32, #tpu.memory_space<hbm>>
        tpu.wait_indirect_dma semaphore(%arg11 : memref<!tpu.dma_semaphore, #tpu.memory_space<semaphore_mem>>) src(%dma_wait3A_207 : memref<50000x128xf32, #tpu.memory_space<hbm>>) dst(%arg8 : memref<128x128xf32, #tpu.memory_space<vmem>>)
        %run_scoped3A_208 = arith.constant 0 : i32
        "tpu.region"() ({
          %run_scoped3A_209 = tpu.sem_alloc : memref<!tpu.dma_semaphore, #tpu.memory_space<semaphore_mem>>
          %dma_start3A_210 = arith.constant 0 : i32
          %dma_start3A_211 = tpu.memref_slice %arg7[%while3A_195, %run_scoped3A_208, %dma_start3A_210] : memref<100x1x128xi32, #tpu.memory_space<vmem>> -> memref<1x1x128xi32, #tpu.memory_space<vmem>>
          %dma_start3A_212 = tpu.memref_squeeze %dma_start3A_211 : memref<1x1x128xi32, #tpu.memory_space<vmem>> -> memref<128xi32, #tpu.memory_space<vmem>>
          %dma_start3A_213 = arith.constant 0 : i32
          %dma_start3A_214 = arith.constant 0 : i32
          %dma_start3A_215 = tpu.memref_slice %arg10[%dma_start3A_213, %dma_start3A_214] : memref<8448x128xf32, #tpu.memory_space<vmem_shared>> -> memref<8448x128xf32, #tpu.memory_space<vmem_shared>>
          tpu.enqueue_indirect_dma source(%arg8 : memref<128x128xf32, #tpu.memory_space<vmem>>) target(%dma_start3A_215 : memref<8448x128xf32, #tpu.memory_space<vmem_shared>>) offsets(%dma_start3A_212 : memref<128xi32, #tpu.memory_space<vmem>>) semaphore(%run_scoped3A_209 : memref<!tpu.dma_semaphore, #tpu.memory_space<semaphore_mem>>) {add = true}
          %dma_wait3A_216 = arith.constant 0 : i32
          %dma_wait3A_217 = tpu.memref_slice %arg7[%while3A_195, %run_scoped3A_208, %dma_wait3A_216] : memref<100x1x128xi32, #tpu.memory_space<vmem>> -> memref<1x1x128xi32, #tpu.memory_space<vmem>>
          %dma_wait3A_218 = tpu.memref_squeeze %dma_wait3A_217 : memref<1x1x128xi32, #tpu.memory_space<vmem>> -> memref<128xi32, #tpu.memory_space<vmem>>
          %dma_wait3A_219 = arith.constant 0 : i32
          %dma_wait3A_220 = arith.constant 0 : i32
          %dma_wait3A_221 = tpu.memref_slice %arg10[%dma_wait3A_219, %dma_wait3A_220] : memref<8448x128xf32, #tpu.memory_space<vmem_shared>> -> memref<8448x128xf32, #tpu.memory_space<vmem_shared>>
          tpu.wait_indirect_dma semaphore(%run_scoped3A_209 : memref<!tpu.dma_semaphore, #tpu.memory_space<semaphore_mem>>) src(%arg8 : memref<128x128xf32, #tpu.memory_space<vmem>>) dst(%dma_wait3A_221 : memref<8448x128xf32, #tpu.memory_space<vmem_shared>>)
          tpu.yield
        }) : () -> ()
      }
      %barrier3A_175 = arith.constant 0 : index
      tpu.barrier barrier_id(%barrier3A_175)
      %lt3A = arith.constant 15 : i32
      %lt3A_176 = arith.cmpi slt, %arg1, %lt3A : i32
      %convert_element_type3A = arith.extui %lt3A_176 : i1 to i32
      %cond3A = arith.constant 0 : i32
      %cond3A_177 = arith.cmpi ne, %convert_element_type3A, %cond3A : i32
      scf.if %cond3A_177 {
        %mul3A_195 = arith.constant 520 : i32
        %mul3A_196 = arith.muli %arg1, %mul3A_195 : i32
        %multiple_of3A_197 = tpu.assume_multiple %mul3A_196, 8 : i32
        %add3A_198 = arith.addi %multiple_of3A, %multiple_of3A_197 : i32
        "tpu.region"() ({
          %run_scoped3A_199 = tpu.sem_alloc : memref<!tpu.dma_semaphore, #tpu.memory_space<semaphore_mem>>
          %dma_start3A = arith.constant 0 : i32
          %dma_start3A_200 = tpu.memref_slice %arg4[%add3A_198, %dma_start3A] : memref<50000x128xf32, #tpu.memory_space<hbm>> -> memref<520x128xf32, #tpu.memory_space<hbm>>
          %dma_start3A_201 = arith.constant 0 : i32
          %dma_start3A_202 = tpu.memref_slice %arg10[%multiple_of3A_197, %dma_start3A_201] : memref<8448x128xf32, #tpu.memory_space<vmem_shared>> -> memref<520x128xf32, #tpu.memory_space<vmem_shared>>
          tpu.enqueue_dma source(%dma_start3A_202 : memref<520x128xf32, #tpu.memory_space<vmem_shared>>) target(%dma_start3A_200 : memref<520x128xf32, #tpu.memory_space<hbm>>) target_semaphore(%run_scoped3A_199 : memref<!tpu.dma_semaphore, #tpu.memory_space<semaphore_mem>>)
          %dma_wait3A = arith.constant 0 : i32
          %dma_wait3A_203 = tpu.memref_slice %arg4[%add3A_198, %dma_wait3A] : memref<50000x128xf32, #tpu.memory_space<hbm>> -> memref<520x128xf32, #tpu.memory_space<hbm>>
          %dma_wait3A_204 = arith.constant 0 : i32
          %dma_wait3A_205 = tpu.memref_slice %arg10[%multiple_of3A_197, %dma_wait3A_204] : memref<8448x128xf32, #tpu.memory_space<vmem_shared>> -> memref<520x128xf32, #tpu.memory_space<vmem_shared>>
          tpu.wait_dma2 semaphore(%run_scoped3A_199 : memref<!tpu.dma_semaphore, #tpu.memory_space<semaphore_mem>>) src(%dma_wait3A_205 : memref<520x128xf32, #tpu.memory_space<vmem_shared>>) dst(%dma_wait3A_203 : memref<520x128xf32, #tpu.memory_space<hbm>>)
          tpu.yield
        }) : () -> ()
      } else {
      }
      %eq3A_178 = arith.constant 15 : i32
      %eq3A_179 = arith.cmpi eq, %arg1, %eq3A_178 : i32
      %lt3A_180 = arith.constant 5 : i32
      %lt3A_181 = arith.cmpi slt, %add3A, %lt3A_180 : i32
      %and3A_182 = arith.andi %eq3A_179, %lt3A_181 : i1
      %convert_element_type3A_183 = arith.extui %and3A_182 : i1 to i32
      %cond3A_184 = arith.constant 0 : i32
      %cond3A_185 = arith.cmpi ne, %convert_element_type3A_183, %cond3A_184 : i32
      scf.if %cond3A_185 {
        %add3A_195 = arith.constant 7800 : i32
        %add3A_196 = arith.addi %multiple_of3A, %add3A_195 : i32
        "tpu.region"() ({
          %run_scoped3A_197 = tpu.sem_alloc : memref<!tpu.dma_semaphore, #tpu.memory_space<semaphore_mem>>
          %dma_start3A = arith.constant 0 : i32
          %dma_start3A_198 = tpu.memref_slice %arg4[%add3A_196, %dma_start3A] : memref<50000x128xf32, #tpu.memory_space<hbm>> -> memref<536x128xf32, #tpu.memory_space<hbm>>
          %dma_start3A_199 = arith.constant 7800 : i32
          %dma_start3A_200 = arith.constant 0 : i32
          %dma_start3A_201 = tpu.memref_slice %arg10[%dma_start3A_199, %dma_start3A_200] : memref<8448x128xf32, #tpu.memory_space<vmem_shared>> -> memref<536x128xf32, #tpu.memory_space<vmem_shared>>
          tpu.enqueue_dma source(%dma_start3A_201 : memref<536x128xf32, #tpu.memory_space<vmem_shared>>) target(%dma_start3A_198 : memref<536x128xf32, #tpu.memory_space<hbm>>) target_semaphore(%run_scoped3A_197 : memref<!tpu.dma_semaphore, #tpu.memory_space<semaphore_mem>>)
          %dma_wait3A = arith.constant 0 : i32
          %dma_wait3A_202 = tpu.memref_slice %arg4[%add3A_196, %dma_wait3A] : memref<50000x128xf32, #tpu.memory_space<hbm>> -> memref<536x128xf32, #tpu.memory_space<hbm>>
          %dma_wait3A_203 = arith.constant 7800 : i32
          %dma_wait3A_204 = arith.constant 0 : i32
          %dma_wait3A_205 = tpu.memref_slice %arg10[%dma_wait3A_203, %dma_wait3A_204] : memref<8448x128xf32, #tpu.memory_space<vmem_shared>> -> memref<536x128xf32, #tpu.memory_space<vmem_shared>>
          tpu.wait_dma2 semaphore(%run_scoped3A_197 : memref<!tpu.dma_semaphore, #tpu.memory_space<semaphore_mem>>) src(%dma_wait3A_205 : memref<536x128xf32, #tpu.memory_space<vmem_shared>>) dst(%dma_wait3A_202 : memref<536x128xf32, #tpu.memory_space<hbm>>)
          tpu.yield
        }) : () -> ()
      } else {
      }
      %eq3A_186 = arith.constant 15 : i32
      %eq3A_187 = arith.cmpi eq, %arg1, %eq3A_186 : i32
      %eq3A_188 = arith.constant 5 : i32
      %eq3A_189 = arith.cmpi eq, %add3A, %eq3A_188 : i32
      %and3A_190 = arith.andi %eq3A_187, %eq3A_189 : i1
      %convert_element_type3A_191 = arith.extui %and3A_190 : i1 to i32
      %cond3A_192 = arith.constant 0 : i32
      %cond3A_193 = arith.cmpi ne, %convert_element_type3A_191, %cond3A_192 : i32
      scf.if %cond3A_193 {
        %add3A_195 = arith.constant 7800 : i32
        %add3A_196 = arith.addi %multiple_of3A, %add3A_195 : i32
        "tpu.region"() ({
          %run_scoped3A_197 = tpu.sem_alloc : memref<!tpu.dma_semaphore, #tpu.memory_space<semaphore_mem>>
          %dma_start3A = arith.constant 0 : i32
          %dma_start3A_198 = tpu.memref_slice %arg4[%add3A_196, %dma_start3A] : memref<50000x128xf32, #tpu.memory_space<hbm>> -> memref<520x128xf32, #tpu.memory_space<hbm>>
          %dma_start3A_199 = arith.constant 7800 : i32
          %dma_start3A_200 = arith.constant 0 : i32
          %dma_start3A_201 = tpu.memref_slice %arg10[%dma_start3A_199, %dma_start3A_200] : memref<8448x128xf32, #tpu.memory_space<vmem_shared>> -> memref<520x128xf32, #tpu.memory_space<vmem_shared>>
          tpu.enqueue_dma source(%dma_start3A_201 : memref<520x128xf32, #tpu.memory_space<vmem_shared>>) target(%dma_start3A_198 : memref<520x128xf32, #tpu.memory_space<hbm>>) target_semaphore(%run_scoped3A_197 : memref<!tpu.dma_semaphore, #tpu.memory_space<semaphore_mem>>)
          %dma_wait3A = arith.constant 0 : i32
          %dma_wait3A_202 = tpu.memref_slice %arg4[%add3A_196, %dma_wait3A] : memref<50000x128xf32, #tpu.memory_space<hbm>> -> memref<520x128xf32, #tpu.memory_space<hbm>>
          %dma_wait3A_203 = arith.constant 7800 : i32
          %dma_wait3A_204 = arith.constant 0 : i32
          %dma_wait3A_205 = tpu.memref_slice %arg10[%dma_wait3A_203, %dma_wait3A_204] : memref<8448x128xf32, #tpu.memory_space<vmem_shared>> -> memref<520x128xf32, #tpu.memory_space<vmem_shared>>
          tpu.wait_dma2 semaphore(%run_scoped3A_197 : memref<!tpu.dma_semaphore, #tpu.memory_space<semaphore_mem>>) src(%dma_wait3A_205 : memref<520x128xf32, #tpu.memory_space<vmem_shared>>) dst(%dma_wait3A_202 : memref<520x128xf32, #tpu.memory_space<hbm>>)
          tpu.yield
        }) : () -> ()
      } else {
      }
      %barrier3A_194 = arith.constant 0 : index
      tpu.barrier barrier_id(%barrier3A_194)
    }
    %scan3A_15 = arith.constant 3 : i32
    return
  }
}

#map = affine_map<(d0, d1) -> (0, 0)>
#map1 = affine_map<(d0, d1) -> (0, 0, 0)>
module attributes {stable_mosaic.version = 14 : i64} {
  func.func @_sc_agg_body(%arg0: i32, %arg1: i32, %arg2: memref<50000x128xf32, #tpu.memory_space<hbm>>, %arg3: memref<16x1x12544xi32, #tpu.memory_space<hbm>>, %arg4: memref<50000x128xf32, #tpu.memory_space<hbm>>, %arg5: memref<12544xi32, #tpu.memory_space<vmem>>, %arg6: memref<100x1x128xi32, #tpu.memory_space<vmem>>, %arg7: memref<100x1x128xi32, #tpu.memory_space<vmem>>, %arg8: memref<128x128xf32, #tpu.memory_space<vmem>>, %arg9: memref<48x128xf32, #tpu.memory_space<vmem>>, %arg10: memref<8448x128xf32, #tpu.memory_space<vmem_shared>>, %arg11: memref<!tpu.dma_semaphore, #tpu.memory_space<semaphore_mem>>) attributes {dimension_semantics = [#tpu.dimension_semantics<core_parallel>, #tpu.dimension_semantics<subcore_parallel>], iteration_bounds = array<i64: 2, 16>, scalar_prefetch = 0 : i64, scratch_operands = 7 : i64, tpu.core_type = #tpu.core_type<sc_vector_subcore>, window_params = [{transform_indices = #map}, {transform_indices = #map1}, {transform_indices = #map}]} {
    %broadcast_in_dim3A = arith.constant 0.000000e+00 : f32
    %broadcast_in_dim3A_0 = vector.broadcast %broadcast_in_dim3A : f32 to vector<16xf32>
    %scan3A = arith.constant 0 : i32
    %scan3A_1 = arith.constant 0 : i32
    %scan3A_2 = arith.constant 48 : i32
    %scan3A_3 = arith.addi %scan3A_1, %scan3A_2 : i32
    %scan3A_4 = arith.constant 1 : i32
    scf.for %scan3A_16 = %scan3A_1 to %scan3A_3 step %scan3A_4  : i32 {
      %swap3A = arith.index_cast %scan3A_16 : i32 to index
      %swap3A_17 = arith.constant 0 : index
      %swap3A_18 = tpu.vector_load %arg9[%swap3A, %swap3A_17] {strides = array<i32>} : memref<48x128xf32, #tpu.memory_space<vmem>>, vector<16xf32>,
      tpu.vector_store %arg9[%swap3A, %swap3A_17], %broadcast_in_dim3A_0 {strides = array<i32>} : memref<48x128xf32, #tpu.memory_space<vmem>>, vector<16xf32>,
      %swap3A_19 = arith.index_cast %scan3A_16 : i32 to index
      %swap3A_20 = arith.constant 16 : index
      %swap3A_21 = tpu.vector_load %arg9[%swap3A_19, %swap3A_20] {strides = array<i32>} : memref<48x128xf32, #tpu.memory_space<vmem>>, vector<16xf32>,
      tpu.vector_store %arg9[%swap3A_19, %swap3A_20], %broadcast_in_dim3A_0 {strides = array<i32>} : memref<48x128xf32, #tpu.memory_space<vmem>>, vector<16xf32>,
      %swap3A_22 = arith.index_cast %scan3A_16 : i32 to index
      %swap3A_23 = arith.constant 32 : index
      %swap3A_24 = tpu.vector_load %arg9[%swap3A_22, %swap3A_23] {strides = array<i32>} : memref<48x128xf32, #tpu.memory_space<vmem>>, vector<16xf32>,
      tpu.vector_store %arg9[%swap3A_22, %swap3A_23], %broadcast_in_dim3A_0 {strides = array<i32>} : memref<48x128xf32, #tpu.memory_space<vmem>>, vector<16xf32>,
      %swap3A_25 = arith.index_cast %scan3A_16 : i32 to index
      %swap3A_26 = arith.constant 48 : index
      %swap3A_27 = tpu.vector_load %arg9[%swap3A_25, %swap3A_26] {strides = array<i32>} : memref<48x128xf32, #tpu.memory_space<vmem>>, vector<16xf32>,
      tpu.vector_store %arg9[%swap3A_25, %swap3A_26], %broadcast_in_dim3A_0 {strides = array<i32>} : memref<48x128xf32, #tpu.memory_space<vmem>>, vector<16xf32>,
      %swap3A_28 = arith.index_cast %scan3A_16 : i32 to index
      %swap3A_29 = arith.constant 64 : index
      %swap3A_30 = tpu.vector_load %arg9[%swap3A_28, %swap3A_29] {strides = array<i32>} : memref<48x128xf32, #tpu.memory_space<vmem>>, vector<16xf32>,
      tpu.vector_store %arg9[%swap3A_28, %swap3A_29], %broadcast_in_dim3A_0 {strides = array<i32>} : memref<48x128xf32, #tpu.memory_space<vmem>>, vector<16xf32>,
      %swap3A_31 = arith.index_cast %scan3A_16 : i32 to index
      %swap3A_32 = arith.constant 80 : index
      %swap3A_33 = tpu.vector_load %arg9[%swap3A_31, %swap3A_32] {strides = array<i32>} : memref<48x128xf32, #tpu.memory_space<vmem>>, vector<16xf32>,
      tpu.vector_store %arg9[%swap3A_31, %swap3A_32], %broadcast_in_dim3A_0 {strides = array<i32>} : memref<48x128xf32, #tpu.memory_space<vmem>>, vector<16xf32>,
      %swap3A_34 = arith.index_cast %scan3A_16 : i32 to index
      %swap3A_35 = arith.constant 96 : index
      %swap3A_36 = tpu.vector_load %arg9[%swap3A_34, %swap3A_35] {strides = array<i32>} : memref<48x128xf32, #tpu.memory_space<vmem>>, vector<16xf32>,
      tpu.vector_store %arg9[%swap3A_34, %swap3A_35], %broadcast_in_dim3A_0 {strides = array<i32>} : memref<48x128xf32, #tpu.memory_space<vmem>>, vector<16xf32>,
      %swap3A_37 = arith.index_cast %scan3A_16 : i32 to index
      %swap3A_38 = arith.constant 112 : index
      %swap3A_39 = tpu.vector_load %arg9[%swap3A_37, %swap3A_38] {strides = array<i32>} : memref<48x128xf32, #tpu.memory_space<vmem>>, vector<16xf32>,
      tpu.vector_store %arg9[%swap3A_37, %swap3A_38], %broadcast_in_dim3A_0 {strides = array<i32>} : memref<48x128xf32, #tpu.memory_space<vmem>>, vector<16xf32>,
    }
    %scan3A_5 = arith.constant 48 : i32
    %run_scoped3A = arith.constant 0 : i32
    "tpu.region"() ({
      %run_scoped3A_16 = tpu.sem_alloc : memref<!tpu.dma_semaphore, #tpu.memory_space<semaphore_mem>>
      %dma_start3A = arith.constant 0 : i32
      %dma_start3A_17 = tpu.memref_slice %arg3[%arg1, %run_scoped3A, %dma_start3A] : memref<16x1x12544xi32, #tpu.memory_space<hbm>> -> memref<1x1x12544xi32, #tpu.memory_space<hbm>>
      %dma_start3A_18 = tpu.memref_squeeze %dma_start3A_17 : memref<1x1x12544xi32, #tpu.memory_space<hbm>> -> memref<12544xi32, #tpu.memory_space<hbm>>
      %dma_start3A_19 = arith.constant 0 : i32
      %dma_start3A_20 = tpu.memref_slice %arg3[%arg1, %run_scoped3A, %dma_start3A_19] : memref<16x1x12544xi32, #tpu.memory_space<hbm>> -> memref<1x1x12544xi32, #tpu.memory_space<hbm>>
      %dma_start3A_21 = tpu.memref_squeeze %dma_start3A_20 : memref<1x1x12544xi32, #tpu.memory_space<hbm>> -> memref<12544xi32, #tpu.memory_space<hbm>>
      tpu.enqueue_dma source(%dma_start3A_21 : memref<12544xi32, #tpu.memory_space<hbm>>) target(%arg5 : memref<12544xi32, #tpu.memory_space<vmem>>) target_semaphore(%run_scoped3A_16 : memref<!tpu.dma_semaphore, #tpu.memory_space<semaphore_mem>>)
      %dma_wait3A = arith.constant 0 : i32
      %dma_wait3A_22 = tpu.memref_slice %arg3[%arg1, %run_scoped3A, %dma_wait3A] : memref<16x1x12544xi32, #tpu.memory_space<hbm>> -> memref<1x1x12544xi32, #tpu.memory_space<hbm>>
      %dma_wait3A_23 = tpu.memref_squeeze %dma_wait3A_22 : memref<1x1x12544xi32, #tpu.memory_space<hbm>> -> memref<12544xi32, #tpu.memory_space<hbm>>
      %dma_wait3A_24 = arith.constant 0 : i32
      %dma_wait3A_25 = tpu.memref_slice %arg3[%arg1, %run_scoped3A, %dma_wait3A_24] : memref<16x1x12544xi32, #tpu.memory_space<hbm>> -> memref<1x1x12544xi32, #tpu.memory_space<hbm>>
      %dma_wait3A_26 = tpu.memref_squeeze %dma_wait3A_25 : memref<1x1x12544xi32, #tpu.memory_space<hbm>> -> memref<12544xi32, #tpu.memory_space<hbm>>
      tpu.wait_dma2 semaphore(%run_scoped3A_16 : memref<!tpu.dma_semaphore, #tpu.memory_space<semaphore_mem>>) src(%dma_wait3A_26 : memref<12544xi32, #tpu.memory_space<hbm>>) dst(%arg5 : memref<12544xi32, #tpu.memory_space<vmem>>)
      tpu.yield
    }) : () -> ()
    %iota3A = tpu.iota {dimensions = array<i32: 0>} : vector<16xi32>
    %broadcast_in_dim3A_6 = arith.constant 0 : i32
    %broadcast_in_dim3A_7 = vector.broadcast %broadcast_in_dim3A_6 : i32 to vector<16xi32>
    %broadcast_in_dim3A_8 = arith.constant 8336 : i32
    %broadcast_in_dim3A_9 = vector.broadcast %broadcast_in_dim3A_8 : i32 to vector<16xi32>
    %scan3A_10 = arith.constant 0 : i32
    %scan3A_11 = arith.constant 0 : i32
    %scan3A_12 = arith.constant 3 : i32
    %scan3A_13 = arith.addi %scan3A_11, %scan3A_12 : i32
    %scan3A_14 = arith.constant 1 : i32
    scf.for %scan3A_16 = %scan3A_11 to %scan3A_13 step %scan3A_14  : i32 {
      %mul3A = arith.constant 3 : i32
      %mul3A_17 = arith.muli %arg0, %mul3A : i32
      %add3A = arith.addi %mul3A_17, %scan3A_16 : i32
      %mul3A_18 = arith.constant 8336 : i32
      %mul3A_19 = arith.muli %add3A, %mul3A_18 : i32
      %multiple_of3A = tpu.assume_multiple %mul3A_19, 8 : i32
      %eq3A = arith.constant 5 : i32
      %eq3A_20 = arith.cmpi eq, %add3A, %eq3A : i32
      %jit3A = arith.constant 8320 : i32
      %jit3A_21 = arith.constant 8336 : i32
      %select_n3A = arith.select %eq3A_20, %jit3A, %jit3A_21 : i32
      %mul3A_22 = arith.constant 528 : i32
      %mul3A_23 = arith.muli %arg1, %mul3A_22 : i32
      %add3A_24 = arith.constant 0 : i32
      %add3A_25 = arith.addi %mul3A_23, %add3A_24 : i32
      %multiple_of3A_26 = tpu.assume_multiple %add3A_25, 8 : i32
      "tpu.region"() ({
        %run_scoped3A_195 = tpu.sem_alloc : memref<!tpu.dma_semaphore, #tpu.memory_space<semaphore_mem>>
        %dma_start3A = arith.constant 0 : i32
        %dma_start3A_196 = tpu.memref_slice %arg10[%multiple_of3A_26, %dma_start3A] : memref<8448x128xf32, #tpu.memory_space<vmem_shared>> -> memref<48x128xf32, #tpu.memory_space<vmem_shared>>
        %dma_start3A_197 = arith.constant 0 : i32
        %dma_start3A_198 = tpu.memref_slice %arg10[%multiple_of3A_26, %dma_start3A_197] : memref<8448x128xf32, #tpu.memory_space<vmem_shared>> -> memref<48x128xf32, #tpu.memory_space<vmem_shared>>
        tpu.enqueue_dma source(%arg9 : memref<48x128xf32, #tpu.memory_space<vmem>>) target(%dma_start3A_198 : memref<48x128xf32, #tpu.memory_space<vmem_shared>>) target_semaphore(%run_scoped3A_195 : memref<!tpu.dma_semaphore, #tpu.memory_space<semaphore_mem>>)
        %dma_wait3A = arith.constant 0 : i32
        %dma_wait3A_199 = tpu.memref_slice %arg10[%multiple_of3A_26, %dma_wait3A] : memref<8448x128xf32, #tpu.memory_space<vmem_shared>> -> memref<48x128xf32, #tpu.memory_space<vmem_shared>>
        %dma_wait3A_200 = arith.constant 0 : i32
        %dma_wait3A_201 = tpu.memref_slice %arg10[%multiple_of3A_26, %dma_wait3A_200] : memref<8448x128xf32, #tpu.memory_space<vmem_shared>> -> memref<48x128xf32, #tpu.memory_space<vmem_shared>>
        tpu.wait_dma2 semaphore(%run_scoped3A_195 : memref<!tpu.dma_semaphore, #tpu.memory_space<semaphore_mem>>) src(%arg9 : memref<48x128xf32, #tpu.memory_space<vmem>>) dst(%dma_wait3A_201 : memref<48x128xf32, #tpu.memory_space<vmem_shared>>)
        tpu.yield
      }) : () -> ()
      %mul3A_27 = arith.constant 528 : i32
      %mul3A_28 = arith.muli %arg1, %mul3A_27 : i32
      %add3A_29 = arith.constant 48 : i32
      %add3A_30 = arith.addi %mul3A_28, %add3A_29 : i32
      %multiple_of3A_31 = tpu.assume_multiple %add3A_30, 8 : i32
      "tpu.region"() ({
        %run_scoped3A_195 = tpu.sem_alloc : memref<!tpu.dma_semaphore, #tpu.memory_space<semaphore_mem>>
        %dma_start3A = arith.constant 0 : i32
        %dma_start3A_196 = tpu.memref_slice %arg10[%multiple_of3A_31, %dma_start3A] : memref<8448x128xf32, #tpu.memory_space<vmem_shared>> -> memref<48x128xf32, #tpu.memory_space<vmem_shared>>
        %dma_start3A_197 = arith.constant 0 : i32
        %dma_start3A_198 = tpu.memref_slice %arg10[%multiple_of3A_31, %dma_start3A_197] : memref<8448x128xf32, #tpu.memory_space<vmem_shared>> -> memref<48x128xf32, #tpu.memory_space<vmem_shared>>
        tpu.enqueue_dma source(%arg9 : memref<48x128xf32, #tpu.memory_space<vmem>>) target(%dma_start3A_198 : memref<48x128xf32, #tpu.memory_space<vmem_shared>>) target_semaphore(%run_scoped3A_195 : memref<!tpu.dma_semaphore, #tpu.memory_space<semaphore_mem>>)
        %dma_wait3A = arith.constant 0 : i32
        %dma_wait3A_199 = tpu.memref_slice %arg10[%multiple_of3A_31, %dma_wait3A] : memref<8448x128xf32, #tpu.memory_space<vmem_shared>> -> memref<48x128xf32, #tpu.memory_space<vmem_shared>>
        %dma_wait3A_200 = arith.constant 0 : i32
        %dma_wait3A_201 = tpu.memref_slice %arg10[%multiple_of3A_31, %dma_wait3A_200] : memref<8448x128xf32, #tpu.memory_space<vmem_shared>> -> memref<48x128xf32, #tpu.memory_space<vmem_shared>>
        tpu.wait_dma2 semaphore(%run_scoped3A_195 : memref<!tpu.dma_semaphore, #tpu.memory_space<semaphore_mem>>) src(%arg9 : memref<48x128xf32, #tpu.memory_space<vmem>>) dst(%dma_wait3A_201 : memref<48x128xf32, #tpu.memory_space<vmem_shared>>)
        tpu.yield
      }) : () -> ()
      %mul3A_32 = arith.constant 528 : i32
      %mul3A_33 = arith.muli %arg1, %mul3A_32 : i32
      %add3A_34 = arith.constant 96 : i32
      %add3A_35 = arith.addi %mul3A_33, %add3A_34 : i32
      %multiple_of3A_36 = tpu.assume_multiple %add3A_35, 8 : i32
      "tpu.region"() ({
        %run_scoped3A_195 = tpu.sem_alloc : memref<!tpu.dma_semaphore, #tpu.memory_space<semaphore_mem>>
        %dma_start3A = arith.constant 0 : i32
        %dma_start3A_196 = tpu.memref_slice %arg10[%multiple_of3A_36, %dma_start3A] : memref<8448x128xf32, #tpu.memory_space<vmem_shared>> -> memref<48x128xf32, #tpu.memory_space<vmem_shared>>
        %dma_start3A_197 = arith.constant 0 : i32
        %dma_start3A_198 = tpu.memref_slice %arg10[%multiple_of3A_36, %dma_start3A_197] : memref<8448x128xf32, #tpu.memory_space<vmem_shared>> -> memref<48x128xf32, #tpu.memory_space<vmem_shared>>
        tpu.enqueue_dma source(%arg9 : memref<48x128xf32, #tpu.memory_space<vmem>>) target(%dma_start3A_198 : memref<48x128xf32, #tpu.memory_space<vmem_shared>>) target_semaphore(%run_scoped3A_195 : memref<!tpu.dma_semaphore, #tpu.memory_space<semaphore_mem>>)
        %dma_wait3A = arith.constant 0 : i32
        %dma_wait3A_199 = tpu.memref_slice %arg10[%multiple_of3A_36, %dma_wait3A] : memref<8448x128xf32, #tpu.memory_space<vmem_shared>> -> memref<48x128xf32, #tpu.memory_space<vmem_shared>>
        %dma_wait3A_200 = arith.constant 0 : i32
        %dma_wait3A_201 = tpu.memref_slice %arg10[%multiple_of3A_36, %dma_wait3A_200] : memref<8448x128xf32, #tpu.memory_space<vmem_shared>> -> memref<48x128xf32, #tpu.memory_space<vmem_shared>>
        tpu.wait_dma2 semaphore(%run_scoped3A_195 : memref<!tpu.dma_semaphore, #tpu.memory_space<semaphore_mem>>) src(%arg9 : memref<48x128xf32, #tpu.memory_space<vmem>>) dst(%dma_wait3A_201 : memref<48x128xf32, #tpu.memory_space<vmem_shared>>)
        tpu.yield
      }) : () -> ()
      %mul3A_37 = arith.constant 528 : i32
      %mul3A_38 = arith.muli %arg1, %mul3A_37 : i32
      %add3A_39 = arith.constant 144 : i32
      %add3A_40 = arith.addi %mul3A_38, %add3A_39 : i32
      %multiple_of3A_41 = tpu.assume_multiple %add3A_40, 8 : i32
      "tpu.region"() ({
        %run_scoped3A_195 = tpu.sem_alloc : memref<!tpu.dma_semaphore, #tpu.memory_space<semaphore_mem>>
        %dma_start3A = arith.constant 0 : i32
        %dma_start3A_196 = tpu.memref_slice %arg10[%multiple_of3A_41, %dma_start3A] : memref<8448x128xf32, #tpu.memory_space<vmem_shared>> -> memref<48x128xf32, #tpu.memory_space<vmem_shared>>
        %dma_start3A_197 = arith.constant 0 : i32
        %dma_start3A_198 = tpu.memref_slice %arg10[%multiple_of3A_41, %dma_start3A_197] : memref<8448x128xf32, #tpu.memory_space<vmem_shared>> -> memref<48x128xf32, #tpu.memory_space<vmem_shared>>
        tpu.enqueue_dma source(%arg9 : memref<48x128xf32, #tpu.memory_space<vmem>>) target(%dma_start3A_198 : memref<48x128xf32, #tpu.memory_space<vmem_shared>>) target_semaphore(%run_scoped3A_195 : memref<!tpu.dma_semaphore, #tpu.memory_space<semaphore_mem>>)
        %dma_wait3A = arith.constant 0 : i32
        %dma_wait3A_199 = tpu.memref_slice %arg10[%multiple_of3A_41, %dma_wait3A] : memref<8448x128xf32, #tpu.memory_space<vmem_shared>> -> memref<48x128xf32, #tpu.memory_space<vmem_shared>>
        %dma_wait3A_200 = arith.constant 0 : i32
        %dma_wait3A_201 = tpu.memref_slice %arg10[%multiple_of3A_41, %dma_wait3A_200] : memref<8448x128xf32, #tpu.memory_space<vmem_shared>> -> memref<48x128xf32, #tpu.memory_space<vmem_shared>>
        tpu.wait_dma2 semaphore(%run_scoped3A_195 : memref<!tpu.dma_semaphore, #tpu.memory_space<semaphore_mem>>) src(%arg9 : memref<48x128xf32, #tpu.memory_space<vmem>>) dst(%dma_wait3A_201 : memref<48x128xf32, #tpu.memory_space<vmem_shared>>)
        tpu.yield
      }) : () -> ()
      %mul3A_42 = arith.constant 528 : i32
      %mul3A_43 = arith.muli %arg1, %mul3A_42 : i32
      %add3A_44 = arith.constant 192 : i32
      %add3A_45 = arith.addi %mul3A_43, %add3A_44 : i32
      %multiple_of3A_46 = tpu.assume_multiple %add3A_45, 8 : i32
      "tpu.region"() ({
        %run_scoped3A_195 = tpu.sem_alloc : memref<!tpu.dma_semaphore, #tpu.memory_space<semaphore_mem>>
        %dma_start3A = arith.constant 0 : i32
        %dma_start3A_196 = tpu.memref_slice %arg10[%multiple_of3A_46, %dma_start3A] : memref<8448x128xf32, #tpu.memory_space<vmem_shared>> -> memref<48x128xf32, #tpu.memory_space<vmem_shared>>
        %dma_start3A_197 = arith.constant 0 : i32
        %dma_start3A_198 = tpu.memref_slice %arg10[%multiple_of3A_46, %dma_start3A_197] : memref<8448x128xf32, #tpu.memory_space<vmem_shared>> -> memref<48x128xf32, #tpu.memory_space<vmem_shared>>
        tpu.enqueue_dma source(%arg9 : memref<48x128xf32, #tpu.memory_space<vmem>>) target(%dma_start3A_198 : memref<48x128xf32, #tpu.memory_space<vmem_shared>>) target_semaphore(%run_scoped3A_195 : memref<!tpu.dma_semaphore, #tpu.memory_space<semaphore_mem>>)
        %dma_wait3A = arith.constant 0 : i32
        %dma_wait3A_199 = tpu.memref_slice %arg10[%multiple_of3A_46, %dma_wait3A] : memref<8448x128xf32, #tpu.memory_space<vmem_shared>> -> memref<48x128xf32, #tpu.memory_space<vmem_shared>>
        %dma_wait3A_200 = arith.constant 0 : i32
        %dma_wait3A_201 = tpu.memref_slice %arg10[%multiple_of3A_46, %dma_wait3A_200] : memref<8448x128xf32, #tpu.memory_space<vmem_shared>> -> memref<48x128xf32, #tpu.memory_space<vmem_shared>>
        tpu.wait_dma2 semaphore(%run_scoped3A_195 : memref<!tpu.dma_semaphore, #tpu.memory_space<semaphore_mem>>) src(%arg9 : memref<48x128xf32, #tpu.memory_space<vmem>>) dst(%dma_wait3A_201 : memref<48x128xf32, #tpu.memory_space<vmem_shared>>)
        tpu.yield
      }) : () -> ()
      %mul3A_47 = arith.constant 528 : i32
      %mul3A_48 = arith.muli %arg1, %mul3A_47 : i32
      %add3A_49 = arith.constant 240 : i32
      %add3A_50 = arith.addi %mul3A_48, %add3A_49 : i32
      %multiple_of3A_51 = tpu.assume_multiple %add3A_50, 8 : i32
      "tpu.region"() ({
        %run_scoped3A_195 = tpu.sem_alloc : memref<!tpu.dma_semaphore, #tpu.memory_space<semaphore_mem>>
        %dma_start3A = arith.constant 0 : i32
        %dma_start3A_196 = tpu.memref_slice %arg10[%multiple_of3A_51, %dma_start3A] : memref<8448x128xf32, #tpu.memory_space<vmem_shared>> -> memref<48x128xf32, #tpu.memory_space<vmem_shared>>
        %dma_start3A_197 = arith.constant 0 : i32
        %dma_start3A_198 = tpu.memref_slice %arg10[%multiple_of3A_51, %dma_start3A_197] : memref<8448x128xf32, #tpu.memory_space<vmem_shared>> -> memref<48x128xf32, #tpu.memory_space<vmem_shared>>
        tpu.enqueue_dma source(%arg9 : memref<48x128xf32, #tpu.memory_space<vmem>>) target(%dma_start3A_198 : memref<48x128xf32, #tpu.memory_space<vmem_shared>>) target_semaphore(%run_scoped3A_195 : memref<!tpu.dma_semaphore, #tpu.memory_space<semaphore_mem>>)
        %dma_wait3A = arith.constant 0 : i32
        %dma_wait3A_199 = tpu.memref_slice %arg10[%multiple_of3A_51, %dma_wait3A] : memref<8448x128xf32, #tpu.memory_space<vmem_shared>> -> memref<48x128xf32, #tpu.memory_space<vmem_shared>>
        %dma_wait3A_200 = arith.constant 0 : i32
        %dma_wait3A_201 = tpu.memref_slice %arg10[%multiple_of3A_51, %dma_wait3A_200] : memref<8448x128xf32, #tpu.memory_space<vmem_shared>> -> memref<48x128xf32, #tpu.memory_space<vmem_shared>>
        tpu.wait_dma2 semaphore(%run_scoped3A_195 : memref<!tpu.dma_semaphore, #tpu.memory_space<semaphore_mem>>) src(%arg9 : memref<48x128xf32, #tpu.memory_space<vmem>>) dst(%dma_wait3A_201 : memref<48x128xf32, #tpu.memory_space<vmem_shared>>)
        tpu.yield
      }) : () -> ()
      %mul3A_52 = arith.constant 528 : i32
      %mul3A_53 = arith.muli %arg1, %mul3A_52 : i32
      %add3A_54 = arith.constant 288 : i32
      %add3A_55 = arith.addi %mul3A_53, %add3A_54 : i32
      %multiple_of3A_56 = tpu.assume_multiple %add3A_55, 8 : i32
      "tpu.region"() ({
        %run_scoped3A_195 = tpu.sem_alloc : memref<!tpu.dma_semaphore, #tpu.memory_space<semaphore_mem>>
        %dma_start3A = arith.constant 0 : i32
        %dma_start3A_196 = tpu.memref_slice %arg10[%multiple_of3A_56, %dma_start3A] : memref<8448x128xf32, #tpu.memory_space<vmem_shared>> -> memref<48x128xf32, #tpu.memory_space<vmem_shared>>
        %dma_start3A_197 = arith.constant 0 : i32
        %dma_start3A_198 = tpu.memref_slice %arg10[%multiple_of3A_56, %dma_start3A_197] : memref<8448x128xf32, #tpu.memory_space<vmem_shared>> -> memref<48x128xf32, #tpu.memory_space<vmem_shared>>
        tpu.enqueue_dma source(%arg9 : memref<48x128xf32, #tpu.memory_space<vmem>>) target(%dma_start3A_198 : memref<48x128xf32, #tpu.memory_space<vmem_shared>>) target_semaphore(%run_scoped3A_195 : memref<!tpu.dma_semaphore, #tpu.memory_space<semaphore_mem>>)
        %dma_wait3A = arith.constant 0 : i32
        %dma_wait3A_199 = tpu.memref_slice %arg10[%multiple_of3A_56, %dma_wait3A] : memref<8448x128xf32, #tpu.memory_space<vmem_shared>> -> memref<48x128xf32, #tpu.memory_space<vmem_shared>>
        %dma_wait3A_200 = arith.constant 0 : i32
        %dma_wait3A_201 = tpu.memref_slice %arg10[%multiple_of3A_56, %dma_wait3A_200] : memref<8448x128xf32, #tpu.memory_space<vmem_shared>> -> memref<48x128xf32, #tpu.memory_space<vmem_shared>>
        tpu.wait_dma2 semaphore(%run_scoped3A_195 : memref<!tpu.dma_semaphore, #tpu.memory_space<semaphore_mem>>) src(%arg9 : memref<48x128xf32, #tpu.memory_space<vmem>>) dst(%dma_wait3A_201 : memref<48x128xf32, #tpu.memory_space<vmem_shared>>)
        tpu.yield
      }) : () -> ()
      %mul3A_57 = arith.constant 528 : i32
      %mul3A_58 = arith.muli %arg1, %mul3A_57 : i32
      %add3A_59 = arith.constant 336 : i32
      %add3A_60 = arith.addi %mul3A_58, %add3A_59 : i32
      %multiple_of3A_61 = tpu.assume_multiple %add3A_60, 8 : i32
      "tpu.region"() ({
        %run_scoped3A_195 = tpu.sem_alloc : memref<!tpu.dma_semaphore, #tpu.memory_space<semaphore_mem>>
        %dma_start3A = arith.constant 0 : i32
        %dma_start3A_196 = tpu.memref_slice %arg10[%multiple_of3A_61, %dma_start3A] : memref<8448x128xf32, #tpu.memory_space<vmem_shared>> -> memref<48x128xf32, #tpu.memory_space<vmem_shared>>
        %dma_start3A_197 = arith.constant 0 : i32
        %dma_start3A_198 = tpu.memref_slice %arg10[%multiple_of3A_61, %dma_start3A_197] : memref<8448x128xf32, #tpu.memory_space<vmem_shared>> -> memref<48x128xf32, #tpu.memory_space<vmem_shared>>
        tpu.enqueue_dma source(%arg9 : memref<48x128xf32, #tpu.memory_space<vmem>>) target(%dma_start3A_198 : memref<48x128xf32, #tpu.memory_space<vmem_shared>>) target_semaphore(%run_scoped3A_195 : memref<!tpu.dma_semaphore, #tpu.memory_space<semaphore_mem>>)
        %dma_wait3A = arith.constant 0 : i32
        %dma_wait3A_199 = tpu.memref_slice %arg10[%multiple_of3A_61, %dma_wait3A] : memref<8448x128xf32, #tpu.memory_space<vmem_shared>> -> memref<48x128xf32, #tpu.memory_space<vmem_shared>>
        %dma_wait3A_200 = arith.constant 0 : i32
        %dma_wait3A_201 = tpu.memref_slice %arg10[%multiple_of3A_61, %dma_wait3A_200] : memref<8448x128xf32, #tpu.memory_space<vmem_shared>> -> memref<48x128xf32, #tpu.memory_space<vmem_shared>>
        tpu.wait_dma2 semaphore(%run_scoped3A_195 : memref<!tpu.dma_semaphore, #tpu.memory_space<semaphore_mem>>) src(%arg9 : memref<48x128xf32, #tpu.memory_space<vmem>>) dst(%dma_wait3A_201 : memref<48x128xf32, #tpu.memory_space<vmem_shared>>)
        tpu.yield
      }) : () -> ()
      %mul3A_62 = arith.constant 528 : i32
      %mul3A_63 = arith.muli %arg1, %mul3A_62 : i32
      %add3A_64 = arith.constant 384 : i32
      %add3A_65 = arith.addi %mul3A_63, %add3A_64 : i32
      %multiple_of3A_66 = tpu.assume_multiple %add3A_65, 8 : i32
      "tpu.region"() ({
        %run_scoped3A_195 = tpu.sem_alloc : memref<!tpu.dma_semaphore, #tpu.memory_space<semaphore_mem>>
        %dma_start3A = arith.constant 0 : i32
        %dma_start3A_196 = tpu.memref_slice %arg10[%multiple_of3A_66, %dma_start3A] : memref<8448x128xf32, #tpu.memory_space<vmem_shared>> -> memref<48x128xf32, #tpu.memory_space<vmem_shared>>
        %dma_start3A_197 = arith.constant 0 : i32
        %dma_start3A_198 = tpu.memref_slice %arg10[%multiple_of3A_66, %dma_start3A_197] : memref<8448x128xf32, #tpu.memory_space<vmem_shared>> -> memref<48x128xf32, #tpu.memory_space<vmem_shared>>
        tpu.enqueue_dma source(%arg9 : memref<48x128xf32, #tpu.memory_space<vmem>>) target(%dma_start3A_198 : memref<48x128xf32, #tpu.memory_space<vmem_shared>>) target_semaphore(%run_scoped3A_195 : memref<!tpu.dma_semaphore, #tpu.memory_space<semaphore_mem>>)
        %dma_wait3A = arith.constant 0 : i32
        %dma_wait3A_199 = tpu.memref_slice %arg10[%multiple_of3A_66, %dma_wait3A] : memref<8448x128xf32, #tpu.memory_space<vmem_shared>> -> memref<48x128xf32, #tpu.memory_space<vmem_shared>>
        %dma_wait3A_200 = arith.constant 0 : i32
        %dma_wait3A_201 = tpu.memref_slice %arg10[%multiple_of3A_66, %dma_wait3A_200] : memref<8448x128xf32, #tpu.memory_space<vmem_shared>> -> memref<48x128xf32, #tpu.memory_space<vmem_shared>>
        tpu.wait_dma2 semaphore(%run_scoped3A_195 : memref<!tpu.dma_semaphore, #tpu.memory_space<semaphore_mem>>) src(%arg9 : memref<48x128xf32, #tpu.memory_space<vmem>>) dst(%dma_wait3A_201 : memref<48x128xf32, #tpu.memory_space<vmem_shared>>)
        tpu.yield
      }) : () -> ()
      %mul3A_67 = arith.constant 528 : i32
      %mul3A_68 = arith.muli %arg1, %mul3A_67 : i32
      %add3A_69 = arith.constant 432 : i32
      %add3A_70 = arith.addi %mul3A_68, %add3A_69 : i32
      %multiple_of3A_71 = tpu.assume_multiple %add3A_70, 8 : i32
      "tpu.region"() ({
        %run_scoped3A_195 = tpu.sem_alloc : memref<!tpu.dma_semaphore, #tpu.memory_space<semaphore_mem>>
        %dma_start3A = arith.constant 0 : i32
        %dma_start3A_196 = tpu.memref_slice %arg10[%multiple_of3A_71, %dma_start3A] : memref<8448x128xf32, #tpu.memory_space<vmem_shared>> -> memref<48x128xf32, #tpu.memory_space<vmem_shared>>
        %dma_start3A_197 = arith.constant 0 : i32
        %dma_start3A_198 = tpu.memref_slice %arg10[%multiple_of3A_71, %dma_start3A_197] : memref<8448x128xf32, #tpu.memory_space<vmem_shared>> -> memref<48x128xf32, #tpu.memory_space<vmem_shared>>
        tpu.enqueue_dma source(%arg9 : memref<48x128xf32, #tpu.memory_space<vmem>>) target(%dma_start3A_198 : memref<48x128xf32, #tpu.memory_space<vmem_shared>>) target_semaphore(%run_scoped3A_195 : memref<!tpu.dma_semaphore, #tpu.memory_space<semaphore_mem>>)
        %dma_wait3A = arith.constant 0 : i32
        %dma_wait3A_199 = tpu.memref_slice %arg10[%multiple_of3A_71, %dma_wait3A] : memref<8448x128xf32, #tpu.memory_space<vmem_shared>> -> memref<48x128xf32, #tpu.memory_space<vmem_shared>>
        %dma_wait3A_200 = arith.constant 0 : i32
        %dma_wait3A_201 = tpu.memref_slice %arg10[%multiple_of3A_71, %dma_wait3A_200] : memref<8448x128xf32, #tpu.memory_space<vmem_shared>> -> memref<48x128xf32, #tpu.memory_space<vmem_shared>>
        tpu.wait_dma2 semaphore(%run_scoped3A_195 : memref<!tpu.dma_semaphore, #tpu.memory_space<semaphore_mem>>) src(%arg9 : memref<48x128xf32, #tpu.memory_space<vmem>>) dst(%dma_wait3A_201 : memref<48x128xf32, #tpu.memory_space<vmem_shared>>)
        tpu.yield
      }) : () -> ()
      %mul3A_72 = arith.constant 528 : i32
      %mul3A_73 = arith.muli %arg1, %mul3A_72 : i32
      %add3A_74 = arith.constant 480 : i32
      %add3A_75 = arith.addi %mul3A_73, %add3A_74 : i32
      %multiple_of3A_76 = tpu.assume_multiple %add3A_75, 8 : i32
      "tpu.region"() ({
        %run_scoped3A_195 = tpu.sem_alloc : memref<!tpu.dma_semaphore, #tpu.memory_space<semaphore_mem>>
        %dma_start3A = arith.constant 0 : i32
        %dma_start3A_196 = tpu.memref_slice %arg10[%multiple_of3A_76, %dma_start3A] : memref<8448x128xf32, #tpu.memory_space<vmem_shared>> -> memref<48x128xf32, #tpu.memory_space<vmem_shared>>
        %dma_start3A_197 = arith.constant 0 : i32
        %dma_start3A_198 = tpu.memref_slice %arg10[%multiple_of3A_76, %dma_start3A_197] : memref<8448x128xf32, #tpu.memory_space<vmem_shared>> -> memref<48x128xf32, #tpu.memory_space<vmem_shared>>
        tpu.enqueue_dma source(%arg9 : memref<48x128xf32, #tpu.memory_space<vmem>>) target(%dma_start3A_198 : memref<48x128xf32, #tpu.memory_space<vmem_shared>>) target_semaphore(%run_scoped3A_195 : memref<!tpu.dma_semaphore, #tpu.memory_space<semaphore_mem>>)
        %dma_wait3A = arith.constant 0 : i32
        %dma_wait3A_199 = tpu.memref_slice %arg10[%multiple_of3A_76, %dma_wait3A] : memref<8448x128xf32, #tpu.memory_space<vmem_shared>> -> memref<48x128xf32, #tpu.memory_space<vmem_shared>>
        %dma_wait3A_200 = arith.constant 0 : i32
        %dma_wait3A_201 = tpu.memref_slice %arg10[%multiple_of3A_76, %dma_wait3A_200] : memref<8448x128xf32, #tpu.memory_space<vmem_shared>> -> memref<48x128xf32, #tpu.memory_space<vmem_shared>>
        tpu.wait_dma2 semaphore(%run_scoped3A_195 : memref<!tpu.dma_semaphore, #tpu.memory_space<semaphore_mem>>) src(%arg9 : memref<48x128xf32, #tpu.memory_space<vmem>>) dst(%dma_wait3A_201 : memref<48x128xf32, #tpu.memory_space<vmem_shared>>)
        tpu.yield
      }) : () -> ()
      %barrier3A = arith.constant 0 : index
      tpu.barrier barrier_id(%barrier3A)
      %scan3A_77 = arith.constant 0 : i32
      %scan3A_78 = arith.constant 0 : i32
      %scan3A_79 = arith.constant 784 : i32
      %scan3A_80 = arith.addi %scan3A_78, %scan3A_79 : i32
      %scan3A_81 = arith.constant 1 : i32
      %scan3A_82 = scf.for %scan3A_195 = %scan3A_78 to %scan3A_80 step %scan3A_81 iter_args(%scan3A_196 = %scan3A_77) -> (i32)  : i32 {
        %mul3A_197 = arith.constant 16 : i32
        %mul3A_198 = arith.muli %scan3A_195, %mul3A_197 : i32
        %multiple_of3A_199 = tpu.assume_multiple %mul3A_198, 16 : i32
        %get3A = arith.index_cast %multiple_of3A_199 : i32 to index
        %get3A_200 = tpu.vector_load %arg5[%get3A] {strides = array<i32>} : memref<12544xi32, #tpu.memory_space<vmem>>, vector<16xi32>,
        %and3A_201 = arith.constant 65535 : i32
        %and3A_202 = vector.broadcast %and3A_201 : i32 to vector<16xi32>
        %and3A_203 = arith.andi %get3A_200, %and3A_202 : vector<16xi32>
        %sub3A = vector.broadcast %multiple_of3A : i32 to vector<16xi32>
        %sub3A_204 = arith.subi %and3A_203, %sub3A : vector<16xi32>
        %ge3A = arith.constant 0 : i32
        %ge3A_205 = vector.broadcast %ge3A : i32 to vector<16xi32>
        %ge3A_206 = arith.cmpi sge, %sub3A_204, %ge3A_205 : vector<16xi32>
        %lt3A_207 = vector.broadcast %select_n3A : i32 to vector<16xi32>
        %lt3A_208 = arith.cmpi slt, %sub3A_204, %lt3A_207 : vector<16xi32>
        %and3A_209 = arith.andi %ge3A_206, %lt3A_208 : vector<16xi1>
        %convert_element_type3A_210 = arith.extui %and3A_209 : vector<16xi1> to vector<16xi32>
        %broadcast_in_dim3A_211 = arith.constant true
        %broadcast_in_dim3A_212 = vector.broadcast %broadcast_in_dim3A_211 : i1 to vector<16xi1>
        %masked_cumsum3A = tpu.scan <sum>, %convert_element_type3A_210 masked %broadcast_in_dim3A_212 : vector<16xi32>, vector<16xi1> -> vector<16xi32>
        %add3A_213 = vector.broadcast %scan3A_196 : i32 to vector<16xi32>
        %add3A_214 = arith.addi %add3A_213, %masked_cumsum3A : vector<16xi32>
        %sub3A_215 = arith.constant 1 : i32
        %sub3A_216 = vector.broadcast %sub3A_215 : i32 to vector<16xi32>
        %sub3A_217 = arith.subi %add3A_214, %sub3A_216 : vector<16xi32>
        %shift_right_arithmetic3A_218 = arith.constant 7 : i32
        %shift_right_arithmetic3A_219 = vector.broadcast %shift_right_arithmetic3A_218 : i32 to vector<16xi32>
        %shift_right_arithmetic3A_220 = arith.shrsi %sub3A_217, %shift_right_arithmetic3A_219 : vector<16xi32>
        %and3A_221 = arith.constant 127 : i32
        %and3A_222 = vector.broadcast %and3A_221 : i32 to vector<16xi32>
        %and3A_223 = arith.andi %sub3A_217, %and3A_222 : vector<16xi32>
        %shift_right_logical3A = arith.constant 16 : i32
        %shift_right_logical3A_224 = vector.broadcast %shift_right_logical3A : i32 to vector<16xi32>
        %shift_right_logical3A_225 = arith.shrui %get3A_200, %shift_right_logical3A_224 : vector<16xi32>
        tpu.vector_store_idx %arg6[%shift_right_arithmetic3A_220, %broadcast_in_dim3A_7, %and3A_223], %shift_right_logical3A_225 masked %and3A_209 : memref<100x1x128xi32, #tpu.memory_space<vmem>>[vector<16xi32>, vector<16xi32>, vector<16xi32>], vector<16xi32>, vector<16xi1>
        tpu.vector_store_idx %arg7[%shift_right_arithmetic3A_220, %broadcast_in_dim3A_7, %and3A_223], %sub3A_204 masked %and3A_209 : memref<100x1x128xi32, #tpu.memory_space<vmem>>[vector<16xi32>, vector<16xi32>, vector<16xi32>], vector<16xi32>, vector<16xi1>
        %slice3A = vector.extract_strided_slice %sub3A_217 {offsets = [15], sizes = [1], strides = [1]} : vector<16xi32> to vector<1xi32>
        %squeeze3A = vector.extract %slice3A[0] : i32 from vector<1xi32>
        %add3A_226 = arith.constant 1 : i32
        %add3A_227 = arith.addi %squeeze3A, %add3A_226 : i32
        scf.yield %add3A_227 : i32
      }
      %scan3A_83 = arith.constant 784 : i32
      %add3A_84 = arith.constant 0 : i32
      %add3A_85 = arith.addi %scan3A_82, %add3A_84 : i32
      %add3A_86 = vector.broadcast %add3A_85 : i32 to vector<16xi32>
      %add3A_87 = arith.addi %add3A_86, %iota3A : vector<16xi32>
      %shift_right_arithmetic3A = arith.constant 7 : i32
      %shift_right_arithmetic3A_88 = vector.broadcast %shift_right_arithmetic3A : i32 to vector<16xi32>
      %shift_right_arithmetic3A_89 = arith.shrsi %add3A_87, %shift_right_arithmetic3A_88 : vector<16xi32>
      %and3A = arith.constant 127 : i32
      %and3A_90 = vector.broadcast %and3A : i32 to vector<16xi32>
      %and3A_91 = arith.andi %add3A_87, %and3A_90 : vector<16xi32>
      tpu.vector_store_idx %arg6[%shift_right_arithmetic3A_89, %broadcast_in_dim3A_7, %and3A_91], %broadcast_in_dim3A_7 : memref<100x1x128xi32, #tpu.memory_space<vmem>>[vector<16xi32>, vector<16xi32>, vector<16xi32>], vector<16xi32>,
      tpu.vector_store_idx %arg7[%shift_right_arithmetic3A_89, %broadcast_in_dim3A_7, %and3A_91], %broadcast_in_dim3A_9 : memref<100x1x128xi32, #tpu.memory_space<vmem>>[vector<16xi32>, vector<16xi32>, vector<16xi32>], vector<16xi32>,
      %add3A_92 = arith.constant 16 : i32
      %add3A_93 = arith.addi %scan3A_82, %add3A_92 : i32
      %add3A_94 = vector.broadcast %add3A_93 : i32 to vector<16xi32>
      %add3A_95 = arith.addi %add3A_94, %iota3A : vector<16xi32>
      %shift_right_arithmetic3A_96 = arith.constant 7 : i32
      %shift_right_arithmetic3A_97 = vector.broadcast %shift_right_arithmetic3A_96 : i32 to vector<16xi32>
      %shift_right_arithmetic3A_98 = arith.shrsi %add3A_95, %shift_right_arithmetic3A_97 : vector<16xi32>
      %and3A_99 = arith.constant 127 : i32
      %and3A_100 = vector.broadcast %and3A_99 : i32 to vector<16xi32>
      %and3A_101 = arith.andi %add3A_95, %and3A_100 : vector<16xi32>
      tpu.vector_store_idx %arg6[%shift_right_arithmetic3A_98, %broadcast_in_dim3A_7, %and3A_101], %broadcast_in_dim3A_7 : memref<100x1x128xi32, #tpu.memory_space<vmem>>[vector<16xi32>, vector<16xi32>, vector<16xi32>], vector<16xi32>,
      tpu.vector_store_idx %arg7[%shift_right_arithmetic3A_98, %broadcast_in_dim3A_7, %and3A_101], %broadcast_in_dim3A_9 : memref<100x1x128xi32, #tpu.memory_space<vmem>>[vector<16xi32>, vector<16xi32>, vector<16xi32>], vector<16xi32>,
      %add3A_102 = arith.constant 32 : i32
      %add3A_103 = arith.addi %scan3A_82, %add3A_102 : i32
      %add3A_104 = vector.broadcast %add3A_103 : i32 to vector<16xi32>
      %add3A_105 = arith.addi %add3A_104, %iota3A : vector<16xi32>
      %shift_right_arithmetic3A_106 = arith.constant 7 : i32
      %shift_right_arithmetic3A_107 = vector.broadcast %shift_right_arithmetic3A_106 : i32 to vector<16xi32>
      %shift_right_arithmetic3A_108 = arith.shrsi %add3A_105, %shift_right_arithmetic3A_107 : vector<16xi32>
      %and3A_109 = arith.constant 127 : i32
      %and3A_110 = vector.broadcast %and3A_109 : i32 to vector<16xi32>
      %and3A_111 = arith.andi %add3A_105, %and3A_110 : vector<16xi32>
      tpu.vector_store_idx %arg6[%shift_right_arithmetic3A_108, %broadcast_in_dim3A_7, %and3A_111], %broadcast_in_dim3A_7 : memref<100x1x128xi32, #tpu.memory_space<vmem>>[vector<16xi32>, vector<16xi32>, vector<16xi32>], vector<16xi32>,
      tpu.vector_store_idx %arg7[%shift_right_arithmetic3A_108, %broadcast_in_dim3A_7, %and3A_111], %broadcast_in_dim3A_9 : memref<100x1x128xi32, #tpu.memory_space<vmem>>[vector<16xi32>, vector<16xi32>, vector<16xi32>], vector<16xi32>,
      %add3A_112 = arith.constant 48 : i32
      %add3A_113 = arith.addi %scan3A_82, %add3A_112 : i32
      %add3A_114 = vector.broadcast %add3A_113 : i32 to vector<16xi32>
      %add3A_115 = arith.addi %add3A_114, %iota3A : vector<16xi32>
      %shift_right_arithmetic3A_116 = arith.constant 7 : i32
      %shift_right_arithmetic3A_117 = vector.broadcast %shift_right_arithmetic3A_116 : i32 to vector<16xi32>
      %shift_right_arithmetic3A_118 = arith.shrsi %add3A_115, %shift_right_arithmetic3A_117 : vector<16xi32>
      %and3A_119 = arith.constant 127 : i32
      %and3A_120 = vector.broadcast %and3A_119 : i32 to vector<16xi32>
      %and3A_121 = arith.andi %add3A_115, %and3A_120 : vector<16xi32>
      tpu.vector_store_idx %arg6[%shift_right_arithmetic3A_118, %broadcast_in_dim3A_7, %and3A_121], %broadcast_in_dim3A_7 : memref<100x1x128xi32, #tpu.memory_space<vmem>>[vector<16xi32>, vector<16xi32>, vector<16xi32>], vector<16xi32>,
      tpu.vector_store_idx %arg7[%shift_right_arithmetic3A_118, %broadcast_in_dim3A_7, %and3A_121], %broadcast_in_dim3A_9 : memref<100x1x128xi32, #tpu.memory_space<vmem>>[vector<16xi32>, vector<16xi32>, vector<16xi32>], vector<16xi32>,
      %add3A_122 = arith.constant 64 : i32
      %add3A_123 = arith.addi %scan3A_82, %add3A_122 : i32
      %add3A_124 = vector.broadcast %add3A_123 : i32 to vector<16xi32>
      %add3A_125 = arith.addi %add3A_124, %iota3A : vector<16xi32>
      %shift_right_arithmetic3A_126 = arith.constant 7 : i32
      %shift_right_arithmetic3A_127 = vector.broadcast %shift_right_arithmetic3A_126 : i32 to vector<16xi32>
      %shift_right_arithmetic3A_128 = arith.shrsi %add3A_125, %shift_right_arithmetic3A_127 : vector<16xi32>
      %and3A_129 = arith.constant 127 : i32
      %and3A_130 = vector.broadcast %and3A_129 : i32 to vector<16xi32>
      %and3A_131 = arith.andi %add3A_125, %and3A_130 : vector<16xi32>
      tpu.vector_store_idx %arg6[%shift_right_arithmetic3A_128, %broadcast_in_dim3A_7, %and3A_131], %broadcast_in_dim3A_7 : memref<100x1x128xi32, #tpu.memory_space<vmem>>[vector<16xi32>, vector<16xi32>, vector<16xi32>], vector<16xi32>,
      tpu.vector_store_idx %arg7[%shift_right_arithmetic3A_128, %broadcast_in_dim3A_7, %and3A_131], %broadcast_in_dim3A_9 : memref<100x1x128xi32, #tpu.memory_space<vmem>>[vector<16xi32>, vector<16xi32>, vector<16xi32>], vector<16xi32>,
      %add3A_132 = arith.constant 80 : i32
      %add3A_133 = arith.addi %scan3A_82, %add3A_132 : i32
      %add3A_134 = vector.broadcast %add3A_133 : i32 to vector<16xi32>
      %add3A_135 = arith.addi %add3A_134, %iota3A : vector<16xi32>
      %shift_right_arithmetic3A_136 = arith.constant 7 : i32
      %shift_right_arithmetic3A_137 = vector.broadcast %shift_right_arithmetic3A_136 : i32 to vector<16xi32>
      %shift_right_arithmetic3A_138 = arith.shrsi %add3A_135, %shift_right_arithmetic3A_137 : vector<16xi32>
      %and3A_139 = arith.constant 127 : i32
      %and3A_140 = vector.broadcast %and3A_139 : i32 to vector<16xi32>
      %and3A_141 = arith.andi %add3A_135, %and3A_140 : vector<16xi32>
      tpu.vector_store_idx %arg6[%shift_right_arithmetic3A_138, %broadcast_in_dim3A_7, %and3A_141], %broadcast_in_dim3A_7 : memref<100x1x128xi32, #tpu.memory_space<vmem>>[vector<16xi32>, vector<16xi32>, vector<16xi32>], vector<16xi32>,
      tpu.vector_store_idx %arg7[%shift_right_arithmetic3A_138, %broadcast_in_dim3A_7, %and3A_141], %broadcast_in_dim3A_9 : memref<100x1x128xi32, #tpu.memory_space<vmem>>[vector<16xi32>, vector<16xi32>, vector<16xi32>], vector<16xi32>,
      %add3A_142 = arith.constant 96 : i32
      %add3A_143 = arith.addi %scan3A_82, %add3A_142 : i32
      %add3A_144 = vector.broadcast %add3A_143 : i32 to vector<16xi32>
      %add3A_145 = arith.addi %add3A_144, %iota3A : vector<16xi32>
      %shift_right_arithmetic3A_146 = arith.constant 7 : i32
      %shift_right_arithmetic3A_147 = vector.broadcast %shift_right_arithmetic3A_146 : i32 to vector<16xi32>
      %shift_right_arithmetic3A_148 = arith.shrsi %add3A_145, %shift_right_arithmetic3A_147 : vector<16xi32>
      %and3A_149 = arith.constant 127 : i32
      %and3A_150 = vector.broadcast %and3A_149 : i32 to vector<16xi32>
      %and3A_151 = arith.andi %add3A_145, %and3A_150 : vector<16xi32>
      tpu.vector_store_idx %arg6[%shift_right_arithmetic3A_148, %broadcast_in_dim3A_7, %and3A_151], %broadcast_in_dim3A_7 : memref<100x1x128xi32, #tpu.memory_space<vmem>>[vector<16xi32>, vector<16xi32>, vector<16xi32>], vector<16xi32>,
      tpu.vector_store_idx %arg7[%shift_right_arithmetic3A_148, %broadcast_in_dim3A_7, %and3A_151], %broadcast_in_dim3A_9 : memref<100x1x128xi32, #tpu.memory_space<vmem>>[vector<16xi32>, vector<16xi32>, vector<16xi32>], vector<16xi32>,
      %add3A_152 = arith.constant 112 : i32
      %add3A_153 = arith.addi %scan3A_82, %add3A_152 : i32
      %add3A_154 = vector.broadcast %add3A_153 : i32 to vector<16xi32>
      %add3A_155 = arith.addi %add3A_154, %iota3A : vector<16xi32>
      %shift_right_arithmetic3A_156 = arith.constant 7 : i32
      %shift_right_arithmetic3A_157 = vector.broadcast %shift_right_arithmetic3A_156 : i32 to vector<16xi32>
      %shift_right_arithmetic3A_158 = arith.shrsi %add3A_155, %shift_right_arithmetic3A_157 : vector<16xi32>
      %and3A_159 = arith.constant 127 : i32
      %and3A_160 = vector.broadcast %and3A_159 : i32 to vector<16xi32>
      %and3A_161 = arith.andi %add3A_155, %and3A_160 : vector<16xi32>
      tpu.vector_store_idx %arg6[%shift_right_arithmetic3A_158, %broadcast_in_dim3A_7, %and3A_161], %broadcast_in_dim3A_7 : memref<100x1x128xi32, #tpu.memory_space<vmem>>[vector<16xi32>, vector<16xi32>, vector<16xi32>], vector<16xi32>,
      tpu.vector_store_idx %arg7[%shift_right_arithmetic3A_158, %broadcast_in_dim3A_7, %and3A_161], %broadcast_in_dim3A_9 : memref<100x1x128xi32, #tpu.memory_space<vmem>>[vector<16xi32>, vector<16xi32>, vector<16xi32>], vector<16xi32>,
      %add3A_162 = arith.constant 127 : i32
      %add3A_163 = arith.addi %scan3A_82, %add3A_162 : i32
      %shift_right_arithmetic3A_164 = arith.constant 7 : i32
      %shift_right_arithmetic3A_165 = arith.shrsi %add3A_163, %shift_right_arithmetic3A_164 : i32
      %while3A = arith.constant 0 : i32
      %while3A_166 = arith.constant 0 : i32
      %while3A_167 = arith.subi %shift_right_arithmetic3A_165, %while3A_166 : i32
      %while3A_168 = arith.addi %while3A_166, %while3A_167 : i32
      %while3A_169 = arith.constant 1 : i32
      %while3A_170 = arith.divsi %while3A_167, %while3A_169 : i32
      %while3A_171 = arith.muli %while3A_170, %while3A_169 : i32
      %while3A_172 = arith.addi %while3A_166, %while3A_171 : i32
      %while3A_173 = arith.constant 1 : i32
      scf.for %while3A_195 = %while3A_166 to %while3A_172 step %while3A_173  : i32 {
        %dma_start3A = arith.constant 0 : i32
        %dma_start3A_196 = arith.constant 0 : i32
        %dma_start3A_197 = tpu.memref_slice %arg6[%while3A_195, %dma_start3A, %dma_start3A_196] : memref<100x1x128xi32, #tpu.memory_space<vmem>> -> memref<1x1x128xi32, #tpu.memory_space<vmem>>
        %dma_start3A_198 = tpu.memref_squeeze %dma_start3A_197 : memref<1x1x128xi32, #tpu.memory_space<vmem>> -> memref<128xi32, #tpu.memory_space<vmem>>
        %dma_start3A_199 = arith.constant 0 : i32
        %dma_start3A_200 = arith.constant 0 : i32
        %dma_start3A_201 = tpu.memref_slice %arg2[%dma_start3A_199, %dma_start3A_200] : memref<50000x128xf32, #tpu.memory_space<hbm>> -> memref<50000x128xf32, #tpu.memory_space<hbm>>
        tpu.enqueue_indirect_dma source(%dma_start3A_201 : memref<50000x128xf32, #tpu.memory_space<hbm>>) target(%arg8 : memref<128x128xf32, #tpu.memory_space<vmem>>) offsets(%dma_start3A_198 : memref<128xi32, #tpu.memory_space<vmem>>) semaphore(%arg11 : memref<!tpu.dma_semaphore, #tpu.memory_space<semaphore_mem>>)
        %dma_wait3A = arith.constant 0 : i32
        %dma_wait3A_202 = arith.constant 0 : i32
        %dma_wait3A_203 = tpu.memref_slice %arg6[%while3A_195, %dma_wait3A, %dma_wait3A_202] : memref<100x1x128xi32, #tpu.memory_space<vmem>> -> memref<1x1x128xi32, #tpu.memory_space<vmem>>
        %dma_wait3A_204 = tpu.memref_squeeze %dma_wait3A_203 : memref<1x1x128xi32, #tpu.memory_space<vmem>> -> memref<128xi32, #tpu.memory_space<vmem>>
        %dma_wait3A_205 = arith.constant 0 : i32
        %dma_wait3A_206 = arith.constant 0 : i32
        %dma_wait3A_207 = tpu.memref_slice %arg2[%dma_wait3A_205, %dma_wait3A_206] : memref<50000x128xf32, #tpu.memory_space<hbm>> -> memref<50000x128xf32, #tpu.memory_space<hbm>>
        tpu.wait_indirect_dma semaphore(%arg11 : memref<!tpu.dma_semaphore, #tpu.memory_space<semaphore_mem>>) src(%dma_wait3A_207 : memref<50000x128xf32, #tpu.memory_space<hbm>>) dst(%arg8 : memref<128x128xf32, #tpu.memory_space<vmem>>)
        %run_scoped3A_208 = arith.constant 0 : i32
        "tpu.region"() ({
          %run_scoped3A_209 = tpu.sem_alloc : memref<!tpu.dma_semaphore, #tpu.memory_space<semaphore_mem>>
          %dma_start3A_210 = arith.constant 0 : i32
          %dma_start3A_211 = tpu.memref_slice %arg7[%while3A_195, %run_scoped3A_208, %dma_start3A_210] : memref<100x1x128xi32, #tpu.memory_space<vmem>> -> memref<1x1x128xi32, #tpu.memory_space<vmem>>
          %dma_start3A_212 = tpu.memref_squeeze %dma_start3A_211 : memref<1x1x128xi32, #tpu.memory_space<vmem>> -> memref<128xi32, #tpu.memory_space<vmem>>
          %dma_start3A_213 = arith.constant 0 : i32
          %dma_start3A_214 = arith.constant 0 : i32
          %dma_start3A_215 = tpu.memref_slice %arg10[%dma_start3A_213, %dma_start3A_214] : memref<8448x128xf32, #tpu.memory_space<vmem_shared>> -> memref<8448x128xf32, #tpu.memory_space<vmem_shared>>
          tpu.enqueue_indirect_dma source(%arg8 : memref<128x128xf32, #tpu.memory_space<vmem>>) target(%dma_start3A_215 : memref<8448x128xf32, #tpu.memory_space<vmem_shared>>) offsets(%dma_start3A_212 : memref<128xi32, #tpu.memory_space<vmem>>) semaphore(%run_scoped3A_209 : memref<!tpu.dma_semaphore, #tpu.memory_space<semaphore_mem>>) {add = true}
          %dma_wait3A_216 = arith.constant 0 : i32
          %dma_wait3A_217 = tpu.memref_slice %arg7[%while3A_195, %run_scoped3A_208, %dma_wait3A_216] : memref<100x1x128xi32, #tpu.memory_space<vmem>> -> memref<1x1x128xi32, #tpu.memory_space<vmem>>
          %dma_wait3A_218 = tpu.memref_squeeze %dma_wait3A_217 : memref<1x1x128xi32, #tpu.memory_space<vmem>> -> memref<128xi32, #tpu.memory_space<vmem>>
          %dma_wait3A_219 = arith.constant 0 : i32
          %dma_wait3A_220 = arith.constant 0 : i32
          %dma_wait3A_221 = tpu.memref_slice %arg10[%dma_wait3A_219, %dma_wait3A_220] : memref<8448x128xf32, #tpu.memory_space<vmem_shared>> -> memref<8448x128xf32, #tpu.memory_space<vmem_shared>>
          tpu.wait_indirect_dma semaphore(%run_scoped3A_209 : memref<!tpu.dma_semaphore, #tpu.memory_space<semaphore_mem>>) src(%arg8 : memref<128x128xf32, #tpu.memory_space<vmem>>) dst(%dma_wait3A_221 : memref<8448x128xf32, #tpu.memory_space<vmem_shared>>)
          tpu.yield
        }) : () -> ()
      }
      %while3A_174 = arith.constant 1 : i32
      scf.for %while3A_195 = %while3A_172 to %while3A_168 step %while3A_174  : i32 {
        %dma_start3A = arith.constant 0 : i32
        %dma_start3A_196 = arith.constant 0 : i32
        %dma_start3A_197 = tpu.memref_slice %arg6[%while3A_195, %dma_start3A, %dma_start3A_196] : memref<100x1x128xi32, #tpu.memory_space<vmem>> -> memref<1x1x128xi32, #tpu.memory_space<vmem>>
        %dma_start3A_198 = tpu.memref_squeeze %dma_start3A_197 : memref<1x1x128xi32, #tpu.memory_space<vmem>> -> memref<128xi32, #tpu.memory_space<vmem>>
        %dma_start3A_199 = arith.constant 0 : i32
        %dma_start3A_200 = arith.constant 0 : i32
        %dma_start3A_201 = tpu.memref_slice %arg2[%dma_start3A_199, %dma_start3A_200] : memref<50000x128xf32, #tpu.memory_space<hbm>> -> memref<50000x128xf32, #tpu.memory_space<hbm>>
        tpu.enqueue_indirect_dma source(%dma_start3A_201 : memref<50000x128xf32, #tpu.memory_space<hbm>>) target(%arg8 : memref<128x128xf32, #tpu.memory_space<vmem>>) offsets(%dma_start3A_198 : memref<128xi32, #tpu.memory_space<vmem>>) semaphore(%arg11 : memref<!tpu.dma_semaphore, #tpu.memory_space<semaphore_mem>>)
        %dma_wait3A = arith.constant 0 : i32
        %dma_wait3A_202 = arith.constant 0 : i32
        %dma_wait3A_203 = tpu.memref_slice %arg6[%while3A_195, %dma_wait3A, %dma_wait3A_202] : memref<100x1x128xi32, #tpu.memory_space<vmem>> -> memref<1x1x128xi32, #tpu.memory_space<vmem>>
        %dma_wait3A_204 = tpu.memref_squeeze %dma_wait3A_203 : memref<1x1x128xi32, #tpu.memory_space<vmem>> -> memref<128xi32, #tpu.memory_space<vmem>>
        %dma_wait3A_205 = arith.constant 0 : i32
        %dma_wait3A_206 = arith.constant 0 : i32
        %dma_wait3A_207 = tpu.memref_slice %arg2[%dma_wait3A_205, %dma_wait3A_206] : memref<50000x128xf32, #tpu.memory_space<hbm>> -> memref<50000x128xf32, #tpu.memory_space<hbm>>
        tpu.wait_indirect_dma semaphore(%arg11 : memref<!tpu.dma_semaphore, #tpu.memory_space<semaphore_mem>>) src(%dma_wait3A_207 : memref<50000x128xf32, #tpu.memory_space<hbm>>) dst(%arg8 : memref<128x128xf32, #tpu.memory_space<vmem>>)
        %run_scoped3A_208 = arith.constant 0 : i32
        "tpu.region"() ({
          %run_scoped3A_209 = tpu.sem_alloc : memref<!tpu.dma_semaphore, #tpu.memory_space<semaphore_mem>>
          %dma_start3A_210 = arith.constant 0 : i32
          %dma_start3A_211 = tpu.memref_slice %arg7[%while3A_195, %run_scoped3A_208, %dma_start3A_210] : memref<100x1x128xi32, #tpu.memory_space<vmem>> -> memref<1x1x128xi32, #tpu.memory_space<vmem>>
          %dma_start3A_212 = tpu.memref_squeeze %dma_start3A_211 : memref<1x1x128xi32, #tpu.memory_space<vmem>> -> memref<128xi32, #tpu.memory_space<vmem>>
          %dma_start3A_213 = arith.constant 0 : i32
          %dma_start3A_214 = arith.constant 0 : i32
          %dma_start3A_215 = tpu.memref_slice %arg10[%dma_start3A_213, %dma_start3A_214] : memref<8448x128xf32, #tpu.memory_space<vmem_shared>> -> memref<8448x128xf32, #tpu.memory_space<vmem_shared>>
          tpu.enqueue_indirect_dma source(%arg8 : memref<128x128xf32, #tpu.memory_space<vmem>>) target(%dma_start3A_215 : memref<8448x128xf32, #tpu.memory_space<vmem_shared>>) offsets(%dma_start3A_212 : memref<128xi32, #tpu.memory_space<vmem>>) semaphore(%run_scoped3A_209 : memref<!tpu.dma_semaphore, #tpu.memory_space<semaphore_mem>>) {add = true}
          %dma_wait3A_216 = arith.constant 0 : i32
          %dma_wait3A_217 = tpu.memref_slice %arg7[%while3A_195, %run_scoped3A_208, %dma_wait3A_216] : memref<100x1x128xi32, #tpu.memory_space<vmem>> -> memref<1x1x128xi32, #tpu.memory_space<vmem>>
          %dma_wait3A_218 = tpu.memref_squeeze %dma_wait3A_217 : memref<1x1x128xi32, #tpu.memory_space<vmem>> -> memref<128xi32, #tpu.memory_space<vmem>>
          %dma_wait3A_219 = arith.constant 0 : i32
          %dma_wait3A_220 = arith.constant 0 : i32
          %dma_wait3A_221 = tpu.memref_slice %arg10[%dma_wait3A_219, %dma_wait3A_220] : memref<8448x128xf32, #tpu.memory_space<vmem_shared>> -> memref<8448x128xf32, #tpu.memory_space<vmem_shared>>
          tpu.wait_indirect_dma semaphore(%run_scoped3A_209 : memref<!tpu.dma_semaphore, #tpu.memory_space<semaphore_mem>>) src(%arg8 : memref<128x128xf32, #tpu.memory_space<vmem>>) dst(%dma_wait3A_221 : memref<8448x128xf32, #tpu.memory_space<vmem_shared>>)
          tpu.yield
        }) : () -> ()
      }
      %barrier3A_175 = arith.constant 0 : index
      tpu.barrier barrier_id(%barrier3A_175)
      %lt3A = arith.constant 15 : i32
      %lt3A_176 = arith.cmpi slt, %arg1, %lt3A : i32
      %convert_element_type3A = arith.extui %lt3A_176 : i1 to i32
      %cond3A = arith.constant 0 : i32
      %cond3A_177 = arith.cmpi ne, %convert_element_type3A, %cond3A : i32
      scf.if %cond3A_177 {
        %mul3A_195 = arith.constant 520 : i32
        %mul3A_196 = arith.muli %arg1, %mul3A_195 : i32
        %multiple_of3A_197 = tpu.assume_multiple %mul3A_196, 8 : i32
        %add3A_198 = arith.addi %multiple_of3A, %multiple_of3A_197 : i32
        "tpu.region"() ({
          %run_scoped3A_199 = tpu.sem_alloc : memref<!tpu.dma_semaphore, #tpu.memory_space<semaphore_mem>>
          %dma_start3A = arith.constant 0 : i32
          %dma_start3A_200 = tpu.memref_slice %arg4[%add3A_198, %dma_start3A] : memref<50000x128xf32, #tpu.memory_space<hbm>> -> memref<520x128xf32, #tpu.memory_space<hbm>>
          %dma_start3A_201 = arith.constant 0 : i32
          %dma_start3A_202 = tpu.memref_slice %arg10[%multiple_of3A_197, %dma_start3A_201] : memref<8448x128xf32, #tpu.memory_space<vmem_shared>> -> memref<520x128xf32, #tpu.memory_space<vmem_shared>>
          tpu.enqueue_dma source(%dma_start3A_202 : memref<520x128xf32, #tpu.memory_space<vmem_shared>>) target(%dma_start3A_200 : memref<520x128xf32, #tpu.memory_space<hbm>>) target_semaphore(%run_scoped3A_199 : memref<!tpu.dma_semaphore, #tpu.memory_space<semaphore_mem>>)
          %dma_wait3A = arith.constant 0 : i32
          %dma_wait3A_203 = tpu.memref_slice %arg4[%add3A_198, %dma_wait3A] : memref<50000x128xf32, #tpu.memory_space<hbm>> -> memref<520x128xf32, #tpu.memory_space<hbm>>
          %dma_wait3A_204 = arith.constant 0 : i32
          %dma_wait3A_205 = tpu.memref_slice %arg10[%multiple_of3A_197, %dma_wait3A_204] : memref<8448x128xf32, #tpu.memory_space<vmem_shared>> -> memref<520x128xf32, #tpu.memory_space<vmem_shared>>
          tpu.wait_dma2 semaphore(%run_scoped3A_199 : memref<!tpu.dma_semaphore, #tpu.memory_space<semaphore_mem>>) src(%dma_wait3A_205 : memref<520x128xf32, #tpu.memory_space<vmem_shared>>) dst(%dma_wait3A_203 : memref<520x128xf32, #tpu.memory_space<hbm>>)
          tpu.yield
        }) : () -> ()
      } else {
      }
      %eq3A_178 = arith.constant 15 : i32
      %eq3A_179 = arith.cmpi eq, %arg1, %eq3A_178 : i32
      %lt3A_180 = arith.constant 5 : i32
      %lt3A_181 = arith.cmpi slt, %add3A, %lt3A_180 : i32
      %and3A_182 = arith.andi %eq3A_179, %lt3A_181 : i1
      %convert_element_type3A_183 = arith.extui %and3A_182 : i1 to i32
      %cond3A_184 = arith.constant 0 : i32
      %cond3A_185 = arith.cmpi ne, %convert_element_type3A_183, %cond3A_184 : i32
      scf.if %cond3A_185 {
        %add3A_195 = arith.constant 7800 : i32
        %add3A_196 = arith.addi %multiple_of3A, %add3A_195 : i32
        "tpu.region"() ({
          %run_scoped3A_197 = tpu.sem_alloc : memref<!tpu.dma_semaphore, #tpu.memory_space<semaphore_mem>>
          %dma_start3A = arith.constant 0 : i32
          %dma_start3A_198 = tpu.memref_slice %arg4[%add3A_196, %dma_start3A] : memref<50000x128xf32, #tpu.memory_space<hbm>> -> memref<536x128xf32, #tpu.memory_space<hbm>>
          %dma_start3A_199 = arith.constant 7800 : i32
          %dma_start3A_200 = arith.constant 0 : i32
          %dma_start3A_201 = tpu.memref_slice %arg10[%dma_start3A_199, %dma_start3A_200] : memref<8448x128xf32, #tpu.memory_space<vmem_shared>> -> memref<536x128xf32, #tpu.memory_space<vmem_shared>>
          tpu.enqueue_dma source(%dma_start3A_201 : memref<536x128xf32, #tpu.memory_space<vmem_shared>>) target(%dma_start3A_198 : memref<536x128xf32, #tpu.memory_space<hbm>>) target_semaphore(%run_scoped3A_197 : memref<!tpu.dma_semaphore, #tpu.memory_space<semaphore_mem>>)
          %dma_wait3A = arith.constant 0 : i32
          %dma_wait3A_202 = tpu.memref_slice %arg4[%add3A_196, %dma_wait3A] : memref<50000x128xf32, #tpu.memory_space<hbm>> -> memref<536x128xf32, #tpu.memory_space<hbm>>
          %dma_wait3A_203 = arith.constant 7800 : i32
          %dma_wait3A_204 = arith.constant 0 : i32
          %dma_wait3A_205 = tpu.memref_slice %arg10[%dma_wait3A_203, %dma_wait3A_204] : memref<8448x128xf32, #tpu.memory_space<vmem_shared>> -> memref<536x128xf32, #tpu.memory_space<vmem_shared>>
          tpu.wait_dma2 semaphore(%run_scoped3A_197 : memref<!tpu.dma_semaphore, #tpu.memory_space<semaphore_mem>>) src(%dma_wait3A_205 : memref<536x128xf32, #tpu.memory_space<vmem_shared>>) dst(%dma_wait3A_202 : memref<536x128xf32, #tpu.memory_space<hbm>>)
          tpu.yield
        }) : () -> ()
      } else {
      }
      %eq3A_186 = arith.constant 15 : i32
      %eq3A_187 = arith.cmpi eq, %arg1, %eq3A_186 : i32
      %eq3A_188 = arith.constant 5 : i32
      %eq3A_189 = arith.cmpi eq, %add3A, %eq3A_188 : i32
      %and3A_190 = arith.andi %eq3A_187, %eq3A_189 : i1
      %convert_element_type3A_191 = arith.extui %and3A_190 : i1 to i32
      %cond3A_192 = arith.constant 0 : i32
      %cond3A_193 = arith.cmpi ne, %convert_element_type3A_191, %cond3A_192 : i32
      scf.if %cond3A_193 {
        %add3A_195 = arith.constant 7800 : i32
        %add3A_196 = arith.addi %multiple_of3A, %add3A_195 : i32
        "tpu.region"() ({
          %run_scoped3A_197 = tpu.sem_alloc : memref<!tpu.dma_semaphore, #tpu.memory_space<semaphore_mem>>
          %dma_start3A = arith.constant 0 : i32
          %dma_start3A_198 = tpu.memref_slice %arg4[%add3A_196, %dma_start3A] : memref<50000x128xf32, #tpu.memory_space<hbm>> -> memref<520x128xf32, #tpu.memory_space<hbm>>
          %dma_start3A_199 = arith.constant 7800 : i32
          %dma_start3A_200 = arith.constant 0 : i32
          %dma_start3A_201 = tpu.memref_slice %arg10[%dma_start3A_199, %dma_start3A_200] : memref<8448x128xf32, #tpu.memory_space<vmem_shared>> -> memref<520x128xf32, #tpu.memory_space<vmem_shared>>
          tpu.enqueue_dma source(%dma_start3A_201 : memref<520x128xf32, #tpu.memory_space<vmem_shared>>) target(%dma_start3A_198 : memref<520x128xf32, #tpu.memory_space<hbm>>) target_semaphore(%run_scoped3A_197 : memref<!tpu.dma_semaphore, #tpu.memory_space<semaphore_mem>>)
          %dma_wait3A = arith.constant 0 : i32
          %dma_wait3A_202 = tpu.memref_slice %arg4[%add3A_196, %dma_wait3A] : memref<50000x128xf32, #tpu.memory_space<hbm>> -> memref<520x128xf32, #tpu.memory_space<hbm>>
          %dma_wait3A_203 = arith.constant 7800 : i32
          %dma_wait3A_204 = arith.constant 0 : i32
          %dma_wait3A_205 = tpu.memref_slice %arg10[%dma_wait3A_203, %dma_wait3A_204] : memref<8448x128xf32, #tpu.memory_space<vmem_shared>> -> memref<520x128xf32, #tpu.memory_space<vmem_shared>>
          tpu.wait_dma2 semaphore(%run_scoped3A_197 : memref<!tpu.dma_semaphore, #tpu.memory_space<semaphore_mem>>) src(%dma_wait3A_205 : memref<520x128xf32, #tpu.memory_space<vmem_shared>>) dst(%dma_wait3A_202 : memref<520x128xf32, #tpu.memory_space<hbm>>)
          tpu.yield
        }) : () -> ()
      } else {
      }
      %barrier3A_194 = arith.constant 0 : index
      tpu.barrier barrier_id(%barrier3A_194)
    }
    %scan3A_15 = arith.constant 3 : i32
    return
  }
}

#map = affine_map<(d0, d1) -> (0, 0)>
#map1 = affine_map<(d0, d1) -> (0, 0, 0)>
module attributes {stable_mosaic.version = 14 : i64} {
  func.func @_sc_agg_body(%arg0: i32, %arg1: i32, %arg2: memref<50000x128xf32, #tpu.memory_space<hbm>>, %arg3: memref<16x1x12544xi32, #tpu.memory_space<hbm>>, %arg4: memref<50000x128xf32, #tpu.memory_space<hbm>>, %arg5: memref<12544xi32, #tpu.memory_space<vmem>>, %arg6: memref<100x1x128xi32, #tpu.memory_space<vmem>>, %arg7: memref<100x1x128xi32, #tpu.memory_space<vmem>>, %arg8: memref<128x128xf32, #tpu.memory_space<vmem>>, %arg9: memref<48x128xf32, #tpu.memory_space<vmem>>, %arg10: memref<8448x128xf32, #tpu.memory_space<vmem_shared>>, %arg11: memref<!tpu.dma_semaphore, #tpu.memory_space<semaphore_mem>>) attributes {dimension_semantics = [#tpu.dimension_semantics<core_parallel>, #tpu.dimension_semantics<subcore_parallel>], iteration_bounds = array<i64: 2, 16>, scalar_prefetch = 0 : i64, scratch_operands = 7 : i64, tpu.core_type = #tpu.core_type<sc_vector_subcore>, window_params = [{transform_indices = #map}, {transform_indices = #map1}, {transform_indices = #map}]} {
    %broadcast_in_dim3A = arith.constant 0.000000e+00 : f32
    %broadcast_in_dim3A_0 = vector.broadcast %broadcast_in_dim3A : f32 to vector<16xf32>
    %scan3A = arith.constant 0 : i32
    %scan3A_1 = arith.constant 0 : i32
    %scan3A_2 = arith.constant 48 : i32
    %scan3A_3 = arith.addi %scan3A_1, %scan3A_2 : i32
    %scan3A_4 = arith.constant 1 : i32
    scf.for %scan3A_16 = %scan3A_1 to %scan3A_3 step %scan3A_4  : i32 {
      %swap3A = arith.index_cast %scan3A_16 : i32 to index
      %swap3A_17 = arith.constant 0 : index
      %swap3A_18 = tpu.vector_load %arg9[%swap3A, %swap3A_17] {strides = array<i32>} : memref<48x128xf32, #tpu.memory_space<vmem>>, vector<16xf32>,
      tpu.vector_store %arg9[%swap3A, %swap3A_17], %broadcast_in_dim3A_0 {strides = array<i32>} : memref<48x128xf32, #tpu.memory_space<vmem>>, vector<16xf32>,
      %swap3A_19 = arith.index_cast %scan3A_16 : i32 to index
      %swap3A_20 = arith.constant 16 : index
      %swap3A_21 = tpu.vector_load %arg9[%swap3A_19, %swap3A_20] {strides = array<i32>} : memref<48x128xf32, #tpu.memory_space<vmem>>, vector<16xf32>,
      tpu.vector_store %arg9[%swap3A_19, %swap3A_20], %broadcast_in_dim3A_0 {strides = array<i32>} : memref<48x128xf32, #tpu.memory_space<vmem>>, vector<16xf32>,
      %swap3A_22 = arith.index_cast %scan3A_16 : i32 to index
      %swap3A_23 = arith.constant 32 : index
      %swap3A_24 = tpu.vector_load %arg9[%swap3A_22, %swap3A_23] {strides = array<i32>} : memref<48x128xf32, #tpu.memory_space<vmem>>, vector<16xf32>,
      tpu.vector_store %arg9[%swap3A_22, %swap3A_23], %broadcast_in_dim3A_0 {strides = array<i32>} : memref<48x128xf32, #tpu.memory_space<vmem>>, vector<16xf32>,
      %swap3A_25 = arith.index_cast %scan3A_16 : i32 to index
      %swap3A_26 = arith.constant 48 : index
      %swap3A_27 = tpu.vector_load %arg9[%swap3A_25, %swap3A_26] {strides = array<i32>} : memref<48x128xf32, #tpu.memory_space<vmem>>, vector<16xf32>,
      tpu.vector_store %arg9[%swap3A_25, %swap3A_26], %broadcast_in_dim3A_0 {strides = array<i32>} : memref<48x128xf32, #tpu.memory_space<vmem>>, vector<16xf32>,
      %swap3A_28 = arith.index_cast %scan3A_16 : i32 to index
      %swap3A_29 = arith.constant 64 : index
      %swap3A_30 = tpu.vector_load %arg9[%swap3A_28, %swap3A_29] {strides = array<i32>} : memref<48x128xf32, #tpu.memory_space<vmem>>, vector<16xf32>,
      tpu.vector_store %arg9[%swap3A_28, %swap3A_29], %broadcast_in_dim3A_0 {strides = array<i32>} : memref<48x128xf32, #tpu.memory_space<vmem>>, vector<16xf32>,
      %swap3A_31 = arith.index_cast %scan3A_16 : i32 to index
      %swap3A_32 = arith.constant 80 : index
      %swap3A_33 = tpu.vector_load %arg9[%swap3A_31, %swap3A_32] {strides = array<i32>} : memref<48x128xf32, #tpu.memory_space<vmem>>, vector<16xf32>,
      tpu.vector_store %arg9[%swap3A_31, %swap3A_32], %broadcast_in_dim3A_0 {strides = array<i32>} : memref<48x128xf32, #tpu.memory_space<vmem>>, vector<16xf32>,
      %swap3A_34 = arith.index_cast %scan3A_16 : i32 to index
      %swap3A_35 = arith.constant 96 : index
      %swap3A_36 = tpu.vector_load %arg9[%swap3A_34, %swap3A_35] {strides = array<i32>} : memref<48x128xf32, #tpu.memory_space<vmem>>, vector<16xf32>,
      tpu.vector_store %arg9[%swap3A_34, %swap3A_35], %broadcast_in_dim3A_0 {strides = array<i32>} : memref<48x128xf32, #tpu.memory_space<vmem>>, vector<16xf32>,
      %swap3A_37 = arith.index_cast %scan3A_16 : i32 to index
      %swap3A_38 = arith.constant 112 : index
      %swap3A_39 = tpu.vector_load %arg9[%swap3A_37, %swap3A_38] {strides = array<i32>} : memref<48x128xf32, #tpu.memory_space<vmem>>, vector<16xf32>,
      tpu.vector_store %arg9[%swap3A_37, %swap3A_38], %broadcast_in_dim3A_0 {strides = array<i32>} : memref<48x128xf32, #tpu.memory_space<vmem>>, vector<16xf32>,
    }
    %scan3A_5 = arith.constant 48 : i32
    %run_scoped3A = arith.constant 0 : i32
    "tpu.region"() ({
      %run_scoped3A_16 = tpu.sem_alloc : memref<!tpu.dma_semaphore, #tpu.memory_space<semaphore_mem>>
      %dma_start3A = arith.constant 0 : i32
      %dma_start3A_17 = tpu.memref_slice %arg3[%arg1, %run_scoped3A, %dma_start3A] : memref<16x1x12544xi32, #tpu.memory_space<hbm>> -> memref<1x1x12544xi32, #tpu.memory_space<hbm>>
      %dma_start3A_18 = tpu.memref_squeeze %dma_start3A_17 : memref<1x1x12544xi32, #tpu.memory_space<hbm>> -> memref<12544xi32, #tpu.memory_space<hbm>>
      %dma_start3A_19 = arith.constant 0 : i32
      %dma_start3A_20 = tpu.memref_slice %arg3[%arg1, %run_scoped3A, %dma_start3A_19] : memref<16x1x12544xi32, #tpu.memory_space<hbm>> -> memref<1x1x12544xi32, #tpu.memory_space<hbm>>
      %dma_start3A_21 = tpu.memref_squeeze %dma_start3A_20 : memref<1x1x12544xi32, #tpu.memory_space<hbm>> -> memref<12544xi32, #tpu.memory_space<hbm>>
      tpu.enqueue_dma source(%dma_start3A_21 : memref<12544xi32, #tpu.memory_space<hbm>>) target(%arg5 : memref<12544xi32, #tpu.memory_space<vmem>>) target_semaphore(%run_scoped3A_16 : memref<!tpu.dma_semaphore, #tpu.memory_space<semaphore_mem>>)
      %dma_wait3A = arith.constant 0 : i32
      %dma_wait3A_22 = tpu.memref_slice %arg3[%arg1, %run_scoped3A, %dma_wait3A] : memref<16x1x12544xi32, #tpu.memory_space<hbm>> -> memref<1x1x12544xi32, #tpu.memory_space<hbm>>
      %dma_wait3A_23 = tpu.memref_squeeze %dma_wait3A_22 : memref<1x1x12544xi32, #tpu.memory_space<hbm>> -> memref<12544xi32, #tpu.memory_space<hbm>>
      %dma_wait3A_24 = arith.constant 0 : i32
      %dma_wait3A_25 = tpu.memref_slice %arg3[%arg1, %run_scoped3A, %dma_wait3A_24] : memref<16x1x12544xi32, #tpu.memory_space<hbm>> -> memref<1x1x12544xi32, #tpu.memory_space<hbm>>
      %dma_wait3A_26 = tpu.memref_squeeze %dma_wait3A_25 : memref<1x1x12544xi32, #tpu.memory_space<hbm>> -> memref<12544xi32, #tpu.memory_space<hbm>>
      tpu.wait_dma2 semaphore(%run_scoped3A_16 : memref<!tpu.dma_semaphore, #tpu.memory_space<semaphore_mem>>) src(%dma_wait3A_26 : memref<12544xi32, #tpu.memory_space<hbm>>) dst(%arg5 : memref<12544xi32, #tpu.memory_space<vmem>>)
      tpu.yield
    }) : () -> ()
    %iota3A = tpu.iota {dimensions = array<i32: 0>} : vector<16xi32>
    %broadcast_in_dim3A_6 = arith.constant 0 : i32
    %broadcast_in_dim3A_7 = vector.broadcast %broadcast_in_dim3A_6 : i32 to vector<16xi32>
    %broadcast_in_dim3A_8 = arith.constant 8336 : i32
    %broadcast_in_dim3A_9 = vector.broadcast %broadcast_in_dim3A_8 : i32 to vector<16xi32>
    %scan3A_10 = arith.constant 0 : i32
    %scan3A_11 = arith.constant 0 : i32
    %scan3A_12 = arith.constant 3 : i32
    %scan3A_13 = arith.addi %scan3A_11, %scan3A_12 : i32
    %scan3A_14 = arith.constant 1 : i32
    scf.for %scan3A_16 = %scan3A_11 to %scan3A_13 step %scan3A_14  : i32 {
      %mul3A = arith.constant 3 : i32
      %mul3A_17 = arith.muli %arg0, %mul3A : i32
      %add3A = arith.addi %mul3A_17, %scan3A_16 : i32
      %mul3A_18 = arith.constant 8336 : i32
      %mul3A_19 = arith.muli %add3A, %mul3A_18 : i32
      %multiple_of3A = tpu.assume_multiple %mul3A_19, 8 : i32
      %eq3A = arith.constant 5 : i32
      %eq3A_20 = arith.cmpi eq, %add3A, %eq3A : i32
      %jit3A = arith.constant 8320 : i32
      %jit3A_21 = arith.constant 8336 : i32
      %select_n3A = arith.select %eq3A_20, %jit3A, %jit3A_21 : i32
      %mul3A_22 = arith.constant 528 : i32
      %mul3A_23 = arith.muli %arg1, %mul3A_22 : i32
      %add3A_24 = arith.constant 0 : i32
      %add3A_25 = arith.addi %mul3A_23, %add3A_24 : i32
      %multiple_of3A_26 = tpu.assume_multiple %add3A_25, 8 : i32
      "tpu.region"() ({
        %run_scoped3A_195 = tpu.sem_alloc : memref<!tpu.dma_semaphore, #tpu.memory_space<semaphore_mem>>
        %dma_start3A = arith.constant 0 : i32
        %dma_start3A_196 = tpu.memref_slice %arg10[%multiple_of3A_26, %dma_start3A] : memref<8448x128xf32, #tpu.memory_space<vmem_shared>> -> memref<48x128xf32, #tpu.memory_space<vmem_shared>>
        %dma_start3A_197 = arith.constant 0 : i32
        %dma_start3A_198 = tpu.memref_slice %arg10[%multiple_of3A_26, %dma_start3A_197] : memref<8448x128xf32, #tpu.memory_space<vmem_shared>> -> memref<48x128xf32, #tpu.memory_space<vmem_shared>>
        tpu.enqueue_dma source(%arg9 : memref<48x128xf32, #tpu.memory_space<vmem>>) target(%dma_start3A_198 : memref<48x128xf32, #tpu.memory_space<vmem_shared>>) target_semaphore(%run_scoped3A_195 : memref<!tpu.dma_semaphore, #tpu.memory_space<semaphore_mem>>)
        %dma_wait3A = arith.constant 0 : i32
        %dma_wait3A_199 = tpu.memref_slice %arg10[%multiple_of3A_26, %dma_wait3A] : memref<8448x128xf32, #tpu.memory_space<vmem_shared>> -> memref<48x128xf32, #tpu.memory_space<vmem_shared>>
        %dma_wait3A_200 = arith.constant 0 : i32
        %dma_wait3A_201 = tpu.memref_slice %arg10[%multiple_of3A_26, %dma_wait3A_200] : memref<8448x128xf32, #tpu.memory_space<vmem_shared>> -> memref<48x128xf32, #tpu.memory_space<vmem_shared>>
        tpu.wait_dma2 semaphore(%run_scoped3A_195 : memref<!tpu.dma_semaphore, #tpu.memory_space<semaphore_mem>>) src(%arg9 : memref<48x128xf32, #tpu.memory_space<vmem>>) dst(%dma_wait3A_201 : memref<48x128xf32, #tpu.memory_space<vmem_shared>>)
        tpu.yield
      }) : () -> ()
      %mul3A_27 = arith.constant 528 : i32
      %mul3A_28 = arith.muli %arg1, %mul3A_27 : i32
      %add3A_29 = arith.constant 48 : i32
      %add3A_30 = arith.addi %mul3A_28, %add3A_29 : i32
      %multiple_of3A_31 = tpu.assume_multiple %add3A_30, 8 : i32
      "tpu.region"() ({
        %run_scoped3A_195 = tpu.sem_alloc : memref<!tpu.dma_semaphore, #tpu.memory_space<semaphore_mem>>
        %dma_start3A = arith.constant 0 : i32
        %dma_start3A_196 = tpu.memref_slice %arg10[%multiple_of3A_31, %dma_start3A] : memref<8448x128xf32, #tpu.memory_space<vmem_shared>> -> memref<48x128xf32, #tpu.memory_space<vmem_shared>>
        %dma_start3A_197 = arith.constant 0 : i32
        %dma_start3A_198 = tpu.memref_slice %arg10[%multiple_of3A_31, %dma_start3A_197] : memref<8448x128xf32, #tpu.memory_space<vmem_shared>> -> memref<48x128xf32, #tpu.memory_space<vmem_shared>>
        tpu.enqueue_dma source(%arg9 : memref<48x128xf32, #tpu.memory_space<vmem>>) target(%dma_start3A_198 : memref<48x128xf32, #tpu.memory_space<vmem_shared>>) target_semaphore(%run_scoped3A_195 : memref<!tpu.dma_semaphore, #tpu.memory_space<semaphore_mem>>)
        %dma_wait3A = arith.constant 0 : i32
        %dma_wait3A_199 = tpu.memref_slice %arg10[%multiple_of3A_31, %dma_wait3A] : memref<8448x128xf32, #tpu.memory_space<vmem_shared>> -> memref<48x128xf32, #tpu.memory_space<vmem_shared>>
        %dma_wait3A_200 = arith.constant 0 : i32
        %dma_wait3A_201 = tpu.memref_slice %arg10[%multiple_of3A_31, %dma_wait3A_200] : memref<8448x128xf32, #tpu.memory_space<vmem_shared>> -> memref<48x128xf32, #tpu.memory_space<vmem_shared>>
        tpu.wait_dma2 semaphore(%run_scoped3A_195 : memref<!tpu.dma_semaphore, #tpu.memory_space<semaphore_mem>>) src(%arg9 : memref<48x128xf32, #tpu.memory_space<vmem>>) dst(%dma_wait3A_201 : memref<48x128xf32, #tpu.memory_space<vmem_shared>>)
        tpu.yield
      }) : () -> ()
      %mul3A_32 = arith.constant 528 : i32
      %mul3A_33 = arith.muli %arg1, %mul3A_32 : i32
      %add3A_34 = arith.constant 96 : i32
      %add3A_35 = arith.addi %mul3A_33, %add3A_34 : i32
      %multiple_of3A_36 = tpu.assume_multiple %add3A_35, 8 : i32
      "tpu.region"() ({
        %run_scoped3A_195 = tpu.sem_alloc : memref<!tpu.dma_semaphore, #tpu.memory_space<semaphore_mem>>
        %dma_start3A = arith.constant 0 : i32
        %dma_start3A_196 = tpu.memref_slice %arg10[%multiple_of3A_36, %dma_start3A] : memref<8448x128xf32, #tpu.memory_space<vmem_shared>> -> memref<48x128xf32, #tpu.memory_space<vmem_shared>>
        %dma_start3A_197 = arith.constant 0 : i32
        %dma_start3A_198 = tpu.memref_slice %arg10[%multiple_of3A_36, %dma_start3A_197] : memref<8448x128xf32, #tpu.memory_space<vmem_shared>> -> memref<48x128xf32, #tpu.memory_space<vmem_shared>>
        tpu.enqueue_dma source(%arg9 : memref<48x128xf32, #tpu.memory_space<vmem>>) target(%dma_start3A_198 : memref<48x128xf32, #tpu.memory_space<vmem_shared>>) target_semaphore(%run_scoped3A_195 : memref<!tpu.dma_semaphore, #tpu.memory_space<semaphore_mem>>)
        %dma_wait3A = arith.constant 0 : i32
        %dma_wait3A_199 = tpu.memref_slice %arg10[%multiple_of3A_36, %dma_wait3A] : memref<8448x128xf32, #tpu.memory_space<vmem_shared>> -> memref<48x128xf32, #tpu.memory_space<vmem_shared>>
        %dma_wait3A_200 = arith.constant 0 : i32
        %dma_wait3A_201 = tpu.memref_slice %arg10[%multiple_of3A_36, %dma_wait3A_200] : memref<8448x128xf32, #tpu.memory_space<vmem_shared>> -> memref<48x128xf32, #tpu.memory_space<vmem_shared>>
        tpu.wait_dma2 semaphore(%run_scoped3A_195 : memref<!tpu.dma_semaphore, #tpu.memory_space<semaphore_mem>>) src(%arg9 : memref<48x128xf32, #tpu.memory_space<vmem>>) dst(%dma_wait3A_201 : memref<48x128xf32, #tpu.memory_space<vmem_shared>>)
        tpu.yield
      }) : () -> ()
      %mul3A_37 = arith.constant 528 : i32
      %mul3A_38 = arith.muli %arg1, %mul3A_37 : i32
      %add3A_39 = arith.constant 144 : i32
      %add3A_40 = arith.addi %mul3A_38, %add3A_39 : i32
      %multiple_of3A_41 = tpu.assume_multiple %add3A_40, 8 : i32
      "tpu.region"() ({
        %run_scoped3A_195 = tpu.sem_alloc : memref<!tpu.dma_semaphore, #tpu.memory_space<semaphore_mem>>
        %dma_start3A = arith.constant 0 : i32
        %dma_start3A_196 = tpu.memref_slice %arg10[%multiple_of3A_41, %dma_start3A] : memref<8448x128xf32, #tpu.memory_space<vmem_shared>> -> memref<48x128xf32, #tpu.memory_space<vmem_shared>>
        %dma_start3A_197 = arith.constant 0 : i32
        %dma_start3A_198 = tpu.memref_slice %arg10[%multiple_of3A_41, %dma_start3A_197] : memref<8448x128xf32, #tpu.memory_space<vmem_shared>> -> memref<48x128xf32, #tpu.memory_space<vmem_shared>>
        tpu.enqueue_dma source(%arg9 : memref<48x128xf32, #tpu.memory_space<vmem>>) target(%dma_start3A_198 : memref<48x128xf32, #tpu.memory_space<vmem_shared>>) target_semaphore(%run_scoped3A_195 : memref<!tpu.dma_semaphore, #tpu.memory_space<semaphore_mem>>)
        %dma_wait3A = arith.constant 0 : i32
        %dma_wait3A_199 = tpu.memref_slice %arg10[%multiple_of3A_41, %dma_wait3A] : memref<8448x128xf32, #tpu.memory_space<vmem_shared>> -> memref<48x128xf32, #tpu.memory_space<vmem_shared>>
        %dma_wait3A_200 = arith.constant 0 : i32
        %dma_wait3A_201 = tpu.memref_slice %arg10[%multiple_of3A_41, %dma_wait3A_200] : memref<8448x128xf32, #tpu.memory_space<vmem_shared>> -> memref<48x128xf32, #tpu.memory_space<vmem_shared>>
        tpu.wait_dma2 semaphore(%run_scoped3A_195 : memref<!tpu.dma_semaphore, #tpu.memory_space<semaphore_mem>>) src(%arg9 : memref<48x128xf32, #tpu.memory_space<vmem>>) dst(%dma_wait3A_201 : memref<48x128xf32, #tpu.memory_space<vmem_shared>>)
        tpu.yield
      }) : () -> ()
      %mul3A_42 = arith.constant 528 : i32
      %mul3A_43 = arith.muli %arg1, %mul3A_42 : i32
      %add3A_44 = arith.constant 192 : i32
      %add3A_45 = arith.addi %mul3A_43, %add3A_44 : i32
      %multiple_of3A_46 = tpu.assume_multiple %add3A_45, 8 : i32
      "tpu.region"() ({
        %run_scoped3A_195 = tpu.sem_alloc : memref<!tpu.dma_semaphore, #tpu.memory_space<semaphore_mem>>
        %dma_start3A = arith.constant 0 : i32
        %dma_start3A_196 = tpu.memref_slice %arg10[%multiple_of3A_46, %dma_start3A] : memref<8448x128xf32, #tpu.memory_space<vmem_shared>> -> memref<48x128xf32, #tpu.memory_space<vmem_shared>>
        %dma_start3A_197 = arith.constant 0 : i32
        %dma_start3A_198 = tpu.memref_slice %arg10[%multiple_of3A_46, %dma_start3A_197] : memref<8448x128xf32, #tpu.memory_space<vmem_shared>> -> memref<48x128xf32, #tpu.memory_space<vmem_shared>>
        tpu.enqueue_dma source(%arg9 : memref<48x128xf32, #tpu.memory_space<vmem>>) target(%dma_start3A_198 : memref<48x128xf32, #tpu.memory_space<vmem_shared>>) target_semaphore(%run_scoped3A_195 : memref<!tpu.dma_semaphore, #tpu.memory_space<semaphore_mem>>)
        %dma_wait3A = arith.constant 0 : i32
        %dma_wait3A_199 = tpu.memref_slice %arg10[%multiple_of3A_46, %dma_wait3A] : memref<8448x128xf32, #tpu.memory_space<vmem_shared>> -> memref<48x128xf32, #tpu.memory_space<vmem_shared>>
        %dma_wait3A_200 = arith.constant 0 : i32
        %dma_wait3A_201 = tpu.memref_slice %arg10[%multiple_of3A_46, %dma_wait3A_200] : memref<8448x128xf32, #tpu.memory_space<vmem_shared>> -> memref<48x128xf32, #tpu.memory_space<vmem_shared>>
        tpu.wait_dma2 semaphore(%run_scoped3A_195 : memref<!tpu.dma_semaphore, #tpu.memory_space<semaphore_mem>>) src(%arg9 : memref<48x128xf32, #tpu.memory_space<vmem>>) dst(%dma_wait3A_201 : memref<48x128xf32, #tpu.memory_space<vmem_shared>>)
        tpu.yield
      }) : () -> ()
      %mul3A_47 = arith.constant 528 : i32
      %mul3A_48 = arith.muli %arg1, %mul3A_47 : i32
      %add3A_49 = arith.constant 240 : i32
      %add3A_50 = arith.addi %mul3A_48, %add3A_49 : i32
      %multiple_of3A_51 = tpu.assume_multiple %add3A_50, 8 : i32
      "tpu.region"() ({
        %run_scoped3A_195 = tpu.sem_alloc : memref<!tpu.dma_semaphore, #tpu.memory_space<semaphore_mem>>
        %dma_start3A = arith.constant 0 : i32
        %dma_start3A_196 = tpu.memref_slice %arg10[%multiple_of3A_51, %dma_start3A] : memref<8448x128xf32, #tpu.memory_space<vmem_shared>> -> memref<48x128xf32, #tpu.memory_space<vmem_shared>>
        %dma_start3A_197 = arith.constant 0 : i32
        %dma_start3A_198 = tpu.memref_slice %arg10[%multiple_of3A_51, %dma_start3A_197] : memref<8448x128xf32, #tpu.memory_space<vmem_shared>> -> memref<48x128xf32, #tpu.memory_space<vmem_shared>>
        tpu.enqueue_dma source(%arg9 : memref<48x128xf32, #tpu.memory_space<vmem>>) target(%dma_start3A_198 : memref<48x128xf32, #tpu.memory_space<vmem_shared>>) target_semaphore(%run_scoped3A_195 : memref<!tpu.dma_semaphore, #tpu.memory_space<semaphore_mem>>)
        %dma_wait3A = arith.constant 0 : i32
        %dma_wait3A_199 = tpu.memref_slice %arg10[%multiple_of3A_51, %dma_wait3A] : memref<8448x128xf32, #tpu.memory_space<vmem_shared>> -> memref<48x128xf32, #tpu.memory_space<vmem_shared>>
        %dma_wait3A_200 = arith.constant 0 : i32
        %dma_wait3A_201 = tpu.memref_slice %arg10[%multiple_of3A_51, %dma_wait3A_200] : memref<8448x128xf32, #tpu.memory_space<vmem_shared>> -> memref<48x128xf32, #tpu.memory_space<vmem_shared>>
        tpu.wait_dma2 semaphore(%run_scoped3A_195 : memref<!tpu.dma_semaphore, #tpu.memory_space<semaphore_mem>>) src(%arg9 : memref<48x128xf32, #tpu.memory_space<vmem>>) dst(%dma_wait3A_201 : memref<48x128xf32, #tpu.memory_space<vmem_shared>>)
        tpu.yield
      }) : () -> ()
      %mul3A_52 = arith.constant 528 : i32
      %mul3A_53 = arith.muli %arg1, %mul3A_52 : i32
      %add3A_54 = arith.constant 288 : i32
      %add3A_55 = arith.addi %mul3A_53, %add3A_54 : i32
      %multiple_of3A_56 = tpu.assume_multiple %add3A_55, 8 : i32
      "tpu.region"() ({
        %run_scoped3A_195 = tpu.sem_alloc : memref<!tpu.dma_semaphore, #tpu.memory_space<semaphore_mem>>
        %dma_start3A = arith.constant 0 : i32
        %dma_start3A_196 = tpu.memref_slice %arg10[%multiple_of3A_56, %dma_start3A] : memref<8448x128xf32, #tpu.memory_space<vmem_shared>> -> memref<48x128xf32, #tpu.memory_space<vmem_shared>>
        %dma_start3A_197 = arith.constant 0 : i32
        %dma_start3A_198 = tpu.memref_slice %arg10[%multiple_of3A_56, %dma_start3A_197] : memref<8448x128xf32, #tpu.memory_space<vmem_shared>> -> memref<48x128xf32, #tpu.memory_space<vmem_shared>>
        tpu.enqueue_dma source(%arg9 : memref<48x128xf32, #tpu.memory_space<vmem>>) target(%dma_start3A_198 : memref<48x128xf32, #tpu.memory_space<vmem_shared>>) target_semaphore(%run_scoped3A_195 : memref<!tpu.dma_semaphore, #tpu.memory_space<semaphore_mem>>)
        %dma_wait3A = arith.constant 0 : i32
        %dma_wait3A_199 = tpu.memref_slice %arg10[%multiple_of3A_56, %dma_wait3A] : memref<8448x128xf32, #tpu.memory_space<vmem_shared>> -> memref<48x128xf32, #tpu.memory_space<vmem_shared>>
        %dma_wait3A_200 = arith.constant 0 : i32
        %dma_wait3A_201 = tpu.memref_slice %arg10[%multiple_of3A_56, %dma_wait3A_200] : memref<8448x128xf32, #tpu.memory_space<vmem_shared>> -> memref<48x128xf32, #tpu.memory_space<vmem_shared>>
        tpu.wait_dma2 semaphore(%run_scoped3A_195 : memref<!tpu.dma_semaphore, #tpu.memory_space<semaphore_mem>>) src(%arg9 : memref<48x128xf32, #tpu.memory_space<vmem>>) dst(%dma_wait3A_201 : memref<48x128xf32, #tpu.memory_space<vmem_shared>>)
        tpu.yield
      }) : () -> ()
      %mul3A_57 = arith.constant 528 : i32
      %mul3A_58 = arith.muli %arg1, %mul3A_57 : i32
      %add3A_59 = arith.constant 336 : i32
      %add3A_60 = arith.addi %mul3A_58, %add3A_59 : i32
      %multiple_of3A_61 = tpu.assume_multiple %add3A_60, 8 : i32
      "tpu.region"() ({
        %run_scoped3A_195 = tpu.sem_alloc : memref<!tpu.dma_semaphore, #tpu.memory_space<semaphore_mem>>
        %dma_start3A = arith.constant 0 : i32
        %dma_start3A_196 = tpu.memref_slice %arg10[%multiple_of3A_61, %dma_start3A] : memref<8448x128xf32, #tpu.memory_space<vmem_shared>> -> memref<48x128xf32, #tpu.memory_space<vmem_shared>>
        %dma_start3A_197 = arith.constant 0 : i32
        %dma_start3A_198 = tpu.memref_slice %arg10[%multiple_of3A_61, %dma_start3A_197] : memref<8448x128xf32, #tpu.memory_space<vmem_shared>> -> memref<48x128xf32, #tpu.memory_space<vmem_shared>>
        tpu.enqueue_dma source(%arg9 : memref<48x128xf32, #tpu.memory_space<vmem>>) target(%dma_start3A_198 : memref<48x128xf32, #tpu.memory_space<vmem_shared>>) target_semaphore(%run_scoped3A_195 : memref<!tpu.dma_semaphore, #tpu.memory_space<semaphore_mem>>)
        %dma_wait3A = arith.constant 0 : i32
        %dma_wait3A_199 = tpu.memref_slice %arg10[%multiple_of3A_61, %dma_wait3A] : memref<8448x128xf32, #tpu.memory_space<vmem_shared>> -> memref<48x128xf32, #tpu.memory_space<vmem_shared>>
        %dma_wait3A_200 = arith.constant 0 : i32
        %dma_wait3A_201 = tpu.memref_slice %arg10[%multiple_of3A_61, %dma_wait3A_200] : memref<8448x128xf32, #tpu.memory_space<vmem_shared>> -> memref<48x128xf32, #tpu.memory_space<vmem_shared>>
        tpu.wait_dma2 semaphore(%run_scoped3A_195 : memref<!tpu.dma_semaphore, #tpu.memory_space<semaphore_mem>>) src(%arg9 : memref<48x128xf32, #tpu.memory_space<vmem>>) dst(%dma_wait3A_201 : memref<48x128xf32, #tpu.memory_space<vmem_shared>>)
        tpu.yield
      }) : () -> ()
      %mul3A_62 = arith.constant 528 : i32
      %mul3A_63 = arith.muli %arg1, %mul3A_62 : i32
      %add3A_64 = arith.constant 384 : i32
      %add3A_65 = arith.addi %mul3A_63, %add3A_64 : i32
      %multiple_of3A_66 = tpu.assume_multiple %add3A_65, 8 : i32
      "tpu.region"() ({
        %run_scoped3A_195 = tpu.sem_alloc : memref<!tpu.dma_semaphore, #tpu.memory_space<semaphore_mem>>
        %dma_start3A = arith.constant 0 : i32
        %dma_start3A_196 = tpu.memref_slice %arg10[%multiple_of3A_66, %dma_start3A] : memref<8448x128xf32, #tpu.memory_space<vmem_shared>> -> memref<48x128xf32, #tpu.memory_space<vmem_shared>>
        %dma_start3A_197 = arith.constant 0 : i32
        %dma_start3A_198 = tpu.memref_slice %arg10[%multiple_of3A_66, %dma_start3A_197] : memref<8448x128xf32, #tpu.memory_space<vmem_shared>> -> memref<48x128xf32, #tpu.memory_space<vmem_shared>>
        tpu.enqueue_dma source(%arg9 : memref<48x128xf32, #tpu.memory_space<vmem>>) target(%dma_start3A_198 : memref<48x128xf32, #tpu.memory_space<vmem_shared>>) target_semaphore(%run_scoped3A_195 : memref<!tpu.dma_semaphore, #tpu.memory_space<semaphore_mem>>)
        %dma_wait3A = arith.constant 0 : i32
        %dma_wait3A_199 = tpu.memref_slice %arg10[%multiple_of3A_66, %dma_wait3A] : memref<8448x128xf32, #tpu.memory_space<vmem_shared>> -> memref<48x128xf32, #tpu.memory_space<vmem_shared>>
        %dma_wait3A_200 = arith.constant 0 : i32
        %dma_wait3A_201 = tpu.memref_slice %arg10[%multiple_of3A_66, %dma_wait3A_200] : memref<8448x128xf32, #tpu.memory_space<vmem_shared>> -> memref<48x128xf32, #tpu.memory_space<vmem_shared>>
        tpu.wait_dma2 semaphore(%run_scoped3A_195 : memref<!tpu.dma_semaphore, #tpu.memory_space<semaphore_mem>>) src(%arg9 : memref<48x128xf32, #tpu.memory_space<vmem>>) dst(%dma_wait3A_201 : memref<48x128xf32, #tpu.memory_space<vmem_shared>>)
        tpu.yield
      }) : () -> ()
      %mul3A_67 = arith.constant 528 : i32
      %mul3A_68 = arith.muli %arg1, %mul3A_67 : i32
      %add3A_69 = arith.constant 432 : i32
      %add3A_70 = arith.addi %mul3A_68, %add3A_69 : i32
      %multiple_of3A_71 = tpu.assume_multiple %add3A_70, 8 : i32
      "tpu.region"() ({
        %run_scoped3A_195 = tpu.sem_alloc : memref<!tpu.dma_semaphore, #tpu.memory_space<semaphore_mem>>
        %dma_start3A = arith.constant 0 : i32
        %dma_start3A_196 = tpu.memref_slice %arg10[%multiple_of3A_71, %dma_start3A] : memref<8448x128xf32, #tpu.memory_space<vmem_shared>> -> memref<48x128xf32, #tpu.memory_space<vmem_shared>>
        %dma_start3A_197 = arith.constant 0 : i32
        %dma_start3A_198 = tpu.memref_slice %arg10[%multiple_of3A_71, %dma_start3A_197] : memref<8448x128xf32, #tpu.memory_space<vmem_shared>> -> memref<48x128xf32, #tpu.memory_space<vmem_shared>>
        tpu.enqueue_dma source(%arg9 : memref<48x128xf32, #tpu.memory_space<vmem>>) target(%dma_start3A_198 : memref<48x128xf32, #tpu.memory_space<vmem_shared>>) target_semaphore(%run_scoped3A_195 : memref<!tpu.dma_semaphore, #tpu.memory_space<semaphore_mem>>)
        %dma_wait3A = arith.constant 0 : i32
        %dma_wait3A_199 = tpu.memref_slice %arg10[%multiple_of3A_71, %dma_wait3A] : memref<8448x128xf32, #tpu.memory_space<vmem_shared>> -> memref<48x128xf32, #tpu.memory_space<vmem_shared>>
        %dma_wait3A_200 = arith.constant 0 : i32
        %dma_wait3A_201 = tpu.memref_slice %arg10[%multiple_of3A_71, %dma_wait3A_200] : memref<8448x128xf32, #tpu.memory_space<vmem_shared>> -> memref<48x128xf32, #tpu.memory_space<vmem_shared>>
        tpu.wait_dma2 semaphore(%run_scoped3A_195 : memref<!tpu.dma_semaphore, #tpu.memory_space<semaphore_mem>>) src(%arg9 : memref<48x128xf32, #tpu.memory_space<vmem>>) dst(%dma_wait3A_201 : memref<48x128xf32, #tpu.memory_space<vmem_shared>>)
        tpu.yield
      }) : () -> ()
      %mul3A_72 = arith.constant 528 : i32
      %mul3A_73 = arith.muli %arg1, %mul3A_72 : i32
      %add3A_74 = arith.constant 480 : i32
      %add3A_75 = arith.addi %mul3A_73, %add3A_74 : i32
      %multiple_of3A_76 = tpu.assume_multiple %add3A_75, 8 : i32
      "tpu.region"() ({
        %run_scoped3A_195 = tpu.sem_alloc : memref<!tpu.dma_semaphore, #tpu.memory_space<semaphore_mem>>
        %dma_start3A = arith.constant 0 : i32
        %dma_start3A_196 = tpu.memref_slice %arg10[%multiple_of3A_76, %dma_start3A] : memref<8448x128xf32, #tpu.memory_space<vmem_shared>> -> memref<48x128xf32, #tpu.memory_space<vmem_shared>>
        %dma_start3A_197 = arith.constant 0 : i32
        %dma_start3A_198 = tpu.memref_slice %arg10[%multiple_of3A_76, %dma_start3A_197] : memref<8448x128xf32, #tpu.memory_space<vmem_shared>> -> memref<48x128xf32, #tpu.memory_space<vmem_shared>>
        tpu.enqueue_dma source(%arg9 : memref<48x128xf32, #tpu.memory_space<vmem>>) target(%dma_start3A_198 : memref<48x128xf32, #tpu.memory_space<vmem_shared>>) target_semaphore(%run_scoped3A_195 : memref<!tpu.dma_semaphore, #tpu.memory_space<semaphore_mem>>)
        %dma_wait3A = arith.constant 0 : i32
        %dma_wait3A_199 = tpu.memref_slice %arg10[%multiple_of3A_76, %dma_wait3A] : memref<8448x128xf32, #tpu.memory_space<vmem_shared>> -> memref<48x128xf32, #tpu.memory_space<vmem_shared>>
        %dma_wait3A_200 = arith.constant 0 : i32
        %dma_wait3A_201 = tpu.memref_slice %arg10[%multiple_of3A_76, %dma_wait3A_200] : memref<8448x128xf32, #tpu.memory_space<vmem_shared>> -> memref<48x128xf32, #tpu.memory_space<vmem_shared>>
        tpu.wait_dma2 semaphore(%run_scoped3A_195 : memref<!tpu.dma_semaphore, #tpu.memory_space<semaphore_mem>>) src(%arg9 : memref<48x128xf32, #tpu.memory_space<vmem>>) dst(%dma_wait3A_201 : memref<48x128xf32, #tpu.memory_space<vmem_shared>>)
        tpu.yield
      }) : () -> ()
      %barrier3A = arith.constant 0 : index
      tpu.barrier barrier_id(%barrier3A)
      %scan3A_77 = arith.constant 0 : i32
      %scan3A_78 = arith.constant 0 : i32
      %scan3A_79 = arith.constant 784 : i32
      %scan3A_80 = arith.addi %scan3A_78, %scan3A_79 : i32
      %scan3A_81 = arith.constant 1 : i32
      %scan3A_82 = scf.for %scan3A_195 = %scan3A_78 to %scan3A_80 step %scan3A_81 iter_args(%scan3A_196 = %scan3A_77) -> (i32)  : i32 {
        %mul3A_197 = arith.constant 16 : i32
        %mul3A_198 = arith.muli %scan3A_195, %mul3A_197 : i32
        %multiple_of3A_199 = tpu.assume_multiple %mul3A_198, 16 : i32
        %get3A = arith.index_cast %multiple_of3A_199 : i32 to index
        %get3A_200 = tpu.vector_load %arg5[%get3A] {strides = array<i32>} : memref<12544xi32, #tpu.memory_space<vmem>>, vector<16xi32>,
        %and3A_201 = arith.constant 65535 : i32
        %and3A_202 = vector.broadcast %and3A_201 : i32 to vector<16xi32>
        %and3A_203 = arith.andi %get3A_200, %and3A_202 : vector<16xi32>
        %sub3A = vector.broadcast %multiple_of3A : i32 to vector<16xi32>
        %sub3A_204 = arith.subi %and3A_203, %sub3A : vector<16xi32>
        %ge3A = arith.constant 0 : i32
        %ge3A_205 = vector.broadcast %ge3A : i32 to vector<16xi32>
        %ge3A_206 = arith.cmpi sge, %sub3A_204, %ge3A_205 : vector<16xi32>
        %lt3A_207 = vector.broadcast %select_n3A : i32 to vector<16xi32>
        %lt3A_208 = arith.cmpi slt, %sub3A_204, %lt3A_207 : vector<16xi32>
        %and3A_209 = arith.andi %ge3A_206, %lt3A_208 : vector<16xi1>
        %convert_element_type3A_210 = arith.extui %and3A_209 : vector<16xi1> to vector<16xi32>
        %broadcast_in_dim3A_211 = arith.constant true
        %broadcast_in_dim3A_212 = vector.broadcast %broadcast_in_dim3A_211 : i1 to vector<16xi1>
        %masked_cumsum3A = tpu.scan <sum>, %convert_element_type3A_210 masked %broadcast_in_dim3A_212 : vector<16xi32>, vector<16xi1> -> vector<16xi32>
        %add3A_213 = vector.broadcast %scan3A_196 : i32 to vector<16xi32>
        %add3A_214 = arith.addi %add3A_213, %masked_cumsum3A : vector<16xi32>
        %sub3A_215 = arith.constant 1 : i32
        %sub3A_216 = vector.broadcast %sub3A_215 : i32 to vector<16xi32>
        %sub3A_217 = arith.subi %add3A_214, %sub3A_216 : vector<16xi32>
        %shift_right_arithmetic3A_218 = arith.constant 7 : i32
        %shift_right_arithmetic3A_219 = vector.broadcast %shift_right_arithmetic3A_218 : i32 to vector<16xi32>
        %shift_right_arithmetic3A_220 = arith.shrsi %sub3A_217, %shift_right_arithmetic3A_219 : vector<16xi32>
        %and3A_221 = arith.constant 127 : i32
        %and3A_222 = vector.broadcast %and3A_221 : i32 to vector<16xi32>
        %and3A_223 = arith.andi %sub3A_217, %and3A_222 : vector<16xi32>
        %shift_right_logical3A = arith.constant 16 : i32
        %shift_right_logical3A_224 = vector.broadcast %shift_right_logical3A : i32 to vector<16xi32>
        %shift_right_logical3A_225 = arith.shrui %get3A_200, %shift_right_logical3A_224 : vector<16xi32>
        tpu.vector_store_idx %arg6[%shift_right_arithmetic3A_220, %broadcast_in_dim3A_7, %and3A_223], %shift_right_logical3A_225 masked %and3A_209 : memref<100x1x128xi32, #tpu.memory_space<vmem>>[vector<16xi32>, vector<16xi32>, vector<16xi32>], vector<16xi32>, vector<16xi1>
        tpu.vector_store_idx %arg7[%shift_right_arithmetic3A_220, %broadcast_in_dim3A_7, %and3A_223], %sub3A_204 masked %and3A_209 : memref<100x1x128xi32, #tpu.memory_space<vmem>>[vector<16xi32>, vector<16xi32>, vector<16xi32>], vector<16xi32>, vector<16xi1>
        %slice3A = vector.extract_strided_slice %sub3A_217 {offsets = [15], sizes = [1], strides = [1]} : vector<16xi32> to vector<1xi32>
        %squeeze3A = vector.extract %slice3A[0] : i32 from vector<1xi32>
        %add3A_226 = arith.constant 1 : i32
        %add3A_227 = arith.addi %squeeze3A, %add3A_226 : i32
        scf.yield %add3A_227 : i32
      }
      %scan3A_83 = arith.constant 784 : i32
      %add3A_84 = arith.constant 0 : i32
      %add3A_85 = arith.addi %scan3A_82, %add3A_84 : i32
      %add3A_86 = vector.broadcast %add3A_85 : i32 to vector<16xi32>
      %add3A_87 = arith.addi %add3A_86, %iota3A : vector<16xi32>
      %shift_right_arithmetic3A = arith.constant 7 : i32
      %shift_right_arithmetic3A_88 = vector.broadcast %shift_right_arithmetic3A : i32 to vector<16xi32>
      %shift_right_arithmetic3A_89 = arith.shrsi %add3A_87, %shift_right_arithmetic3A_88 : vector<16xi32>
      %and3A = arith.constant 127 : i32
      %and3A_90 = vector.broadcast %and3A : i32 to vector<16xi32>
      %and3A_91 = arith.andi %add3A_87, %and3A_90 : vector<16xi32>
      tpu.vector_store_idx %arg6[%shift_right_arithmetic3A_89, %broadcast_in_dim3A_7, %and3A_91], %broadcast_in_dim3A_7 : memref<100x1x128xi32, #tpu.memory_space<vmem>>[vector<16xi32>, vector<16xi32>, vector<16xi32>], vector<16xi32>,
      tpu.vector_store_idx %arg7[%shift_right_arithmetic3A_89, %broadcast_in_dim3A_7, %and3A_91], %broadcast_in_dim3A_9 : memref<100x1x128xi32, #tpu.memory_space<vmem>>[vector<16xi32>, vector<16xi32>, vector<16xi32>], vector<16xi32>,
      %add3A_92 = arith.constant 16 : i32
      %add3A_93 = arith.addi %scan3A_82, %add3A_92 : i32
      %add3A_94 = vector.broadcast %add3A_93 : i32 to vector<16xi32>
      %add3A_95 = arith.addi %add3A_94, %iota3A : vector<16xi32>
      %shift_right_arithmetic3A_96 = arith.constant 7 : i32
      %shift_right_arithmetic3A_97 = vector.broadcast %shift_right_arithmetic3A_96 : i32 to vector<16xi32>
      %shift_right_arithmetic3A_98 = arith.shrsi %add3A_95, %shift_right_arithmetic3A_97 : vector<16xi32>
      %and3A_99 = arith.constant 127 : i32
      %and3A_100 = vector.broadcast %and3A_99 : i32 to vector<16xi32>
      %and3A_101 = arith.andi %add3A_95, %and3A_100 : vector<16xi32>
      tpu.vector_store_idx %arg6[%shift_right_arithmetic3A_98, %broadcast_in_dim3A_7, %and3A_101], %broadcast_in_dim3A_7 : memref<100x1x128xi32, #tpu.memory_space<vmem>>[vector<16xi32>, vector<16xi32>, vector<16xi32>], vector<16xi32>,
      tpu.vector_store_idx %arg7[%shift_right_arithmetic3A_98, %broadcast_in_dim3A_7, %and3A_101], %broadcast_in_dim3A_9 : memref<100x1x128xi32, #tpu.memory_space<vmem>>[vector<16xi32>, vector<16xi32>, vector<16xi32>], vector<16xi32>,
      %add3A_102 = arith.constant 32 : i32
      %add3A_103 = arith.addi %scan3A_82, %add3A_102 : i32
      %add3A_104 = vector.broadcast %add3A_103 : i32 to vector<16xi32>
      %add3A_105 = arith.addi %add3A_104, %iota3A : vector<16xi32>
      %shift_right_arithmetic3A_106 = arith.constant 7 : i32
      %shift_right_arithmetic3A_107 = vector.broadcast %shift_right_arithmetic3A_106 : i32 to vector<16xi32>
      %shift_right_arithmetic3A_108 = arith.shrsi %add3A_105, %shift_right_arithmetic3A_107 : vector<16xi32>
      %and3A_109 = arith.constant 127 : i32
      %and3A_110 = vector.broadcast %and3A_109 : i32 to vector<16xi32>
      %and3A_111 = arith.andi %add3A_105, %and3A_110 : vector<16xi32>
      tpu.vector_store_idx %arg6[%shift_right_arithmetic3A_108, %broadcast_in_dim3A_7, %and3A_111], %broadcast_in_dim3A_7 : memref<100x1x128xi32, #tpu.memory_space<vmem>>[vector<16xi32>, vector<16xi32>, vector<16xi32>], vector<16xi32>,
      tpu.vector_store_idx %arg7[%shift_right_arithmetic3A_108, %broadcast_in_dim3A_7, %and3A_111], %broadcast_in_dim3A_9 : memref<100x1x128xi32, #tpu.memory_space<vmem>>[vector<16xi32>, vector<16xi32>, vector<16xi32>], vector<16xi32>,
      %add3A_112 = arith.constant 48 : i32
      %add3A_113 = arith.addi %scan3A_82, %add3A_112 : i32
      %add3A_114 = vector.broadcast %add3A_113 : i32 to vector<16xi32>
      %add3A_115 = arith.addi %add3A_114, %iota3A : vector<16xi32>
      %shift_right_arithmetic3A_116 = arith.constant 7 : i32
      %shift_right_arithmetic3A_117 = vector.broadcast %shift_right_arithmetic3A_116 : i32 to vector<16xi32>
      %shift_right_arithmetic3A_118 = arith.shrsi %add3A_115, %shift_right_arithmetic3A_117 : vector<16xi32>
      %and3A_119 = arith.constant 127 : i32
      %and3A_120 = vector.broadcast %and3A_119 : i32 to vector<16xi32>
      %and3A_121 = arith.andi %add3A_115, %and3A_120 : vector<16xi32>
      tpu.vector_store_idx %arg6[%shift_right_arithmetic3A_118, %broadcast_in_dim3A_7, %and3A_121], %broadcast_in_dim3A_7 : memref<100x1x128xi32, #tpu.memory_space<vmem>>[vector<16xi32>, vector<16xi32>, vector<16xi32>], vector<16xi32>,
      tpu.vector_store_idx %arg7[%shift_right_arithmetic3A_118, %broadcast_in_dim3A_7, %and3A_121], %broadcast_in_dim3A_9 : memref<100x1x128xi32, #tpu.memory_space<vmem>>[vector<16xi32>, vector<16xi32>, vector<16xi32>], vector<16xi32>,
      %add3A_122 = arith.constant 64 : i32
      %add3A_123 = arith.addi %scan3A_82, %add3A_122 : i32
      %add3A_124 = vector.broadcast %add3A_123 : i32 to vector<16xi32>
      %add3A_125 = arith.addi %add3A_124, %iota3A : vector<16xi32>
      %shift_right_arithmetic3A_126 = arith.constant 7 : i32
      %shift_right_arithmetic3A_127 = vector.broadcast %shift_right_arithmetic3A_126 : i32 to vector<16xi32>
      %shift_right_arithmetic3A_128 = arith.shrsi %add3A_125, %shift_right_arithmetic3A_127 : vector<16xi32>
      %and3A_129 = arith.constant 127 : i32
      %and3A_130 = vector.broadcast %and3A_129 : i32 to vector<16xi32>
      %and3A_131 = arith.andi %add3A_125, %and3A_130 : vector<16xi32>
      tpu.vector_store_idx %arg6[%shift_right_arithmetic3A_128, %broadcast_in_dim3A_7, %and3A_131], %broadcast_in_dim3A_7 : memref<100x1x128xi32, #tpu.memory_space<vmem>>[vector<16xi32>, vector<16xi32>, vector<16xi32>], vector<16xi32>,
      tpu.vector_store_idx %arg7[%shift_right_arithmetic3A_128, %broadcast_in_dim3A_7, %and3A_131], %broadcast_in_dim3A_9 : memref<100x1x128xi32, #tpu.memory_space<vmem>>[vector<16xi32>, vector<16xi32>, vector<16xi32>], vector<16xi32>,
      %add3A_132 = arith.constant 80 : i32
      %add3A_133 = arith.addi %scan3A_82, %add3A_132 : i32
      %add3A_134 = vector.broadcast %add3A_133 : i32 to vector<16xi32>
      %add3A_135 = arith.addi %add3A_134, %iota3A : vector<16xi32>
      %shift_right_arithmetic3A_136 = arith.constant 7 : i32
      %shift_right_arithmetic3A_137 = vector.broadcast %shift_right_arithmetic3A_136 : i32 to vector<16xi32>
      %shift_right_arithmetic3A_138 = arith.shrsi %add3A_135, %shift_right_arithmetic3A_137 : vector<16xi32>
      %and3A_139 = arith.constant 127 : i32
      %and3A_140 = vector.broadcast %and3A_139 : i32 to vector<16xi32>
      %and3A_141 = arith.andi %add3A_135, %and3A_140 : vector<16xi32>
      tpu.vector_store_idx %arg6[%shift_right_arithmetic3A_138, %broadcast_in_dim3A_7, %and3A_141], %broadcast_in_dim3A_7 : memref<100x1x128xi32, #tpu.memory_space<vmem>>[vector<16xi32>, vector<16xi32>, vector<16xi32>], vector<16xi32>,
      tpu.vector_store_idx %arg7[%shift_right_arithmetic3A_138, %broadcast_in_dim3A_7, %and3A_141], %broadcast_in_dim3A_9 : memref<100x1x128xi32, #tpu.memory_space<vmem>>[vector<16xi32>, vector<16xi32>, vector<16xi32>], vector<16xi32>,
      %add3A_142 = arith.constant 96 : i32
      %add3A_143 = arith.addi %scan3A_82, %add3A_142 : i32
      %add3A_144 = vector.broadcast %add3A_143 : i32 to vector<16xi32>
      %add3A_145 = arith.addi %add3A_144, %iota3A : vector<16xi32>
      %shift_right_arithmetic3A_146 = arith.constant 7 : i32
      %shift_right_arithmetic3A_147 = vector.broadcast %shift_right_arithmetic3A_146 : i32 to vector<16xi32>
      %shift_right_arithmetic3A_148 = arith.shrsi %add3A_145, %shift_right_arithmetic3A_147 : vector<16xi32>
      %and3A_149 = arith.constant 127 : i32
      %and3A_150 = vector.broadcast %and3A_149 : i32 to vector<16xi32>
      %and3A_151 = arith.andi %add3A_145, %and3A_150 : vector<16xi32>
      tpu.vector_store_idx %arg6[%shift_right_arithmetic3A_148, %broadcast_in_dim3A_7, %and3A_151], %broadcast_in_dim3A_7 : memref<100x1x128xi32, #tpu.memory_space<vmem>>[vector<16xi32>, vector<16xi32>, vector<16xi32>], vector<16xi32>,
      tpu.vector_store_idx %arg7[%shift_right_arithmetic3A_148, %broadcast_in_dim3A_7, %and3A_151], %broadcast_in_dim3A_9 : memref<100x1x128xi32, #tpu.memory_space<vmem>>[vector<16xi32>, vector<16xi32>, vector<16xi32>], vector<16xi32>,
      %add3A_152 = arith.constant 112 : i32
      %add3A_153 = arith.addi %scan3A_82, %add3A_152 : i32
      %add3A_154 = vector.broadcast %add3A_153 : i32 to vector<16xi32>
      %add3A_155 = arith.addi %add3A_154, %iota3A : vector<16xi32>
      %shift_right_arithmetic3A_156 = arith.constant 7 : i32
      %shift_right_arithmetic3A_157 = vector.broadcast %shift_right_arithmetic3A_156 : i32 to vector<16xi32>
      %shift_right_arithmetic3A_158 = arith.shrsi %add3A_155, %shift_right_arithmetic3A_157 : vector<16xi32>
      %and3A_159 = arith.constant 127 : i32
      %and3A_160 = vector.broadcast %and3A_159 : i32 to vector<16xi32>
      %and3A_161 = arith.andi %add3A_155, %and3A_160 : vector<16xi32>
      tpu.vector_store_idx %arg6[%shift_right_arithmetic3A_158, %broadcast_in_dim3A_7, %and3A_161], %broadcast_in_dim3A_7 : memref<100x1x128xi32, #tpu.memory_space<vmem>>[vector<16xi32>, vector<16xi32>, vector<16xi32>], vector<16xi32>,
      tpu.vector_store_idx %arg7[%shift_right_arithmetic3A_158, %broadcast_in_dim3A_7, %and3A_161], %broadcast_in_dim3A_9 : memref<100x1x128xi32, #tpu.memory_space<vmem>>[vector<16xi32>, vector<16xi32>, vector<16xi32>], vector<16xi32>,
      %add3A_162 = arith.constant 127 : i32
      %add3A_163 = arith.addi %scan3A_82, %add3A_162 : i32
      %shift_right_arithmetic3A_164 = arith.constant 7 : i32
      %shift_right_arithmetic3A_165 = arith.shrsi %add3A_163, %shift_right_arithmetic3A_164 : i32
      %while3A = arith.constant 0 : i32
      %while3A_166 = arith.constant 0 : i32
      %while3A_167 = arith.subi %shift_right_arithmetic3A_165, %while3A_166 : i32
      %while3A_168 = arith.addi %while3A_166, %while3A_167 : i32
      %while3A_169 = arith.constant 1 : i32
      %while3A_170 = arith.divsi %while3A_167, %while3A_169 : i32
      %while3A_171 = arith.muli %while3A_170, %while3A_169 : i32
      %while3A_172 = arith.addi %while3A_166, %while3A_171 : i32
      %while3A_173 = arith.constant 1 : i32
      scf.for %while3A_195 = %while3A_166 to %while3A_172 step %while3A_173  : i32 {
        %dma_start3A = arith.constant 0 : i32
        %dma_start3A_196 = arith.constant 0 : i32
        %dma_start3A_197 = tpu.memref_slice %arg6[%while3A_195, %dma_start3A, %dma_start3A_196] : memref<100x1x128xi32, #tpu.memory_space<vmem>> -> memref<1x1x128xi32, #tpu.memory_space<vmem>>
        %dma_start3A_198 = tpu.memref_squeeze %dma_start3A_197 : memref<1x1x128xi32, #tpu.memory_space<vmem>> -> memref<128xi32, #tpu.memory_space<vmem>>
        %dma_start3A_199 = arith.constant 0 : i32
        %dma_start3A_200 = arith.constant 0 : i32
        %dma_start3A_201 = tpu.memref_slice %arg2[%dma_start3A_199, %dma_start3A_200] : memref<50000x128xf32, #tpu.memory_space<hbm>> -> memref<50000x128xf32, #tpu.memory_space<hbm>>
        tpu.enqueue_indirect_dma source(%dma_start3A_201 : memref<50000x128xf32, #tpu.memory_space<hbm>>) target(%arg8 : memref<128x128xf32, #tpu.memory_space<vmem>>) offsets(%dma_start3A_198 : memref<128xi32, #tpu.memory_space<vmem>>) semaphore(%arg11 : memref<!tpu.dma_semaphore, #tpu.memory_space<semaphore_mem>>)
        %dma_wait3A = arith.constant 0 : i32
        %dma_wait3A_202 = arith.constant 0 : i32
        %dma_wait3A_203 = tpu.memref_slice %arg6[%while3A_195, %dma_wait3A, %dma_wait3A_202] : memref<100x1x128xi32, #tpu.memory_space<vmem>> -> memref<1x1x128xi32, #tpu.memory_space<vmem>>
        %dma_wait3A_204 = tpu.memref_squeeze %dma_wait3A_203 : memref<1x1x128xi32, #tpu.memory_space<vmem>> -> memref<128xi32, #tpu.memory_space<vmem>>
        %dma_wait3A_205 = arith.constant 0 : i32
        %dma_wait3A_206 = arith.constant 0 : i32
        %dma_wait3A_207 = tpu.memref_slice %arg2[%dma_wait3A_205, %dma_wait3A_206] : memref<50000x128xf32, #tpu.memory_space<hbm>> -> memref<50000x128xf32, #tpu.memory_space<hbm>>
        tpu.wait_indirect_dma semaphore(%arg11 : memref<!tpu.dma_semaphore, #tpu.memory_space<semaphore_mem>>) src(%dma_wait3A_207 : memref<50000x128xf32, #tpu.memory_space<hbm>>) dst(%arg8 : memref<128x128xf32, #tpu.memory_space<vmem>>)
        %run_scoped3A_208 = arith.constant 0 : i32
        "tpu.region"() ({
          %run_scoped3A_209 = tpu.sem_alloc : memref<!tpu.dma_semaphore, #tpu.memory_space<semaphore_mem>>
          %dma_start3A_210 = arith.constant 0 : i32
          %dma_start3A_211 = tpu.memref_slice %arg7[%while3A_195, %run_scoped3A_208, %dma_start3A_210] : memref<100x1x128xi32, #tpu.memory_space<vmem>> -> memref<1x1x128xi32, #tpu.memory_space<vmem>>
          %dma_start3A_212 = tpu.memref_squeeze %dma_start3A_211 : memref<1x1x128xi32, #tpu.memory_space<vmem>> -> memref<128xi32, #tpu.memory_space<vmem>>
          %dma_start3A_213 = arith.constant 0 : i32
          %dma_start3A_214 = arith.constant 0 : i32
          %dma_start3A_215 = tpu.memref_slice %arg10[%dma_start3A_213, %dma_start3A_214] : memref<8448x128xf32, #tpu.memory_space<vmem_shared>> -> memref<8448x128xf32, #tpu.memory_space<vmem_shared>>
          tpu.enqueue_indirect_dma source(%arg8 : memref<128x128xf32, #tpu.memory_space<vmem>>) target(%dma_start3A_215 : memref<8448x128xf32, #tpu.memory_space<vmem_shared>>) offsets(%dma_start3A_212 : memref<128xi32, #tpu.memory_space<vmem>>) semaphore(%run_scoped3A_209 : memref<!tpu.dma_semaphore, #tpu.memory_space<semaphore_mem>>) {add = true}
          %dma_wait3A_216 = arith.constant 0 : i32
          %dma_wait3A_217 = tpu.memref_slice %arg7[%while3A_195, %run_scoped3A_208, %dma_wait3A_216] : memref<100x1x128xi32, #tpu.memory_space<vmem>> -> memref<1x1x128xi32, #tpu.memory_space<vmem>>
          %dma_wait3A_218 = tpu.memref_squeeze %dma_wait3A_217 : memref<1x1x128xi32, #tpu.memory_space<vmem>> -> memref<128xi32, #tpu.memory_space<vmem>>
          %dma_wait3A_219 = arith.constant 0 : i32
          %dma_wait3A_220 = arith.constant 0 : i32
          %dma_wait3A_221 = tpu.memref_slice %arg10[%dma_wait3A_219, %dma_wait3A_220] : memref<8448x128xf32, #tpu.memory_space<vmem_shared>> -> memref<8448x128xf32, #tpu.memory_space<vmem_shared>>
          tpu.wait_indirect_dma semaphore(%run_scoped3A_209 : memref<!tpu.dma_semaphore, #tpu.memory_space<semaphore_mem>>) src(%arg8 : memref<128x128xf32, #tpu.memory_space<vmem>>) dst(%dma_wait3A_221 : memref<8448x128xf32, #tpu.memory_space<vmem_shared>>)
          tpu.yield
        }) : () -> ()
      }
      %while3A_174 = arith.constant 1 : i32
      scf.for %while3A_195 = %while3A_172 to %while3A_168 step %while3A_174  : i32 {
        %dma_start3A = arith.constant 0 : i32
        %dma_start3A_196 = arith.constant 0 : i32
        %dma_start3A_197 = tpu.memref_slice %arg6[%while3A_195, %dma_start3A, %dma_start3A_196] : memref<100x1x128xi32, #tpu.memory_space<vmem>> -> memref<1x1x128xi32, #tpu.memory_space<vmem>>
        %dma_start3A_198 = tpu.memref_squeeze %dma_start3A_197 : memref<1x1x128xi32, #tpu.memory_space<vmem>> -> memref<128xi32, #tpu.memory_space<vmem>>
        %dma_start3A_199 = arith.constant 0 : i32
        %dma_start3A_200 = arith.constant 0 : i32
        %dma_start3A_201 = tpu.memref_slice %arg2[%dma_start3A_199, %dma_start3A_200] : memref<50000x128xf32, #tpu.memory_space<hbm>> -> memref<50000x128xf32, #tpu.memory_space<hbm>>
        tpu.enqueue_indirect_dma source(%dma_start3A_201 : memref<50000x128xf32, #tpu.memory_space<hbm>>) target(%arg8 : memref<128x128xf32, #tpu.memory_space<vmem>>) offsets(%dma_start3A_198 : memref<128xi32, #tpu.memory_space<vmem>>) semaphore(%arg11 : memref<!tpu.dma_semaphore, #tpu.memory_space<semaphore_mem>>)
        %dma_wait3A = arith.constant 0 : i32
        %dma_wait3A_202 = arith.constant 0 : i32
        %dma_wait3A_203 = tpu.memref_slice %arg6[%while3A_195, %dma_wait3A, %dma_wait3A_202] : memref<100x1x128xi32, #tpu.memory_space<vmem>> -> memref<1x1x128xi32, #tpu.memory_space<vmem>>
        %dma_wait3A_204 = tpu.memref_squeeze %dma_wait3A_203 : memref<1x1x128xi32, #tpu.memory_space<vmem>> -> memref<128xi32, #tpu.memory_space<vmem>>
        %dma_wait3A_205 = arith.constant 0 : i32
        %dma_wait3A_206 = arith.constant 0 : i32
        %dma_wait3A_207 = tpu.memref_slice %arg2[%dma_wait3A_205, %dma_wait3A_206] : memref<50000x128xf32, #tpu.memory_space<hbm>> -> memref<50000x128xf32, #tpu.memory_space<hbm>>
        tpu.wait_indirect_dma semaphore(%arg11 : memref<!tpu.dma_semaphore, #tpu.memory_space<semaphore_mem>>) src(%dma_wait3A_207 : memref<50000x128xf32, #tpu.memory_space<hbm>>) dst(%arg8 : memref<128x128xf32, #tpu.memory_space<vmem>>)
        %run_scoped3A_208 = arith.constant 0 : i32
        "tpu.region"() ({
          %run_scoped3A_209 = tpu.sem_alloc : memref<!tpu.dma_semaphore, #tpu.memory_space<semaphore_mem>>
          %dma_start3A_210 = arith.constant 0 : i32
          %dma_start3A_211 = tpu.memref_slice %arg7[%while3A_195, %run_scoped3A_208, %dma_start3A_210] : memref<100x1x128xi32, #tpu.memory_space<vmem>> -> memref<1x1x128xi32, #tpu.memory_space<vmem>>
          %dma_start3A_212 = tpu.memref_squeeze %dma_start3A_211 : memref<1x1x128xi32, #tpu.memory_space<vmem>> -> memref<128xi32, #tpu.memory_space<vmem>>
          %dma_start3A_213 = arith.constant 0 : i32
          %dma_start3A_214 = arith.constant 0 : i32
          %dma_start3A_215 = tpu.memref_slice %arg10[%dma_start3A_213, %dma_start3A_214] : memref<8448x128xf32, #tpu.memory_space<vmem_shared>> -> memref<8448x128xf32, #tpu.memory_space<vmem_shared>>
          tpu.enqueue_indirect_dma source(%arg8 : memref<128x128xf32, #tpu.memory_space<vmem>>) target(%dma_start3A_215 : memref<8448x128xf32, #tpu.memory_space<vmem_shared>>) offsets(%dma_start3A_212 : memref<128xi32, #tpu.memory_space<vmem>>) semaphore(%run_scoped3A_209 : memref<!tpu.dma_semaphore, #tpu.memory_space<semaphore_mem>>) {add = true}
          %dma_wait3A_216 = arith.constant 0 : i32
          %dma_wait3A_217 = tpu.memref_slice %arg7[%while3A_195, %run_scoped3A_208, %dma_wait3A_216] : memref<100x1x128xi32, #tpu.memory_space<vmem>> -> memref<1x1x128xi32, #tpu.memory_space<vmem>>
          %dma_wait3A_218 = tpu.memref_squeeze %dma_wait3A_217 : memref<1x1x128xi32, #tpu.memory_space<vmem>> -> memref<128xi32, #tpu.memory_space<vmem>>
          %dma_wait3A_219 = arith.constant 0 : i32
          %dma_wait3A_220 = arith.constant 0 : i32
          %dma_wait3A_221 = tpu.memref_slice %arg10[%dma_wait3A_219, %dma_wait3A_220] : memref<8448x128xf32, #tpu.memory_space<vmem_shared>> -> memref<8448x128xf32, #tpu.memory_space<vmem_shared>>
          tpu.wait_indirect_dma semaphore(%run_scoped3A_209 : memref<!tpu.dma_semaphore, #tpu.memory_space<semaphore_mem>>) src(%arg8 : memref<128x128xf32, #tpu.memory_space<vmem>>) dst(%dma_wait3A_221 : memref<8448x128xf32, #tpu.memory_space<vmem_shared>>)
          tpu.yield
        }) : () -> ()
      }
      %barrier3A_175 = arith.constant 0 : index
      tpu.barrier barrier_id(%barrier3A_175)
      %lt3A = arith.constant 15 : i32
      %lt3A_176 = arith.cmpi slt, %arg1, %lt3A : i32
      %convert_element_type3A = arith.extui %lt3A_176 : i1 to i32
      %cond3A = arith.constant 0 : i32
      %cond3A_177 = arith.cmpi ne, %convert_element_type3A, %cond3A : i32
      scf.if %cond3A_177 {
        %mul3A_195 = arith.constant 520 : i32
        %mul3A_196 = arith.muli %arg1, %mul3A_195 : i32
        %multiple_of3A_197 = tpu.assume_multiple %mul3A_196, 8 : i32
        %add3A_198 = arith.addi %multiple_of3A, %multiple_of3A_197 : i32
        "tpu.region"() ({
          %run_scoped3A_199 = tpu.sem_alloc : memref<!tpu.dma_semaphore, #tpu.memory_space<semaphore_mem>>
          %dma_start3A = arith.constant 0 : i32
          %dma_start3A_200 = tpu.memref_slice %arg4[%add3A_198, %dma_start3A] : memref<50000x128xf32, #tpu.memory_space<hbm>> -> memref<520x128xf32, #tpu.memory_space<hbm>>
          %dma_start3A_201 = arith.constant 0 : i32
          %dma_start3A_202 = tpu.memref_slice %arg10[%multiple_of3A_197, %dma_start3A_201] : memref<8448x128xf32, #tpu.memory_space<vmem_shared>> -> memref<520x128xf32, #tpu.memory_space<vmem_shared>>
          tpu.enqueue_dma source(%dma_start3A_202 : memref<520x128xf32, #tpu.memory_space<vmem_shared>>) target(%dma_start3A_200 : memref<520x128xf32, #tpu.memory_space<hbm>>) target_semaphore(%run_scoped3A_199 : memref<!tpu.dma_semaphore, #tpu.memory_space<semaphore_mem>>)
          %dma_wait3A = arith.constant 0 : i32
          %dma_wait3A_203 = tpu.memref_slice %arg4[%add3A_198, %dma_wait3A] : memref<50000x128xf32, #tpu.memory_space<hbm>> -> memref<520x128xf32, #tpu.memory_space<hbm>>
          %dma_wait3A_204 = arith.constant 0 : i32
          %dma_wait3A_205 = tpu.memref_slice %arg10[%multiple_of3A_197, %dma_wait3A_204] : memref<8448x128xf32, #tpu.memory_space<vmem_shared>> -> memref<520x128xf32, #tpu.memory_space<vmem_shared>>
          tpu.wait_dma2 semaphore(%run_scoped3A_199 : memref<!tpu.dma_semaphore, #tpu.memory_space<semaphore_mem>>) src(%dma_wait3A_205 : memref<520x128xf32, #tpu.memory_space<vmem_shared>>) dst(%dma_wait3A_203 : memref<520x128xf32, #tpu.memory_space<hbm>>)
          tpu.yield
        }) : () -> ()
      } else {
      }
      %eq3A_178 = arith.constant 15 : i32
      %eq3A_179 = arith.cmpi eq, %arg1, %eq3A_178 : i32
      %lt3A_180 = arith.constant 5 : i32
      %lt3A_181 = arith.cmpi slt, %add3A, %lt3A_180 : i32
      %and3A_182 = arith.andi %eq3A_179, %lt3A_181 : i1
      %convert_element_type3A_183 = arith.extui %and3A_182 : i1 to i32
      %cond3A_184 = arith.constant 0 : i32
      %cond3A_185 = arith.cmpi ne, %convert_element_type3A_183, %cond3A_184 : i32
      scf.if %cond3A_185 {
        %add3A_195 = arith.constant 7800 : i32
        %add3A_196 = arith.addi %multiple_of3A, %add3A_195 : i32
        "tpu.region"() ({
          %run_scoped3A_197 = tpu.sem_alloc : memref<!tpu.dma_semaphore, #tpu.memory_space<semaphore_mem>>
          %dma_start3A = arith.constant 0 : i32
          %dma_start3A_198 = tpu.memref_slice %arg4[%add3A_196, %dma_start3A] : memref<50000x128xf32, #tpu.memory_space<hbm>> -> memref<536x128xf32, #tpu.memory_space<hbm>>
          %dma_start3A_199 = arith.constant 7800 : i32
          %dma_start3A_200 = arith.constant 0 : i32
          %dma_start3A_201 = tpu.memref_slice %arg10[%dma_start3A_199, %dma_start3A_200] : memref<8448x128xf32, #tpu.memory_space<vmem_shared>> -> memref<536x128xf32, #tpu.memory_space<vmem_shared>>
          tpu.enqueue_dma source(%dma_start3A_201 : memref<536x128xf32, #tpu.memory_space<vmem_shared>>) target(%dma_start3A_198 : memref<536x128xf32, #tpu.memory_space<hbm>>) target_semaphore(%run_scoped3A_197 : memref<!tpu.dma_semaphore, #tpu.memory_space<semaphore_mem>>)
          %dma_wait3A = arith.constant 0 : i32
          %dma_wait3A_202 = tpu.memref_slice %arg4[%add3A_196, %dma_wait3A] : memref<50000x128xf32, #tpu.memory_space<hbm>> -> memref<536x128xf32, #tpu.memory_space<hbm>>
          %dma_wait3A_203 = arith.constant 7800 : i32
          %dma_wait3A_204 = arith.constant 0 : i32
          %dma_wait3A_205 = tpu.memref_slice %arg10[%dma_wait3A_203, %dma_wait3A_204] : memref<8448x128xf32, #tpu.memory_space<vmem_shared>> -> memref<536x128xf32, #tpu.memory_space<vmem_shared>>
          tpu.wait_dma2 semaphore(%run_scoped3A_197 : memref<!tpu.dma_semaphore, #tpu.memory_space<semaphore_mem>>) src(%dma_wait3A_205 : memref<536x128xf32, #tpu.memory_space<vmem_shared>>) dst(%dma_wait3A_202 : memref<536x128xf32, #tpu.memory_space<hbm>>)
          tpu.yield
        }) : () -> ()
      } else {
      }
      %eq3A_186 = arith.constant 15 : i32
      %eq3A_187 = arith.cmpi eq, %arg1, %eq3A_186 : i32
      %eq3A_188 = arith.constant 5 : i32
      %eq3A_189 = arith.cmpi eq, %add3A, %eq3A_188 : i32
      %and3A_190 = arith.andi %eq3A_187, %eq3A_189 : i1
      %convert_element_type3A_191 = arith.extui %and3A_190 : i1 to i32
      %cond3A_192 = arith.constant 0 : i32
      %cond3A_193 = arith.cmpi ne, %convert_element_type3A_191, %cond3A_192 : i32
      scf.if %cond3A_193 {
        %add3A_195 = arith.constant 7800 : i32
        %add3A_196 = arith.addi %multiple_of3A, %add3A_195 : i32
        "tpu.region"() ({
          %run_scoped3A_197 = tpu.sem_alloc : memref<!tpu.dma_semaphore, #tpu.memory_space<semaphore_mem>>
          %dma_start3A = arith.constant 0 : i32
          %dma_start3A_198 = tpu.memref_slice %arg4[%add3A_196, %dma_start3A] : memref<50000x128xf32, #tpu.memory_space<hbm>> -> memref<520x128xf32, #tpu.memory_space<hbm>>
          %dma_start3A_199 = arith.constant 7800 : i32
          %dma_start3A_200 = arith.constant 0 : i32
          %dma_start3A_201 = tpu.memref_slice %arg10[%dma_start3A_199, %dma_start3A_200] : memref<8448x128xf32, #tpu.memory_space<vmem_shared>> -> memref<520x128xf32, #tpu.memory_space<vmem_shared>>
          tpu.enqueue_dma source(%dma_start3A_201 : memref<520x128xf32, #tpu.memory_space<vmem_shared>>) target(%dma_start3A_198 : memref<520x128xf32, #tpu.memory_space<hbm>>) target_semaphore(%run_scoped3A_197 : memref<!tpu.dma_semaphore, #tpu.memory_space<semaphore_mem>>)
          %dma_wait3A = arith.constant 0 : i32
          %dma_wait3A_202 = tpu.memref_slice %arg4[%add3A_196, %dma_wait3A] : memref<50000x128xf32, #tpu.memory_space<hbm>> -> memref<520x128xf32, #tpu.memory_space<hbm>>
          %dma_wait3A_203 = arith.constant 7800 : i32
          %dma_wait3A_204 = arith.constant 0 : i32
          %dma_wait3A_205 = tpu.memref_slice %arg10[%dma_wait3A_203, %dma_wait3A_204] : memref<8448x128xf32, #tpu.memory_space<vmem_shared>> -> memref<520x128xf32, #tpu.memory_space<vmem_shared>>
          tpu.wait_dma2 semaphore(%run_scoped3A_197 : memref<!tpu.dma_semaphore, #tpu.memory_space<semaphore_mem>>) src(%dma_wait3A_205 : memref<520x128xf32, #tpu.memory_space<vmem_shared>>) dst(%dma_wait3A_202 : memref<520x128xf32, #tpu.memory_space<hbm>>)
          tpu.yield
        }) : () -> ()
      } else {
      }
      %barrier3A_194 = arith.constant 0 : index
      tpu.barrier barrier_id(%barrier3A_194)
    }
    %scan3A_15 = arith.constant 3 : i32
    return
  }
}

#map = affine_map<(d0, d1) -> (0, 0)>
#map1 = affine_map<(d0, d1) -> (0, 0, 0)>
module attributes {stable_mosaic.version = 14 : i64} {
  func.func @_sc_agg_body(%arg0: i32, %arg1: i32, %arg2: memref<50000x128xf32, #tpu.memory_space<hbm>>, %arg3: memref<16x1x12544xi32, #tpu.memory_space<hbm>>, %arg4: memref<50000x128xf32, #tpu.memory_space<hbm>>, %arg5: memref<12544xi32, #tpu.memory_space<vmem>>, %arg6: memref<100x1x128xi32, #tpu.memory_space<vmem>>, %arg7: memref<100x1x128xi32, #tpu.memory_space<vmem>>, %arg8: memref<128x128xf32, #tpu.memory_space<vmem>>, %arg9: memref<48x128xf32, #tpu.memory_space<vmem>>, %arg10: memref<8448x128xf32, #tpu.memory_space<vmem_shared>>, %arg11: memref<!tpu.dma_semaphore, #tpu.memory_space<semaphore_mem>>) attributes {dimension_semantics = [#tpu.dimension_semantics<core_parallel>, #tpu.dimension_semantics<subcore_parallel>], iteration_bounds = array<i64: 2, 16>, scalar_prefetch = 0 : i64, scratch_operands = 7 : i64, tpu.core_type = #tpu.core_type<sc_vector_subcore>, window_params = [{transform_indices = #map}, {transform_indices = #map1}, {transform_indices = #map}]} {
    %broadcast_in_dim3A = arith.constant 0.000000e+00 : f32
    %broadcast_in_dim3A_0 = vector.broadcast %broadcast_in_dim3A : f32 to vector<16xf32>
    %scan3A = arith.constant 0 : i32
    %scan3A_1 = arith.constant 0 : i32
    %scan3A_2 = arith.constant 48 : i32
    %scan3A_3 = arith.addi %scan3A_1, %scan3A_2 : i32
    %scan3A_4 = arith.constant 1 : i32
    scf.for %scan3A_16 = %scan3A_1 to %scan3A_3 step %scan3A_4  : i32 {
      %swap3A = arith.index_cast %scan3A_16 : i32 to index
      %swap3A_17 = arith.constant 0 : index
      %swap3A_18 = tpu.vector_load %arg9[%swap3A, %swap3A_17] {strides = array<i32>} : memref<48x128xf32, #tpu.memory_space<vmem>>, vector<16xf32>,
      tpu.vector_store %arg9[%swap3A, %swap3A_17], %broadcast_in_dim3A_0 {strides = array<i32>} : memref<48x128xf32, #tpu.memory_space<vmem>>, vector<16xf32>,
      %swap3A_19 = arith.index_cast %scan3A_16 : i32 to index
      %swap3A_20 = arith.constant 16 : index
      %swap3A_21 = tpu.vector_load %arg9[%swap3A_19, %swap3A_20] {strides = array<i32>} : memref<48x128xf32, #tpu.memory_space<vmem>>, vector<16xf32>,
      tpu.vector_store %arg9[%swap3A_19, %swap3A_20], %broadcast_in_dim3A_0 {strides = array<i32>} : memref<48x128xf32, #tpu.memory_space<vmem>>, vector<16xf32>,
      %swap3A_22 = arith.index_cast %scan3A_16 : i32 to index
      %swap3A_23 = arith.constant 32 : index
      %swap3A_24 = tpu.vector_load %arg9[%swap3A_22, %swap3A_23] {strides = array<i32>} : memref<48x128xf32, #tpu.memory_space<vmem>>, vector<16xf32>,
      tpu.vector_store %arg9[%swap3A_22, %swap3A_23], %broadcast_in_dim3A_0 {strides = array<i32>} : memref<48x128xf32, #tpu.memory_space<vmem>>, vector<16xf32>,
      %swap3A_25 = arith.index_cast %scan3A_16 : i32 to index
      %swap3A_26 = arith.constant 48 : index
      %swap3A_27 = tpu.vector_load %arg9[%swap3A_25, %swap3A_26] {strides = array<i32>} : memref<48x128xf32, #tpu.memory_space<vmem>>, vector<16xf32>,
      tpu.vector_store %arg9[%swap3A_25, %swap3A_26], %broadcast_in_dim3A_0 {strides = array<i32>} : memref<48x128xf32, #tpu.memory_space<vmem>>, vector<16xf32>,
      %swap3A_28 = arith.index_cast %scan3A_16 : i32 to index
      %swap3A_29 = arith.constant 64 : index
      %swap3A_30 = tpu.vector_load %arg9[%swap3A_28, %swap3A_29] {strides = array<i32>} : memref<48x128xf32, #tpu.memory_space<vmem>>, vector<16xf32>,
      tpu.vector_store %arg9[%swap3A_28, %swap3A_29], %broadcast_in_dim3A_0 {strides = array<i32>} : memref<48x128xf32, #tpu.memory_space<vmem>>, vector<16xf32>,
      %swap3A_31 = arith.index_cast %scan3A_16 : i32 to index
      %swap3A_32 = arith.constant 80 : index
      %swap3A_33 = tpu.vector_load %arg9[%swap3A_31, %swap3A_32] {strides = array<i32>} : memref<48x128xf32, #tpu.memory_space<vmem>>, vector<16xf32>,
      tpu.vector_store %arg9[%swap3A_31, %swap3A_32], %broadcast_in_dim3A_0 {strides = array<i32>} : memref<48x128xf32, #tpu.memory_space<vmem>>, vector<16xf32>,
      %swap3A_34 = arith.index_cast %scan3A_16 : i32 to index
      %swap3A_35 = arith.constant 96 : index
      %swap3A_36 = tpu.vector_load %arg9[%swap3A_34, %swap3A_35] {strides = array<i32>} : memref<48x128xf32, #tpu.memory_space<vmem>>, vector<16xf32>,
      tpu.vector_store %arg9[%swap3A_34, %swap3A_35], %broadcast_in_dim3A_0 {strides = array<i32>} : memref<48x128xf32, #tpu.memory_space<vmem>>, vector<16xf32>,
      %swap3A_37 = arith.index_cast %scan3A_16 : i32 to index
      %swap3A_38 = arith.constant 112 : index
      %swap3A_39 = tpu.vector_load %arg9[%swap3A_37, %swap3A_38] {strides = array<i32>} : memref<48x128xf32, #tpu.memory_space<vmem>>, vector<16xf32>,
      tpu.vector_store %arg9[%swap3A_37, %swap3A_38], %broadcast_in_dim3A_0 {strides = array<i32>} : memref<48x128xf32, #tpu.memory_space<vmem>>, vector<16xf32>,
    }
    %scan3A_5 = arith.constant 48 : i32
    %run_scoped3A = arith.constant 0 : i32
    "tpu.region"() ({
      %run_scoped3A_16 = tpu.sem_alloc : memref<!tpu.dma_semaphore, #tpu.memory_space<semaphore_mem>>
      %dma_start3A = arith.constant 0 : i32
      %dma_start3A_17 = tpu.memref_slice %arg3[%arg1, %run_scoped3A, %dma_start3A] : memref<16x1x12544xi32, #tpu.memory_space<hbm>> -> memref<1x1x12544xi32, #tpu.memory_space<hbm>>
      %dma_start3A_18 = tpu.memref_squeeze %dma_start3A_17 : memref<1x1x12544xi32, #tpu.memory_space<hbm>> -> memref<12544xi32, #tpu.memory_space<hbm>>
      %dma_start3A_19 = arith.constant 0 : i32
      %dma_start3A_20 = tpu.memref_slice %arg3[%arg1, %run_scoped3A, %dma_start3A_19] : memref<16x1x12544xi32, #tpu.memory_space<hbm>> -> memref<1x1x12544xi32, #tpu.memory_space<hbm>>
      %dma_start3A_21 = tpu.memref_squeeze %dma_start3A_20 : memref<1x1x12544xi32, #tpu.memory_space<hbm>> -> memref<12544xi32, #tpu.memory_space<hbm>>
      tpu.enqueue_dma source(%dma_start3A_21 : memref<12544xi32, #tpu.memory_space<hbm>>) target(%arg5 : memref<12544xi32, #tpu.memory_space<vmem>>) target_semaphore(%run_scoped3A_16 : memref<!tpu.dma_semaphore, #tpu.memory_space<semaphore_mem>>)
      %dma_wait3A = arith.constant 0 : i32
      %dma_wait3A_22 = tpu.memref_slice %arg3[%arg1, %run_scoped3A, %dma_wait3A] : memref<16x1x12544xi32, #tpu.memory_space<hbm>> -> memref<1x1x12544xi32, #tpu.memory_space<hbm>>
      %dma_wait3A_23 = tpu.memref_squeeze %dma_wait3A_22 : memref<1x1x12544xi32, #tpu.memory_space<hbm>> -> memref<12544xi32, #tpu.memory_space<hbm>>
      %dma_wait3A_24 = arith.constant 0 : i32
      %dma_wait3A_25 = tpu.memref_slice %arg3[%arg1, %run_scoped3A, %dma_wait3A_24] : memref<16x1x12544xi32, #tpu.memory_space<hbm>> -> memref<1x1x12544xi32, #tpu.memory_space<hbm>>
      %dma_wait3A_26 = tpu.memref_squeeze %dma_wait3A_25 : memref<1x1x12544xi32, #tpu.memory_space<hbm>> -> memref<12544xi32, #tpu.memory_space<hbm>>
      tpu.wait_dma2 semaphore(%run_scoped3A_16 : memref<!tpu.dma_semaphore, #tpu.memory_space<semaphore_mem>>) src(%dma_wait3A_26 : memref<12544xi32, #tpu.memory_space<hbm>>) dst(%arg5 : memref<12544xi32, #tpu.memory_space<vmem>>)
      tpu.yield
    }) : () -> ()
    %iota3A = tpu.iota {dimensions = array<i32: 0>} : vector<16xi32>
    %broadcast_in_dim3A_6 = arith.constant 0 : i32
    %broadcast_in_dim3A_7 = vector.broadcast %broadcast_in_dim3A_6 : i32 to vector<16xi32>
    %broadcast_in_dim3A_8 = arith.constant 8336 : i32
    %broadcast_in_dim3A_9 = vector.broadcast %broadcast_in_dim3A_8 : i32 to vector<16xi32>
    %scan3A_10 = arith.constant 0 : i32
    %scan3A_11 = arith.constant 0 : i32
    %scan3A_12 = arith.constant 3 : i32
    %scan3A_13 = arith.addi %scan3A_11, %scan3A_12 : i32
    %scan3A_14 = arith.constant 1 : i32
    scf.for %scan3A_16 = %scan3A_11 to %scan3A_13 step %scan3A_14  : i32 {
      %mul3A = arith.constant 3 : i32
      %mul3A_17 = arith.muli %arg0, %mul3A : i32
      %add3A = arith.addi %mul3A_17, %scan3A_16 : i32
      %mul3A_18 = arith.constant 8336 : i32
      %mul3A_19 = arith.muli %add3A, %mul3A_18 : i32
      %multiple_of3A = tpu.assume_multiple %mul3A_19, 8 : i32
      %eq3A = arith.constant 5 : i32
      %eq3A_20 = arith.cmpi eq, %add3A, %eq3A : i32
      %jit3A = arith.constant 8320 : i32
      %jit3A_21 = arith.constant 8336 : i32
      %select_n3A = arith.select %eq3A_20, %jit3A, %jit3A_21 : i32
      %mul3A_22 = arith.constant 528 : i32
      %mul3A_23 = arith.muli %arg1, %mul3A_22 : i32
      %add3A_24 = arith.constant 0 : i32
      %add3A_25 = arith.addi %mul3A_23, %add3A_24 : i32
      %multiple_of3A_26 = tpu.assume_multiple %add3A_25, 8 : i32
      "tpu.region"() ({
        %run_scoped3A_195 = tpu.sem_alloc : memref<!tpu.dma_semaphore, #tpu.memory_space<semaphore_mem>>
        %dma_start3A = arith.constant 0 : i32
        %dma_start3A_196 = tpu.memref_slice %arg10[%multiple_of3A_26, %dma_start3A] : memref<8448x128xf32, #tpu.memory_space<vmem_shared>> -> memref<48x128xf32, #tpu.memory_space<vmem_shared>>
        %dma_start3A_197 = arith.constant 0 : i32
        %dma_start3A_198 = tpu.memref_slice %arg10[%multiple_of3A_26, %dma_start3A_197] : memref<8448x128xf32, #tpu.memory_space<vmem_shared>> -> memref<48x128xf32, #tpu.memory_space<vmem_shared>>
        tpu.enqueue_dma source(%arg9 : memref<48x128xf32, #tpu.memory_space<vmem>>) target(%dma_start3A_198 : memref<48x128xf32, #tpu.memory_space<vmem_shared>>) target_semaphore(%run_scoped3A_195 : memref<!tpu.dma_semaphore, #tpu.memory_space<semaphore_mem>>)
        %dma_wait3A = arith.constant 0 : i32
        %dma_wait3A_199 = tpu.memref_slice %arg10[%multiple_of3A_26, %dma_wait3A] : memref<8448x128xf32, #tpu.memory_space<vmem_shared>> -> memref<48x128xf32, #tpu.memory_space<vmem_shared>>
        %dma_wait3A_200 = arith.constant 0 : i32
        %dma_wait3A_201 = tpu.memref_slice %arg10[%multiple_of3A_26, %dma_wait3A_200] : memref<8448x128xf32, #tpu.memory_space<vmem_shared>> -> memref<48x128xf32, #tpu.memory_space<vmem_shared>>
        tpu.wait_dma2 semaphore(%run_scoped3A_195 : memref<!tpu.dma_semaphore, #tpu.memory_space<semaphore_mem>>) src(%arg9 : memref<48x128xf32, #tpu.memory_space<vmem>>) dst(%dma_wait3A_201 : memref<48x128xf32, #tpu.memory_space<vmem_shared>>)
        tpu.yield
      }) : () -> ()
      %mul3A_27 = arith.constant 528 : i32
      %mul3A_28 = arith.muli %arg1, %mul3A_27 : i32
      %add3A_29 = arith.constant 48 : i32
      %add3A_30 = arith.addi %mul3A_28, %add3A_29 : i32
      %multiple_of3A_31 = tpu.assume_multiple %add3A_30, 8 : i32
      "tpu.region"() ({
        %run_scoped3A_195 = tpu.sem_alloc : memref<!tpu.dma_semaphore, #tpu.memory_space<semaphore_mem>>
        %dma_start3A = arith.constant 0 : i32
        %dma_start3A_196 = tpu.memref_slice %arg10[%multiple_of3A_31, %dma_start3A] : memref<8448x128xf32, #tpu.memory_space<vmem_shared>> -> memref<48x128xf32, #tpu.memory_space<vmem_shared>>
        %dma_start3A_197 = arith.constant 0 : i32
        %dma_start3A_198 = tpu.memref_slice %arg10[%multiple_of3A_31, %dma_start3A_197] : memref<8448x128xf32, #tpu.memory_space<vmem_shared>> -> memref<48x128xf32, #tpu.memory_space<vmem_shared>>
        tpu.enqueue_dma source(%arg9 : memref<48x128xf32, #tpu.memory_space<vmem>>) target(%dma_start3A_198 : memref<48x128xf32, #tpu.memory_space<vmem_shared>>) target_semaphore(%run_scoped3A_195 : memref<!tpu.dma_semaphore, #tpu.memory_space<semaphore_mem>>)
        %dma_wait3A = arith.constant 0 : i32
        %dma_wait3A_199 = tpu.memref_slice %arg10[%multiple_of3A_31, %dma_wait3A] : memref<8448x128xf32, #tpu.memory_space<vmem_shared>> -> memref<48x128xf32, #tpu.memory_space<vmem_shared>>
        %dma_wait3A_200 = arith.constant 0 : i32
        %dma_wait3A_201 = tpu.memref_slice %arg10[%multiple_of3A_31, %dma_wait3A_200] : memref<8448x128xf32, #tpu.memory_space<vmem_shared>> -> memref<48x128xf32, #tpu.memory_space<vmem_shared>>
        tpu.wait_dma2 semaphore(%run_scoped3A_195 : memref<!tpu.dma_semaphore, #tpu.memory_space<semaphore_mem>>) src(%arg9 : memref<48x128xf32, #tpu.memory_space<vmem>>) dst(%dma_wait3A_201 : memref<48x128xf32, #tpu.memory_space<vmem_shared>>)
        tpu.yield
      }) : () -> ()
      %mul3A_32 = arith.constant 528 : i32
      %mul3A_33 = arith.muli %arg1, %mul3A_32 : i32
      %add3A_34 = arith.constant 96 : i32
      %add3A_35 = arith.addi %mul3A_33, %add3A_34 : i32
      %multiple_of3A_36 = tpu.assume_multiple %add3A_35, 8 : i32
      "tpu.region"() ({
        %run_scoped3A_195 = tpu.sem_alloc : memref<!tpu.dma_semaphore, #tpu.memory_space<semaphore_mem>>
        %dma_start3A = arith.constant 0 : i32
        %dma_start3A_196 = tpu.memref_slice %arg10[%multiple_of3A_36, %dma_start3A] : memref<8448x128xf32, #tpu.memory_space<vmem_shared>> -> memref<48x128xf32, #tpu.memory_space<vmem_shared>>
        %dma_start3A_197 = arith.constant 0 : i32
        %dma_start3A_198 = tpu.memref_slice %arg10[%multiple_of3A_36, %dma_start3A_197] : memref<8448x128xf32, #tpu.memory_space<vmem_shared>> -> memref<48x128xf32, #tpu.memory_space<vmem_shared>>
        tpu.enqueue_dma source(%arg9 : memref<48x128xf32, #tpu.memory_space<vmem>>) target(%dma_start3A_198 : memref<48x128xf32, #tpu.memory_space<vmem_shared>>) target_semaphore(%run_scoped3A_195 : memref<!tpu.dma_semaphore, #tpu.memory_space<semaphore_mem>>)
        %dma_wait3A = arith.constant 0 : i32
        %dma_wait3A_199 = tpu.memref_slice %arg10[%multiple_of3A_36, %dma_wait3A] : memref<8448x128xf32, #tpu.memory_space<vmem_shared>> -> memref<48x128xf32, #tpu.memory_space<vmem_shared>>
        %dma_wait3A_200 = arith.constant 0 : i32
        %dma_wait3A_201 = tpu.memref_slice %arg10[%multiple_of3A_36, %dma_wait3A_200] : memref<8448x128xf32, #tpu.memory_space<vmem_shared>> -> memref<48x128xf32, #tpu.memory_space<vmem_shared>>
        tpu.wait_dma2 semaphore(%run_scoped3A_195 : memref<!tpu.dma_semaphore, #tpu.memory_space<semaphore_mem>>) src(%arg9 : memref<48x128xf32, #tpu.memory_space<vmem>>) dst(%dma_wait3A_201 : memref<48x128xf32, #tpu.memory_space<vmem_shared>>)
        tpu.yield
      }) : () -> ()
      %mul3A_37 = arith.constant 528 : i32
      %mul3A_38 = arith.muli %arg1, %mul3A_37 : i32
      %add3A_39 = arith.constant 144 : i32
      %add3A_40 = arith.addi %mul3A_38, %add3A_39 : i32
      %multiple_of3A_41 = tpu.assume_multiple %add3A_40, 8 : i32
      "tpu.region"() ({
        %run_scoped3A_195 = tpu.sem_alloc : memref<!tpu.dma_semaphore, #tpu.memory_space<semaphore_mem>>
        %dma_start3A = arith.constant 0 : i32
        %dma_start3A_196 = tpu.memref_slice %arg10[%multiple_of3A_41, %dma_start3A] : memref<8448x128xf32, #tpu.memory_space<vmem_shared>> -> memref<48x128xf32, #tpu.memory_space<vmem_shared>>
        %dma_start3A_197 = arith.constant 0 : i32
        %dma_start3A_198 = tpu.memref_slice %arg10[%multiple_of3A_41, %dma_start3A_197] : memref<8448x128xf32, #tpu.memory_space<vmem_shared>> -> memref<48x128xf32, #tpu.memory_space<vmem_shared>>
        tpu.enqueue_dma source(%arg9 : memref<48x128xf32, #tpu.memory_space<vmem>>) target(%dma_start3A_198 : memref<48x128xf32, #tpu.memory_space<vmem_shared>>) target_semaphore(%run_scoped3A_195 : memref<!tpu.dma_semaphore, #tpu.memory_space<semaphore_mem>>)
        %dma_wait3A = arith.constant 0 : i32
        %dma_wait3A_199 = tpu.memref_slice %arg10[%multiple_of3A_41, %dma_wait3A] : memref<8448x128xf32, #tpu.memory_space<vmem_shared>> -> memref<48x128xf32, #tpu.memory_space<vmem_shared>>
        %dma_wait3A_200 = arith.constant 0 : i32
        %dma_wait3A_201 = tpu.memref_slice %arg10[%multiple_of3A_41, %dma_wait3A_200] : memref<8448x128xf32, #tpu.memory_space<vmem_shared>> -> memref<48x128xf32, #tpu.memory_space<vmem_shared>>
        tpu.wait_dma2 semaphore(%run_scoped3A_195 : memref<!tpu.dma_semaphore, #tpu.memory_space<semaphore_mem>>) src(%arg9 : memref<48x128xf32, #tpu.memory_space<vmem>>) dst(%dma_wait3A_201 : memref<48x128xf32, #tpu.memory_space<vmem_shared>>)
        tpu.yield
      }) : () -> ()
      %mul3A_42 = arith.constant 528 : i32
      %mul3A_43 = arith.muli %arg1, %mul3A_42 : i32
      %add3A_44 = arith.constant 192 : i32
      %add3A_45 = arith.addi %mul3A_43, %add3A_44 : i32
      %multiple_of3A_46 = tpu.assume_multiple %add3A_45, 8 : i32
      "tpu.region"() ({
        %run_scoped3A_195 = tpu.sem_alloc : memref<!tpu.dma_semaphore, #tpu.memory_space<semaphore_mem>>
        %dma_start3A = arith.constant 0 : i32
        %dma_start3A_196 = tpu.memref_slice %arg10[%multiple_of3A_46, %dma_start3A] : memref<8448x128xf32, #tpu.memory_space<vmem_shared>> -> memref<48x128xf32, #tpu.memory_space<vmem_shared>>
        %dma_start3A_197 = arith.constant 0 : i32
        %dma_start3A_198 = tpu.memref_slice %arg10[%multiple_of3A_46, %dma_start3A_197] : memref<8448x128xf32, #tpu.memory_space<vmem_shared>> -> memref<48x128xf32, #tpu.memory_space<vmem_shared>>
        tpu.enqueue_dma source(%arg9 : memref<48x128xf32, #tpu.memory_space<vmem>>) target(%dma_start3A_198 : memref<48x128xf32, #tpu.memory_space<vmem_shared>>) target_semaphore(%run_scoped3A_195 : memref<!tpu.dma_semaphore, #tpu.memory_space<semaphore_mem>>)
        %dma_wait3A = arith.constant 0 : i32
        %dma_wait3A_199 = tpu.memref_slice %arg10[%multiple_of3A_46, %dma_wait3A] : memref<8448x128xf32, #tpu.memory_space<vmem_shared>> -> memref<48x128xf32, #tpu.memory_space<vmem_shared>>
        %dma_wait3A_200 = arith.constant 0 : i32
        %dma_wait3A_201 = tpu.memref_slice %arg10[%multiple_of3A_46, %dma_wait3A_200] : memref<8448x128xf32, #tpu.memory_space<vmem_shared>> -> memref<48x128xf32, #tpu.memory_space<vmem_shared>>
        tpu.wait_dma2 semaphore(%run_scoped3A_195 : memref<!tpu.dma_semaphore, #tpu.memory_space<semaphore_mem>>) src(%arg9 : memref<48x128xf32, #tpu.memory_space<vmem>>) dst(%dma_wait3A_201 : memref<48x128xf32, #tpu.memory_space<vmem_shared>>)
        tpu.yield
      }) : () -> ()
      %mul3A_47 = arith.constant 528 : i32
      %mul3A_48 = arith.muli %arg1, %mul3A_47 : i32
      %add3A_49 = arith.constant 240 : i32
      %add3A_50 = arith.addi %mul3A_48, %add3A_49 : i32
      %multiple_of3A_51 = tpu.assume_multiple %add3A_50, 8 : i32
      "tpu.region"() ({
        %run_scoped3A_195 = tpu.sem_alloc : memref<!tpu.dma_semaphore, #tpu.memory_space<semaphore_mem>>
        %dma_start3A = arith.constant 0 : i32
        %dma_start3A_196 = tpu.memref_slice %arg10[%multiple_of3A_51, %dma_start3A] : memref<8448x128xf32, #tpu.memory_space<vmem_shared>> -> memref<48x128xf32, #tpu.memory_space<vmem_shared>>
        %dma_start3A_197 = arith.constant 0 : i32
        %dma_start3A_198 = tpu.memref_slice %arg10[%multiple_of3A_51, %dma_start3A_197] : memref<8448x128xf32, #tpu.memory_space<vmem_shared>> -> memref<48x128xf32, #tpu.memory_space<vmem_shared>>
        tpu.enqueue_dma source(%arg9 : memref<48x128xf32, #tpu.memory_space<vmem>>) target(%dma_start3A_198 : memref<48x128xf32, #tpu.memory_space<vmem_shared>>) target_semaphore(%run_scoped3A_195 : memref<!tpu.dma_semaphore, #tpu.memory_space<semaphore_mem>>)
        %dma_wait3A = arith.constant 0 : i32
        %dma_wait3A_199 = tpu.memref_slice %arg10[%multiple_of3A_51, %dma_wait3A] : memref<8448x128xf32, #tpu.memory_space<vmem_shared>> -> memref<48x128xf32, #tpu.memory_space<vmem_shared>>
        %dma_wait3A_200 = arith.constant 0 : i32
        %dma_wait3A_201 = tpu.memref_slice %arg10[%multiple_of3A_51, %dma_wait3A_200] : memref<8448x128xf32, #tpu.memory_space<vmem_shared>> -> memref<48x128xf32, #tpu.memory_space<vmem_shared>>
        tpu.wait_dma2 semaphore(%run_scoped3A_195 : memref<!tpu.dma_semaphore, #tpu.memory_space<semaphore_mem>>) src(%arg9 : memref<48x128xf32, #tpu.memory_space<vmem>>) dst(%dma_wait3A_201 : memref<48x128xf32, #tpu.memory_space<vmem_shared>>)
        tpu.yield
      }) : () -> ()
      %mul3A_52 = arith.constant 528 : i32
      %mul3A_53 = arith.muli %arg1, %mul3A_52 : i32
      %add3A_54 = arith.constant 288 : i32
      %add3A_55 = arith.addi %mul3A_53, %add3A_54 : i32
      %multiple_of3A_56 = tpu.assume_multiple %add3A_55, 8 : i32
      "tpu.region"() ({
        %run_scoped3A_195 = tpu.sem_alloc : memref<!tpu.dma_semaphore, #tpu.memory_space<semaphore_mem>>
        %dma_start3A = arith.constant 0 : i32
        %dma_start3A_196 = tpu.memref_slice %arg10[%multiple_of3A_56, %dma_start3A] : memref<8448x128xf32, #tpu.memory_space<vmem_shared>> -> memref<48x128xf32, #tpu.memory_space<vmem_shared>>
        %dma_start3A_197 = arith.constant 0 : i32
        %dma_start3A_198 = tpu.memref_slice %arg10[%multiple_of3A_56, %dma_start3A_197] : memref<8448x128xf32, #tpu.memory_space<vmem_shared>> -> memref<48x128xf32, #tpu.memory_space<vmem_shared>>
        tpu.enqueue_dma source(%arg9 : memref<48x128xf32, #tpu.memory_space<vmem>>) target(%dma_start3A_198 : memref<48x128xf32, #tpu.memory_space<vmem_shared>>) target_semaphore(%run_scoped3A_195 : memref<!tpu.dma_semaphore, #tpu.memory_space<semaphore_mem>>)
        %dma_wait3A = arith.constant 0 : i32
        %dma_wait3A_199 = tpu.memref_slice %arg10[%multiple_of3A_56, %dma_wait3A] : memref<8448x128xf32, #tpu.memory_space<vmem_shared>> -> memref<48x128xf32, #tpu.memory_space<vmem_shared>>
        %dma_wait3A_200 = arith.constant 0 : i32
        %dma_wait3A_201 = tpu.memref_slice %arg10[%multiple_of3A_56, %dma_wait3A_200] : memref<8448x128xf32, #tpu.memory_space<vmem_shared>> -> memref<48x128xf32, #tpu.memory_space<vmem_shared>>
        tpu.wait_dma2 semaphore(%run_scoped3A_195 : memref<!tpu.dma_semaphore, #tpu.memory_space<semaphore_mem>>) src(%arg9 : memref<48x128xf32, #tpu.memory_space<vmem>>) dst(%dma_wait3A_201 : memref<48x128xf32, #tpu.memory_space<vmem_shared>>)
        tpu.yield
      }) : () -> ()
      %mul3A_57 = arith.constant 528 : i32
      %mul3A_58 = arith.muli %arg1, %mul3A_57 : i32
      %add3A_59 = arith.constant 336 : i32
      %add3A_60 = arith.addi %mul3A_58, %add3A_59 : i32
      %multiple_of3A_61 = tpu.assume_multiple %add3A_60, 8 : i32
      "tpu.region"() ({
        %run_scoped3A_195 = tpu.sem_alloc : memref<!tpu.dma_semaphore, #tpu.memory_space<semaphore_mem>>
        %dma_start3A = arith.constant 0 : i32
        %dma_start3A_196 = tpu.memref_slice %arg10[%multiple_of3A_61, %dma_start3A] : memref<8448x128xf32, #tpu.memory_space<vmem_shared>> -> memref<48x128xf32, #tpu.memory_space<vmem_shared>>
        %dma_start3A_197 = arith.constant 0 : i32
        %dma_start3A_198 = tpu.memref_slice %arg10[%multiple_of3A_61, %dma_start3A_197] : memref<8448x128xf32, #tpu.memory_space<vmem_shared>> -> memref<48x128xf32, #tpu.memory_space<vmem_shared>>
        tpu.enqueue_dma source(%arg9 : memref<48x128xf32, #tpu.memory_space<vmem>>) target(%dma_start3A_198 : memref<48x128xf32, #tpu.memory_space<vmem_shared>>) target_semaphore(%run_scoped3A_195 : memref<!tpu.dma_semaphore, #tpu.memory_space<semaphore_mem>>)
        %dma_wait3A = arith.constant 0 : i32
        %dma_wait3A_199 = tpu.memref_slice %arg10[%multiple_of3A_61, %dma_wait3A] : memref<8448x128xf32, #tpu.memory_space<vmem_shared>> -> memref<48x128xf32, #tpu.memory_space<vmem_shared>>
        %dma_wait3A_200 = arith.constant 0 : i32
        %dma_wait3A_201 = tpu.memref_slice %arg10[%multiple_of3A_61, %dma_wait3A_200] : memref<8448x128xf32, #tpu.memory_space<vmem_shared>> -> memref<48x128xf32, #tpu.memory_space<vmem_shared>>
        tpu.wait_dma2 semaphore(%run_scoped3A_195 : memref<!tpu.dma_semaphore, #tpu.memory_space<semaphore_mem>>) src(%arg9 : memref<48x128xf32, #tpu.memory_space<vmem>>) dst(%dma_wait3A_201 : memref<48x128xf32, #tpu.memory_space<vmem_shared>>)
        tpu.yield
      }) : () -> ()
      %mul3A_62 = arith.constant 528 : i32
      %mul3A_63 = arith.muli %arg1, %mul3A_62 : i32
      %add3A_64 = arith.constant 384 : i32
      %add3A_65 = arith.addi %mul3A_63, %add3A_64 : i32
      %multiple_of3A_66 = tpu.assume_multiple %add3A_65, 8 : i32
      "tpu.region"() ({
        %run_scoped3A_195 = tpu.sem_alloc : memref<!tpu.dma_semaphore, #tpu.memory_space<semaphore_mem>>
        %dma_start3A = arith.constant 0 : i32
        %dma_start3A_196 = tpu.memref_slice %arg10[%multiple_of3A_66, %dma_start3A] : memref<8448x128xf32, #tpu.memory_space<vmem_shared>> -> memref<48x128xf32, #tpu.memory_space<vmem_shared>>
        %dma_start3A_197 = arith.constant 0 : i32
        %dma_start3A_198 = tpu.memref_slice %arg10[%multiple_of3A_66, %dma_start3A_197] : memref<8448x128xf32, #tpu.memory_space<vmem_shared>> -> memref<48x128xf32, #tpu.memory_space<vmem_shared>>
        tpu.enqueue_dma source(%arg9 : memref<48x128xf32, #tpu.memory_space<vmem>>) target(%dma_start3A_198 : memref<48x128xf32, #tpu.memory_space<vmem_shared>>) target_semaphore(%run_scoped3A_195 : memref<!tpu.dma_semaphore, #tpu.memory_space<semaphore_mem>>)
        %dma_wait3A = arith.constant 0 : i32
        %dma_wait3A_199 = tpu.memref_slice %arg10[%multiple_of3A_66, %dma_wait3A] : memref<8448x128xf32, #tpu.memory_space<vmem_shared>> -> memref<48x128xf32, #tpu.memory_space<vmem_shared>>
        %dma_wait3A_200 = arith.constant 0 : i32
        %dma_wait3A_201 = tpu.memref_slice %arg10[%multiple_of3A_66, %dma_wait3A_200] : memref<8448x128xf32, #tpu.memory_space<vmem_shared>> -> memref<48x128xf32, #tpu.memory_space<vmem_shared>>
        tpu.wait_dma2 semaphore(%run_scoped3A_195 : memref<!tpu.dma_semaphore, #tpu.memory_space<semaphore_mem>>) src(%arg9 : memref<48x128xf32, #tpu.memory_space<vmem>>) dst(%dma_wait3A_201 : memref<48x128xf32, #tpu.memory_space<vmem_shared>>)
        tpu.yield
      }) : () -> ()
      %mul3A_67 = arith.constant 528 : i32
      %mul3A_68 = arith.muli %arg1, %mul3A_67 : i32
      %add3A_69 = arith.constant 432 : i32
      %add3A_70 = arith.addi %mul3A_68, %add3A_69 : i32
      %multiple_of3A_71 = tpu.assume_multiple %add3A_70, 8 : i32
      "tpu.region"() ({
        %run_scoped3A_195 = tpu.sem_alloc : memref<!tpu.dma_semaphore, #tpu.memory_space<semaphore_mem>>
        %dma_start3A = arith.constant 0 : i32
        %dma_start3A_196 = tpu.memref_slice %arg10[%multiple_of3A_71, %dma_start3A] : memref<8448x128xf32, #tpu.memory_space<vmem_shared>> -> memref<48x128xf32, #tpu.memory_space<vmem_shared>>
        %dma_start3A_197 = arith.constant 0 : i32
        %dma_start3A_198 = tpu.memref_slice %arg10[%multiple_of3A_71, %dma_start3A_197] : memref<8448x128xf32, #tpu.memory_space<vmem_shared>> -> memref<48x128xf32, #tpu.memory_space<vmem_shared>>
        tpu.enqueue_dma source(%arg9 : memref<48x128xf32, #tpu.memory_space<vmem>>) target(%dma_start3A_198 : memref<48x128xf32, #tpu.memory_space<vmem_shared>>) target_semaphore(%run_scoped3A_195 : memref<!tpu.dma_semaphore, #tpu.memory_space<semaphore_mem>>)
        %dma_wait3A = arith.constant 0 : i32
        %dma_wait3A_199 = tpu.memref_slice %arg10[%multiple_of3A_71, %dma_wait3A] : memref<8448x128xf32, #tpu.memory_space<vmem_shared>> -> memref<48x128xf32, #tpu.memory_space<vmem_shared>>
        %dma_wait3A_200 = arith.constant 0 : i32
        %dma_wait3A_201 = tpu.memref_slice %arg10[%multiple_of3A_71, %dma_wait3A_200] : memref<8448x128xf32, #tpu.memory_space<vmem_shared>> -> memref<48x128xf32, #tpu.memory_space<vmem_shared>>
        tpu.wait_dma2 semaphore(%run_scoped3A_195 : memref<!tpu.dma_semaphore, #tpu.memory_space<semaphore_mem>>) src(%arg9 : memref<48x128xf32, #tpu.memory_space<vmem>>) dst(%dma_wait3A_201 : memref<48x128xf32, #tpu.memory_space<vmem_shared>>)
        tpu.yield
      }) : () -> ()
      %mul3A_72 = arith.constant 528 : i32
      %mul3A_73 = arith.muli %arg1, %mul3A_72 : i32
      %add3A_74 = arith.constant 480 : i32
      %add3A_75 = arith.addi %mul3A_73, %add3A_74 : i32
      %multiple_of3A_76 = tpu.assume_multiple %add3A_75, 8 : i32
      "tpu.region"() ({
        %run_scoped3A_195 = tpu.sem_alloc : memref<!tpu.dma_semaphore, #tpu.memory_space<semaphore_mem>>
        %dma_start3A = arith.constant 0 : i32
        %dma_start3A_196 = tpu.memref_slice %arg10[%multiple_of3A_76, %dma_start3A] : memref<8448x128xf32, #tpu.memory_space<vmem_shared>> -> memref<48x128xf32, #tpu.memory_space<vmem_shared>>
        %dma_start3A_197 = arith.constant 0 : i32
        %dma_start3A_198 = tpu.memref_slice %arg10[%multiple_of3A_76, %dma_start3A_197] : memref<8448x128xf32, #tpu.memory_space<vmem_shared>> -> memref<48x128xf32, #tpu.memory_space<vmem_shared>>
        tpu.enqueue_dma source(%arg9 : memref<48x128xf32, #tpu.memory_space<vmem>>) target(%dma_start3A_198 : memref<48x128xf32, #tpu.memory_space<vmem_shared>>) target_semaphore(%run_scoped3A_195 : memref<!tpu.dma_semaphore, #tpu.memory_space<semaphore_mem>>)
        %dma_wait3A = arith.constant 0 : i32
        %dma_wait3A_199 = tpu.memref_slice %arg10[%multiple_of3A_76, %dma_wait3A] : memref<8448x128xf32, #tpu.memory_space<vmem_shared>> -> memref<48x128xf32, #tpu.memory_space<vmem_shared>>
        %dma_wait3A_200 = arith.constant 0 : i32
        %dma_wait3A_201 = tpu.memref_slice %arg10[%multiple_of3A_76, %dma_wait3A_200] : memref<8448x128xf32, #tpu.memory_space<vmem_shared>> -> memref<48x128xf32, #tpu.memory_space<vmem_shared>>
        tpu.wait_dma2 semaphore(%run_scoped3A_195 : memref<!tpu.dma_semaphore, #tpu.memory_space<semaphore_mem>>) src(%arg9 : memref<48x128xf32, #tpu.memory_space<vmem>>) dst(%dma_wait3A_201 : memref<48x128xf32, #tpu.memory_space<vmem_shared>>)
        tpu.yield
      }) : () -> ()
      %barrier3A = arith.constant 0 : index
      tpu.barrier barrier_id(%barrier3A)
      %scan3A_77 = arith.constant 0 : i32
      %scan3A_78 = arith.constant 0 : i32
      %scan3A_79 = arith.constant 784 : i32
      %scan3A_80 = arith.addi %scan3A_78, %scan3A_79 : i32
      %scan3A_81 = arith.constant 1 : i32
      %scan3A_82 = scf.for %scan3A_195 = %scan3A_78 to %scan3A_80 step %scan3A_81 iter_args(%scan3A_196 = %scan3A_77) -> (i32)  : i32 {
        %mul3A_197 = arith.constant 16 : i32
        %mul3A_198 = arith.muli %scan3A_195, %mul3A_197 : i32
        %multiple_of3A_199 = tpu.assume_multiple %mul3A_198, 16 : i32
        %get3A = arith.index_cast %multiple_of3A_199 : i32 to index
        %get3A_200 = tpu.vector_load %arg5[%get3A] {strides = array<i32>} : memref<12544xi32, #tpu.memory_space<vmem>>, vector<16xi32>,
        %and3A_201 = arith.constant 65535 : i32
        %and3A_202 = vector.broadcast %and3A_201 : i32 to vector<16xi32>
        %and3A_203 = arith.andi %get3A_200, %and3A_202 : vector<16xi32>
        %sub3A = vector.broadcast %multiple_of3A : i32 to vector<16xi32>
        %sub3A_204 = arith.subi %and3A_203, %sub3A : vector<16xi32>
        %ge3A = arith.constant 0 : i32
        %ge3A_205 = vector.broadcast %ge3A : i32 to vector<16xi32>
        %ge3A_206 = arith.cmpi sge, %sub3A_204, %ge3A_205 : vector<16xi32>
        %lt3A_207 = vector.broadcast %select_n3A : i32 to vector<16xi32>
        %lt3A_208 = arith.cmpi slt, %sub3A_204, %lt3A_207 : vector<16xi32>
        %and3A_209 = arith.andi %ge3A_206, %lt3A_208 : vector<16xi1>
        %convert_element_type3A_210 = arith.extui %and3A_209 : vector<16xi1> to vector<16xi32>
        %broadcast_in_dim3A_211 = arith.constant true
        %broadcast_in_dim3A_212 = vector.broadcast %broadcast_in_dim3A_211 : i1 to vector<16xi1>
        %masked_cumsum3A = tpu.scan <sum>, %convert_element_type3A_210 masked %broadcast_in_dim3A_212 : vector<16xi32>, vector<16xi1> -> vector<16xi32>
        %add3A_213 = vector.broadcast %scan3A_196 : i32 to vector<16xi32>
        %add3A_214 = arith.addi %add3A_213, %masked_cumsum3A : vector<16xi32>
        %sub3A_215 = arith.constant 1 : i32
        %sub3A_216 = vector.broadcast %sub3A_215 : i32 to vector<16xi32>
        %sub3A_217 = arith.subi %add3A_214, %sub3A_216 : vector<16xi32>
        %shift_right_arithmetic3A_218 = arith.constant 7 : i32
        %shift_right_arithmetic3A_219 = vector.broadcast %shift_right_arithmetic3A_218 : i32 to vector<16xi32>
        %shift_right_arithmetic3A_220 = arith.shrsi %sub3A_217, %shift_right_arithmetic3A_219 : vector<16xi32>
        %and3A_221 = arith.constant 127 : i32
        %and3A_222 = vector.broadcast %and3A_221 : i32 to vector<16xi32>
        %and3A_223 = arith.andi %sub3A_217, %and3A_222 : vector<16xi32>
        %shift_right_logical3A = arith.constant 16 : i32
        %shift_right_logical3A_224 = vector.broadcast %shift_right_logical3A : i32 to vector<16xi32>
        %shift_right_logical3A_225 = arith.shrui %get3A_200, %shift_right_logical3A_224 : vector<16xi32>
        tpu.vector_store_idx %arg6[%shift_right_arithmetic3A_220, %broadcast_in_dim3A_7, %and3A_223], %shift_right_logical3A_225 masked %and3A_209 : memref<100x1x128xi32, #tpu.memory_space<vmem>>[vector<16xi32>, vector<16xi32>, vector<16xi32>], vector<16xi32>, vector<16xi1>
        tpu.vector_store_idx %arg7[%shift_right_arithmetic3A_220, %broadcast_in_dim3A_7, %and3A_223], %sub3A_204 masked %and3A_209 : memref<100x1x128xi32, #tpu.memory_space<vmem>>[vector<16xi32>, vector<16xi32>, vector<16xi32>], vector<16xi32>, vector<16xi1>
        %slice3A = vector.extract_strided_slice %sub3A_217 {offsets = [15], sizes = [1], strides = [1]} : vector<16xi32> to vector<1xi32>
        %squeeze3A = vector.extract %slice3A[0] : i32 from vector<1xi32>
        %add3A_226 = arith.constant 1 : i32
        %add3A_227 = arith.addi %squeeze3A, %add3A_226 : i32
        scf.yield %add3A_227 : i32
      }
      %scan3A_83 = arith.constant 784 : i32
      %add3A_84 = arith.constant 0 : i32
      %add3A_85 = arith.addi %scan3A_82, %add3A_84 : i32
      %add3A_86 = vector.broadcast %add3A_85 : i32 to vector<16xi32>
      %add3A_87 = arith.addi %add3A_86, %iota3A : vector<16xi32>
      %shift_right_arithmetic3A = arith.constant 7 : i32
      %shift_right_arithmetic3A_88 = vector.broadcast %shift_right_arithmetic3A : i32 to vector<16xi32>
      %shift_right_arithmetic3A_89 = arith.shrsi %add3A_87, %shift_right_arithmetic3A_88 : vector<16xi32>
      %and3A = arith.constant 127 : i32
      %and3A_90 = vector.broadcast %and3A : i32 to vector<16xi32>
      %and3A_91 = arith.andi %add3A_87, %and3A_90 : vector<16xi32>
      tpu.vector_store_idx %arg6[%shift_right_arithmetic3A_89, %broadcast_in_dim3A_7, %and3A_91], %broadcast_in_dim3A_7 : memref<100x1x128xi32, #tpu.memory_space<vmem>>[vector<16xi32>, vector<16xi32>, vector<16xi32>], vector<16xi32>,
      tpu.vector_store_idx %arg7[%shift_right_arithmetic3A_89, %broadcast_in_dim3A_7, %and3A_91], %broadcast_in_dim3A_9 : memref<100x1x128xi32, #tpu.memory_space<vmem>>[vector<16xi32>, vector<16xi32>, vector<16xi32>], vector<16xi32>,
      %add3A_92 = arith.constant 16 : i32
      %add3A_93 = arith.addi %scan3A_82, %add3A_92 : i32
      %add3A_94 = vector.broadcast %add3A_93 : i32 to vector<16xi32>
      %add3A_95 = arith.addi %add3A_94, %iota3A : vector<16xi32>
      %shift_right_arithmetic3A_96 = arith.constant 7 : i32
      %shift_right_arithmetic3A_97 = vector.broadcast %shift_right_arithmetic3A_96 : i32 to vector<16xi32>
      %shift_right_arithmetic3A_98 = arith.shrsi %add3A_95, %shift_right_arithmetic3A_97 : vector<16xi32>
      %and3A_99 = arith.constant 127 : i32
      %and3A_100 = vector.broadcast %and3A_99 : i32 to vector<16xi32>
      %and3A_101 = arith.andi %add3A_95, %and3A_100 : vector<16xi32>
      tpu.vector_store_idx %arg6[%shift_right_arithmetic3A_98, %broadcast_in_dim3A_7, %and3A_101], %broadcast_in_dim3A_7 : memref<100x1x128xi32, #tpu.memory_space<vmem>>[vector<16xi32>, vector<16xi32>, vector<16xi32>], vector<16xi32>,
      tpu.vector_store_idx %arg7[%shift_right_arithmetic3A_98, %broadcast_in_dim3A_7, %and3A_101], %broadcast_in_dim3A_9 : memref<100x1x128xi32, #tpu.memory_space<vmem>>[vector<16xi32>, vector<16xi32>, vector<16xi32>], vector<16xi32>,
      %add3A_102 = arith.constant 32 : i32
      %add3A_103 = arith.addi %scan3A_82, %add3A_102 : i32
      %add3A_104 = vector.broadcast %add3A_103 : i32 to vector<16xi32>
      %add3A_105 = arith.addi %add3A_104, %iota3A : vector<16xi32>
      %shift_right_arithmetic3A_106 = arith.constant 7 : i32
      %shift_right_arithmetic3A_107 = vector.broadcast %shift_right_arithmetic3A_106 : i32 to vector<16xi32>
      %shift_right_arithmetic3A_108 = arith.shrsi %add3A_105, %shift_right_arithmetic3A_107 : vector<16xi32>
      %and3A_109 = arith.constant 127 : i32
      %and3A_110 = vector.broadcast %and3A_109 : i32 to vector<16xi32>
      %and3A_111 = arith.andi %add3A_105, %and3A_110 : vector<16xi32>
      tpu.vector_store_idx %arg6[%shift_right_arithmetic3A_108, %broadcast_in_dim3A_7, %and3A_111], %broadcast_in_dim3A_7 : memref<100x1x128xi32, #tpu.memory_space<vmem>>[vector<16xi32>, vector<16xi32>, vector<16xi32>], vector<16xi32>,
      tpu.vector_store_idx %arg7[%shift_right_arithmetic3A_108, %broadcast_in_dim3A_7, %and3A_111], %broadcast_in_dim3A_9 : memref<100x1x128xi32, #tpu.memory_space<vmem>>[vector<16xi32>, vector<16xi32>, vector<16xi32>], vector<16xi32>,
      %add3A_112 = arith.constant 48 : i32
      %add3A_113 = arith.addi %scan3A_82, %add3A_112 : i32
      %add3A_114 = vector.broadcast %add3A_113 : i32 to vector<16xi32>
      %add3A_115 = arith.addi %add3A_114, %iota3A : vector<16xi32>
      %shift_right_arithmetic3A_116 = arith.constant 7 : i32
      %shift_right_arithmetic3A_117 = vector.broadcast %shift_right_arithmetic3A_116 : i32 to vector<16xi32>
      %shift_right_arithmetic3A_118 = arith.shrsi %add3A_115, %shift_right_arithmetic3A_117 : vector<16xi32>
      %and3A_119 = arith.constant 127 : i32
      %and3A_120 = vector.broadcast %and3A_119 : i32 to vector<16xi32>
      %and3A_121 = arith.andi %add3A_115, %and3A_120 : vector<16xi32>
      tpu.vector_store_idx %arg6[%shift_right_arithmetic3A_118, %broadcast_in_dim3A_7, %and3A_121], %broadcast_in_dim3A_7 : memref<100x1x128xi32, #tpu.memory_space<vmem>>[vector<16xi32>, vector<16xi32>, vector<16xi32>], vector<16xi32>,
      tpu.vector_store_idx %arg7[%shift_right_arithmetic3A_118, %broadcast_in_dim3A_7, %and3A_121], %broadcast_in_dim3A_9 : memref<100x1x128xi32, #tpu.memory_space<vmem>>[vector<16xi32>, vector<16xi32>, vector<16xi32>], vector<16xi32>,
      %add3A_122 = arith.constant 64 : i32
      %add3A_123 = arith.addi %scan3A_82, %add3A_122 : i32
      %add3A_124 = vector.broadcast %add3A_123 : i32 to vector<16xi32>
      %add3A_125 = arith.addi %add3A_124, %iota3A : vector<16xi32>
      %shift_right_arithmetic3A_126 = arith.constant 7 : i32
      %shift_right_arithmetic3A_127 = vector.broadcast %shift_right_arithmetic3A_126 : i32 to vector<16xi32>
      %shift_right_arithmetic3A_128 = arith.shrsi %add3A_125, %shift_right_arithmetic3A_127 : vector<16xi32>
      %and3A_129 = arith.constant 127 : i32
      %and3A_130 = vector.broadcast %and3A_129 : i32 to vector<16xi32>
      %and3A_131 = arith.andi %add3A_125, %and3A_130 : vector<16xi32>
      tpu.vector_store_idx %arg6[%shift_right_arithmetic3A_128, %broadcast_in_dim3A_7, %and3A_131], %broadcast_in_dim3A_7 : memref<100x1x128xi32, #tpu.memory_space<vmem>>[vector<16xi32>, vector<16xi32>, vector<16xi32>], vector<16xi32>,
      tpu.vector_store_idx %arg7[%shift_right_arithmetic3A_128, %broadcast_in_dim3A_7, %and3A_131], %broadcast_in_dim3A_9 : memref<100x1x128xi32, #tpu.memory_space<vmem>>[vector<16xi32>, vector<16xi32>, vector<16xi32>], vector<16xi32>,
      %add3A_132 = arith.constant 80 : i32
      %add3A_133 = arith.addi %scan3A_82, %add3A_132 : i32
      %add3A_134 = vector.broadcast %add3A_133 : i32 to vector<16xi32>
      %add3A_135 = arith.addi %add3A_134, %iota3A : vector<16xi32>
      %shift_right_arithmetic3A_136 = arith.constant 7 : i32
      %shift_right_arithmetic3A_137 = vector.broadcast %shift_right_arithmetic3A_136 : i32 to vector<16xi32>
      %shift_right_arithmetic3A_138 = arith.shrsi %add3A_135, %shift_right_arithmetic3A_137 : vector<16xi32>
      %and3A_139 = arith.constant 127 : i32
      %and3A_140 = vector.broadcast %and3A_139 : i32 to vector<16xi32>
      %and3A_141 = arith.andi %add3A_135, %and3A_140 : vector<16xi32>
      tpu.vector_store_idx %arg6[%shift_right_arithmetic3A_138, %broadcast_in_dim3A_7, %and3A_141], %broadcast_in_dim3A_7 : memref<100x1x128xi32, #tpu.memory_space<vmem>>[vector<16xi32>, vector<16xi32>, vector<16xi32>], vector<16xi32>,
      tpu.vector_store_idx %arg7[%shift_right_arithmetic3A_138, %broadcast_in_dim3A_7, %and3A_141], %broadcast_in_dim3A_9 : memref<100x1x128xi32, #tpu.memory_space<vmem>>[vector<16xi32>, vector<16xi32>, vector<16xi32>], vector<16xi32>,
      %add3A_142 = arith.constant 96 : i32
      %add3A_143 = arith.addi %scan3A_82, %add3A_142 : i32
      %add3A_144 = vector.broadcast %add3A_143 : i32 to vector<16xi32>
      %add3A_145 = arith.addi %add3A_144, %iota3A : vector<16xi32>
      %shift_right_arithmetic3A_146 = arith.constant 7 : i32
      %shift_right_arithmetic3A_147 = vector.broadcast %shift_right_arithmetic3A_146 : i32 to vector<16xi32>
      %shift_right_arithmetic3A_148 = arith.shrsi %add3A_145, %shift_right_arithmetic3A_147 : vector<16xi32>
      %and3A_149 = arith.constant 127 : i32
      %and3A_150 = vector.broadcast %and3A_149 : i32 to vector<16xi32>
      %and3A_151 = arith.andi %add3A_145, %and3A_150 : vector<16xi32>
      tpu.vector_store_idx %arg6[%shift_right_arithmetic3A_148, %broadcast_in_dim3A_7, %and3A_151], %broadcast_in_dim3A_7 : memref<100x1x128xi32, #tpu.memory_space<vmem>>[vector<16xi32>, vector<16xi32>, vector<16xi32>], vector<16xi32>,
      tpu.vector_store_idx %arg7[%shift_right_arithmetic3A_148, %broadcast_in_dim3A_7, %and3A_151], %broadcast_in_dim3A_9 : memref<100x1x128xi32, #tpu.memory_space<vmem>>[vector<16xi32>, vector<16xi32>, vector<16xi32>], vector<16xi32>,
      %add3A_152 = arith.constant 112 : i32
      %add3A_153 = arith.addi %scan3A_82, %add3A_152 : i32
      %add3A_154 = vector.broadcast %add3A_153 : i32 to vector<16xi32>
      %add3A_155 = arith.addi %add3A_154, %iota3A : vector<16xi32>
      %shift_right_arithmetic3A_156 = arith.constant 7 : i32
      %shift_right_arithmetic3A_157 = vector.broadcast %shift_right_arithmetic3A_156 : i32 to vector<16xi32>
      %shift_right_arithmetic3A_158 = arith.shrsi %add3A_155, %shift_right_arithmetic3A_157 : vector<16xi32>
      %and3A_159 = arith.constant 127 : i32
      %and3A_160 = vector.broadcast %and3A_159 : i32 to vector<16xi32>
      %and3A_161 = arith.andi %add3A_155, %and3A_160 : vector<16xi32>
      tpu.vector_store_idx %arg6[%shift_right_arithmetic3A_158, %broadcast_in_dim3A_7, %and3A_161], %broadcast_in_dim3A_7 : memref<100x1x128xi32, #tpu.memory_space<vmem>>[vector<16xi32>, vector<16xi32>, vector<16xi32>], vector<16xi32>,
      tpu.vector_store_idx %arg7[%shift_right_arithmetic3A_158, %broadcast_in_dim3A_7, %and3A_161], %broadcast_in_dim3A_9 : memref<100x1x128xi32, #tpu.memory_space<vmem>>[vector<16xi32>, vector<16xi32>, vector<16xi32>], vector<16xi32>,
      %add3A_162 = arith.constant 127 : i32
      %add3A_163 = arith.addi %scan3A_82, %add3A_162 : i32
      %shift_right_arithmetic3A_164 = arith.constant 7 : i32
      %shift_right_arithmetic3A_165 = arith.shrsi %add3A_163, %shift_right_arithmetic3A_164 : i32
      %while3A = arith.constant 0 : i32
      %while3A_166 = arith.constant 0 : i32
      %while3A_167 = arith.subi %shift_right_arithmetic3A_165, %while3A_166 : i32
      %while3A_168 = arith.addi %while3A_166, %while3A_167 : i32
      %while3A_169 = arith.constant 1 : i32
      %while3A_170 = arith.divsi %while3A_167, %while3A_169 : i32
      %while3A_171 = arith.muli %while3A_170, %while3A_169 : i32
      %while3A_172 = arith.addi %while3A_166, %while3A_171 : i32
      %while3A_173 = arith.constant 1 : i32
      scf.for %while3A_195 = %while3A_166 to %while3A_172 step %while3A_173  : i32 {
        %dma_start3A = arith.constant 0 : i32
        %dma_start3A_196 = arith.constant 0 : i32
        %dma_start3A_197 = tpu.memref_slice %arg6[%while3A_195, %dma_start3A, %dma_start3A_196] : memref<100x1x128xi32, #tpu.memory_space<vmem>> -> memref<1x1x128xi32, #tpu.memory_space<vmem>>
        %dma_start3A_198 = tpu.memref_squeeze %dma_start3A_197 : memref<1x1x128xi32, #tpu.memory_space<vmem>> -> memref<128xi32, #tpu.memory_space<vmem>>
        %dma_start3A_199 = arith.constant 0 : i32
        %dma_start3A_200 = arith.constant 0 : i32
        %dma_start3A_201 = tpu.memref_slice %arg2[%dma_start3A_199, %dma_start3A_200] : memref<50000x128xf32, #tpu.memory_space<hbm>> -> memref<50000x128xf32, #tpu.memory_space<hbm>>
        tpu.enqueue_indirect_dma source(%dma_start3A_201 : memref<50000x128xf32, #tpu.memory_space<hbm>>) target(%arg8 : memref<128x128xf32, #tpu.memory_space<vmem>>) offsets(%dma_start3A_198 : memref<128xi32, #tpu.memory_space<vmem>>) semaphore(%arg11 : memref<!tpu.dma_semaphore, #tpu.memory_space<semaphore_mem>>)
        %dma_wait3A = arith.constant 0 : i32
        %dma_wait3A_202 = arith.constant 0 : i32
        %dma_wait3A_203 = tpu.memref_slice %arg6[%while3A_195, %dma_wait3A, %dma_wait3A_202] : memref<100x1x128xi32, #tpu.memory_space<vmem>> -> memref<1x1x128xi32, #tpu.memory_space<vmem>>
        %dma_wait3A_204 = tpu.memref_squeeze %dma_wait3A_203 : memref<1x1x128xi32, #tpu.memory_space<vmem>> -> memref<128xi32, #tpu.memory_space<vmem>>
        %dma_wait3A_205 = arith.constant 0 : i32
        %dma_wait3A_206 = arith.constant 0 : i32
        %dma_wait3A_207 = tpu.memref_slice %arg2[%dma_wait3A_205, %dma_wait3A_206] : memref<50000x128xf32, #tpu.memory_space<hbm>> -> memref<50000x128xf32, #tpu.memory_space<hbm>>
        tpu.wait_indirect_dma semaphore(%arg11 : memref<!tpu.dma_semaphore, #tpu.memory_space<semaphore_mem>>) src(%dma_wait3A_207 : memref<50000x128xf32, #tpu.memory_space<hbm>>) dst(%arg8 : memref<128x128xf32, #tpu.memory_space<vmem>>)
        %run_scoped3A_208 = arith.constant 0 : i32
        "tpu.region"() ({
          %run_scoped3A_209 = tpu.sem_alloc : memref<!tpu.dma_semaphore, #tpu.memory_space<semaphore_mem>>
          %dma_start3A_210 = arith.constant 0 : i32
          %dma_start3A_211 = tpu.memref_slice %arg7[%while3A_195, %run_scoped3A_208, %dma_start3A_210] : memref<100x1x128xi32, #tpu.memory_space<vmem>> -> memref<1x1x128xi32, #tpu.memory_space<vmem>>
          %dma_start3A_212 = tpu.memref_squeeze %dma_start3A_211 : memref<1x1x128xi32, #tpu.memory_space<vmem>> -> memref<128xi32, #tpu.memory_space<vmem>>
          %dma_start3A_213 = arith.constant 0 : i32
          %dma_start3A_214 = arith.constant 0 : i32
          %dma_start3A_215 = tpu.memref_slice %arg10[%dma_start3A_213, %dma_start3A_214] : memref<8448x128xf32, #tpu.memory_space<vmem_shared>> -> memref<8448x128xf32, #tpu.memory_space<vmem_shared>>
          tpu.enqueue_indirect_dma source(%arg8 : memref<128x128xf32, #tpu.memory_space<vmem>>) target(%dma_start3A_215 : memref<8448x128xf32, #tpu.memory_space<vmem_shared>>) offsets(%dma_start3A_212 : memref<128xi32, #tpu.memory_space<vmem>>) semaphore(%run_scoped3A_209 : memref<!tpu.dma_semaphore, #tpu.memory_space<semaphore_mem>>) {add = true}
          %dma_wait3A_216 = arith.constant 0 : i32
          %dma_wait3A_217 = tpu.memref_slice %arg7[%while3A_195, %run_scoped3A_208, %dma_wait3A_216] : memref<100x1x128xi32, #tpu.memory_space<vmem>> -> memref<1x1x128xi32, #tpu.memory_space<vmem>>
          %dma_wait3A_218 = tpu.memref_squeeze %dma_wait3A_217 : memref<1x1x128xi32, #tpu.memory_space<vmem>> -> memref<128xi32, #tpu.memory_space<vmem>>
          %dma_wait3A_219 = arith.constant 0 : i32
          %dma_wait3A_220 = arith.constant 0 : i32
          %dma_wait3A_221 = tpu.memref_slice %arg10[%dma_wait3A_219, %dma_wait3A_220] : memref<8448x128xf32, #tpu.memory_space<vmem_shared>> -> memref<8448x128xf32, #tpu.memory_space<vmem_shared>>
          tpu.wait_indirect_dma semaphore(%run_scoped3A_209 : memref<!tpu.dma_semaphore, #tpu.memory_space<semaphore_mem>>) src(%arg8 : memref<128x128xf32, #tpu.memory_space<vmem>>) dst(%dma_wait3A_221 : memref<8448x128xf32, #tpu.memory_space<vmem_shared>>)
          tpu.yield
        }) : () -> ()
      }
      %while3A_174 = arith.constant 1 : i32
      scf.for %while3A_195 = %while3A_172 to %while3A_168 step %while3A_174  : i32 {
        %dma_start3A = arith.constant 0 : i32
        %dma_start3A_196 = arith.constant 0 : i32
        %dma_start3A_197 = tpu.memref_slice %arg6[%while3A_195, %dma_start3A, %dma_start3A_196] : memref<100x1x128xi32, #tpu.memory_space<vmem>> -> memref<1x1x128xi32, #tpu.memory_space<vmem>>
        %dma_start3A_198 = tpu.memref_squeeze %dma_start3A_197 : memref<1x1x128xi32, #tpu.memory_space<vmem>> -> memref<128xi32, #tpu.memory_space<vmem>>
        %dma_start3A_199 = arith.constant 0 : i32
        %dma_start3A_200 = arith.constant 0 : i32
        %dma_start3A_201 = tpu.memref_slice %arg2[%dma_start3A_199, %dma_start3A_200] : memref<50000x128xf32, #tpu.memory_space<hbm>> -> memref<50000x128xf32, #tpu.memory_space<hbm>>
        tpu.enqueue_indirect_dma source(%dma_start3A_201 : memref<50000x128xf32, #tpu.memory_space<hbm>>) target(%arg8 : memref<128x128xf32, #tpu.memory_space<vmem>>) offsets(%dma_start3A_198 : memref<128xi32, #tpu.memory_space<vmem>>) semaphore(%arg11 : memref<!tpu.dma_semaphore, #tpu.memory_space<semaphore_mem>>)
        %dma_wait3A = arith.constant 0 : i32
        %dma_wait3A_202 = arith.constant 0 : i32
        %dma_wait3A_203 = tpu.memref_slice %arg6[%while3A_195, %dma_wait3A, %dma_wait3A_202] : memref<100x1x128xi32, #tpu.memory_space<vmem>> -> memref<1x1x128xi32, #tpu.memory_space<vmem>>
        %dma_wait3A_204 = tpu.memref_squeeze %dma_wait3A_203 : memref<1x1x128xi32, #tpu.memory_space<vmem>> -> memref<128xi32, #tpu.memory_space<vmem>>
        %dma_wait3A_205 = arith.constant 0 : i32
        %dma_wait3A_206 = arith.constant 0 : i32
        %dma_wait3A_207 = tpu.memref_slice %arg2[%dma_wait3A_205, %dma_wait3A_206] : memref<50000x128xf32, #tpu.memory_space<hbm>> -> memref<50000x128xf32, #tpu.memory_space<hbm>>
        tpu.wait_indirect_dma semaphore(%arg11 : memref<!tpu.dma_semaphore, #tpu.memory_space<semaphore_mem>>) src(%dma_wait3A_207 : memref<50000x128xf32, #tpu.memory_space<hbm>>) dst(%arg8 : memref<128x128xf32, #tpu.memory_space<vmem>>)
        %run_scoped3A_208 = arith.constant 0 : i32
        "tpu.region"() ({
          %run_scoped3A_209 = tpu.sem_alloc : memref<!tpu.dma_semaphore, #tpu.memory_space<semaphore_mem>>
          %dma_start3A_210 = arith.constant 0 : i32
          %dma_start3A_211 = tpu.memref_slice %arg7[%while3A_195, %run_scoped3A_208, %dma_start3A_210] : memref<100x1x128xi32, #tpu.memory_space<vmem>> -> memref<1x1x128xi32, #tpu.memory_space<vmem>>
          %dma_start3A_212 = tpu.memref_squeeze %dma_start3A_211 : memref<1x1x128xi32, #tpu.memory_space<vmem>> -> memref<128xi32, #tpu.memory_space<vmem>>
          %dma_start3A_213 = arith.constant 0 : i32
          %dma_start3A_214 = arith.constant 0 : i32
          %dma_start3A_215 = tpu.memref_slice %arg10[%dma_start3A_213, %dma_start3A_214] : memref<8448x128xf32, #tpu.memory_space<vmem_shared>> -> memref<8448x128xf32, #tpu.memory_space<vmem_shared>>
          tpu.enqueue_indirect_dma source(%arg8 : memref<128x128xf32, #tpu.memory_space<vmem>>) target(%dma_start3A_215 : memref<8448x128xf32, #tpu.memory_space<vmem_shared>>) offsets(%dma_start3A_212 : memref<128xi32, #tpu.memory_space<vmem>>) semaphore(%run_scoped3A_209 : memref<!tpu.dma_semaphore, #tpu.memory_space<semaphore_mem>>) {add = true}
          %dma_wait3A_216 = arith.constant 0 : i32
          %dma_wait3A_217 = tpu.memref_slice %arg7[%while3A_195, %run_scoped3A_208, %dma_wait3A_216] : memref<100x1x128xi32, #tpu.memory_space<vmem>> -> memref<1x1x128xi32, #tpu.memory_space<vmem>>
          %dma_wait3A_218 = tpu.memref_squeeze %dma_wait3A_217 : memref<1x1x128xi32, #tpu.memory_space<vmem>> -> memref<128xi32, #tpu.memory_space<vmem>>
          %dma_wait3A_219 = arith.constant 0 : i32
          %dma_wait3A_220 = arith.constant 0 : i32
          %dma_wait3A_221 = tpu.memref_slice %arg10[%dma_wait3A_219, %dma_wait3A_220] : memref<8448x128xf32, #tpu.memory_space<vmem_shared>> -> memref<8448x128xf32, #tpu.memory_space<vmem_shared>>
          tpu.wait_indirect_dma semaphore(%run_scoped3A_209 : memref<!tpu.dma_semaphore, #tpu.memory_space<semaphore_mem>>) src(%arg8 : memref<128x128xf32, #tpu.memory_space<vmem>>) dst(%dma_wait3A_221 : memref<8448x128xf32, #tpu.memory_space<vmem_shared>>)
          tpu.yield
        }) : () -> ()
      }
      %barrier3A_175 = arith.constant 0 : index
      tpu.barrier barrier_id(%barrier3A_175)
      %lt3A = arith.constant 15 : i32
      %lt3A_176 = arith.cmpi slt, %arg1, %lt3A : i32
      %convert_element_type3A = arith.extui %lt3A_176 : i1 to i32
      %cond3A = arith.constant 0 : i32
      %cond3A_177 = arith.cmpi ne, %convert_element_type3A, %cond3A : i32
      scf.if %cond3A_177 {
        %mul3A_195 = arith.constant 520 : i32
        %mul3A_196 = arith.muli %arg1, %mul3A_195 : i32
        %multiple_of3A_197 = tpu.assume_multiple %mul3A_196, 8 : i32
        %add3A_198 = arith.addi %multiple_of3A, %multiple_of3A_197 : i32
        "tpu.region"() ({
          %run_scoped3A_199 = tpu.sem_alloc : memref<!tpu.dma_semaphore, #tpu.memory_space<semaphore_mem>>
          %dma_start3A = arith.constant 0 : i32
          %dma_start3A_200 = tpu.memref_slice %arg4[%add3A_198, %dma_start3A] : memref<50000x128xf32, #tpu.memory_space<hbm>> -> memref<520x128xf32, #tpu.memory_space<hbm>>
          %dma_start3A_201 = arith.constant 0 : i32
          %dma_start3A_202 = tpu.memref_slice %arg10[%multiple_of3A_197, %dma_start3A_201] : memref<8448x128xf32, #tpu.memory_space<vmem_shared>> -> memref<520x128xf32, #tpu.memory_space<vmem_shared>>
          tpu.enqueue_dma source(%dma_start3A_202 : memref<520x128xf32, #tpu.memory_space<vmem_shared>>) target(%dma_start3A_200 : memref<520x128xf32, #tpu.memory_space<hbm>>) target_semaphore(%run_scoped3A_199 : memref<!tpu.dma_semaphore, #tpu.memory_space<semaphore_mem>>)
          %dma_wait3A = arith.constant 0 : i32
          %dma_wait3A_203 = tpu.memref_slice %arg4[%add3A_198, %dma_wait3A] : memref<50000x128xf32, #tpu.memory_space<hbm>> -> memref<520x128xf32, #tpu.memory_space<hbm>>
          %dma_wait3A_204 = arith.constant 0 : i32
          %dma_wait3A_205 = tpu.memref_slice %arg10[%multiple_of3A_197, %dma_wait3A_204] : memref<8448x128xf32, #tpu.memory_space<vmem_shared>> -> memref<520x128xf32, #tpu.memory_space<vmem_shared>>
          tpu.wait_dma2 semaphore(%run_scoped3A_199 : memref<!tpu.dma_semaphore, #tpu.memory_space<semaphore_mem>>) src(%dma_wait3A_205 : memref<520x128xf32, #tpu.memory_space<vmem_shared>>) dst(%dma_wait3A_203 : memref<520x128xf32, #tpu.memory_space<hbm>>)
          tpu.yield
        }) : () -> ()
      } else {
      }
      %eq3A_178 = arith.constant 15 : i32
      %eq3A_179 = arith.cmpi eq, %arg1, %eq3A_178 : i32
      %lt3A_180 = arith.constant 5 : i32
      %lt3A_181 = arith.cmpi slt, %add3A, %lt3A_180 : i32
      %and3A_182 = arith.andi %eq3A_179, %lt3A_181 : i1
      %convert_element_type3A_183 = arith.extui %and3A_182 : i1 to i32
      %cond3A_184 = arith.constant 0 : i32
      %cond3A_185 = arith.cmpi ne, %convert_element_type3A_183, %cond3A_184 : i32
      scf.if %cond3A_185 {
        %add3A_195 = arith.constant 7800 : i32
        %add3A_196 = arith.addi %multiple_of3A, %add3A_195 : i32
        "tpu.region"() ({
          %run_scoped3A_197 = tpu.sem_alloc : memref<!tpu.dma_semaphore, #tpu.memory_space<semaphore_mem>>
          %dma_start3A = arith.constant 0 : i32
          %dma_start3A_198 = tpu.memref_slice %arg4[%add3A_196, %dma_start3A] : memref<50000x128xf32, #tpu.memory_space<hbm>> -> memref<536x128xf32, #tpu.memory_space<hbm>>
          %dma_start3A_199 = arith.constant 7800 : i32
          %dma_start3A_200 = arith.constant 0 : i32
          %dma_start3A_201 = tpu.memref_slice %arg10[%dma_start3A_199, %dma_start3A_200] : memref<8448x128xf32, #tpu.memory_space<vmem_shared>> -> memref<536x128xf32, #tpu.memory_space<vmem_shared>>
          tpu.enqueue_dma source(%dma_start3A_201 : memref<536x128xf32, #tpu.memory_space<vmem_shared>>) target(%dma_start3A_198 : memref<536x128xf32, #tpu.memory_space<hbm>>) target_semaphore(%run_scoped3A_197 : memref<!tpu.dma_semaphore, #tpu.memory_space<semaphore_mem>>)
          %dma_wait3A = arith.constant 0 : i32
          %dma_wait3A_202 = tpu.memref_slice %arg4[%add3A_196, %dma_wait3A] : memref<50000x128xf32, #tpu.memory_space<hbm>> -> memref<536x128xf32, #tpu.memory_space<hbm>>
          %dma_wait3A_203 = arith.constant 7800 : i32
          %dma_wait3A_204 = arith.constant 0 : i32
          %dma_wait3A_205 = tpu.memref_slice %arg10[%dma_wait3A_203, %dma_wait3A_204] : memref<8448x128xf32, #tpu.memory_space<vmem_shared>> -> memref<536x128xf32, #tpu.memory_space<vmem_shared>>
          tpu.wait_dma2 semaphore(%run_scoped3A_197 : memref<!tpu.dma_semaphore, #tpu.memory_space<semaphore_mem>>) src(%dma_wait3A_205 : memref<536x128xf32, #tpu.memory_space<vmem_shared>>) dst(%dma_wait3A_202 : memref<536x128xf32, #tpu.memory_space<hbm>>)
          tpu.yield
        }) : () -> ()
      } else {
      }
      %eq3A_186 = arith.constant 15 : i32
      %eq3A_187 = arith.cmpi eq, %arg1, %eq3A_186 : i32
      %eq3A_188 = arith.constant 5 : i32
      %eq3A_189 = arith.cmpi eq, %add3A, %eq3A_188 : i32
      %and3A_190 = arith.andi %eq3A_187, %eq3A_189 : i1
      %convert_element_type3A_191 = arith.extui %and3A_190 : i1 to i32
      %cond3A_192 = arith.constant 0 : i32
      %cond3A_193 = arith.cmpi ne, %convert_element_type3A_191, %cond3A_192 : i32
      scf.if %cond3A_193 {
        %add3A_195 = arith.constant 7800 : i32
        %add3A_196 = arith.addi %multiple_of3A, %add3A_195 : i32
        "tpu.region"() ({
          %run_scoped3A_197 = tpu.sem_alloc : memref<!tpu.dma_semaphore, #tpu.memory_space<semaphore_mem>>
          %dma_start3A = arith.constant 0 : i32
          %dma_start3A_198 = tpu.memref_slice %arg4[%add3A_196, %dma_start3A] : memref<50000x128xf32, #tpu.memory_space<hbm>> -> memref<520x128xf32, #tpu.memory_space<hbm>>
          %dma_start3A_199 = arith.constant 7800 : i32
          %dma_start3A_200 = arith.constant 0 : i32
          %dma_start3A_201 = tpu.memref_slice %arg10[%dma_start3A_199, %dma_start3A_200] : memref<8448x128xf32, #tpu.memory_space<vmem_shared>> -> memref<520x128xf32, #tpu.memory_space<vmem_shared>>
          tpu.enqueue_dma source(%dma_start3A_201 : memref<520x128xf32, #tpu.memory_space<vmem_shared>>) target(%dma_start3A_198 : memref<520x128xf32, #tpu.memory_space<hbm>>) target_semaphore(%run_scoped3A_197 : memref<!tpu.dma_semaphore, #tpu.memory_space<semaphore_mem>>)
          %dma_wait3A = arith.constant 0 : i32
          %dma_wait3A_202 = tpu.memref_slice %arg4[%add3A_196, %dma_wait3A] : memref<50000x128xf32, #tpu.memory_space<hbm>> -> memref<520x128xf32, #tpu.memory_space<hbm>>
          %dma_wait3A_203 = arith.constant 7800 : i32
          %dma_wait3A_204 = arith.constant 0 : i32
          %dma_wait3A_205 = tpu.memref_slice %arg10[%dma_wait3A_203, %dma_wait3A_204] : memref<8448x128xf32, #tpu.memory_space<vmem_shared>> -> memref<520x128xf32, #tpu.memory_space<vmem_shared>>
          tpu.wait_dma2 semaphore(%run_scoped3A_197 : memref<!tpu.dma_semaphore, #tpu.memory_space<semaphore_mem>>) src(%dma_wait3A_205 : memref<520x128xf32, #tpu.memory_space<vmem_shared>>) dst(%dma_wait3A_202 : memref<520x128xf32, #tpu.memory_space<hbm>>)
          tpu.yield
        }) : () -> ()
      } else {
      }
      %barrier3A_194 = arith.constant 0 : index
      tpu.barrier barrier_id(%barrier3A_194)
    }
    %scan3A_15 = arith.constant 3 : i32
    return
  }
}

#map = affine_map<(d0, d1) -> (0, 0)>
#map1 = affine_map<(d0, d1) -> (0, 0, 0)>
module attributes {stable_mosaic.version = 14 : i64} {
  func.func @_sc_agg_body(%arg0: i32, %arg1: i32, %arg2: memref<50000x128xf32, #tpu.memory_space<hbm>>, %arg3: memref<16x1x12544xi32, #tpu.memory_space<hbm>>, %arg4: memref<50000x128xf32, #tpu.memory_space<hbm>>, %arg5: memref<12544xi32, #tpu.memory_space<vmem>>, %arg6: memref<100x1x128xi32, #tpu.memory_space<vmem>>, %arg7: memref<100x1x128xi32, #tpu.memory_space<vmem>>, %arg8: memref<128x128xf32, #tpu.memory_space<vmem>>, %arg9: memref<48x128xf32, #tpu.memory_space<vmem>>, %arg10: memref<8448x128xf32, #tpu.memory_space<vmem_shared>>, %arg11: memref<!tpu.dma_semaphore, #tpu.memory_space<semaphore_mem>>) attributes {dimension_semantics = [#tpu.dimension_semantics<core_parallel>, #tpu.dimension_semantics<subcore_parallel>], iteration_bounds = array<i64: 2, 16>, scalar_prefetch = 0 : i64, scratch_operands = 7 : i64, tpu.core_type = #tpu.core_type<sc_vector_subcore>, window_params = [{transform_indices = #map}, {transform_indices = #map1}, {transform_indices = #map}]} {
    %broadcast_in_dim3A = arith.constant 0.000000e+00 : f32
    %broadcast_in_dim3A_0 = vector.broadcast %broadcast_in_dim3A : f32 to vector<16xf32>
    %scan3A = arith.constant 0 : i32
    %scan3A_1 = arith.constant 0 : i32
    %scan3A_2 = arith.constant 48 : i32
    %scan3A_3 = arith.addi %scan3A_1, %scan3A_2 : i32
    %scan3A_4 = arith.constant 1 : i32
    scf.for %scan3A_16 = %scan3A_1 to %scan3A_3 step %scan3A_4  : i32 {
      %swap3A = arith.index_cast %scan3A_16 : i32 to index
      %swap3A_17 = arith.constant 0 : index
      %swap3A_18 = tpu.vector_load %arg9[%swap3A, %swap3A_17] {strides = array<i32>} : memref<48x128xf32, #tpu.memory_space<vmem>>, vector<16xf32>,
      tpu.vector_store %arg9[%swap3A, %swap3A_17], %broadcast_in_dim3A_0 {strides = array<i32>} : memref<48x128xf32, #tpu.memory_space<vmem>>, vector<16xf32>,
      %swap3A_19 = arith.index_cast %scan3A_16 : i32 to index
      %swap3A_20 = arith.constant 16 : index
      %swap3A_21 = tpu.vector_load %arg9[%swap3A_19, %swap3A_20] {strides = array<i32>} : memref<48x128xf32, #tpu.memory_space<vmem>>, vector<16xf32>,
      tpu.vector_store %arg9[%swap3A_19, %swap3A_20], %broadcast_in_dim3A_0 {strides = array<i32>} : memref<48x128xf32, #tpu.memory_space<vmem>>, vector<16xf32>,
      %swap3A_22 = arith.index_cast %scan3A_16 : i32 to index
      %swap3A_23 = arith.constant 32 : index
      %swap3A_24 = tpu.vector_load %arg9[%swap3A_22, %swap3A_23] {strides = array<i32>} : memref<48x128xf32, #tpu.memory_space<vmem>>, vector<16xf32>,
      tpu.vector_store %arg9[%swap3A_22, %swap3A_23], %broadcast_in_dim3A_0 {strides = array<i32>} : memref<48x128xf32, #tpu.memory_space<vmem>>, vector<16xf32>,
      %swap3A_25 = arith.index_cast %scan3A_16 : i32 to index
      %swap3A_26 = arith.constant 48 : index
      %swap3A_27 = tpu.vector_load %arg9[%swap3A_25, %swap3A_26] {strides = array<i32>} : memref<48x128xf32, #tpu.memory_space<vmem>>, vector<16xf32>,
      tpu.vector_store %arg9[%swap3A_25, %swap3A_26], %broadcast_in_dim3A_0 {strides = array<i32>} : memref<48x128xf32, #tpu.memory_space<vmem>>, vector<16xf32>,
      %swap3A_28 = arith.index_cast %scan3A_16 : i32 to index
      %swap3A_29 = arith.constant 64 : index
      %swap3A_30 = tpu.vector_load %arg9[%swap3A_28, %swap3A_29] {strides = array<i32>} : memref<48x128xf32, #tpu.memory_space<vmem>>, vector<16xf32>,
      tpu.vector_store %arg9[%swap3A_28, %swap3A_29], %broadcast_in_dim3A_0 {strides = array<i32>} : memref<48x128xf32, #tpu.memory_space<vmem>>, vector<16xf32>,
      %swap3A_31 = arith.index_cast %scan3A_16 : i32 to index
      %swap3A_32 = arith.constant 80 : index
      %swap3A_33 = tpu.vector_load %arg9[%swap3A_31, %swap3A_32] {strides = array<i32>} : memref<48x128xf32, #tpu.memory_space<vmem>>, vector<16xf32>,
      tpu.vector_store %arg9[%swap3A_31, %swap3A_32], %broadcast_in_dim3A_0 {strides = array<i32>} : memref<48x128xf32, #tpu.memory_space<vmem>>, vector<16xf32>,
      %swap3A_34 = arith.index_cast %scan3A_16 : i32 to index
      %swap3A_35 = arith.constant 96 : index
      %swap3A_36 = tpu.vector_load %arg9[%swap3A_34, %swap3A_35] {strides = array<i32>} : memref<48x128xf32, #tpu.memory_space<vmem>>, vector<16xf32>,
      tpu.vector_store %arg9[%swap3A_34, %swap3A_35], %broadcast_in_dim3A_0 {strides = array<i32>} : memref<48x128xf32, #tpu.memory_space<vmem>>, vector<16xf32>,
      %swap3A_37 = arith.index_cast %scan3A_16 : i32 to index
      %swap3A_38 = arith.constant 112 : index
      %swap3A_39 = tpu.vector_load %arg9[%swap3A_37, %swap3A_38] {strides = array<i32>} : memref<48x128xf32, #tpu.memory_space<vmem>>, vector<16xf32>,
      tpu.vector_store %arg9[%swap3A_37, %swap3A_38], %broadcast_in_dim3A_0 {strides = array<i32>} : memref<48x128xf32, #tpu.memory_space<vmem>>, vector<16xf32>,
    }
    %scan3A_5 = arith.constant 48 : i32
    %run_scoped3A = arith.constant 0 : i32
    "tpu.region"() ({
      %run_scoped3A_16 = tpu.sem_alloc : memref<!tpu.dma_semaphore, #tpu.memory_space<semaphore_mem>>
      %dma_start3A = arith.constant 0 : i32
      %dma_start3A_17 = tpu.memref_slice %arg3[%arg1, %run_scoped3A, %dma_start3A] : memref<16x1x12544xi32, #tpu.memory_space<hbm>> -> memref<1x1x12544xi32, #tpu.memory_space<hbm>>
      %dma_start3A_18 = tpu.memref_squeeze %dma_start3A_17 : memref<1x1x12544xi32, #tpu.memory_space<hbm>> -> memref<12544xi32, #tpu.memory_space<hbm>>
      %dma_start3A_19 = arith.constant 0 : i32
      %dma_start3A_20 = tpu.memref_slice %arg3[%arg1, %run_scoped3A, %dma_start3A_19] : memref<16x1x12544xi32, #tpu.memory_space<hbm>> -> memref<1x1x12544xi32, #tpu.memory_space<hbm>>
      %dma_start3A_21 = tpu.memref_squeeze %dma_start3A_20 : memref<1x1x12544xi32, #tpu.memory_space<hbm>> -> memref<12544xi32, #tpu.memory_space<hbm>>
      tpu.enqueue_dma source(%dma_start3A_21 : memref<12544xi32, #tpu.memory_space<hbm>>) target(%arg5 : memref<12544xi32, #tpu.memory_space<vmem>>) target_semaphore(%run_scoped3A_16 : memref<!tpu.dma_semaphore, #tpu.memory_space<semaphore_mem>>)
      %dma_wait3A = arith.constant 0 : i32
      %dma_wait3A_22 = tpu.memref_slice %arg3[%arg1, %run_scoped3A, %dma_wait3A] : memref<16x1x12544xi32, #tpu.memory_space<hbm>> -> memref<1x1x12544xi32, #tpu.memory_space<hbm>>
      %dma_wait3A_23 = tpu.memref_squeeze %dma_wait3A_22 : memref<1x1x12544xi32, #tpu.memory_space<hbm>> -> memref<12544xi32, #tpu.memory_space<hbm>>
      %dma_wait3A_24 = arith.constant 0 : i32
      %dma_wait3A_25 = tpu.memref_slice %arg3[%arg1, %run_scoped3A, %dma_wait3A_24] : memref<16x1x12544xi32, #tpu.memory_space<hbm>> -> memref<1x1x12544xi32, #tpu.memory_space<hbm>>
      %dma_wait3A_26 = tpu.memref_squeeze %dma_wait3A_25 : memref<1x1x12544xi32, #tpu.memory_space<hbm>> -> memref<12544xi32, #tpu.memory_space<hbm>>
      tpu.wait_dma2 semaphore(%run_scoped3A_16 : memref<!tpu.dma_semaphore, #tpu.memory_space<semaphore_mem>>) src(%dma_wait3A_26 : memref<12544xi32, #tpu.memory_space<hbm>>) dst(%arg5 : memref<12544xi32, #tpu.memory_space<vmem>>)
      tpu.yield
    }) : () -> ()
    %iota3A = tpu.iota {dimensions = array<i32: 0>} : vector<16xi32>
    %broadcast_in_dim3A_6 = arith.constant 0 : i32
    %broadcast_in_dim3A_7 = vector.broadcast %broadcast_in_dim3A_6 : i32 to vector<16xi32>
    %broadcast_in_dim3A_8 = arith.constant 8336 : i32
    %broadcast_in_dim3A_9 = vector.broadcast %broadcast_in_dim3A_8 : i32 to vector<16xi32>
    %scan3A_10 = arith.constant 0 : i32
    %scan3A_11 = arith.constant 0 : i32
    %scan3A_12 = arith.constant 3 : i32
    %scan3A_13 = arith.addi %scan3A_11, %scan3A_12 : i32
    %scan3A_14 = arith.constant 1 : i32
    scf.for %scan3A_16 = %scan3A_11 to %scan3A_13 step %scan3A_14  : i32 {
      %mul3A = arith.constant 3 : i32
      %mul3A_17 = arith.muli %arg0, %mul3A : i32
      %add3A = arith.addi %mul3A_17, %scan3A_16 : i32
      %mul3A_18 = arith.constant 8336 : i32
      %mul3A_19 = arith.muli %add3A, %mul3A_18 : i32
      %multiple_of3A = tpu.assume_multiple %mul3A_19, 8 : i32
      %eq3A = arith.constant 5 : i32
      %eq3A_20 = arith.cmpi eq, %add3A, %eq3A : i32
      %jit3A = arith.constant 8320 : i32
      %jit3A_21 = arith.constant 8336 : i32
      %select_n3A = arith.select %eq3A_20, %jit3A, %jit3A_21 : i32
      %mul3A_22 = arith.constant 528 : i32
      %mul3A_23 = arith.muli %arg1, %mul3A_22 : i32
      %add3A_24 = arith.constant 0 : i32
      %add3A_25 = arith.addi %mul3A_23, %add3A_24 : i32
      %multiple_of3A_26 = tpu.assume_multiple %add3A_25, 8 : i32
      "tpu.region"() ({
        %run_scoped3A_195 = tpu.sem_alloc : memref<!tpu.dma_semaphore, #tpu.memory_space<semaphore_mem>>
        %dma_start3A = arith.constant 0 : i32
        %dma_start3A_196 = tpu.memref_slice %arg10[%multiple_of3A_26, %dma_start3A] : memref<8448x128xf32, #tpu.memory_space<vmem_shared>> -> memref<48x128xf32, #tpu.memory_space<vmem_shared>>
        %dma_start3A_197 = arith.constant 0 : i32
        %dma_start3A_198 = tpu.memref_slice %arg10[%multiple_of3A_26, %dma_start3A_197] : memref<8448x128xf32, #tpu.memory_space<vmem_shared>> -> memref<48x128xf32, #tpu.memory_space<vmem_shared>>
        tpu.enqueue_dma source(%arg9 : memref<48x128xf32, #tpu.memory_space<vmem>>) target(%dma_start3A_198 : memref<48x128xf32, #tpu.memory_space<vmem_shared>>) target_semaphore(%run_scoped3A_195 : memref<!tpu.dma_semaphore, #tpu.memory_space<semaphore_mem>>)
        %dma_wait3A = arith.constant 0 : i32
        %dma_wait3A_199 = tpu.memref_slice %arg10[%multiple_of3A_26, %dma_wait3A] : memref<8448x128xf32, #tpu.memory_space<vmem_shared>> -> memref<48x128xf32, #tpu.memory_space<vmem_shared>>
        %dma_wait3A_200 = arith.constant 0 : i32
        %dma_wait3A_201 = tpu.memref_slice %arg10[%multiple_of3A_26, %dma_wait3A_200] : memref<8448x128xf32, #tpu.memory_space<vmem_shared>> -> memref<48x128xf32, #tpu.memory_space<vmem_shared>>
        tpu.wait_dma2 semaphore(%run_scoped3A_195 : memref<!tpu.dma_semaphore, #tpu.memory_space<semaphore_mem>>) src(%arg9 : memref<48x128xf32, #tpu.memory_space<vmem>>) dst(%dma_wait3A_201 : memref<48x128xf32, #tpu.memory_space<vmem_shared>>)
        tpu.yield
      }) : () -> ()
      %mul3A_27 = arith.constant 528 : i32
      %mul3A_28 = arith.muli %arg1, %mul3A_27 : i32
      %add3A_29 = arith.constant 48 : i32
      %add3A_30 = arith.addi %mul3A_28, %add3A_29 : i32
      %multiple_of3A_31 = tpu.assume_multiple %add3A_30, 8 : i32
      "tpu.region"() ({
        %run_scoped3A_195 = tpu.sem_alloc : memref<!tpu.dma_semaphore, #tpu.memory_space<semaphore_mem>>
        %dma_start3A = arith.constant 0 : i32
        %dma_start3A_196 = tpu.memref_slice %arg10[%multiple_of3A_31, %dma_start3A] : memref<8448x128xf32, #tpu.memory_space<vmem_shared>> -> memref<48x128xf32, #tpu.memory_space<vmem_shared>>
        %dma_start3A_197 = arith.constant 0 : i32
        %dma_start3A_198 = tpu.memref_slice %arg10[%multiple_of3A_31, %dma_start3A_197] : memref<8448x128xf32, #tpu.memory_space<vmem_shared>> -> memref<48x128xf32, #tpu.memory_space<vmem_shared>>
        tpu.enqueue_dma source(%arg9 : memref<48x128xf32, #tpu.memory_space<vmem>>) target(%dma_start3A_198 : memref<48x128xf32, #tpu.memory_space<vmem_shared>>) target_semaphore(%run_scoped3A_195 : memref<!tpu.dma_semaphore, #tpu.memory_space<semaphore_mem>>)
        %dma_wait3A = arith.constant 0 : i32
        %dma_wait3A_199 = tpu.memref_slice %arg10[%multiple_of3A_31, %dma_wait3A] : memref<8448x128xf32, #tpu.memory_space<vmem_shared>> -> memref<48x128xf32, #tpu.memory_space<vmem_shared>>
        %dma_wait3A_200 = arith.constant 0 : i32
        %dma_wait3A_201 = tpu.memref_slice %arg10[%multiple_of3A_31, %dma_wait3A_200] : memref<8448x128xf32, #tpu.memory_space<vmem_shared>> -> memref<48x128xf32, #tpu.memory_space<vmem_shared>>
        tpu.wait_dma2 semaphore(%run_scoped3A_195 : memref<!tpu.dma_semaphore, #tpu.memory_space<semaphore_mem>>) src(%arg9 : memref<48x128xf32, #tpu.memory_space<vmem>>) dst(%dma_wait3A_201 : memref<48x128xf32, #tpu.memory_space<vmem_shared>>)
        tpu.yield
      }) : () -> ()
      %mul3A_32 = arith.constant 528 : i32
      %mul3A_33 = arith.muli %arg1, %mul3A_32 : i32
      %add3A_34 = arith.constant 96 : i32
      %add3A_35 = arith.addi %mul3A_33, %add3A_34 : i32
      %multiple_of3A_36 = tpu.assume_multiple %add3A_35, 8 : i32
      "tpu.region"() ({
        %run_scoped3A_195 = tpu.sem_alloc : memref<!tpu.dma_semaphore, #tpu.memory_space<semaphore_mem>>
        %dma_start3A = arith.constant 0 : i32
        %dma_start3A_196 = tpu.memref_slice %arg10[%multiple_of3A_36, %dma_start3A] : memref<8448x128xf32, #tpu.memory_space<vmem_shared>> -> memref<48x128xf32, #tpu.memory_space<vmem_shared>>
        %dma_start3A_197 = arith.constant 0 : i32
        %dma_start3A_198 = tpu.memref_slice %arg10[%multiple_of3A_36, %dma_start3A_197] : memref<8448x128xf32, #tpu.memory_space<vmem_shared>> -> memref<48x128xf32, #tpu.memory_space<vmem_shared>>
        tpu.enqueue_dma source(%arg9 : memref<48x128xf32, #tpu.memory_space<vmem>>) target(%dma_start3A_198 : memref<48x128xf32, #tpu.memory_space<vmem_shared>>) target_semaphore(%run_scoped3A_195 : memref<!tpu.dma_semaphore, #tpu.memory_space<semaphore_mem>>)
        %dma_wait3A = arith.constant 0 : i32
        %dma_wait3A_199 = tpu.memref_slice %arg10[%multiple_of3A_36, %dma_wait3A] : memref<8448x128xf32, #tpu.memory_space<vmem_shared>> -> memref<48x128xf32, #tpu.memory_space<vmem_shared>>
        %dma_wait3A_200 = arith.constant 0 : i32
        %dma_wait3A_201 = tpu.memref_slice %arg10[%multiple_of3A_36, %dma_wait3A_200] : memref<8448x128xf32, #tpu.memory_space<vmem_shared>> -> memref<48x128xf32, #tpu.memory_space<vmem_shared>>
        tpu.wait_dma2 semaphore(%run_scoped3A_195 : memref<!tpu.dma_semaphore, #tpu.memory_space<semaphore_mem>>) src(%arg9 : memref<48x128xf32, #tpu.memory_space<vmem>>) dst(%dma_wait3A_201 : memref<48x128xf32, #tpu.memory_space<vmem_shared>>)
        tpu.yield
      }) : () -> ()
      %mul3A_37 = arith.constant 528 : i32
      %mul3A_38 = arith.muli %arg1, %mul3A_37 : i32
      %add3A_39 = arith.constant 144 : i32
      %add3A_40 = arith.addi %mul3A_38, %add3A_39 : i32
      %multiple_of3A_41 = tpu.assume_multiple %add3A_40, 8 : i32
      "tpu.region"() ({
        %run_scoped3A_195 = tpu.sem_alloc : memref<!tpu.dma_semaphore, #tpu.memory_space<semaphore_mem>>
        %dma_start3A = arith.constant 0 : i32
        %dma_start3A_196 = tpu.memref_slice %arg10[%multiple_of3A_41, %dma_start3A] : memref<8448x128xf32, #tpu.memory_space<vmem_shared>> -> memref<48x128xf32, #tpu.memory_space<vmem_shared>>
        %dma_start3A_197 = arith.constant 0 : i32
        %dma_start3A_198 = tpu.memref_slice %arg10[%multiple_of3A_41, %dma_start3A_197] : memref<8448x128xf32, #tpu.memory_space<vmem_shared>> -> memref<48x128xf32, #tpu.memory_space<vmem_shared>>
        tpu.enqueue_dma source(%arg9 : memref<48x128xf32, #tpu.memory_space<vmem>>) target(%dma_start3A_198 : memref<48x128xf32, #tpu.memory_space<vmem_shared>>) target_semaphore(%run_scoped3A_195 : memref<!tpu.dma_semaphore, #tpu.memory_space<semaphore_mem>>)
        %dma_wait3A = arith.constant 0 : i32
        %dma_wait3A_199 = tpu.memref_slice %arg10[%multiple_of3A_41, %dma_wait3A] : memref<8448x128xf32, #tpu.memory_space<vmem_shared>> -> memref<48x128xf32, #tpu.memory_space<vmem_shared>>
        %dma_wait3A_200 = arith.constant 0 : i32
        %dma_wait3A_201 = tpu.memref_slice %arg10[%multiple_of3A_41, %dma_wait3A_200] : memref<8448x128xf32, #tpu.memory_space<vmem_shared>> -> memref<48x128xf32, #tpu.memory_space<vmem_shared>>
        tpu.wait_dma2 semaphore(%run_scoped3A_195 : memref<!tpu.dma_semaphore, #tpu.memory_space<semaphore_mem>>) src(%arg9 : memref<48x128xf32, #tpu.memory_space<vmem>>) dst(%dma_wait3A_201 : memref<48x128xf32, #tpu.memory_space<vmem_shared>>)
        tpu.yield
      }) : () -> ()
      %mul3A_42 = arith.constant 528 : i32
      %mul3A_43 = arith.muli %arg1, %mul3A_42 : i32
      %add3A_44 = arith.constant 192 : i32
      %add3A_45 = arith.addi %mul3A_43, %add3A_44 : i32
      %multiple_of3A_46 = tpu.assume_multiple %add3A_45, 8 : i32
      "tpu.region"() ({
        %run_scoped3A_195 = tpu.sem_alloc : memref<!tpu.dma_semaphore, #tpu.memory_space<semaphore_mem>>
        %dma_start3A = arith.constant 0 : i32
        %dma_start3A_196 = tpu.memref_slice %arg10[%multiple_of3A_46, %dma_start3A] : memref<8448x128xf32, #tpu.memory_space<vmem_shared>> -> memref<48x128xf32, #tpu.memory_space<vmem_shared>>
        %dma_start3A_197 = arith.constant 0 : i32
        %dma_start3A_198 = tpu.memref_slice %arg10[%multiple_of3A_46, %dma_start3A_197] : memref<8448x128xf32, #tpu.memory_space<vmem_shared>> -> memref<48x128xf32, #tpu.memory_space<vmem_shared>>
        tpu.enqueue_dma source(%arg9 : memref<48x128xf32, #tpu.memory_space<vmem>>) target(%dma_start3A_198 : memref<48x128xf32, #tpu.memory_space<vmem_shared>>) target_semaphore(%run_scoped3A_195 : memref<!tpu.dma_semaphore, #tpu.memory_space<semaphore_mem>>)
        %dma_wait3A = arith.constant 0 : i32
        %dma_wait3A_199 = tpu.memref_slice %arg10[%multiple_of3A_46, %dma_wait3A] : memref<8448x128xf32, #tpu.memory_space<vmem_shared>> -> memref<48x128xf32, #tpu.memory_space<vmem_shared>>
        %dma_wait3A_200 = arith.constant 0 : i32
        %dma_wait3A_201 = tpu.memref_slice %arg10[%multiple_of3A_46, %dma_wait3A_200] : memref<8448x128xf32, #tpu.memory_space<vmem_shared>> -> memref<48x128xf32, #tpu.memory_space<vmem_shared>>
        tpu.wait_dma2 semaphore(%run_scoped3A_195 : memref<!tpu.dma_semaphore, #tpu.memory_space<semaphore_mem>>) src(%arg9 : memref<48x128xf32, #tpu.memory_space<vmem>>) dst(%dma_wait3A_201 : memref<48x128xf32, #tpu.memory_space<vmem_shared>>)
        tpu.yield
      }) : () -> ()
      %mul3A_47 = arith.constant 528 : i32
      %mul3A_48 = arith.muli %arg1, %mul3A_47 : i32
      %add3A_49 = arith.constant 240 : i32
      %add3A_50 = arith.addi %mul3A_48, %add3A_49 : i32
      %multiple_of3A_51 = tpu.assume_multiple %add3A_50, 8 : i32
      "tpu.region"() ({
        %run_scoped3A_195 = tpu.sem_alloc : memref<!tpu.dma_semaphore, #tpu.memory_space<semaphore_mem>>
        %dma_start3A = arith.constant 0 : i32
        %dma_start3A_196 = tpu.memref_slice %arg10[%multiple_of3A_51, %dma_start3A] : memref<8448x128xf32, #tpu.memory_space<vmem_shared>> -> memref<48x128xf32, #tpu.memory_space<vmem_shared>>
        %dma_start3A_197 = arith.constant 0 : i32
        %dma_start3A_198 = tpu.memref_slice %arg10[%multiple_of3A_51, %dma_start3A_197] : memref<8448x128xf32, #tpu.memory_space<vmem_shared>> -> memref<48x128xf32, #tpu.memory_space<vmem_shared>>
        tpu.enqueue_dma source(%arg9 : memref<48x128xf32, #tpu.memory_space<vmem>>) target(%dma_start3A_198 : memref<48x128xf32, #tpu.memory_space<vmem_shared>>) target_semaphore(%run_scoped3A_195 : memref<!tpu.dma_semaphore, #tpu.memory_space<semaphore_mem>>)
        %dma_wait3A = arith.constant 0 : i32
        %dma_wait3A_199 = tpu.memref_slice %arg10[%multiple_of3A_51, %dma_wait3A] : memref<8448x128xf32, #tpu.memory_space<vmem_shared>> -> memref<48x128xf32, #tpu.memory_space<vmem_shared>>
        %dma_wait3A_200 = arith.constant 0 : i32
        %dma_wait3A_201 = tpu.memref_slice %arg10[%multiple_of3A_51, %dma_wait3A_200] : memref<8448x128xf32, #tpu.memory_space<vmem_shared>> -> memref<48x128xf32, #tpu.memory_space<vmem_shared>>
        tpu.wait_dma2 semaphore(%run_scoped3A_195 : memref<!tpu.dma_semaphore, #tpu.memory_space<semaphore_mem>>) src(%arg9 : memref<48x128xf32, #tpu.memory_space<vmem>>) dst(%dma_wait3A_201 : memref<48x128xf32, #tpu.memory_space<vmem_shared>>)
        tpu.yield
      }) : () -> ()
      %mul3A_52 = arith.constant 528 : i32
      %mul3A_53 = arith.muli %arg1, %mul3A_52 : i32
      %add3A_54 = arith.constant 288 : i32
      %add3A_55 = arith.addi %mul3A_53, %add3A_54 : i32
      %multiple_of3A_56 = tpu.assume_multiple %add3A_55, 8 : i32
      "tpu.region"() ({
        %run_scoped3A_195 = tpu.sem_alloc : memref<!tpu.dma_semaphore, #tpu.memory_space<semaphore_mem>>
        %dma_start3A = arith.constant 0 : i32
        %dma_start3A_196 = tpu.memref_slice %arg10[%multiple_of3A_56, %dma_start3A] : memref<8448x128xf32, #tpu.memory_space<vmem_shared>> -> memref<48x128xf32, #tpu.memory_space<vmem_shared>>
        %dma_start3A_197 = arith.constant 0 : i32
        %dma_start3A_198 = tpu.memref_slice %arg10[%multiple_of3A_56, %dma_start3A_197] : memref<8448x128xf32, #tpu.memory_space<vmem_shared>> -> memref<48x128xf32, #tpu.memory_space<vmem_shared>>
        tpu.enqueue_dma source(%arg9 : memref<48x128xf32, #tpu.memory_space<vmem>>) target(%dma_start3A_198 : memref<48x128xf32, #tpu.memory_space<vmem_shared>>) target_semaphore(%run_scoped3A_195 : memref<!tpu.dma_semaphore, #tpu.memory_space<semaphore_mem>>)
        %dma_wait3A = arith.constant 0 : i32
        %dma_wait3A_199 = tpu.memref_slice %arg10[%multiple_of3A_56, %dma_wait3A] : memref<8448x128xf32, #tpu.memory_space<vmem_shared>> -> memref<48x128xf32, #tpu.memory_space<vmem_shared>>
        %dma_wait3A_200 = arith.constant 0 : i32
        %dma_wait3A_201 = tpu.memref_slice %arg10[%multiple_of3A_56, %dma_wait3A_200] : memref<8448x128xf32, #tpu.memory_space<vmem_shared>> -> memref<48x128xf32, #tpu.memory_space<vmem_shared>>
        tpu.wait_dma2 semaphore(%run_scoped3A_195 : memref<!tpu.dma_semaphore, #tpu.memory_space<semaphore_mem>>) src(%arg9 : memref<48x128xf32, #tpu.memory_space<vmem>>) dst(%dma_wait3A_201 : memref<48x128xf32, #tpu.memory_space<vmem_shared>>)
        tpu.yield
      }) : () -> ()
      %mul3A_57 = arith.constant 528 : i32
      %mul3A_58 = arith.muli %arg1, %mul3A_57 : i32
      %add3A_59 = arith.constant 336 : i32
      %add3A_60 = arith.addi %mul3A_58, %add3A_59 : i32
      %multiple_of3A_61 = tpu.assume_multiple %add3A_60, 8 : i32
      "tpu.region"() ({
        %run_scoped3A_195 = tpu.sem_alloc : memref<!tpu.dma_semaphore, #tpu.memory_space<semaphore_mem>>
        %dma_start3A = arith.constant 0 : i32
        %dma_start3A_196 = tpu.memref_slice %arg10[%multiple_of3A_61, %dma_start3A] : memref<8448x128xf32, #tpu.memory_space<vmem_shared>> -> memref<48x128xf32, #tpu.memory_space<vmem_shared>>
        %dma_start3A_197 = arith.constant 0 : i32
        %dma_start3A_198 = tpu.memref_slice %arg10[%multiple_of3A_61, %dma_start3A_197] : memref<8448x128xf32, #tpu.memory_space<vmem_shared>> -> memref<48x128xf32, #tpu.memory_space<vmem_shared>>
        tpu.enqueue_dma source(%arg9 : memref<48x128xf32, #tpu.memory_space<vmem>>) target(%dma_start3A_198 : memref<48x128xf32, #tpu.memory_space<vmem_shared>>) target_semaphore(%run_scoped3A_195 : memref<!tpu.dma_semaphore, #tpu.memory_space<semaphore_mem>>)
        %dma_wait3A = arith.constant 0 : i32
        %dma_wait3A_199 = tpu.memref_slice %arg10[%multiple_of3A_61, %dma_wait3A] : memref<8448x128xf32, #tpu.memory_space<vmem_shared>> -> memref<48x128xf32, #tpu.memory_space<vmem_shared>>
        %dma_wait3A_200 = arith.constant 0 : i32
        %dma_wait3A_201 = tpu.memref_slice %arg10[%multiple_of3A_61, %dma_wait3A_200] : memref<8448x128xf32, #tpu.memory_space<vmem_shared>> -> memref<48x128xf32, #tpu.memory_space<vmem_shared>>
        tpu.wait_dma2 semaphore(%run_scoped3A_195 : memref<!tpu.dma_semaphore, #tpu.memory_space<semaphore_mem>>) src(%arg9 : memref<48x128xf32, #tpu.memory_space<vmem>>) dst(%dma_wait3A_201 : memref<48x128xf32, #tpu.memory_space<vmem_shared>>)
        tpu.yield
      }) : () -> ()
      %mul3A_62 = arith.constant 528 : i32
      %mul3A_63 = arith.muli %arg1, %mul3A_62 : i32
      %add3A_64 = arith.constant 384 : i32
      %add3A_65 = arith.addi %mul3A_63, %add3A_64 : i32
      %multiple_of3A_66 = tpu.assume_multiple %add3A_65, 8 : i32
      "tpu.region"() ({
        %run_scoped3A_195 = tpu.sem_alloc : memref<!tpu.dma_semaphore, #tpu.memory_space<semaphore_mem>>
        %dma_start3A = arith.constant 0 : i32
        %dma_start3A_196 = tpu.memref_slice %arg10[%multiple_of3A_66, %dma_start3A] : memref<8448x128xf32, #tpu.memory_space<vmem_shared>> -> memref<48x128xf32, #tpu.memory_space<vmem_shared>>
        %dma_start3A_197 = arith.constant 0 : i32
        %dma_start3A_198 = tpu.memref_slice %arg10[%multiple_of3A_66, %dma_start3A_197] : memref<8448x128xf32, #tpu.memory_space<vmem_shared>> -> memref<48x128xf32, #tpu.memory_space<vmem_shared>>
        tpu.enqueue_dma source(%arg9 : memref<48x128xf32, #tpu.memory_space<vmem>>) target(%dma_start3A_198 : memref<48x128xf32, #tpu.memory_space<vmem_shared>>) target_semaphore(%run_scoped3A_195 : memref<!tpu.dma_semaphore, #tpu.memory_space<semaphore_mem>>)
        %dma_wait3A = arith.constant 0 : i32
        %dma_wait3A_199 = tpu.memref_slice %arg10[%multiple_of3A_66, %dma_wait3A] : memref<8448x128xf32, #tpu.memory_space<vmem_shared>> -> memref<48x128xf32, #tpu.memory_space<vmem_shared>>
        %dma_wait3A_200 = arith.constant 0 : i32
        %dma_wait3A_201 = tpu.memref_slice %arg10[%multiple_of3A_66, %dma_wait3A_200] : memref<8448x128xf32, #tpu.memory_space<vmem_shared>> -> memref<48x128xf32, #tpu.memory_space<vmem_shared>>
        tpu.wait_dma2 semaphore(%run_scoped3A_195 : memref<!tpu.dma_semaphore, #tpu.memory_space<semaphore_mem>>) src(%arg9 : memref<48x128xf32, #tpu.memory_space<vmem>>) dst(%dma_wait3A_201 : memref<48x128xf32, #tpu.memory_space<vmem_shared>>)
        tpu.yield
      }) : () -> ()
      %mul3A_67 = arith.constant 528 : i32
      %mul3A_68 = arith.muli %arg1, %mul3A_67 : i32
      %add3A_69 = arith.constant 432 : i32
      %add3A_70 = arith.addi %mul3A_68, %add3A_69 : i32
      %multiple_of3A_71 = tpu.assume_multiple %add3A_70, 8 : i32
      "tpu.region"() ({
        %run_scoped3A_195 = tpu.sem_alloc : memref<!tpu.dma_semaphore, #tpu.memory_space<semaphore_mem>>
        %dma_start3A = arith.constant 0 : i32
        %dma_start3A_196 = tpu.memref_slice %arg10[%multiple_of3A_71, %dma_start3A] : memref<8448x128xf32, #tpu.memory_space<vmem_shared>> -> memref<48x128xf32, #tpu.memory_space<vmem_shared>>
        %dma_start3A_197 = arith.constant 0 : i32
        %dma_start3A_198 = tpu.memref_slice %arg10[%multiple_of3A_71, %dma_start3A_197] : memref<8448x128xf32, #tpu.memory_space<vmem_shared>> -> memref<48x128xf32, #tpu.memory_space<vmem_shared>>
        tpu.enqueue_dma source(%arg9 : memref<48x128xf32, #tpu.memory_space<vmem>>) target(%dma_start3A_198 : memref<48x128xf32, #tpu.memory_space<vmem_shared>>) target_semaphore(%run_scoped3A_195 : memref<!tpu.dma_semaphore, #tpu.memory_space<semaphore_mem>>)
        %dma_wait3A = arith.constant 0 : i32
        %dma_wait3A_199 = tpu.memref_slice %arg10[%multiple_of3A_71, %dma_wait3A] : memref<8448x128xf32, #tpu.memory_space<vmem_shared>> -> memref<48x128xf32, #tpu.memory_space<vmem_shared>>
        %dma_wait3A_200 = arith.constant 0 : i32
        %dma_wait3A_201 = tpu.memref_slice %arg10[%multiple_of3A_71, %dma_wait3A_200] : memref<8448x128xf32, #tpu.memory_space<vmem_shared>> -> memref<48x128xf32, #tpu.memory_space<vmem_shared>>
        tpu.wait_dma2 semaphore(%run_scoped3A_195 : memref<!tpu.dma_semaphore, #tpu.memory_space<semaphore_mem>>) src(%arg9 : memref<48x128xf32, #tpu.memory_space<vmem>>) dst(%dma_wait3A_201 : memref<48x128xf32, #tpu.memory_space<vmem_shared>>)
        tpu.yield
      }) : () -> ()
      %mul3A_72 = arith.constant 528 : i32
      %mul3A_73 = arith.muli %arg1, %mul3A_72 : i32
      %add3A_74 = arith.constant 480 : i32
      %add3A_75 = arith.addi %mul3A_73, %add3A_74 : i32
      %multiple_of3A_76 = tpu.assume_multiple %add3A_75, 8 : i32
      "tpu.region"() ({
        %run_scoped3A_195 = tpu.sem_alloc : memref<!tpu.dma_semaphore, #tpu.memory_space<semaphore_mem>>
        %dma_start3A = arith.constant 0 : i32
        %dma_start3A_196 = tpu.memref_slice %arg10[%multiple_of3A_76, %dma_start3A] : memref<8448x128xf32, #tpu.memory_space<vmem_shared>> -> memref<48x128xf32, #tpu.memory_space<vmem_shared>>
        %dma_start3A_197 = arith.constant 0 : i32
        %dma_start3A_198 = tpu.memref_slice %arg10[%multiple_of3A_76, %dma_start3A_197] : memref<8448x128xf32, #tpu.memory_space<vmem_shared>> -> memref<48x128xf32, #tpu.memory_space<vmem_shared>>
        tpu.enqueue_dma source(%arg9 : memref<48x128xf32, #tpu.memory_space<vmem>>) target(%dma_start3A_198 : memref<48x128xf32, #tpu.memory_space<vmem_shared>>) target_semaphore(%run_scoped3A_195 : memref<!tpu.dma_semaphore, #tpu.memory_space<semaphore_mem>>)
        %dma_wait3A = arith.constant 0 : i32
        %dma_wait3A_199 = tpu.memref_slice %arg10[%multiple_of3A_76, %dma_wait3A] : memref<8448x128xf32, #tpu.memory_space<vmem_shared>> -> memref<48x128xf32, #tpu.memory_space<vmem_shared>>
        %dma_wait3A_200 = arith.constant 0 : i32
        %dma_wait3A_201 = tpu.memref_slice %arg10[%multiple_of3A_76, %dma_wait3A_200] : memref<8448x128xf32, #tpu.memory_space<vmem_shared>> -> memref<48x128xf32, #tpu.memory_space<vmem_shared>>
        tpu.wait_dma2 semaphore(%run_scoped3A_195 : memref<!tpu.dma_semaphore, #tpu.memory_space<semaphore_mem>>) src(%arg9 : memref<48x128xf32, #tpu.memory_space<vmem>>) dst(%dma_wait3A_201 : memref<48x128xf32, #tpu.memory_space<vmem_shared>>)
        tpu.yield
      }) : () -> ()
      %barrier3A = arith.constant 0 : index
      tpu.barrier barrier_id(%barrier3A)
      %scan3A_77 = arith.constant 0 : i32
      %scan3A_78 = arith.constant 0 : i32
      %scan3A_79 = arith.constant 784 : i32
      %scan3A_80 = arith.addi %scan3A_78, %scan3A_79 : i32
      %scan3A_81 = arith.constant 1 : i32
      %scan3A_82 = scf.for %scan3A_195 = %scan3A_78 to %scan3A_80 step %scan3A_81 iter_args(%scan3A_196 = %scan3A_77) -> (i32)  : i32 {
        %mul3A_197 = arith.constant 16 : i32
        %mul3A_198 = arith.muli %scan3A_195, %mul3A_197 : i32
        %multiple_of3A_199 = tpu.assume_multiple %mul3A_198, 16 : i32
        %get3A = arith.index_cast %multiple_of3A_199 : i32 to index
        %get3A_200 = tpu.vector_load %arg5[%get3A] {strides = array<i32>} : memref<12544xi32, #tpu.memory_space<vmem>>, vector<16xi32>,
        %and3A_201 = arith.constant 65535 : i32
        %and3A_202 = vector.broadcast %and3A_201 : i32 to vector<16xi32>
        %and3A_203 = arith.andi %get3A_200, %and3A_202 : vector<16xi32>
        %sub3A = vector.broadcast %multiple_of3A : i32 to vector<16xi32>
        %sub3A_204 = arith.subi %and3A_203, %sub3A : vector<16xi32>
        %ge3A = arith.constant 0 : i32
        %ge3A_205 = vector.broadcast %ge3A : i32 to vector<16xi32>
        %ge3A_206 = arith.cmpi sge, %sub3A_204, %ge3A_205 : vector<16xi32>
        %lt3A_207 = vector.broadcast %select_n3A : i32 to vector<16xi32>
        %lt3A_208 = arith.cmpi slt, %sub3A_204, %lt3A_207 : vector<16xi32>
        %and3A_209 = arith.andi %ge3A_206, %lt3A_208 : vector<16xi1>
        %convert_element_type3A_210 = arith.extui %and3A_209 : vector<16xi1> to vector<16xi32>
        %broadcast_in_dim3A_211 = arith.constant true
        %broadcast_in_dim3A_212 = vector.broadcast %broadcast_in_dim3A_211 : i1 to vector<16xi1>
        %masked_cumsum3A = tpu.scan <sum>, %convert_element_type3A_210 masked %broadcast_in_dim3A_212 : vector<16xi32>, vector<16xi1> -> vector<16xi32>
        %add3A_213 = vector.broadcast %scan3A_196 : i32 to vector<16xi32>
        %add3A_214 = arith.addi %add3A_213, %masked_cumsum3A : vector<16xi32>
        %sub3A_215 = arith.constant 1 : i32
        %sub3A_216 = vector.broadcast %sub3A_215 : i32 to vector<16xi32>
        %sub3A_217 = arith.subi %add3A_214, %sub3A_216 : vector<16xi32>
        %shift_right_arithmetic3A_218 = arith.constant 7 : i32
        %shift_right_arithmetic3A_219 = vector.broadcast %shift_right_arithmetic3A_218 : i32 to vector<16xi32>
        %shift_right_arithmetic3A_220 = arith.shrsi %sub3A_217, %shift_right_arithmetic3A_219 : vector<16xi32>
        %and3A_221 = arith.constant 127 : i32
        %and3A_222 = vector.broadcast %and3A_221 : i32 to vector<16xi32>
        %and3A_223 = arith.andi %sub3A_217, %and3A_222 : vector<16xi32>
        %shift_right_logical3A = arith.constant 16 : i32
        %shift_right_logical3A_224 = vector.broadcast %shift_right_logical3A : i32 to vector<16xi32>
        %shift_right_logical3A_225 = arith.shrui %get3A_200, %shift_right_logical3A_224 : vector<16xi32>
        tpu.vector_store_idx %arg6[%shift_right_arithmetic3A_220, %broadcast_in_dim3A_7, %and3A_223], %shift_right_logical3A_225 masked %and3A_209 : memref<100x1x128xi32, #tpu.memory_space<vmem>>[vector<16xi32>, vector<16xi32>, vector<16xi32>], vector<16xi32>, vector<16xi1>
        tpu.vector_store_idx %arg7[%shift_right_arithmetic3A_220, %broadcast_in_dim3A_7, %and3A_223], %sub3A_204 masked %and3A_209 : memref<100x1x128xi32, #tpu.memory_space<vmem>>[vector<16xi32>, vector<16xi32>, vector<16xi32>], vector<16xi32>, vector<16xi1>
        %slice3A = vector.extract_strided_slice %sub3A_217 {offsets = [15], sizes = [1], strides = [1]} : vector<16xi32> to vector<1xi32>
        %squeeze3A = vector.extract %slice3A[0] : i32 from vector<1xi32>
        %add3A_226 = arith.constant 1 : i32
        %add3A_227 = arith.addi %squeeze3A, %add3A_226 : i32
        scf.yield %add3A_227 : i32
      }
      %scan3A_83 = arith.constant 784 : i32
      %add3A_84 = arith.constant 0 : i32
      %add3A_85 = arith.addi %scan3A_82, %add3A_84 : i32
      %add3A_86 = vector.broadcast %add3A_85 : i32 to vector<16xi32>
      %add3A_87 = arith.addi %add3A_86, %iota3A : vector<16xi32>
      %shift_right_arithmetic3A = arith.constant 7 : i32
      %shift_right_arithmetic3A_88 = vector.broadcast %shift_right_arithmetic3A : i32 to vector<16xi32>
      %shift_right_arithmetic3A_89 = arith.shrsi %add3A_87, %shift_right_arithmetic3A_88 : vector<16xi32>
      %and3A = arith.constant 127 : i32
      %and3A_90 = vector.broadcast %and3A : i32 to vector<16xi32>
      %and3A_91 = arith.andi %add3A_87, %and3A_90 : vector<16xi32>
      tpu.vector_store_idx %arg6[%shift_right_arithmetic3A_89, %broadcast_in_dim3A_7, %and3A_91], %broadcast_in_dim3A_7 : memref<100x1x128xi32, #tpu.memory_space<vmem>>[vector<16xi32>, vector<16xi32>, vector<16xi32>], vector<16xi32>,
      tpu.vector_store_idx %arg7[%shift_right_arithmetic3A_89, %broadcast_in_dim3A_7, %and3A_91], %broadcast_in_dim3A_9 : memref<100x1x128xi32, #tpu.memory_space<vmem>>[vector<16xi32>, vector<16xi32>, vector<16xi32>], vector<16xi32>,
      %add3A_92 = arith.constant 16 : i32
      %add3A_93 = arith.addi %scan3A_82, %add3A_92 : i32
      %add3A_94 = vector.broadcast %add3A_93 : i32 to vector<16xi32>
      %add3A_95 = arith.addi %add3A_94, %iota3A : vector<16xi32>
      %shift_right_arithmetic3A_96 = arith.constant 7 : i32
      %shift_right_arithmetic3A_97 = vector.broadcast %shift_right_arithmetic3A_96 : i32 to vector<16xi32>
      %shift_right_arithmetic3A_98 = arith.shrsi %add3A_95, %shift_right_arithmetic3A_97 : vector<16xi32>
      %and3A_99 = arith.constant 127 : i32
      %and3A_100 = vector.broadcast %and3A_99 : i32 to vector<16xi32>
      %and3A_101 = arith.andi %add3A_95, %and3A_100 : vector<16xi32>
      tpu.vector_store_idx %arg6[%shift_right_arithmetic3A_98, %broadcast_in_dim3A_7, %and3A_101], %broadcast_in_dim3A_7 : memref<100x1x128xi32, #tpu.memory_space<vmem>>[vector<16xi32>, vector<16xi32>, vector<16xi32>], vector<16xi32>,
      tpu.vector_store_idx %arg7[%shift_right_arithmetic3A_98, %broadcast_in_dim3A_7, %and3A_101], %broadcast_in_dim3A_9 : memref<100x1x128xi32, #tpu.memory_space<vmem>>[vector<16xi32>, vector<16xi32>, vector<16xi32>], vector<16xi32>,
      %add3A_102 = arith.constant 32 : i32
      %add3A_103 = arith.addi %scan3A_82, %add3A_102 : i32
      %add3A_104 = vector.broadcast %add3A_103 : i32 to vector<16xi32>
      %add3A_105 = arith.addi %add3A_104, %iota3A : vector<16xi32>
      %shift_right_arithmetic3A_106 = arith.constant 7 : i32
      %shift_right_arithmetic3A_107 = vector.broadcast %shift_right_arithmetic3A_106 : i32 to vector<16xi32>
      %shift_right_arithmetic3A_108 = arith.shrsi %add3A_105, %shift_right_arithmetic3A_107 : vector<16xi32>
      %and3A_109 = arith.constant 127 : i32
      %and3A_110 = vector.broadcast %and3A_109 : i32 to vector<16xi32>
      %and3A_111 = arith.andi %add3A_105, %and3A_110 : vector<16xi32>
      tpu.vector_store_idx %arg6[%shift_right_arithmetic3A_108, %broadcast_in_dim3A_7, %and3A_111], %broadcast_in_dim3A_7 : memref<100x1x128xi32, #tpu.memory_space<vmem>>[vector<16xi32>, vector<16xi32>, vector<16xi32>], vector<16xi32>,
      tpu.vector_store_idx %arg7[%shift_right_arithmetic3A_108, %broadcast_in_dim3A_7, %and3A_111], %broadcast_in_dim3A_9 : memref<100x1x128xi32, #tpu.memory_space<vmem>>[vector<16xi32>, vector<16xi32>, vector<16xi32>], vector<16xi32>,
      %add3A_112 = arith.constant 48 : i32
      %add3A_113 = arith.addi %scan3A_82, %add3A_112 : i32
      %add3A_114 = vector.broadcast %add3A_113 : i32 to vector<16xi32>
      %add3A_115 = arith.addi %add3A_114, %iota3A : vector<16xi32>
      %shift_right_arithmetic3A_116 = arith.constant 7 : i32
      %shift_right_arithmetic3A_117 = vector.broadcast %shift_right_arithmetic3A_116 : i32 to vector<16xi32>
      %shift_right_arithmetic3A_118 = arith.shrsi %add3A_115, %shift_right_arithmetic3A_117 : vector<16xi32>
      %and3A_119 = arith.constant 127 : i32
      %and3A_120 = vector.broadcast %and3A_119 : i32 to vector<16xi32>
      %and3A_121 = arith.andi %add3A_115, %and3A_120 : vector<16xi32>
      tpu.vector_store_idx %arg6[%shift_right_arithmetic3A_118, %broadcast_in_dim3A_7, %and3A_121], %broadcast_in_dim3A_7 : memref<100x1x128xi32, #tpu.memory_space<vmem>>[vector<16xi32>, vector<16xi32>, vector<16xi32>], vector<16xi32>,
      tpu.vector_store_idx %arg7[%shift_right_arithmetic3A_118, %broadcast_in_dim3A_7, %and3A_121], %broadcast_in_dim3A_9 : memref<100x1x128xi32, #tpu.memory_space<vmem>>[vector<16xi32>, vector<16xi32>, vector<16xi32>], vector<16xi32>,
      %add3A_122 = arith.constant 64 : i32
      %add3A_123 = arith.addi %scan3A_82, %add3A_122 : i32
      %add3A_124 = vector.broadcast %add3A_123 : i32 to vector<16xi32>
      %add3A_125 = arith.addi %add3A_124, %iota3A : vector<16xi32>
      %shift_right_arithmetic3A_126 = arith.constant 7 : i32
      %shift_right_arithmetic3A_127 = vector.broadcast %shift_right_arithmetic3A_126 : i32 to vector<16xi32>
      %shift_right_arithmetic3A_128 = arith.shrsi %add3A_125, %shift_right_arithmetic3A_127 : vector<16xi32>
      %and3A_129 = arith.constant 127 : i32
      %and3A_130 = vector.broadcast %and3A_129 : i32 to vector<16xi32>
      %and3A_131 = arith.andi %add3A_125, %and3A_130 : vector<16xi32>
      tpu.vector_store_idx %arg6[%shift_right_arithmetic3A_128, %broadcast_in_dim3A_7, %and3A_131], %broadcast_in_dim3A_7 : memref<100x1x128xi32, #tpu.memory_space<vmem>>[vector<16xi32>, vector<16xi32>, vector<16xi32>], vector<16xi32>,
      tpu.vector_store_idx %arg7[%shift_right_arithmetic3A_128, %broadcast_in_dim3A_7, %and3A_131], %broadcast_in_dim3A_9 : memref<100x1x128xi32, #tpu.memory_space<vmem>>[vector<16xi32>, vector<16xi32>, vector<16xi32>], vector<16xi32>,
      %add3A_132 = arith.constant 80 : i32
      %add3A_133 = arith.addi %scan3A_82, %add3A_132 : i32
      %add3A_134 = vector.broadcast %add3A_133 : i32 to vector<16xi32>
      %add3A_135 = arith.addi %add3A_134, %iota3A : vector<16xi32>
      %shift_right_arithmetic3A_136 = arith.constant 7 : i32
      %shift_right_arithmetic3A_137 = vector.broadcast %shift_right_arithmetic3A_136 : i32 to vector<16xi32>
      %shift_right_arithmetic3A_138 = arith.shrsi %add3A_135, %shift_right_arithmetic3A_137 : vector<16xi32>
      %and3A_139 = arith.constant 127 : i32
      %and3A_140 = vector.broadcast %and3A_139 : i32 to vector<16xi32>
      %and3A_141 = arith.andi %add3A_135, %and3A_140 : vector<16xi32>
      tpu.vector_store_idx %arg6[%shift_right_arithmetic3A_138, %broadcast_in_dim3A_7, %and3A_141], %broadcast_in_dim3A_7 : memref<100x1x128xi32, #tpu.memory_space<vmem>>[vector<16xi32>, vector<16xi32>, vector<16xi32>], vector<16xi32>,
      tpu.vector_store_idx %arg7[%shift_right_arithmetic3A_138, %broadcast_in_dim3A_7, %and3A_141], %broadcast_in_dim3A_9 : memref<100x1x128xi32, #tpu.memory_space<vmem>>[vector<16xi32>, vector<16xi32>, vector<16xi32>], vector<16xi32>,
      %add3A_142 = arith.constant 96 : i32
      %add3A_143 = arith.addi %scan3A_82, %add3A_142 : i32
      %add3A_144 = vector.broadcast %add3A_143 : i32 to vector<16xi32>
      %add3A_145 = arith.addi %add3A_144, %iota3A : vector<16xi32>
      %shift_right_arithmetic3A_146 = arith.constant 7 : i32
      %shift_right_arithmetic3A_147 = vector.broadcast %shift_right_arithmetic3A_146 : i32 to vector<16xi32>
      %shift_right_arithmetic3A_148 = arith.shrsi %add3A_145, %shift_right_arithmetic3A_147 : vector<16xi32>
      %and3A_149 = arith.constant 127 : i32
      %and3A_150 = vector.broadcast %and3A_149 : i32 to vector<16xi32>
      %and3A_151 = arith.andi %add3A_145, %and3A_150 : vector<16xi32>
      tpu.vector_store_idx %arg6[%shift_right_arithmetic3A_148, %broadcast_in_dim3A_7, %and3A_151], %broadcast_in_dim3A_7 : memref<100x1x128xi32, #tpu.memory_space<vmem>>[vector<16xi32>, vector<16xi32>, vector<16xi32>], vector<16xi32>,
      tpu.vector_store_idx %arg7[%shift_right_arithmetic3A_148, %broadcast_in_dim3A_7, %and3A_151], %broadcast_in_dim3A_9 : memref<100x1x128xi32, #tpu.memory_space<vmem>>[vector<16xi32>, vector<16xi32>, vector<16xi32>], vector<16xi32>,
      %add3A_152 = arith.constant 112 : i32
      %add3A_153 = arith.addi %scan3A_82, %add3A_152 : i32
      %add3A_154 = vector.broadcast %add3A_153 : i32 to vector<16xi32>
      %add3A_155 = arith.addi %add3A_154, %iota3A : vector<16xi32>
      %shift_right_arithmetic3A_156 = arith.constant 7 : i32
      %shift_right_arithmetic3A_157 = vector.broadcast %shift_right_arithmetic3A_156 : i32 to vector<16xi32>
      %shift_right_arithmetic3A_158 = arith.shrsi %add3A_155, %shift_right_arithmetic3A_157 : vector<16xi32>
      %and3A_159 = arith.constant 127 : i32
      %and3A_160 = vector.broadcast %and3A_159 : i32 to vector<16xi32>
      %and3A_161 = arith.andi %add3A_155, %and3A_160 : vector<16xi32>
      tpu.vector_store_idx %arg6[%shift_right_arithmetic3A_158, %broadcast_in_dim3A_7, %and3A_161], %broadcast_in_dim3A_7 : memref<100x1x128xi32, #tpu.memory_space<vmem>>[vector<16xi32>, vector<16xi32>, vector<16xi32>], vector<16xi32>,
      tpu.vector_store_idx %arg7[%shift_right_arithmetic3A_158, %broadcast_in_dim3A_7, %and3A_161], %broadcast_in_dim3A_9 : memref<100x1x128xi32, #tpu.memory_space<vmem>>[vector<16xi32>, vector<16xi32>, vector<16xi32>], vector<16xi32>,
      %add3A_162 = arith.constant 127 : i32
      %add3A_163 = arith.addi %scan3A_82, %add3A_162 : i32
      %shift_right_arithmetic3A_164 = arith.constant 7 : i32
      %shift_right_arithmetic3A_165 = arith.shrsi %add3A_163, %shift_right_arithmetic3A_164 : i32
      %while3A = arith.constant 0 : i32
      %while3A_166 = arith.constant 0 : i32
      %while3A_167 = arith.subi %shift_right_arithmetic3A_165, %while3A_166 : i32
      %while3A_168 = arith.addi %while3A_166, %while3A_167 : i32
      %while3A_169 = arith.constant 1 : i32
      %while3A_170 = arith.divsi %while3A_167, %while3A_169 : i32
      %while3A_171 = arith.muli %while3A_170, %while3A_169 : i32
      %while3A_172 = arith.addi %while3A_166, %while3A_171 : i32
      %while3A_173 = arith.constant 1 : i32
      scf.for %while3A_195 = %while3A_166 to %while3A_172 step %while3A_173  : i32 {
        %dma_start3A = arith.constant 0 : i32
        %dma_start3A_196 = arith.constant 0 : i32
        %dma_start3A_197 = tpu.memref_slice %arg6[%while3A_195, %dma_start3A, %dma_start3A_196] : memref<100x1x128xi32, #tpu.memory_space<vmem>> -> memref<1x1x128xi32, #tpu.memory_space<vmem>>
        %dma_start3A_198 = tpu.memref_squeeze %dma_start3A_197 : memref<1x1x128xi32, #tpu.memory_space<vmem>> -> memref<128xi32, #tpu.memory_space<vmem>>
        %dma_start3A_199 = arith.constant 0 : i32
        %dma_start3A_200 = arith.constant 0 : i32
        %dma_start3A_201 = tpu.memref_slice %arg2[%dma_start3A_199, %dma_start3A_200] : memref<50000x128xf32, #tpu.memory_space<hbm>> -> memref<50000x128xf32, #tpu.memory_space<hbm>>
        tpu.enqueue_indirect_dma source(%dma_start3A_201 : memref<50000x128xf32, #tpu.memory_space<hbm>>) target(%arg8 : memref<128x128xf32, #tpu.memory_space<vmem>>) offsets(%dma_start3A_198 : memref<128xi32, #tpu.memory_space<vmem>>) semaphore(%arg11 : memref<!tpu.dma_semaphore, #tpu.memory_space<semaphore_mem>>)
        %dma_wait3A = arith.constant 0 : i32
        %dma_wait3A_202 = arith.constant 0 : i32
        %dma_wait3A_203 = tpu.memref_slice %arg6[%while3A_195, %dma_wait3A, %dma_wait3A_202] : memref<100x1x128xi32, #tpu.memory_space<vmem>> -> memref<1x1x128xi32, #tpu.memory_space<vmem>>
        %dma_wait3A_204 = tpu.memref_squeeze %dma_wait3A_203 : memref<1x1x128xi32, #tpu.memory_space<vmem>> -> memref<128xi32, #tpu.memory_space<vmem>>
        %dma_wait3A_205 = arith.constant 0 : i32
        %dma_wait3A_206 = arith.constant 0 : i32
        %dma_wait3A_207 = tpu.memref_slice %arg2[%dma_wait3A_205, %dma_wait3A_206] : memref<50000x128xf32, #tpu.memory_space<hbm>> -> memref<50000x128xf32, #tpu.memory_space<hbm>>
        tpu.wait_indirect_dma semaphore(%arg11 : memref<!tpu.dma_semaphore, #tpu.memory_space<semaphore_mem>>) src(%dma_wait3A_207 : memref<50000x128xf32, #tpu.memory_space<hbm>>) dst(%arg8 : memref<128x128xf32, #tpu.memory_space<vmem>>)
        %run_scoped3A_208 = arith.constant 0 : i32
        "tpu.region"() ({
          %run_scoped3A_209 = tpu.sem_alloc : memref<!tpu.dma_semaphore, #tpu.memory_space<semaphore_mem>>
          %dma_start3A_210 = arith.constant 0 : i32
          %dma_start3A_211 = tpu.memref_slice %arg7[%while3A_195, %run_scoped3A_208, %dma_start3A_210] : memref<100x1x128xi32, #tpu.memory_space<vmem>> -> memref<1x1x128xi32, #tpu.memory_space<vmem>>
          %dma_start3A_212 = tpu.memref_squeeze %dma_start3A_211 : memref<1x1x128xi32, #tpu.memory_space<vmem>> -> memref<128xi32, #tpu.memory_space<vmem>>
          %dma_start3A_213 = arith.constant 0 : i32
          %dma_start3A_214 = arith.constant 0 : i32
          %dma_start3A_215 = tpu.memref_slice %arg10[%dma_start3A_213, %dma_start3A_214] : memref<8448x128xf32, #tpu.memory_space<vmem_shared>> -> memref<8448x128xf32, #tpu.memory_space<vmem_shared>>
          tpu.enqueue_indirect_dma source(%arg8 : memref<128x128xf32, #tpu.memory_space<vmem>>) target(%dma_start3A_215 : memref<8448x128xf32, #tpu.memory_space<vmem_shared>>) offsets(%dma_start3A_212 : memref<128xi32, #tpu.memory_space<vmem>>) semaphore(%run_scoped3A_209 : memref<!tpu.dma_semaphore, #tpu.memory_space<semaphore_mem>>) {add = true}
          %dma_wait3A_216 = arith.constant 0 : i32
          %dma_wait3A_217 = tpu.memref_slice %arg7[%while3A_195, %run_scoped3A_208, %dma_wait3A_216] : memref<100x1x128xi32, #tpu.memory_space<vmem>> -> memref<1x1x128xi32, #tpu.memory_space<vmem>>
          %dma_wait3A_218 = tpu.memref_squeeze %dma_wait3A_217 : memref<1x1x128xi32, #tpu.memory_space<vmem>> -> memref<128xi32, #tpu.memory_space<vmem>>
          %dma_wait3A_219 = arith.constant 0 : i32
          %dma_wait3A_220 = arith.constant 0 : i32
          %dma_wait3A_221 = tpu.memref_slice %arg10[%dma_wait3A_219, %dma_wait3A_220] : memref<8448x128xf32, #tpu.memory_space<vmem_shared>> -> memref<8448x128xf32, #tpu.memory_space<vmem_shared>>
          tpu.wait_indirect_dma semaphore(%run_scoped3A_209 : memref<!tpu.dma_semaphore, #tpu.memory_space<semaphore_mem>>) src(%arg8 : memref<128x128xf32, #tpu.memory_space<vmem>>) dst(%dma_wait3A_221 : memref<8448x128xf32, #tpu.memory_space<vmem_shared>>)
          tpu.yield
        }) : () -> ()
      }
      %while3A_174 = arith.constant 1 : i32
      scf.for %while3A_195 = %while3A_172 to %while3A_168 step %while3A_174  : i32 {
        %dma_start3A = arith.constant 0 : i32
        %dma_start3A_196 = arith.constant 0 : i32
        %dma_start3A_197 = tpu.memref_slice %arg6[%while3A_195, %dma_start3A, %dma_start3A_196] : memref<100x1x128xi32, #tpu.memory_space<vmem>> -> memref<1x1x128xi32, #tpu.memory_space<vmem>>
        %dma_start3A_198 = tpu.memref_squeeze %dma_start3A_197 : memref<1x1x128xi32, #tpu.memory_space<vmem>> -> memref<128xi32, #tpu.memory_space<vmem>>
        %dma_start3A_199 = arith.constant 0 : i32
        %dma_start3A_200 = arith.constant 0 : i32
        %dma_start3A_201 = tpu.memref_slice %arg2[%dma_start3A_199, %dma_start3A_200] : memref<50000x128xf32, #tpu.memory_space<hbm>> -> memref<50000x128xf32, #tpu.memory_space<hbm>>
        tpu.enqueue_indirect_dma source(%dma_start3A_201 : memref<50000x128xf32, #tpu.memory_space<hbm>>) target(%arg8 : memref<128x128xf32, #tpu.memory_space<vmem>>) offsets(%dma_start3A_198 : memref<128xi32, #tpu.memory_space<vmem>>) semaphore(%arg11 : memref<!tpu.dma_semaphore, #tpu.memory_space<semaphore_mem>>)
        %dma_wait3A = arith.constant 0 : i32
        %dma_wait3A_202 = arith.constant 0 : i32
        %dma_wait3A_203 = tpu.memref_slice %arg6[%while3A_195, %dma_wait3A, %dma_wait3A_202] : memref<100x1x128xi32, #tpu.memory_space<vmem>> -> memref<1x1x128xi32, #tpu.memory_space<vmem>>
        %dma_wait3A_204 = tpu.memref_squeeze %dma_wait3A_203 : memref<1x1x128xi32, #tpu.memory_space<vmem>> -> memref<128xi32, #tpu.memory_space<vmem>>
        %dma_wait3A_205 = arith.constant 0 : i32
        %dma_wait3A_206 = arith.constant 0 : i32
        %dma_wait3A_207 = tpu.memref_slice %arg2[%dma_wait3A_205, %dma_wait3A_206] : memref<50000x128xf32, #tpu.memory_space<hbm>> -> memref<50000x128xf32, #tpu.memory_space<hbm>>
        tpu.wait_indirect_dma semaphore(%arg11 : memref<!tpu.dma_semaphore, #tpu.memory_space<semaphore_mem>>) src(%dma_wait3A_207 : memref<50000x128xf32, #tpu.memory_space<hbm>>) dst(%arg8 : memref<128x128xf32, #tpu.memory_space<vmem>>)
        %run_scoped3A_208 = arith.constant 0 : i32
        "tpu.region"() ({
          %run_scoped3A_209 = tpu.sem_alloc : memref<!tpu.dma_semaphore, #tpu.memory_space<semaphore_mem>>
          %dma_start3A_210 = arith.constant 0 : i32
          %dma_start3A_211 = tpu.memref_slice %arg7[%while3A_195, %run_scoped3A_208, %dma_start3A_210] : memref<100x1x128xi32, #tpu.memory_space<vmem>> -> memref<1x1x128xi32, #tpu.memory_space<vmem>>
          %dma_start3A_212 = tpu.memref_squeeze %dma_start3A_211 : memref<1x1x128xi32, #tpu.memory_space<vmem>> -> memref<128xi32, #tpu.memory_space<vmem>>
          %dma_start3A_213 = arith.constant 0 : i32
          %dma_start3A_214 = arith.constant 0 : i32
          %dma_start3A_215 = tpu.memref_slice %arg10[%dma_start3A_213, %dma_start3A_214] : memref<8448x128xf32, #tpu.memory_space<vmem_shared>> -> memref<8448x128xf32, #tpu.memory_space<vmem_shared>>
          tpu.enqueue_indirect_dma source(%arg8 : memref<128x128xf32, #tpu.memory_space<vmem>>) target(%dma_start3A_215 : memref<8448x128xf32, #tpu.memory_space<vmem_shared>>) offsets(%dma_start3A_212 : memref<128xi32, #tpu.memory_space<vmem>>) semaphore(%run_scoped3A_209 : memref<!tpu.dma_semaphore, #tpu.memory_space<semaphore_mem>>) {add = true}
          %dma_wait3A_216 = arith.constant 0 : i32
          %dma_wait3A_217 = tpu.memref_slice %arg7[%while3A_195, %run_scoped3A_208, %dma_wait3A_216] : memref<100x1x128xi32, #tpu.memory_space<vmem>> -> memref<1x1x128xi32, #tpu.memory_space<vmem>>
          %dma_wait3A_218 = tpu.memref_squeeze %dma_wait3A_217 : memref<1x1x128xi32, #tpu.memory_space<vmem>> -> memref<128xi32, #tpu.memory_space<vmem>>
          %dma_wait3A_219 = arith.constant 0 : i32
          %dma_wait3A_220 = arith.constant 0 : i32
          %dma_wait3A_221 = tpu.memref_slice %arg10[%dma_wait3A_219, %dma_wait3A_220] : memref<8448x128xf32, #tpu.memory_space<vmem_shared>> -> memref<8448x128xf32, #tpu.memory_space<vmem_shared>>
          tpu.wait_indirect_dma semaphore(%run_scoped3A_209 : memref<!tpu.dma_semaphore, #tpu.memory_space<semaphore_mem>>) src(%arg8 : memref<128x128xf32, #tpu.memory_space<vmem>>) dst(%dma_wait3A_221 : memref<8448x128xf32, #tpu.memory_space<vmem_shared>>)
          tpu.yield
        }) : () -> ()
      }
      %barrier3A_175 = arith.constant 0 : index
      tpu.barrier barrier_id(%barrier3A_175)
      %lt3A = arith.constant 15 : i32
      %lt3A_176 = arith.cmpi slt, %arg1, %lt3A : i32
      %convert_element_type3A = arith.extui %lt3A_176 : i1 to i32
      %cond3A = arith.constant 0 : i32
      %cond3A_177 = arith.cmpi ne, %convert_element_type3A, %cond3A : i32
      scf.if %cond3A_177 {
        %mul3A_195 = arith.constant 520 : i32
        %mul3A_196 = arith.muli %arg1, %mul3A_195 : i32
        %multiple_of3A_197 = tpu.assume_multiple %mul3A_196, 8 : i32
        %add3A_198 = arith.addi %multiple_of3A, %multiple_of3A_197 : i32
        "tpu.region"() ({
          %run_scoped3A_199 = tpu.sem_alloc : memref<!tpu.dma_semaphore, #tpu.memory_space<semaphore_mem>>
          %dma_start3A = arith.constant 0 : i32
          %dma_start3A_200 = tpu.memref_slice %arg4[%add3A_198, %dma_start3A] : memref<50000x128xf32, #tpu.memory_space<hbm>> -> memref<520x128xf32, #tpu.memory_space<hbm>>
          %dma_start3A_201 = arith.constant 0 : i32
          %dma_start3A_202 = tpu.memref_slice %arg10[%multiple_of3A_197, %dma_start3A_201] : memref<8448x128xf32, #tpu.memory_space<vmem_shared>> -> memref<520x128xf32, #tpu.memory_space<vmem_shared>>
          tpu.enqueue_dma source(%dma_start3A_202 : memref<520x128xf32, #tpu.memory_space<vmem_shared>>) target(%dma_start3A_200 : memref<520x128xf32, #tpu.memory_space<hbm>>) target_semaphore(%run_scoped3A_199 : memref<!tpu.dma_semaphore, #tpu.memory_space<semaphore_mem>>)
          %dma_wait3A = arith.constant 0 : i32
          %dma_wait3A_203 = tpu.memref_slice %arg4[%add3A_198, %dma_wait3A] : memref<50000x128xf32, #tpu.memory_space<hbm>> -> memref<520x128xf32, #tpu.memory_space<hbm>>
          %dma_wait3A_204 = arith.constant 0 : i32
          %dma_wait3A_205 = tpu.memref_slice %arg10[%multiple_of3A_197, %dma_wait3A_204] : memref<8448x128xf32, #tpu.memory_space<vmem_shared>> -> memref<520x128xf32, #tpu.memory_space<vmem_shared>>
          tpu.wait_dma2 semaphore(%run_scoped3A_199 : memref<!tpu.dma_semaphore, #tpu.memory_space<semaphore_mem>>) src(%dma_wait3A_205 : memref<520x128xf32, #tpu.memory_space<vmem_shared>>) dst(%dma_wait3A_203 : memref<520x128xf32, #tpu.memory_space<hbm>>)
          tpu.yield
        }) : () -> ()
      } else {
      }
      %eq3A_178 = arith.constant 15 : i32
      %eq3A_179 = arith.cmpi eq, %arg1, %eq3A_178 : i32
      %lt3A_180 = arith.constant 5 : i32
      %lt3A_181 = arith.cmpi slt, %add3A, %lt3A_180 : i32
      %and3A_182 = arith.andi %eq3A_179, %lt3A_181 : i1
      %convert_element_type3A_183 = arith.extui %and3A_182 : i1 to i32
      %cond3A_184 = arith.constant 0 : i32
      %cond3A_185 = arith.cmpi ne, %convert_element_type3A_183, %cond3A_184 : i32
      scf.if %cond3A_185 {
        %add3A_195 = arith.constant 7800 : i32
        %add3A_196 = arith.addi %multiple_of3A, %add3A_195 : i32
        "tpu.region"() ({
          %run_scoped3A_197 = tpu.sem_alloc : memref<!tpu.dma_semaphore, #tpu.memory_space<semaphore_mem>>
          %dma_start3A = arith.constant 0 : i32
          %dma_start3A_198 = tpu.memref_slice %arg4[%add3A_196, %dma_start3A] : memref<50000x128xf32, #tpu.memory_space<hbm>> -> memref<536x128xf32, #tpu.memory_space<hbm>>
          %dma_start3A_199 = arith.constant 7800 : i32
          %dma_start3A_200 = arith.constant 0 : i32
          %dma_start3A_201 = tpu.memref_slice %arg10[%dma_start3A_199, %dma_start3A_200] : memref<8448x128xf32, #tpu.memory_space<vmem_shared>> -> memref<536x128xf32, #tpu.memory_space<vmem_shared>>
          tpu.enqueue_dma source(%dma_start3A_201 : memref<536x128xf32, #tpu.memory_space<vmem_shared>>) target(%dma_start3A_198 : memref<536x128xf32, #tpu.memory_space<hbm>>) target_semaphore(%run_scoped3A_197 : memref<!tpu.dma_semaphore, #tpu.memory_space<semaphore_mem>>)
          %dma_wait3A = arith.constant 0 : i32
          %dma_wait3A_202 = tpu.memref_slice %arg4[%add3A_196, %dma_wait3A] : memref<50000x128xf32, #tpu.memory_space<hbm>> -> memref<536x128xf32, #tpu.memory_space<hbm>>
          %dma_wait3A_203 = arith.constant 7800 : i32
          %dma_wait3A_204 = arith.constant 0 : i32
          %dma_wait3A_205 = tpu.memref_slice %arg10[%dma_wait3A_203, %dma_wait3A_204] : memref<8448x128xf32, #tpu.memory_space<vmem_shared>> -> memref<536x128xf32, #tpu.memory_space<vmem_shared>>
          tpu.wait_dma2 semaphore(%run_scoped3A_197 : memref<!tpu.dma_semaphore, #tpu.memory_space<semaphore_mem>>) src(%dma_wait3A_205 : memref<536x128xf32, #tpu.memory_space<vmem_shared>>) dst(%dma_wait3A_202 : memref<536x128xf32, #tpu.memory_space<hbm>>)
          tpu.yield
        }) : () -> ()
      } else {
      }
      %eq3A_186 = arith.constant 15 : i32
      %eq3A_187 = arith.cmpi eq, %arg1, %eq3A_186 : i32
      %eq3A_188 = arith.constant 5 : i32
      %eq3A_189 = arith.cmpi eq, %add3A, %eq3A_188 : i32
      %and3A_190 = arith.andi %eq3A_187, %eq3A_189 : i1
      %convert_element_type3A_191 = arith.extui %and3A_190 : i1 to i32
      %cond3A_192 = arith.constant 0 : i32
      %cond3A_193 = arith.cmpi ne, %convert_element_type3A_191, %cond3A_192 : i32
      scf.if %cond3A_193 {
        %add3A_195 = arith.constant 7800 : i32
        %add3A_196 = arith.addi %multiple_of3A, %add3A_195 : i32
        "tpu.region"() ({
          %run_scoped3A_197 = tpu.sem_alloc : memref<!tpu.dma_semaphore, #tpu.memory_space<semaphore_mem>>
          %dma_start3A = arith.constant 0 : i32
          %dma_start3A_198 = tpu.memref_slice %arg4[%add3A_196, %dma_start3A] : memref<50000x128xf32, #tpu.memory_space<hbm>> -> memref<520x128xf32, #tpu.memory_space<hbm>>
          %dma_start3A_199 = arith.constant 7800 : i32
          %dma_start3A_200 = arith.constant 0 : i32
          %dma_start3A_201 = tpu.memref_slice %arg10[%dma_start3A_199, %dma_start3A_200] : memref<8448x128xf32, #tpu.memory_space<vmem_shared>> -> memref<520x128xf32, #tpu.memory_space<vmem_shared>>
          tpu.enqueue_dma source(%dma_start3A_201 : memref<520x128xf32, #tpu.memory_space<vmem_shared>>) target(%dma_start3A_198 : memref<520x128xf32, #tpu.memory_space<hbm>>) target_semaphore(%run_scoped3A_197 : memref<!tpu.dma_semaphore, #tpu.memory_space<semaphore_mem>>)
          %dma_wait3A = arith.constant 0 : i32
          %dma_wait3A_202 = tpu.memref_slice %arg4[%add3A_196, %dma_wait3A] : memref<50000x128xf32, #tpu.memory_space<hbm>> -> memref<520x128xf32, #tpu.memory_space<hbm>>
          %dma_wait3A_203 = arith.constant 7800 : i32
          %dma_wait3A_204 = arith.constant 0 : i32
          %dma_wait3A_205 = tpu.memref_slice %arg10[%dma_wait3A_203, %dma_wait3A_204] : memref<8448x128xf32, #tpu.memory_space<vmem_shared>> -> memref<520x128xf32, #tpu.memory_space<vmem_shared>>
          tpu.wait_dma2 semaphore(%run_scoped3A_197 : memref<!tpu.dma_semaphore, #tpu.memory_space<semaphore_mem>>) src(%dma_wait3A_205 : memref<520x128xf32, #tpu.memory_space<vmem_shared>>) dst(%dma_wait3A_202 : memref<520x128xf32, #tpu.memory_space<hbm>>)
          tpu.yield
        }) : () -> ()
      } else {
      }
      %barrier3A_194 = arith.constant 0 : index
      tpu.barrier barrier_id(%barrier3A_194)
    }
    %scan3A_15 = arith.constant 3 : i32
    return
  }
}

module attributes {stable_mosaic.version = 14 : i64} {
  func.func @_fc_body(%arg0: i32, %arg1: memref<2000x128xf32, #tpu.memory_space<vmem>>, %arg2: memref<128x128xf32, #tpu.memory_space<vmem>>, %arg3: memref<1x128xf32, #tpu.memory_space<vmem>>, %arg4: memref<2000x128xf32, #tpu.memory_space<vmem>>) attributes {dimension_semantics = [#tpu.dimension_semantics<arbitrary>], iteration_bounds = array<i64: 25>, scalar_prefetch = 0 : i64, scratch_operands = 0 : i64, tpu.core_type = #tpu.core_type<tc>, window_params = [{transform_indices = @transform_0, window_bounds = array<i64: 2000, 128>}, {pipeline_mode = #tpu.pipeline_mode<synchronous>, transform_indices = @transform_1, window_bounds = array<i64: 128, 128>}, {pipeline_mode = #tpu.pipeline_mode<synchronous>, transform_indices = @transform_2, window_bounds = array<i64: 1, 128>}, {transform_indices = @transform_3, window_bounds = array<i64: 2000, 128>}]} {
    %get3A = arith.constant 0 : index
    %get3A_0 = arith.constant 0 : index
    %get3A_1 = vector.load %arg1[%get3A, %get3A_0] : memref<2000x128xf32, #tpu.memory_space<vmem>>, vector<2000x128xf32>
    %get3A_2 = arith.constant 0 : index
    %get3A_3 = arith.constant 0 : index
    %get3A_4 = vector.load %arg2[%get3A_2, %get3A_3] : memref<128x128xf32, #tpu.memory_space<vmem>>, vector<128x128xf32>
    %dot_general3A = arith.constant dense<0.000000e+00> : vector<2000x128xf32>
    %dot_general3A_5 = tpu.matmul %get3A_1, %get3A_4, %dot_general3A {dimension_numbers = #tpu.dot_dimension_numbers<[1], [0], [0], [1], [0, 0, 1, 1], [], []>, transpose_lhs_hint = false} : vector<2000x128xf32>, vector<128x128xf32>, vector<2000x128xf32> -> vector<2000x128xf32>
    %get3A_6 = arith.constant 0 : index
    %get3A_7 = arith.constant 0 : index
    %get3A_8 = vector.load %arg3[%get3A_6, %get3A_7] : memref<1x128xf32, #tpu.memory_space<vmem>>, vector<1x128xf32>
    %add3A = vector.broadcast %get3A_8 : vector<1x128xf32> to vector<2000x128xf32>
    %add3A_9 = arith.addf %dot_general3A_5, %add3A : vector<2000x128xf32>
    %max3A = arith.constant 0.000000e+00 : f32
    %max3A_10 = vector.broadcast %max3A : f32 to vector<2000x128xf32>
    %max3A_11 = arith.maximumf %add3A_9, %max3A_10 : vector<2000x128xf32>
    %swap3A = arith.constant 0 : index
    %swap3A_12 = arith.constant 0 : index
    %swap3A_13 = vector.load %arg4[%swap3A, %swap3A_12] : memref<2000x128xf32, #tpu.memory_space<vmem>>, vector<2000x128xf32>
    tpu.vector_store %arg4[%swap3A, %swap3A_12], %max3A_11 {strides = array<i32>} : memref<2000x128xf32, #tpu.memory_space<vmem>>, vector<2000x128xf32>,
    return
  }
  func.func @transform_0(%arg0: i32) -> (i32, i32) {
    %c0_i32 = arith.constant 0 : i32
    %c0_i32_0 = arith.constant 0 : i32
    return %arg0, %c0_i32 : i32, i32
  }
  func.func @transform_1(%arg0: i32) -> (i32, i32) {
    %c0_i32 = arith.constant 0 : i32
    %c0_i32_0 = arith.constant 0 : i32
    %c0_i32_1 = arith.constant 0 : i32
    return %c0_i32, %c0_i32_0 : i32, i32
  }
  func.func @transform_2(%arg0: i32) -> (i32, i32) {
    %c0_i32 = arith.constant 0 : i32
    %c0_i32_0 = arith.constant 0 : i32
    %c0_i32_1 = arith.constant 0 : i32
    return %c0_i32, %c0_i32_0 : i32, i32
  }
  func.func @transform_3(%arg0: i32) -> (i32, i32) {
    %c0_i32 = arith.constant 0 : i32
    %c0_i32_0 = arith.constant 0 : i32
    return %arg0, %c0_i32 : i32, i32
  }
}

module attributes {stable_mosaic.version = 14 : i64} {
  func.func @_gin2_body(%arg0: i32, %arg1: memref<2000x128xf32, #tpu.memory_space<vmem>>, %arg2: memref<2000x128xf32, #tpu.memory_space<vmem>>, %arg3: memref<2000x128xf32, #tpu.memory_space<vmem>>, %arg4: memref<128x128xf32, #tpu.memory_space<vmem>>, %arg5: memref<1x128xf32, #tpu.memory_space<vmem>>, %arg6: memref<1x1xf32, #tpu.memory_space<vmem>>, %arg7: memref<128x128xf32, #tpu.memory_space<vmem>>, %arg8: memref<1x128xf32, #tpu.memory_space<vmem>>, %arg9: memref<1x1xf32, #tpu.memory_space<vmem>>, %arg10: memref<2000x128xf32, #tpu.memory_space<vmem>>) attributes {dimension_semantics = [#tpu.dimension_semantics<arbitrary>], iteration_bounds = array<i64: 25>, scalar_prefetch = 0 : i64, scratch_operands = 0 : i64, tpu.core_type = #tpu.core_type<tc>, window_params = [{transform_indices = @transform_0, window_bounds = array<i64: 2000, 128>}, {transform_indices = @transform_1, window_bounds = array<i64: 2000, 128>}, {transform_indices = @transform_2, window_bounds = array<i64: 2000, 128>}, {pipeline_mode = #tpu.pipeline_mode<synchronous>, transform_indices = @transform_3, window_bounds = array<i64: 128, 128>}, {pipeline_mode = #tpu.pipeline_mode<synchronous>, transform_indices = @transform_4, window_bounds = array<i64: 1, 128>}, {pipeline_mode = #tpu.pipeline_mode<synchronous>, transform_indices = @transform_5, window_bounds = array<i64: 1, 1>}, {pipeline_mode = #tpu.pipeline_mode<synchronous>, transform_indices = @transform_6, window_bounds = array<i64: 128, 128>}, {pipeline_mode = #tpu.pipeline_mode<synchronous>, transform_indices = @transform_7, window_bounds = array<i64: 1, 128>}, {pipeline_mode = #tpu.pipeline_mode<synchronous>, transform_indices = @transform_8, window_bounds = array<i64: 1, 1>}, {transform_indices = @transform_9, window_bounds = array<i64: 2000, 128>}]} {
    %get3A = arith.constant 0 : index
    %get3A_0 = arith.constant 0 : index
    %get3A_1 = vector.load %arg1[%get3A, %get3A_0] : memref<2000x128xf32, #tpu.memory_space<vmem>>, vector<2000x128xf32>
    %get3A_2 = arith.constant 0 : index
    %get3A_3 = arith.constant 0 : index
    %get3A_4 = vector.load %arg6[%get3A_2, %get3A_3] : memref<1x1xf32, #tpu.memory_space<vmem>>, vector<1x1xf32>
    %get3A_5 = vector.extract %get3A_4[0, 0] : f32 from vector<1x1xf32>
    %add3A = arith.constant 1.000000e+00 : f32
    %add3A_6 = arith.addf %add3A, %get3A_5 : f32
    %mul3A = vector.broadcast %add3A_6 : f32 to vector<2000x128xf32>
    %mul3A_7 = arith.mulf %mul3A, %get3A_1 : vector<2000x128xf32>
    %get3A_8 = arith.constant 0 : index
    %get3A_9 = arith.constant 0 : index
    %get3A_10 = vector.load %arg2[%get3A_8, %get3A_9] : memref<2000x128xf32, #tpu.memory_space<vmem>>, vector<2000x128xf32>
    %add3A_11 = arith.addf %mul3A_7, %get3A_10 : vector<2000x128xf32>
    %get3A_12 = arith.constant 0 : index
    %get3A_13 = arith.constant 0 : index
    %get3A_14 = vector.load %arg9[%get3A_12, %get3A_13] : memref<1x1xf32, #tpu.memory_space<vmem>>, vector<1x1xf32>
    %get3A_15 = vector.extract %get3A_14[0, 0] : f32 from vector<1x1xf32>
    %add3A_16 = arith.constant 1.000000e+00 : f32
    %add3A_17 = arith.addf %add3A_16, %get3A_15 : f32
    %mul3A_18 = vector.broadcast %add3A_17 : f32 to vector<2000x128xf32>
    %mul3A_19 = arith.mulf %mul3A_18, %get3A_1 : vector<2000x128xf32>
    %get3A_20 = arith.constant 0 : index
    %get3A_21 = arith.constant 0 : index
    %get3A_22 = vector.load %arg3[%get3A_20, %get3A_21] : memref<2000x128xf32, #tpu.memory_space<vmem>>, vector<2000x128xf32>
    %add3A_23 = arith.addf %mul3A_19, %get3A_22 : vector<2000x128xf32>
    %get3A_24 = arith.constant 0 : index
    %get3A_25 = arith.constant 0 : index
    %get3A_26 = vector.load %arg4[%get3A_24, %get3A_25] : memref<128x128xf32, #tpu.memory_space<vmem>>, vector<128x128xf32>
    %dot_general3A = arith.constant dense<0.000000e+00> : vector<2000x128xf32>
    %dot_general3A_27 = tpu.matmul %add3A_11, %get3A_26, %dot_general3A {dimension_numbers = #tpu.dot_dimension_numbers<[1], [0], [0], [1], [0, 0, 1, 1], [], []>, transpose_lhs_hint = false} : vector<2000x128xf32>, vector<128x128xf32>, vector<2000x128xf32> -> vector<2000x128xf32>
    %get3A_28 = arith.constant 0 : index
    %get3A_29 = arith.constant 0 : index
    %get3A_30 = vector.load %arg5[%get3A_28, %get3A_29] : memref<1x128xf32, #tpu.memory_space<vmem>>, vector<1x128xf32>
    %add3A_31 = vector.broadcast %get3A_30 : vector<1x128xf32> to vector<2000x128xf32>
    %add3A_32 = arith.addf %dot_general3A_27, %add3A_31 : vector<2000x128xf32>
    %get3A_33 = arith.constant 0 : index
    %get3A_34 = arith.constant 0 : index
    %get3A_35 = vector.load %arg7[%get3A_33, %get3A_34] : memref<128x128xf32, #tpu.memory_space<vmem>>, vector<128x128xf32>
    %dot_general3A_36 = arith.constant dense<0.000000e+00> : vector<2000x128xf32>
    %dot_general3A_37 = tpu.matmul %add3A_23, %get3A_35, %dot_general3A_36 {dimension_numbers = #tpu.dot_dimension_numbers<[1], [0], [0], [1], [0, 0, 1, 1], [], []>, transpose_lhs_hint = false} : vector<2000x128xf32>, vector<128x128xf32>, vector<2000x128xf32> -> vector<2000x128xf32>
    %get3A_38 = arith.constant 0 : index
    %get3A_39 = arith.constant 0 : index
    %get3A_40 = vector.load %arg8[%get3A_38, %get3A_39] : memref<1x128xf32, #tpu.memory_space<vmem>>, vector<1x128xf32>
    %add3A_41 = vector.broadcast %get3A_40 : vector<1x128xf32> to vector<2000x128xf32>
    %add3A_42 = arith.addf %dot_general3A_37, %add3A_41 : vector<2000x128xf32>
    %max3A = arith.constant 0.000000e+00 : f32
    %max3A_43 = vector.broadcast %max3A : f32 to vector<2000x128xf32>
    %max3A_44 = arith.maximumf %add3A_32, %max3A_43 : vector<2000x128xf32>
    %max3A_45 = arith.constant 0.000000e+00 : f32
    %max3A_46 = vector.broadcast %max3A_45 : f32 to vector<2000x128xf32>
    %max3A_47 = arith.maximumf %add3A_42, %max3A_46 : vector<2000x128xf32>
    %add3A_48 = arith.addf %max3A_44, %max3A_47 : vector<2000x128xf32>
    %swap3A = arith.constant 0 : index
    %swap3A_49 = arith.constant 0 : index
    %swap3A_50 = vector.load %arg10[%swap3A, %swap3A_49] : memref<2000x128xf32, #tpu.memory_space<vmem>>, vector<2000x128xf32>
    tpu.vector_store %arg10[%swap3A, %swap3A_49], %add3A_48 {strides = array<i32>} : memref<2000x128xf32, #tpu.memory_space<vmem>>, vector<2000x128xf32>,
    return
  }
  func.func @transform_0(%arg0: i32) -> (i32, i32) {
    %c0_i32 = arith.constant 0 : i32
    %c0_i32_0 = arith.constant 0 : i32
    return %arg0, %c0_i32 : i32, i32
  }
  func.func @transform_1(%arg0: i32) -> (i32, i32) {
    %c0_i32 = arith.constant 0 : i32
    %c0_i32_0 = arith.constant 0 : i32
    return %arg0, %c0_i32 : i32, i32
  }
  func.func @transform_2(%arg0: i32) -> (i32, i32) {
    %c0_i32 = arith.constant 0 : i32
    %c0_i32_0 = arith.constant 0 : i32
    return %arg0, %c0_i32 : i32, i32
  }
  func.func @transform_3(%arg0: i32) -> (i32, i32) {
    %c0_i32 = arith.constant 0 : i32
    %c0_i32_0 = arith.constant 0 : i32
    %c0_i32_1 = arith.constant 0 : i32
    return %c0_i32, %c0_i32_0 : i32, i32
  }
  func.func @transform_4(%arg0: i32) -> (i32, i32) {
    %c0_i32 = arith.constant 0 : i32
    %c0_i32_0 = arith.constant 0 : i32
    %c0_i32_1 = arith.constant 0 : i32
    return %c0_i32, %c0_i32_0 : i32, i32
  }
  func.func @transform_5(%arg0: i32) -> (i32, i32) {
    %c0_i32 = arith.constant 0 : i32
    %c0_i32_0 = arith.constant 0 : i32
    %c0_i32_1 = arith.constant 0 : i32
    return %c0_i32, %c0_i32_0 : i32, i32
  }
  func.func @transform_6(%arg0: i32) -> (i32, i32) {
    %c0_i32 = arith.constant 0 : i32
    %c0_i32_0 = arith.constant 0 : i32
    %c0_i32_1 = arith.constant 0 : i32
    return %c0_i32, %c0_i32_0 : i32, i32
  }
  func.func @transform_7(%arg0: i32) -> (i32, i32) {
    %c0_i32 = arith.constant 0 : i32
    %c0_i32_0 = arith.constant 0 : i32
    %c0_i32_1 = arith.constant 0 : i32
    return %c0_i32, %c0_i32_0 : i32, i32
  }
  func.func @transform_8(%arg0: i32) -> (i32, i32) {
    %c0_i32 = arith.constant 0 : i32
    %c0_i32_0 = arith.constant 0 : i32
    %c0_i32_1 = arith.constant 0 : i32
    return %c0_i32, %c0_i32_0 : i32, i32
  }
  func.func @transform_9(%arg0: i32) -> (i32, i32) {
    %c0_i32 = arith.constant 0 : i32
    %c0_i32_0 = arith.constant 0 : i32
    return %arg0, %c0_i32 : i32, i32
  }
}

module attributes {stable_mosaic.version = 14 : i64} {
  func.func @_gin1_body(%arg0: i32, %arg1: memref<2000x128xf32, #tpu.memory_space<vmem>>, %arg2: memref<2000x128xf32, #tpu.memory_space<vmem>>, %arg3: memref<128x128xf32, #tpu.memory_space<vmem>>, %arg4: memref<1x128xf32, #tpu.memory_space<vmem>>, %arg5: memref<1x1xf32, #tpu.memory_space<vmem>>, %arg6: memref<2000x128xf32, #tpu.memory_space<vmem>>) attributes {dimension_semantics = [#tpu.dimension_semantics<arbitrary>], iteration_bounds = array<i64: 25>, scalar_prefetch = 0 : i64, scratch_operands = 0 : i64, tpu.core_type = #tpu.core_type<tc>, window_params = [{transform_indices = @transform_0, window_bounds = array<i64: 2000, 128>}, {transform_indices = @transform_1, window_bounds = array<i64: 2000, 128>}, {pipeline_mode = #tpu.pipeline_mode<synchronous>, transform_indices = @transform_2, window_bounds = array<i64: 128, 128>}, {pipeline_mode = #tpu.pipeline_mode<synchronous>, transform_indices = @transform_3, window_bounds = array<i64: 1, 128>}, {pipeline_mode = #tpu.pipeline_mode<synchronous>, transform_indices = @transform_4, window_bounds = array<i64: 1, 1>}, {transform_indices = @transform_5, window_bounds = array<i64: 2000, 128>}]} {
    %get3A = arith.constant 0 : index
    %get3A_0 = arith.constant 0 : index
    %get3A_1 = vector.load %arg5[%get3A, %get3A_0] : memref<1x1xf32, #tpu.memory_space<vmem>>, vector<1x1xf32>
    %get3A_2 = vector.extract %get3A_1[0, 0] : f32 from vector<1x1xf32>
    %add3A = arith.constant 1.000000e+00 : f32
    %add3A_3 = arith.addf %add3A, %get3A_2 : f32
    %get3A_4 = arith.constant 0 : index
    %get3A_5 = arith.constant 0 : index
    %get3A_6 = vector.load %arg1[%get3A_4, %get3A_5] : memref<2000x128xf32, #tpu.memory_space<vmem>>, vector<2000x128xf32>
    %mul3A = vector.broadcast %add3A_3 : f32 to vector<2000x128xf32>
    %mul3A_7 = arith.mulf %mul3A, %get3A_6 : vector<2000x128xf32>
    %get3A_8 = arith.constant 0 : index
    %get3A_9 = arith.constant 0 : index
    %get3A_10 = vector.load %arg2[%get3A_8, %get3A_9] : memref<2000x128xf32, #tpu.memory_space<vmem>>, vector<2000x128xf32>
    %add3A_11 = arith.addf %mul3A_7, %get3A_10 : vector<2000x128xf32>
    %get3A_12 = arith.constant 0 : index
    %get3A_13 = arith.constant 0 : index
    %get3A_14 = vector.load %arg3[%get3A_12, %get3A_13] : memref<128x128xf32, #tpu.memory_space<vmem>>, vector<128x128xf32>
    %dot_general3A = arith.constant dense<0.000000e+00> : vector<2000x128xf32>
    %dot_general3A_15 = tpu.matmul %add3A_11, %get3A_14, %dot_general3A {dimension_numbers = #tpu.dot_dimension_numbers<[1], [0], [0], [1], [0, 0, 1, 1], [], []>, transpose_lhs_hint = false} : vector<2000x128xf32>, vector<128x128xf32>, vector<2000x128xf32> -> vector<2000x128xf32>
    %get3A_16 = arith.constant 0 : index
    %get3A_17 = arith.constant 0 : index
    %get3A_18 = vector.load %arg4[%get3A_16, %get3A_17] : memref<1x128xf32, #tpu.memory_space<vmem>>, vector<1x128xf32>
    %add3A_19 = vector.broadcast %get3A_18 : vector<1x128xf32> to vector<2000x128xf32>
    %add3A_20 = arith.addf %dot_general3A_15, %add3A_19 : vector<2000x128xf32>
    %max3A = arith.constant 0.000000e+00 : f32
    %max3A_21 = vector.broadcast %max3A : f32 to vector<2000x128xf32>
    %max3A_22 = arith.maximumf %add3A_20, %max3A_21 : vector<2000x128xf32>
    %swap3A = arith.constant 0 : index
    %swap3A_23 = arith.constant 0 : index
    %swap3A_24 = vector.load %arg6[%swap3A, %swap3A_23] : memref<2000x128xf32, #tpu.memory_space<vmem>>, vector<2000x128xf32>
    tpu.vector_store %arg6[%swap3A, %swap3A_23], %max3A_22 {strides = array<i32>} : memref<2000x128xf32, #tpu.memory_space<vmem>>, vector<2000x128xf32>,
    return
  }
  func.func @transform_0(%arg0: i32) -> (i32, i32) {
    %c0_i32 = arith.constant 0 : i32
    %c0_i32_0 = arith.constant 0 : i32
    return %arg0, %c0_i32 : i32, i32
  }
  func.func @transform_1(%arg0: i32) -> (i32, i32) {
    %c0_i32 = arith.constant 0 : i32
    %c0_i32_0 = arith.constant 0 : i32
    return %arg0, %c0_i32 : i32, i32
  }
  func.func @transform_2(%arg0: i32) -> (i32, i32) {
    %c0_i32 = arith.constant 0 : i32
    %c0_i32_0 = arith.constant 0 : i32
    %c0_i32_1 = arith.constant 0 : i32
    return %c0_i32, %c0_i32_0 : i32, i32
  }
  func.func @transform_3(%arg0: i32) -> (i32, i32) {
    %c0_i32 = arith.constant 0 : i32
    %c0_i32_0 = arith.constant 0 : i32
    %c0_i32_1 = arith.constant 0 : i32
    return %c0_i32, %c0_i32_0 : i32, i32
  }
  func.func @transform_4(%arg0: i32) -> (i32, i32) {
    %c0_i32 = arith.constant 0 : i32
    %c0_i32_0 = arith.constant 0 : i32
    %c0_i32_1 = arith.constant 0 : i32
    return %c0_i32, %c0_i32_0 : i32, i32
  }
  func.func @transform_5(%arg0: i32) -> (i32, i32) {
    %c0_i32 = arith.constant 0 : i32
    %c0_i32_0 = arith.constant 0 : i32
    return %arg0, %c0_i32 : i32, i32
  }
}

module attributes {stable_mosaic.version = 14 : i64} {
  func.func @_out_body(%arg0: i32, %arg1: memref<2000x128xf32, #tpu.memory_space<vmem>>, %arg2: memref<128x16xf32, #tpu.memory_space<vmem>>, %arg3: memref<1x16xf32, #tpu.memory_space<vmem>>, %arg4: memref<2000x16xf32, #tpu.memory_space<vmem>>) attributes {dimension_semantics = [#tpu.dimension_semantics<arbitrary>], iteration_bounds = array<i64: 25>, scalar_prefetch = 0 : i64, scratch_operands = 0 : i64, tpu.core_type = #tpu.core_type<tc>, window_params = [{transform_indices = @transform_0, window_bounds = array<i64: 2000, 128>}, {pipeline_mode = #tpu.pipeline_mode<synchronous>, transform_indices = @transform_1, window_bounds = array<i64: 128, 16>}, {pipeline_mode = #tpu.pipeline_mode<synchronous>, transform_indices = @transform_2, window_bounds = array<i64: 1, 16>}, {transform_indices = @transform_3, window_bounds = array<i64: 2000, 16>}]} {
    %get3A = arith.constant 0 : index
    %get3A_0 = arith.constant 0 : index
    %get3A_1 = vector.load %arg1[%get3A, %get3A_0] : memref<2000x128xf32, #tpu.memory_space<vmem>>, vector<2000x128xf32>
    %get3A_2 = arith.constant 0 : index
    %get3A_3 = arith.constant 0 : index
    %get3A_4 = vector.load %arg2[%get3A_2, %get3A_3] : memref<128x16xf32, #tpu.memory_space<vmem>>, vector<128x16xf32>
    %dot_general3A = arith.constant dense<0.000000e+00> : vector<2000x16xf32>
    %dot_general3A_5 = tpu.matmul %get3A_1, %get3A_4, %dot_general3A {dimension_numbers = #tpu.dot_dimension_numbers<[1], [0], [0], [1], [0, 0, 1, 1], [], []>, transpose_lhs_hint = false} : vector<2000x128xf32>, vector<128x16xf32>, vector<2000x16xf32> -> vector<2000x16xf32>
    %get3A_6 = arith.constant 0 : index
    %get3A_7 = arith.constant 0 : index
    %get3A_8 = vector.load %arg3[%get3A_6, %get3A_7] : memref<1x16xf32, #tpu.memory_space<vmem>>, vector<1x16xf32>
    %add3A = vector.broadcast %get3A_8 : vector<1x16xf32> to vector<2000x16xf32>
    %add3A_9 = arith.addf %dot_general3A_5, %add3A : vector<2000x16xf32>
    %reduce_max3A = arith.constant dense<0xFF800000> : vector<2000xf32>
    %reduce_max3A_10 = vector.multi_reduction <maximumf>, %add3A_9, %reduce_max3A [1] : vector<2000x16xf32> to vector<2000xf32>
    %broadcast_in_dim3A = vector.shape_cast %reduce_max3A_10 : vector<2000xf32> to vector<2000x1xf32>
    %sub3A = vector.broadcast %broadcast_in_dim3A : vector<2000x1xf32> to vector<2000x16xf32>
    %sub3A_11 = arith.subf %add3A_9, %sub3A : vector<2000x16xf32>
    %exp3A = math.exp %sub3A_11 : vector<2000x16xf32>
    %reduce_sum3A = arith.constant dense<0.000000e+00> : vector<2000xf32>
    %reduce_sum3A_12 = vector.multi_reduction <add>, %exp3A, %reduce_sum3A [1] : vector<2000x16xf32> to vector<2000xf32>
    %broadcast_in_dim3A_13 = vector.shape_cast %reduce_sum3A_12 : vector<2000xf32> to vector<2000x1xf32>
    %div3A = vector.broadcast %broadcast_in_dim3A_13 : vector<2000x1xf32> to vector<2000x16xf32>
    %div3A_14 = arith.divf %exp3A, %div3A : vector<2000x16xf32>
    %swap3A = arith.constant 0 : index
    %swap3A_15 = arith.constant 0 : index
    %swap3A_16 = vector.load %arg4[%swap3A, %swap3A_15] : memref<2000x16xf32, #tpu.memory_space<vmem>>, vector<2000x16xf32>
    tpu.vector_store %arg4[%swap3A, %swap3A_15], %div3A_14 {strides = array<i32>} : memref<2000x16xf32, #tpu.memory_space<vmem>>, vector<2000x16xf32>,
    return
  }
  func.func @transform_0(%arg0: i32) -> (i32, i32) {
    %c0_i32 = arith.constant 0 : i32
    %c0_i32_0 = arith.constant 0 : i32
    return %arg0, %c0_i32 : i32, i32
  }
  func.func @transform_1(%arg0: i32) -> (i32, i32) {
    %c0_i32 = arith.constant 0 : i32
    %c0_i32_0 = arith.constant 0 : i32
    %c0_i32_1 = arith.constant 0 : i32
    return %c0_i32, %c0_i32_0 : i32, i32
  }
  func.func @transform_2(%arg0: i32) -> (i32, i32) {
    %c0_i32 = arith.constant 0 : i32
    %c0_i32_0 = arith.constant 0 : i32
    %c0_i32_1 = arith.constant 0 : i32
    return %c0_i32, %c0_i32_0 : i32, i32
  }
  func.func @transform_3(%arg0: i32) -> (i32, i32) {
    %c0_i32 = arith.constant 0 : i32
    %c0_i32_0 = arith.constant 0 : i32
    return %arg0, %c0_i32 : i32, i32
  }
}

</mosaic_0001>

<sc_bundles>
// kernel: kernel.13.cloned.1.call-start
scs
__scs_entry_jumppad:
0x0: {  	(pc) =	sbr.rel $0x88, $3  }
0x1: {  	(tag) =	ssettag $0x0;
	lr =	simm.s32 $0x1  }
0x2: {  	[smem:$0x3F87] =	sst lr;
	_ =	strace $0xD0000000  }
0x3: {  	_ = 	snop  }
0x4: {  	_ = 	snop  }
0x5: {  	_ = 	snop  }
0x6: {  	_ = 	snop  }
0x7: {  	_ = 	snop  }
__scs_overlays_trampoline_lowered:
0x8: {  	[smem:$0x3F96] =	sst s0  }
0x9: {  	[smem:$0x3F97] =	sst s1  }
0xa: {  	[smem:$0x3F98] =	sst s2  }
0xb: {  	[smem:$0x3F99] =	sst s3  }
0xc: {  	[smem:$0x3F9A] =	sst s4  }
0xd: {  	[smem:$0x3F9B] =	sst s5  }
0xe: {  	[smem:$0x3F9C] =	sst s6  }
0xf: {  	[smem:$0x3F9D] =	sst s7  }
0x10: {  	[smem:$0x3F9E] =	sst s8  }
0x11: {  	[smem:$0x3F9F] =	sst s9;
	s0 =	simm.s32 @!p0 $0x0  }
0x12: {  	s1 =	sld [smem:$0x3F85];
	s0 =	simm.s32 @p0 $0x1  }
0x13: {  	[smem:$0x3FA0] =	sst s0;
	s0 =	simm.s32 @!p1 $0x0  }
0x14: {  	s2 =	sld [smem:$0x3F84];
	s0 =	simm.s32 @p1 $0x1  }
0x15: {  	[smem:$0x3FA1] =	sst s0;
	s0 =	simm.s32 @!p2 $0x0  }
0x16: {  	s3 =	sld [smem:$0x3FDB];
	s0 =	simm.s32 @p2 $0x1  }
0x17: {  	s4 =	simm.s32 $0x1BF5;
	[smem:$0x3FA3] =	sst s0  }
0x18: {  	s0 =	sld [smem:$0x3F86];
	_ =	swait.ge [sflag:s4], $0x0  }
0x19: {  	s7 =	sld [smem:$0x3F87]  }
0x1a: {  	s8 =	sadd.s32 $0xFFFFE003, lr  }
0x1b: {  	s9 =	sadd.s32 $0xFFFFFEF7, lr;
	s5 =	simm.s32 $0xFFFFFFFF;
	p2 =	slt.u32 s8, $0xFFFFF086  }
0x1c: {  	p1 =	slt.u32 s9, $0xF7A;
	s5 =	simm.s32 @!p2 $0x0  }
0x1d: {  	s5 =	simm.s32 @p1 $0x1;
	p0 =	seq.s32 s7, s2  }
0x1e: {  	s7 =	smul.u32 @!p0 $0xF7A, s2;
	p2 =	seq.s32 @!p0 s5, $0x0  }
0x1f: {  	s9 =	smul.u32 $0xF7A, s1;
	s8 =	simm.s32 @!p0 $0x1BF5;
	p2 =	por !p2, p0  }
0x20: {  	[sflag:s8] =	ssyncset.s32 @!p0 $0xFFFFF086;
	s6 =	sadd.s32 @!p0 s3, s7;
	s7 =	simm.s32 @!p0 $0x108  }
0x21: {  	s3 =	sadd.s32 s3, s9;
	s6 =	sadd.s32 @!p0 $0x88, s6;
	s7 =	simm.s32 @p2 $0x1082  }
0x22: {  	[simem:s7], [sflag:s8] =	dma.local @!p0 [hbm:s6], $0xF7A  }
0x23: {  	s9 =	sor.u32 $0xD0000000, s2;
	s6 =	simm.s32 $0x108;
	_ =	swait.ge @!p0 [sflag:s8], $0x0  }
0x24: {  	s3 =	sadd.s32 $0x88, s3;
	s6 =	simm.s32 @!p1 $0x1082;
	[sflag:s4] =	ssyncset.s32 $0xFFFFF086  }
0x25: {  	[simem:s6], [sflag:s4] =	dma.local [hbm:s3], $0xF7A  }
0x26: {  	[smem:$0x3F87] =	sst s1;
	(tag) =	ssettag s2;
	_ =	strace s9  }
0x27: {  	s1 =	sld [smem:$0x3F97]  }
0x28: {  	s2 =	sld [smem:$0x3F98]  }
0x29: {  	s4 =	sld [smem:$0x3F9A]  }
0x2a: {  	p0 =	seq.s32 s5, $0x0;
	s5 =	sld [smem:$0x3F9B]  }
0x2b: {  	s6 =	sld [smem:$0x3F9C]  }
0x2c: {  	s7 =	sld [smem:$0x3F9D]  }
0x2d: {  	s3 =	simm.s32 $0x108;
	s8 =	sld [smem:$0x3F9E]  }
0x2e: {  	s3 =	simm.s32 @!p0 $0x1082;
	s9 =	sld [smem:$0x3F9F]  }
0x2f: {  	lr =	sadd.s32 s0, s3;
	s0 =	sld [smem:$0x3F96]  }
0x30: {  	s3 =	sld [smem:$0x3F99]  }
0x31: {  	[smem:$0x3FA2] =	sst s10  }
0x32: {  	s10 =	sld [smem:$0x3FA0];
	_ =	sdelay $0x3  }
0x33: {  	p0 =	seq.s32 s10, $0x1;
	s10 =	sld [smem:$0x3FA2];
	_ =	sdelay $0x3  }
0x34: {  	[smem:$0x3FA2] =	sst s10  }
0x35: {  	s10 =	sld [smem:$0x3FA1];
	_ =	sdelay $0x3  }
0x36: {  	p1 =	seq.s32 s10, $0x1;
	s10 =	sld [smem:$0x3FA2];
	_ =	sdelay $0x3  }
0x37: {  	[smem:$0x3FA2] =	sst s10  }
0x38: {  	s10 =	sld [smem:$0x3FA3]  }
0x39: {  	_ = 	snop;
	(pc) =	sbr.ind lr, $3  }
0x3a: {  	_ = 	snop  }
0x3b: {  	_ = 	snop  }
0x3c: {  	p2 =	seq.s32 s10, $0x1;
	s10 =	sld [smem:$0x3FA2]  }
0x3d: {  	_ =	shalt  }
0x3e: {  	_ =	shalt  }
0x3f: {  	_ =	shalt  }
0x40: {  	_ =	shalt  }
0x41: {  	_ =	shalt  }
0x42: {  	_ =	shalt  }
0x43: {  	_ =	shalt  }
0x44: {  	_ =	shalt  }
0x45: {  	_ =	shalt  }
0x46: {  	_ =	shalt  }
0x47: {  	_ =	shalt  }
0x48: {  	_ =	shalt  }
0x49: {  	_ =	shalt  }
0x4a: {  	_ =	shalt  }
0x4b: {  	_ =	shalt  }
0x4c: {  	_ =	shalt  }
0x4d: {  	_ =	shalt  }
0x4e: {  	_ =	shalt  }
0x4f: {  	_ =	shalt  }
0x50: {  	_ =	shalt  }
0x51: {  	_ =	shalt  }
0x52: {  	_ =	shalt  }
0x53: {  	_ =	shalt  }
0x54: {  	_ =	shalt  }
0x55: {  	_ =	shalt  }
0x56: {  	_ =	shalt  }
0x57: {  	_ =	shalt  }
0x58: {  	_ =	shalt  }
0x59: {  	_ =	shalt  }
0x5a: {  	_ =	shalt  }
0x5b: {  	_ =	shalt  }
0x5c: {  	_ =	shalt  }
0x5d: {  	_ =	shalt  }
0x5e: {  	_ =	shalt  }
0x5f: {  	_ =	shalt  }
0x60: {  	_ =	shalt  }
0x61: {  	_ =	shalt  }
0x62: {  	_ =	shalt  }
0x63: {  	_ =	shalt  }
0x64: {  	_ =	shalt  }
0x65: {  	_ =	shalt  }
0x66: {  	_ =	shalt  }
0x67: {  	_ =	shalt  }
0x68: {  	_ =	shalt  }
0x69: {  	_ =	shalt  }
0x6a: {  	_ =	shalt  }
0x6b: {  	_ =	shalt  }
0x6c: {  	_ =	shalt  }
0x6d: {  	_ =	shalt  }
0x6e: {  	_ =	shalt  }
0x6f: {  	_ =	shalt  }
0x70: {  	_ =	shalt  }
0x71: {  	_ =	shalt  }
0x72: {  	_ =	shalt  }
0x73: {  	_ =	shalt  }
0x74: {  	_ =	shalt  }
0x75: {  	_ =	shalt  }
0x76: {  	_ =	shalt  }
0x77: {  	_ =	shalt  }
0x78: {  	_ =	shalt  }
0x79: {  	_ =	shalt  }
0x7a: {  	_ =	shalt  }
0x7b: {  	_ =	shalt  }
0x7c: {  	_ =	shalt  }
0x7d: {  	_ =	shalt  }
0x7e: {  	_ =	shalt  }
0x7f: {  	_ =	shalt  }
0x80: {  	_ =	shalt  }
0x81: {  	_ =	shalt  }
0x82: {  	_ =	shalt  }
0x83: {  	_ =	shalt  }
0x84: {  	_ =	shalt  }
0x85: {  	_ =	shalt  }
0x86: {  	_ =	shalt  }
0x87: {  	_ =	shalt  }
.Lfunc_end0:
.L_simem_size_0:
called_computation_lowered:
.L_overlay_start_0:
0x88: {  	s2 =	sld [smem:$0x3FD9]  }
0x89: {  	s3 =	sld [smem:$0x3FFE];
	_ =	sdelay $0x1  }
0x8a: {  	s1 =	srdreg.scid  }
0x8b: {  	s0 =	sand.u32 $0x1, s1  }
0x8c: {  	s17 =	sshll.u32 s0, $0xA;
	s2 =	sadd.s32 s3, s2  }
0x8d: {  	s2 =	sadd.s32 s2, s17  }
0x8e: {  	[smem:$0x3FAE] =	sst s2  }
0x8f: {  	_ = 	snop  }
0x90: {  	s18 =	sld [smem:$0x3FD0];
	(tm) =	ssettm $0x1  }
0x91: {  	s19 =	sld [smem:$0x3FFB];
	_ =	sdelay $0x3  }
0x92: {  	_ =	strace s19  }
0x93: {  	s2 =	sld [smem:$0x3FFC];
	_ =	sdelay $0x3  }
0x94: {  	_ =	strace s2  }
0x95: {  	s2 =	sld [smem:$0x3FFD];
	_ =	sdelay $0x3  }
0x96: {  	_ =	strace s2  }
0x97: {  	_ =	strace $0x8FFFFFFF  }
0x98: {  	s20 =	sld [smem:$0x3FDB];
	_ =	sdelay $0x1  }
0x99: {  	s4 =	simm.s32 $_scs_section_size  }
0x9a: {  	s5 =	simm.s32 $_size__tile_overlayer_lowered;
	s6 =	simm.s32 $_tile_overlayer_lowered  }
0x9b: {  	s7 =	simm.s32 $0x1BFF;
	s21 =	sshll.u32 s6, $0x1;
	s4 =	sadd.s32 s4, s20  }
0x9c: {  	s22 =	simm.s32 $0x0;
	s5 =	sshll.u32 s5, $0x1;
	s6 =	sadd.s32 s21, s4  }
0x9d: {  	[timem:s22], [sflag:s7] =	dma.local [hbm:s6], s5  }
0x9e: {  	_ =	swait.ge [sflag:s7], s5  }
0x9f: {  	s5 =	ssub.s32 $0x0, s5;
	[sflag:s7] =	ssyncset.done $0x0  }
0xa0: {  	[sflag:s7] =	ssyncadd.s32 s5;
	_ =	sdelay $0x1  }
0xa1: {  	s23 =	simm.s32 $0x1B8B  }
0xa2: {  	_ =	swait.ge [sflag:s23], $0x1  }
0xa3: {  	[sflag:s23] =	ssyncset.done $0x0  }
0xa4: {  	[sflag:s23] =	ssyncadd.s32 $0xFFFFFFFF  }
0xa5: {  	s5 =	sld [smem:$0x0]  }
0xa6: {  	s6 =	sand.u32 $0xFFFFFFFE, s1  }
0xa7: {  	p0 =	sne.s32 s1, s6  }
0xa8: {  	s6 =	sshll.u32 @p0 s6, $0xE  }
0xa9: {  	s6 =	sadd.s32 @p0 $0x11B8D, s6;
	s7 =	sshll.u32 @p0 s5, $0x11  }
0xaa: {  	s6 =	sor.u32 @p0 s7, s6  }
0xab: {  	[sflag:s6] =	ssyncadd.remote.s32 @p0 $0x1;
	_ =	sdelay $0x1  }
0xac: {  	s6 =	simm.s32 @p0 $0x1B8D  }
0xad: {  	_ =	swait.eq @p0 [sflag:s6], $0x1  }
0xae: {  	[sflag:s6] =	ssyncadd.s32 @p0 $0xFFFFFFFF  }
0xaf: {  	s7 =	sshll.u32 @!p0 s1, $0xE  }
0xb0: {  	s7 =	sor.u32 @!p0 $0x4000, s7;
	s6 =	simm.s32 @!p0 $0x1B8D  }
0xb1: {  	s5 =	sshll.u32 @!p0 s5, $0x11;
	s7 =	sadd.s32 @!p0 $0x11B8D, s7;
	_ =	swait.eq @!p0 [sflag:s6], $0x1  }
0xb2: {  	s5 =	sor.u32 @!p0 s5, s7;
	[sflag:s6] =	ssyncadd.s32 @!p0 $0xFFFFFFFF  }
0xb3: {  	s25 =	simm.s32 $0x1B8E;
	s24 =	sld [smem:$0x3FFE];
	[sflag:s5] =	ssyncadd.remote.s32 @!p0 $0x1  }
0xb4: {  	s26 =	simm.s32 $execute0_lowered;
	[smem:$0x3FD2] =	sst s25  }
0xb5: {  	s6 =	sshll.u32 s26, $0x1;
	_ =	strace $0x80000049;
	[dreg:$0x1] =	wrdreg $0xFFFFFFFF  }
0xb6: {  	s28 =	simm.s32 $_size_execute0_lowered;
	s4 =	sadd.s32 s4, s6;
	[dreg:$0x0] =	wrdreg $0x0  }
0xb7: {  	s6 =	sshll.u32 s28, $0x1;
	[dreg:$0x2] =	wrdreg s4  }
0xb8: {  	[dreg:$0x3] =	wrdreg s6  }
0xb9: {  	[dreg:$0x4] =	wrdreg $0xC0  }
0xba: {  	_ =	task [dreg:s22], $0x5FFFF  }
0xbb: {  	[dreg:$0x1] =	wrdreg $0xFFFFFFFF  }
0xbc: {  	[dreg:$0x0] =	wrdreg $0x60  }
0xbd: {  	[dreg:$0x2] =	wrdreg s24  }
0xbe: {  	[dreg:$0x3] =	wrdreg s18  }
0xbf: {  	[dreg:$0x4] =	wrdreg $0xED000  }
0xc0: {  	[dreg:$0x5] =	wrdreg $0xA  }
0xc1: {  	_ =	task.clear_ibuf [dreg:s22], $0x6FFFF;
	_ =	strace $0x90000049  }
0xc2: {  	s29 =	simm.s32 $0xA;
	_ =	strace $0x8000004B  }
0xc3: {  	_ =	swait.ge [sflag:s29], $0x1  }
0xc4: {  	[sflag:s29] =	ssyncadd.s32 $0xFFFFFFFF  }
0xc5: {  	_ =	strace $0x9000004B  }
0xc6: {  	_ =	sfence  }
0xc7: {  	s30 =	sld [smem:$0x0];
	_ =	sdelay $0x2  }
0xc8: {  	s31 =	sshll.u32 s1, $0xD;
	s1 =	sshrl.u32 s1, $0x2  }
0xc9: {  	s4 =	sand.u32 $0x4000, s31;
	s1 =	sadd.s32 s1, s30  }
0xca: {  	s0 =	sor.u32 s4, s0;
	s1 =	sshll.u32 s1, $0x11  }
0xcb: {  	s0 =	sor.u32 s1, s0  }
0xcc: {  	s0 =	sadd.s32 $0x8F2B, s0  }
0xcd: {  	[sflag:s0] =	ssyncadd.remote.s32 $0x1  }
0xce: {  	_ =	sfence.sel $0xFFFF  }
0xcf: {  	[dreg:$0x0] =	wrdreg $0xFFFFFFFF;
	(pc) =	sbr.abs _section_cstart, $3  }
0xd0: {  	[dreg:$0x1] =	wrdreg $0xFFFFFFFF  }
0xd1: {  	_ =	task.clear_ibuf [dreg:s22], $0x2FFFF;
	_ =	strace $0x9FFFFFFF  }
0xd2: {  	(tm) =	ssettm $0x7FFFFFFF  }
0xd3: {  	_ =	shalt  }
tec
execute0_lowered:
.L_overlay_start_1:
0x0: {  	(tag) =	ssettag $0x1  }
0x1: {  	s0 =	rddreg [dreg:$0x0]  }
0x2: {  	s2 =	rddreg [dreg:$0x1]  }
0x3: {  	s1 =	rddreg [dreg:$0x2];
	s4 =	simm.s32 $0x0;
	s3 =	simm.s32 $0x0  }
0x4: {  	s20 =	srdreg.scid;
	s25 =	stileid.u32;
	s28 =	simm.s32 $0x6300  }
0x5: {  	s29 =	simm.s32 $0x80;
	s30 =	simm.s32 $0x9500;
	s6 =	smul.u32 $0x42000, s25  }
0x6: {  	s31 =	simm.s32 $0x1;
	[dreg:$0x4] =	wrdreg s3;
	s8 =	smul.u32 $0x620, s25  }
0x7: {  	[smem:$0x7FF] =	sst s4;
	s4 =	sadd.s32 $0x18F600, s0;
	s24 =	smul.u32 $0x41000, s25  }
0x8: {  	s3 =	sand.u32 $0x1, s20;
	s5 =	sadd.s32 $0x252C00, s0;
	s19 =	smul.u32 $0x208, s25  }
0x9: {  	s20 =	sadd.s32 $0xF3C00, s1;
	p0 =	seq.s32 s25, $0xF;
	_ =	strace $0x8000004A  }
0xa: {  	s7 =	ssub.s32 $0x2, s3;
	s21 =	smul.u32 $0x3, s3;
	s2 =	sadd.s32 s2, s8  }
0xb: {  	s9 =	sshrl.u32 s7, $0x1;
	s6 =	sshrl.u32 s6, $0x2;
	[dreg:$0x5] =	wrdreg s2  }
0xc: {  	s22 =	ssub.s32 s7, s9;
	s7 =	sadd.s32 s6, s1;
	[dreg:$0x6] =	wrdreg s21  }
0xd: {  	s2 =	sshrl.u32 s24, $0x2;
	s21 =	sadd.s32 $0x314080, s0;
	s24 =	simm.s32 $0xD500  }
0xe: {  	s23 =	sadd.s32 $0x1800, s7;
	s10 =	sadd.s32 $0x3000, s7;
	s11 =	sadd.s32 $0x4800, s7  }
.Ltmp0:
0xf: {  	s12 =	sadd.s32 $0x6000, s7;
	s13 =	sadd.s32 $0x7800, s7;
	(pc) =	sbr.rel .LBB2_1-.Ltmp0, $4  }
0x10: {  	s14 =	sadd.s32 $0x9000, s7;
	s15 =	sadd.s32 $0xA800, s7;
	s16 =	sadd.s32 $0xC000, s7  }
0x11: {  	s17 =	sadd.s32 $0xD800, s7;
	s26 =	smax.u32 s22, $0x1;
	[dreg:$0x7] =	wrdreg s23  }
0x12: {  	v0 =	vimm.f32 $0.0e+00;
	s18 =	sadd.s32 $0xF000, s7;
	s2 =	sadd.s32 s2, s1;
	[dreg:$0x8] =	wrdreg s26  }
0x13: {  	v1 =	vimm.s32 $0x0;
	v2 =	vlaneseq.u32;
	v3 =	vimm.s32 $0x2090;
	s23 =	simm.s32 $0x2;
	s25 =	sshrl.u32 @!p0 s2, $0x3;
	s26 =	simm.s32 $0x3100  }
.LBB2_11:
0x14: {  	s0 =	rddreg [dreg:$0x4]  }
0x15: {  	s2 =	rddreg [dreg:$0x8];
	s0 =	sadd.s32 $0x1, s0  }
0x16: {  	p1 =	sne.s32 s0, s2  }
.Ltmp1:
0x17: {  	_ = 	snop;
	(pc) =	sbr.rel @!p1 .LBB2_12-.Ltmp1, $2  }
0x18: {  	_ =	sdelay $0x2  }
0x19: {  	[dreg:$0x4] =	wrdreg s0  }
.LBB2_1:
0x1a: {  	s0 =	simm.s32 $0x0;
	s2 =	simm.s32 $0x200  }
.LBB2_2:
0x1b: {  	p1 =	sne.s32 s2, $0x5E00;
	[tilespmem:s0+$0xD570] =	vst v0  }
0x1c: {  	[tilespmem:s0+$0xD500] =	vst v0  }
0x1d: {  	[tilespmem:s0+$0xD510] =	vst v0  }
.Ltmp2:
0x1e: {  	[tilespmem:s0+$0xD520] =	vst v0;
	(pc) =	sbr.rel @p1 .LBB2_2-.Ltmp2, $4  }
0x1f: {  	[tilespmem:s0+$0xD530] =	vst v0  }
0x20: {  	[tilespmem:s0+$0xD540] =	vst v0  }
0x21: {  	[tilespmem:s0+$0xD550] =	vst v0  }
0x22: {  	[tilespmem:s0+$0xD560] =	vst v0;
	s0 =	sshra.s32 s2, $0x2;
	s2 =	sadd.s32 $0x200, s2  }
0x23: {  	[tilespmem:s0+$0xD570] =	vst v0  }
0x24: {  	[tilespmem:s0+$0xD500] =	vst v0  }
0x25: {  	[tilespmem:s0+$0xD510] =	vst v0  }
0x26: {  	[tilespmem:s0+$0xD520] =	vst v0  }
0x27: {  	[tilespmem:s0+$0xD530] =	vst v0  }
0x28: {  	[tilespmem:s0+$0xD540] =	vst v0  }
0x29: {  	[tilespmem:s0+$0xD550] =	vst v0  }
.Ltmp3:
0x2a: {  	[tilespmem:s0+$0xD560] =	vst v0;
	s0 =	simm.s32 $0x0;
	s2 =	rddreg [dreg:$0x5];
	(pc) =	sbr.rel .LBB2_4-.Ltmp3, $4  }
0x2b: {  	[tilespmem:s0], [sflag:$0x2] =	stream.linear.gather [hbm4b:s2+s0], $0x3100, $0x38;
	[tilespmem:$0x1F500] =	vst v63  }
0x2c: {  	_ =	swait.ge [sflag:s23], $0x3100  }
0x2d: {  	[sflag:s23] =	ssyncset.done $0x0  }
0x2e: {  	[sflag:s23] =	ssyncadd.s32 $0xFFFFCF00  }
.LBB2_9:
0x2f: {  	[sflag:s23] =	ssyncadd.s32 $0xFFFFC000  }
.LBB2_10:
0x30: {  	p1 =	sgt.u32 @p0 s22, $0x4  }
0x31: {  	[bflag:$0x0] =	sbarrier.arrive $0xFFFF;
	p2 =	por !p1, !p0  }
0x32: {  	p1 =	por p1, !p0;
	s2 =	sshrl.u32 @!p2 s20, $0x3;
	s3 =	simm.s32 @!p2 $0x1FC2  }
0x33: {  	[hbm:s21], [sflag:s3] =	dma.local @!p2 [spmem:s2], $0x2080  }
0x34: {  	s2 =	simm.s32 @!p2 $0x2;
	s3 =	smul.u32 @!p1 $0x104800, s22  }
0x35: {  	_ =	swait.ge @!p2 [sflag:s2], $0x2080  }
0x36: {  	[sflag:s2] =	ssyncset.done @!p2 $0x0;
	s3 =	sshrl.u32 @!p1 s3, $0x3  }
0x37: {  	[sflag:s2] =	ssyncadd.s32 @!p2 $0xFFFFDF80;
	s2 =	sadd.s32 @!p1 s5, s3  }
0x38: {  	s8 =	simm.s32 @!p1 $0x1FC2;
	s3 =	sshrl.u32 @!p1 s20, $0x3;
	s2 =	sadd.s32 @!p1 $0x1E780, s2  }
0x39: {  	[hbm:s2], [sflag:s8] =	dma.local @!p1 [spmem:s3], $0x2180  }
0x3a: {  	s0 =	sadd.s32 $0x1, s0;
	s2 =	simm.s32 @!p1 $0x2  }
0x3b: {  	s3 =	sadd.s32 @!p0 s19, s6;
	s6 =	stileid.u32;
	_ =	swait.ge @!p1 [sflag:s2], $0x2180  }
0x3c: {  	s3 =	sshll.u32 @!p0 s3, $0x4;
	s6 =	sshll.u32 @!p0 s6, $0x6;
	[sflag:s2] =	ssyncset.done @!p1 $0x0  }
0x3d: {  	[sflag:s2] =	ssyncadd.s32 @!p1 $0xFFFFDE80;
	s2 =	sadd.s32 @!p0 s5, s3;
	s3 =	sor.u32 @!p0 $0x1C02, s6  }
0x3e: {  	[hbm:s2], [sflag:s3] =	dma.local @!p0 [spmem:s25], $0x2080  }
0x3f: {  	p1 =	sne.s32 s0, $0x3;
	s2 =	simm.s32 @!p0 $0x2  }
.Ltmp4:
0x40: {  	_ =	swait.ge @!p0 [sflag:s2], $0x2080;
	(pc) =	sbr.rel @!p1 .LBB2_11-.Ltmp4, $3  }
0x41: {  	[sflag:s2] =	ssyncset.done @!p0 $0x0  }
0x42: {  	[sflag:s2] =	ssyncadd.s32 @!p0 $0xFFFFDF80  }
0x43: {  	[bflag:$0x0] =	sbarrier.arrive $0xFFFF;
	_ =	sdelay $0x1  }
.LBB2_4:
0x44: {  	[spmem:s7] =	stream.linear.scatter [tilespmem:s24], [sflag:$0x2], $0x1800, $0x38;
	[tilespmem:$0x1F500] =	vst v63  }
0x45: {  	_ =	swait.ge [sflag:s23], $0x1800  }
0x46: {  	[sflag:s23] =	ssyncset.done $0x0  }
0x47: {  	s2 =	rddreg [dreg:$0x7];
	[sflag:s23] =	ssyncadd.s32 $0xFFFFE800  }
0x48: {  	[spmem:s2] =	stream.linear.scatter [tilespmem:s24], [sflag:$0x2], $0x1800, $0x38;
	[tilespmem:$0x1F500] =	vst v63  }
0x49: {  	_ =	swait.ge [sflag:s23], $0x1800  }
0x4a: {  	[sflag:s23] =	ssyncset.done $0x0  }
0x4b: {  	[sflag:s23] =	ssyncadd.s32 $0xFFFFE800  }
0x4c: {  	[spmem:s10] =	stream.linear.scatter [tilespmem:s24], [sflag:$0x2], $0x1800, $0x38;
	[tilespmem:$0x1F500] =	vst v63  }
0x4d: {  	_ =	swait.ge [sflag:s23], $0x1800  }
0x4e: {  	[sflag:s23] =	ssyncset.done $0x0  }
0x4f: {  	[sflag:s23] =	ssyncadd.s32 $0xFFFFE800  }
0x50: {  	[spmem:s11] =	stream.linear.scatter [tilespmem:s24], [sflag:$0x2], $0x1800, $0x38;
	[tilespmem:$0x1F500] =	vst v63  }
0x51: {  	_ =	swait.ge [sflag:s23], $0x1800  }
0x52: {  	[sflag:s23] =	ssyncset.done $0x0  }
0x53: {  	[sflag:s23] =	ssyncadd.s32 $0xFFFFE800  }
0x54: {  	[spmem:s12] =	stream.linear.scatter [tilespmem:s24], [sflag:$0x2], $0x1800, $0x38;
	[tilespmem:$0x1F500] =	vst v63  }
0x55: {  	_ =	swait.ge [sflag:s23], $0x1800  }
0x56: {  	[sflag:s23] =	ssyncset.done $0x0  }
0x57: {  	[sflag:s23] =	ssyncadd.s32 $0xFFFFE800  }
0x58: {  	[spmem:s13] =	stream.linear.scatter [tilespmem:s24], [sflag:$0x2], $0x1800, $0x38;
	[tilespmem:$0x1F500] =	vst v63  }
0x59: {  	_ =	swait.ge [sflag:s23], $0x1800  }
0x5a: {  	[sflag:s23] =	ssyncset.done $0x0  }
0x5b: {  	[sflag:s23] =	ssyncadd.s32 $0xFFFFE800  }
0x5c: {  	[spmem:s14] =	stream.linear.scatter [tilespmem:s24], [sflag:$0x2], $0x1800, $0x38;
	[tilespmem:$0x1F500] =	vst v63  }
0x5d: {  	_ =	swait.ge [sflag:s23], $0x1800  }
0x5e: {  	[sflag:s23] =	ssyncset.done $0x0  }
0x5f: {  	[sflag:s23] =	ssyncadd.s32 $0xFFFFE800  }
0x60: {  	[spmem:s15] =	stream.linear.scatter [tilespmem:s24], [sflag:$0x2], $0x1800, $0x38;
	[tilespmem:$0x1F500] =	vst v63  }
0x61: {  	_ =	swait.ge [sflag:s23], $0x1800  }
0x62: {  	[sflag:s23] =	ssyncset.done $0x0  }
0x63: {  	[sflag:s23] =	ssyncadd.s32 $0xFFFFE800  }
0x64: {  	[spmem:s16] =	stream.linear.scatter [tilespmem:s24], [sflag:$0x2], $0x1800, $0x38;
	[tilespmem:$0x1F500] =	vst v63  }
0x65: {  	_ =	swait.ge [sflag:s23], $0x1800  }
0x66: {  	[sflag:s23] =	ssyncset.done $0x0  }
0x67: {  	[sflag:s23] =	ssyncadd.s32 $0xFFFFE800  }
0x68: {  	[spmem:s17] =	stream.linear.scatter [tilespmem:s24], [sflag:$0x2], $0x1800, $0x38;
	[tilespmem:$0x1F500] =	vst v63  }
0x69: {  	_ =	swait.ge [sflag:s23], $0x1800  }
0x6a: {  	[sflag:s23] =	ssyncset.done $0x0  }
0x6b: {  	[sflag:s23] =	ssyncadd.s32 $0xFFFFE800  }
0x6c: {  	[spmem:s18] =	stream.linear.scatter [tilespmem:s24], [sflag:$0x2], $0x1800, $0x38;
	[tilespmem:$0x1F500] =	vst v63  }
0x6d: {  	_ =	swait.ge [sflag:s23], $0x1800  }
0x6e: {  	[sflag:s23] =	ssyncset.done $0x0  }
0x6f: {  	[sflag:s23] =	ssyncadd.s32 $0xFFFFE800  }
0x70: {  	s9 =	simm.s32 $0x0;
	[bflag:$0x0] =	sbarrier.arrive $0xFFFF  }
0x71: {  	v6 =	vld [tilespmem:s9+$0x0]  }
0x72: {  	s22 =	rddreg [dreg:$0x6]  }
0x73: {  	s22 =	sadd.s32 s22, s0  }
0x74: {  	s6 =	smul.u32 $0x2090, s22  }
0x75: {  	s2 =	simm.s32 $0x2080;
	p1 =	seq.s32 s22, $0x5  }
0x76: {  	s2 =	simm.s32 @!p1 $0x2090;
	v4 =	vmov s6;
	v7 =	vand.u32 $0xFFFF, v6  }
0x77: {  	v5 =	vmov s2;
	v7 =	vsub.s32 v7, v4  }
0x78: {  	vm0 =	vgt.s32 v7, $0xFFFFFFFF;
	vm1 =	vlt.s32 v7, v5  }
0x79: {  	vm0 =	vmand vm0, vm1  }
0x7a: {  	v8 =	vsel vm0, $0x1, v1  }
0x7b: {  	(xrf0) =	vadd.scan.msk.s32 $0xffff, v8;
	_ =	sdelay $0x1  }
0x7c: {  	s3 =	simm.s32 $0x80;
	s8 =	simm.s32 $0x0;
	s2 =	simm.s32 $0x40  }
.LBB2_5:
0x7d: {  	p1 =	sne.s32 s3, $0xC3C0;
	v8 =	vmov s8  }
0x7e: {  	v8 =	vadd.s32 $0xFFFFFFFF, v8  }
0x7f: {  	v8 =	vbroadcast v8, $0x0  }
0x80: {  	v9, _, _ =	vpop (xrf0)  }
0x81: {  	v8 =	vadd.s32 v9, v8  }
0x82: {  	(v2sf) =	vpush v8, $0xF;
	_ =	sdelay $0x2  }
0x83: {  	v6 =	vshrl.u32 v6, $0x10  }
0x84: {  	[tilespmem:v8+s26+$0x0] =	vst.idx.msk vm0, v6  }
0x85: {  	s8 =	sshra.s32 s2, $0x2;
	s2 =	smov.u32 s3;
	[tilespmem:v8+s28+$0x0] =	vst.idx.msk vm0, v7  }
0x86: {  	v6 =	vld [tilespmem:s8+$0x0];
	_ =	sdelay $0x4  }
0x87: {  	v7 =	vand.u32 $0xFFFF, v6  }
0x88: {  	v7 =	vsub.s32 v7, v4  }
0x89: {  	vm0 =	vgt.s32 v7, $0xFFFFFFFF;
	vm1 =	vlt.s32 v7, v5  }
.Ltmp5:
0x8a: {  	vm0 =	vmand vm0, vm1;
	(pc) =	sbr.rel @p1 .LBB2_5-.Ltmp5, $3  }
0x8b: {  	v8 =	vsel vm0, $0x1, v1;
	s8 =	spop (v2sf)  }
0x8c: {  	(xrf0) =	vadd.scan.msk.s32 $0xffff, v8;
	s8 =	sadd.s32 $0x1, s8;
	_ =	sdelay $0x1  }
0x8d: {  	s3 =	sadd.s32 $0x40, s3  }
0x8e: {  	v8 =	vmov s8  }
0x8f: {  	v8 =	vadd.s32 $0xFFFFFFFF, v8  }
0x90: {  	v8 =	vbroadcast v8, $0x0  }
0x91: {  	v9, _, _ =	vpop (xrf0)  }
0x92: {  	v8 =	vadd.s32 v9, v8;
	_ =	sdelay $0x2  }
0x93: {  	(v2sf) =	vpush v8, $0xF  }
0x94: {  	v6 =	vshrl.u32 v6, $0x10  }
0x95: {  	[tilespmem:v8+s26+$0x0] =	vst.idx.msk vm0, v6  }
0x96: {  	s2 =	sshra.s32 s2, $0x2;
	[tilespmem:v8+s28+$0x0] =	vst.idx.msk vm0, v7  }
0x97: {  	v6 =	vld [tilespmem:s2+$0x0];
	_ =	sdelay $0x4  }
0x98: {  	v58 =	vand.u32 $0xFFFF, v6  }
0x99: {  	v4 =	vsub.s32 v58, v4  }
0x9a: {  	vm15 =	vgt.s32 v4, $0xFFFFFFFF;
	vm1 =	vlt.s32 v4, v5  }
0x9b: {  	vm0 =	vmand vm15, vm1  }
0x9c: {  	v5 =	vsel vm0, $0x1, v1  }
0x9d: {  	(xrf0) =	vadd.scan.msk.s32 $0xffff, v5  }
0x9e: {  	s8 =	spop (v2sf)  }
0x9f: {  	s2 =	sadd.s32 $0x1, s8  }
0xa0: {  	v5 =	vmov s2  }
0xa1: {  	v5 =	vadd.s32 $0xFFFFFFFF, v5  }
0xa2: {  	v5 =	vbroadcast v5, $0x0  }
0xa3: {  	v59, _, _ =	vpop (xrf0)  }
0xa4: {  	v5 =	vadd.s32 v59, v5  }
0xa5: {  	(v2sf) =	vpush v5, $0xF;
	_ =	sdelay $0xe  }
0xa6: {  	s8 =	spop (v2sf)  }
0xa7: {  	s9 =	sadd.s32 $0x1, s8  }
0xa8: {  	v60 =	vadd.s32 s9, v2  }
0xa9: {  	s3 =	sadd.s32 $0x11, s8  }
0xaa: {  	v6 =	vshrl.u32 v6, $0x10;
	v61 =	vadd.s32 s3, v2  }
0xab: {  	[tilespmem:v5+s26+$0x0] =	vst.idx.msk vm0, v6;
	s9 =	sadd.s32 $0x21, s8  }
0xac: {  	[tilespmem:v5+s28+$0x0] =	vst.idx.msk vm0, v4;
	s3 =	simm.s32 $0x3100;
	v4 =	vadd.s32 s9, v2  }
0xad: {  	s2 =	simm.s32 $0x6300;
	s9 =	sadd.s32 $0x31, s8;
	[tilespmem:v60+s3+$0x0] =	vst.idx.msk $0xffff, v1  }
0xae: {  	v5 =	vadd.s32 s9, v2;
	[tilespmem:v60+s2+$0x0] =	vst.idx.msk $0xffff, v3  }
0xaf: {  	s9 =	sadd.s32 $0x41, s8;
	[tilespmem:v61+s3+$0x0] =	vst.idx.msk $0xffff, v1  }
0xb0: {  	v62 =	vadd.s32 s9, v2;
	[tilespmem:v61+s2+$0x0] =	vst.idx.msk $0xffff, v3  }
0xb1: {  	s9 =	sadd.s32 $0x51, s8;
	[tilespmem:v4+s3+$0x0] =	vst.idx.msk $0xffff, v1  }
0xb2: {  	[tilespmem:v4+s2+$0x0] =	vst.idx.msk $0xffff, v3;
	v4 =	vadd.s32 s9, v2  }
0xb3: {  	s9 =	sadd.s32 $0x61, s8;
	[tilespmem:v5+s3+$0x0] =	vst.idx.msk $0xffff, v1  }
0xb4: {  	[tilespmem:v5+s2+$0x0] =	vst.idx.msk $0xffff, v3;
	v5 =	vadd.s32 s9, v2  }
0xb5: {  	s9 =	sadd.s32 $0x71, s8;
	s8 =	sadd.s32 $0x80, s8;
	[tilespmem:v62+s3+$0x0] =	vst.idx.msk $0xffff, v1  }
0xb6: {  	v63 =	vadd.s32 s9, v2;
	s8 =	sshra.s32 s8, $0x7;
	[tilespmem:v62+s2+$0x0] =	vst.idx.msk $0xffff, v3  }
0xb7: {  	p1 =	slt.s32 s8, $0x1;
	[tilespmem:v4+s3+$0x0] =	vst.idx.msk $0xffff, v1  }
.Ltmp6:
0xb8: {  	[tilespmem:v4+s2+$0x0] =	vst.idx.msk $0xffff, v3;
	(pc) =	sbr.rel @p1 .LBB2_10-.Ltmp6, $4  }
0xb9: {  	[tilespmem:v5+s3+$0x0] =	vst.idx.msk $0xffff, v1  }
0xba: {  	[tilespmem:v5+s2+$0x0] =	vst.idx.msk $0xffff, v3  }
0xbb: {  	[tilespmem:v63+s3+$0x0] =	vst.idx.msk $0xffff, v1  }
0xbc: {  	[tilespmem:v63+s2+$0x0] =	vst.idx.msk $0xffff, v3  }
0xbd: {  	[tilespmem:s30], [sflag:$0x1] =	stream.indirect.gather [hbm4b:s4+s29], $0x80, s3, s29, $0xb8;
	[tilespmem:$0x1F500] =	vst v63  }
0xbe: {  	p1 =	sne.s32 s8, $0x1;
	_ =	swait.ge [sflag:s31], $0x4000  }
.Ltmp7:
0xbf: {  	[sflag:s31] =	ssyncset.done $0x0;
	(pc) =	sbr.rel @!p1 .LBB2_9-.Ltmp7, $4  }
0xc0: {  	[sflag:s31] =	ssyncadd.s32 $0xFFFFC000  }
0xc1: {  	[spmem:s1] =	stream.indirect.scatter.add.f32 [tilespmem:s30], [sflag:$0x2], $0x80, s2, s29, $0xb8;
	[tilespmem:$0x1F500] =	vst v63  }
0xc2: {  	_ =	swait.ge [sflag:s23], $0x4000  }
0xc3: {  	s8 =	sadd.s32 $0xFFFFFFFF, s8;
	[sflag:s23] =	ssyncset.done $0x0  }
.LBB2_8:
0xc4: {  	[sflag:s23] =	ssyncadd.s32 $0xFFFFC000;
	s3 =	sadd.s32 $0x80, s3;
	s2 =	sadd.s32 $0x80, s2  }
0xc5: {  	[tilespmem:s30], [sflag:$0x1] =	stream.indirect.gather [hbm4b:s4+s29], $0x80, s3, s29, $0xb8;
	[tilespmem:$0x1F500] =	vst v63  }
0xc6: {  	p1 =	sne.s32 s8, $0x1;
	s8 =	sadd.s32 $0xFFFFFFFF, s8;
	_ =	swait.ge [sflag:s31], $0x4000  }
.Ltmp8:
0xc7: {  	[sflag:s31] =	ssyncset.done $0x0;
	(pc) =	sbr.rel @p1 .LBB2_8-.Ltmp8, $4  }
0xc8: {  	[sflag:s31] =	ssyncadd.s32 $0xFFFFC000  }
0xc9: {  	[spmem:s1] =	stream.indirect.scatter.add.f32 [tilespmem:s30], [sflag:$0x2], $0x80, s2, s29, $0xb8;
	[tilespmem:$0x1F500] =	vst v63  }
0xca: {  	_ =	swait.ge [sflag:s23], $0x4000  }
0xcb: {  	[sflag:s23] =	ssyncset.done $0x0  }
.Ltmp9:
0xcc: {  	_ = 	snop;
	(pc) =	sbr.rel .LBB2_9-.Ltmp9, $1  }
0xcd: {  	_ =	sdelay $0x3  }
.LBB2_12:
0xce: {  	_ =	sfence.sel $0x180000  }
0xcf: {  	[bflag:$0x0] =	sbarrier.arrive $0xFFFF  }
0xd0: {  	_ =	strace $0x9000004A  }
0xd1: {  	s0 =	stileid.u32;
	[bflag:$0x2] =	sbarrier.arrive $0xFFFF  }
0xd2: {  	p0 =	sne.s32 s0, $0x0;
	s0 =	rddreg [dreg:$0x3]  }
0xd3: {  	s0 =	sadd.s32 @!p0 $0x100000, s0  }
0xd4: {  	[sflag:s0] =	ssyncadd.tile.s32 @!p0 $0x1;
	_ =	shalt  }
.Lfunc_end2:
_tile_overlayer_lowered:
.L_overlay_start_2:
0xd5: {  	(tag) =	ssettag $0x2  }
0xd6: {  	s0 =	rddreg [dreg:$0x0];
	s2 =	stileid.u32  }
0xd7: {  	s1 =	rddreg [dreg:$0x1];
	p0 =	sne.s32 s2, $0x0  }
0xd8: {  	s3 =	rddreg [dreg:$0x2];
	[bflag:$0x3] =	sbarrier.arrive $0xFFFF;
	s2 =	simm.s32 @!p0 $0x1C02  }
0xd9: {  	[timem:s3], [sflag:s2] =	dma.local @!p0 [hbm:s0], s1  }
0xda: {  	s0 =	simm.s32 @!p0 $0x2  }
0xdb: {  	_ =	swait.ge @!p0 [sflag:s0], s1  }
0xdc: {  	s1 =	ssub.s32 @!p0 $0x0, s1;
	[sflag:s0] =	ssyncset.done @!p0 $0x0  }
0xdd: {  	[sflag:s0] =	ssyncadd.s32 @!p0 s1  }
0xde: {  	[bflag:$0x3] =	sbarrier.arrive $0xFFFF  }
0xdf: {  	_ =	shalt  }

// kernel: kernel.16.cloned.1.call-start
scs
__scs_entry_jumppad:
0x0: {  	(pc) =	sbr.rel $0x88, $3  }
0x1: {  	(tag) =	ssettag $0x0;
	lr =	simm.s32 $0x1  }
0x2: {  	[smem:$0x3F87] =	sst lr;
	_ =	strace $0xD0000000  }
0x3: {  	_ = 	snop  }
0x4: {  	_ = 	snop  }
0x5: {  	_ = 	snop  }
0x6: {  	_ = 	snop  }
0x7: {  	_ = 	snop  }
__scs_overlays_trampoline_lowered:
0x8: {  	[smem:$0x3F96] =	sst s0  }
0x9: {  	[smem:$0x3F97] =	sst s1  }
0xa: {  	[smem:$0x3F98] =	sst s2  }
0xb: {  	[smem:$0x3F99] =	sst s3  }
0xc: {  	[smem:$0x3F9A] =	sst s4  }
0xd: {  	[smem:$0x3F9B] =	sst s5  }
0xe: {  	[smem:$0x3F9C] =	sst s6  }
0xf: {  	[smem:$0x3F9D] =	sst s7  }
0x10: {  	[smem:$0x3F9E] =	sst s8  }
0x11: {  	[smem:$0x3F9F] =	sst s9;
	s0 =	simm.s32 @!p0 $0x0  }
0x12: {  	s1 =	sld [smem:$0x3F85];
	s0 =	simm.s32 @p0 $0x1  }
0x13: {  	[smem:$0x3FA0] =	sst s0;
	s0 =	simm.s32 @!p1 $0x0  }
0x14: {  	s2 =	sld [smem:$0x3F84];
	s0 =	simm.s32 @p1 $0x1  }
0x15: {  	[smem:$0x3FA1] =	sst s0;
	s0 =	simm.s32 @!p2 $0x0  }
0x16: {  	s3 =	sld [smem:$0x3FDB];
	s0 =	simm.s32 @p2 $0x1  }
0x17: {  	s4 =	simm.s32 $0x1BF5;
	[smem:$0x3FA3] =	sst s0  }
0x18: {  	s0 =	sld [smem:$0x3F86];
	_ =	swait.ge [sflag:s4], $0x0  }
0x19: {  	s7 =	sld [smem:$0x3F87]  }
0x1a: {  	s8 =	sadd.s32 $0xFFFFE003, lr  }
0x1b: {  	s9 =	sadd.s32 $0xFFFFFEF7, lr;
	s5 =	simm.s32 $0xFFFFFFFF;
	p2 =	slt.u32 s8, $0xFFFFF086  }
0x1c: {  	p1 =	slt.u32 s9, $0xF7A;
	s5 =	simm.s32 @!p2 $0x0  }
0x1d: {  	s5 =	simm.s32 @p1 $0x1;
	p0 =	seq.s32 s7, s2  }
0x1e: {  	s7 =	smul.u32 @!p0 $0xF7A, s2;
	p2 =	seq.s32 @!p0 s5, $0x0  }
0x1f: {  	s9 =	smul.u32 $0xF7A, s1;
	s8 =	simm.s32 @!p0 $0x1BF5;
	p2 =	por !p2, p0  }
0x20: {  	[sflag:s8] =	ssyncset.s32 @!p0 $0xFFFFF086;
	s6 =	sadd.s32 @!p0 s3, s7;
	s7 =	simm.s32 @!p0 $0x108  }
0x21: {  	s3 =	sadd.s32 s3, s9;
	s6 =	sadd.s32 @!p0 $0x88, s6;
	s7 =	simm.s32 @p2 $0x1082  }
0x22: {  	[simem:s7], [sflag:s8] =	dma.local @!p0 [hbm:s6], $0xF7A  }
0x23: {  	s9 =	sor.u32 $0xD0000000, s2;
	s6 =	simm.s32 $0x108;
	_ =	swait.ge @!p0 [sflag:s8], $0x0  }
0x24: {  	s3 =	sadd.s32 $0x88, s3;
	s6 =	simm.s32 @!p1 $0x1082;
	[sflag:s4] =	ssyncset.s32 $0xFFFFF086  }
0x25: {  	[simem:s6], [sflag:s4] =	dma.local [hbm:s3], $0xF7A  }
0x26: {  	[smem:$0x3F87] =	sst s1;
	(tag) =	ssettag s2;
	_ =	strace s9  }
0x27: {  	s1 =	sld [smem:$0x3F97]  }
0x28: {  	s2 =	sld [smem:$0x3F98]  }
0x29: {  	s4 =	sld [smem:$0x3F9A]  }
0x2a: {  	p0 =	seq.s32 s5, $0x0;
	s5 =	sld [smem:$0x3F9B]  }
0x2b: {  	s6 =	sld [smem:$0x3F9C]  }
0x2c: {  	s7 =	sld [smem:$0x3F9D]  }
0x2d: {  	s3 =	simm.s32 $0x108;
	s8 =	sld [smem:$0x3F9E]  }
0x2e: {  	s3 =	simm.s32 @!p0 $0x1082;
	s9 =	sld [smem:$0x3F9F]  }
0x2f: {  	lr =	sadd.s32 s0, s3;
	s0 =	sld [smem:$0x3F96]  }
0x30: {  	s3 =	sld [smem:$0x3F99]  }
0x31: {  	[smem:$0x3FA2] =	sst s10  }
0x32: {  	s10 =	sld [smem:$0x3FA0];
	_ =	sdelay $0x3  }
0x33: {  	p0 =	seq.s32 s10, $0x1;
	s10 =	sld [smem:$0x3FA2];
	_ =	sdelay $0x3  }
0x34: {  	[smem:$0x3FA2] =	sst s10  }
0x35: {  	s10 =	sld [smem:$0x3FA1];
	_ =	sdelay $0x3  }
0x36: {  	p1 =	seq.s32 s10, $0x1;
	s10 =	sld [smem:$0x3FA2];
	_ =	sdelay $0x3  }
0x37: {  	[smem:$0x3FA2] =	sst s10  }
0x38: {  	s10 =	sld [smem:$0x3FA3]  }
0x39: {  	_ = 	snop;
	(pc) =	sbr.ind lr, $3  }
0x3a: {  	_ = 	snop  }
0x3b: {  	_ = 	snop  }
0x3c: {  	p2 =	seq.s32 s10, $0x1;
	s10 =	sld [smem:$0x3FA2]  }
0x3d: {  	_ =	shalt  }
0x3e: {  	_ =	shalt  }
0x3f: {  	_ =	shalt  }
0x40: {  	_ =	shalt  }
0x41: {  	_ =	shalt  }
0x42: {  	_ =	shalt  }
0x43: {  	_ =	shalt  }
0x44: {  	_ =	shalt  }
0x45: {  	_ =	shalt  }
0x46: {  	_ =	shalt  }
0x47: {  	_ =	shalt  }
0x48: {  	_ =	shalt  }
0x49: {  	_ =	shalt  }
0x4a: {  	_ =	shalt  }
0x4b: {  	_ =	shalt  }
0x4c: {  	_ =	shalt  }
0x4d: {  	_ =	shalt  }
0x4e: {  	_ =	shalt  }
0x4f: {  	_ =	shalt  }
0x50: {  	_ =	shalt  }
0x51: {  	_ =	shalt  }
0x52: {  	_ =	shalt  }
0x53: {  	_ =	shalt  }
0x54: {  	_ =	shalt  }
0x55: {  	_ =	shalt  }
0x56: {  	_ =	shalt  }
0x57: {  	_ =	shalt  }
0x58: {  	_ =	shalt  }
0x59: {  	_ =	shalt  }
0x5a: {  	_ =	shalt  }
0x5b: {  	_ =	shalt  }
0x5c: {  	_ =	shalt  }
0x5d: {  	_ =	shalt  }
0x5e: {  	_ =	shalt  }
0x5f: {  	_ =	shalt  }
0x60: {  	_ =	shalt  }
0x61: {  	_ =	shalt  }
0x62: {  	_ =	shalt  }
0x63: {  	_ =	shalt  }
0x64: {  	_ =	shalt  }
0x65: {  	_ =	shalt  }
0x66: {  	_ =	shalt  }
0x67: {  	_ =	shalt  }
0x68: {  	_ =	shalt  }
0x69: {  	_ =	shalt  }
0x6a: {  	_ =	shalt  }
0x6b: {  	_ =	shalt  }
0x6c: {  	_ =	shalt  }
0x6d: {  	_ =	shalt  }
0x6e: {  	_ =	shalt  }
0x6f: {  	_ =	shalt  }
0x70: {  	_ =	shalt  }
0x71: {  	_ =	shalt  }
0x72: {  	_ =	shalt  }
0x73: {  	_ =	shalt  }
0x74: {  	_ =	shalt  }
0x75: {  	_ =	shalt  }
0x76: {  	_ =	shalt  }
0x77: {  	_ =	shalt  }
0x78: {  	_ =	shalt  }
0x79: {  	_ =	shalt  }
0x7a: {  	_ =	shalt  }
0x7b: {  	_ =	shalt  }
0x7c: {  	_ =	shalt  }
0x7d: {  	_ =	shalt  }
0x7e: {  	_ =	shalt  }
0x7f: {  	_ =	shalt  }
0x80: {  	_ =	shalt  }
0x81: {  	_ =	shalt  }
0x82: {  	_ =	shalt  }
0x83: {  	_ =	shalt  }
0x84: {  	_ =	shalt  }
0x85: {  	_ =	shalt  }
0x86: {  	_ =	shalt  }
0x87: {  	_ =	shalt  }
.Lfunc_end0:
.L_simem_size_0:
called_computation.1_lowered:
.L_overlay_start_0:
0x88: {  	s2 =	sld [smem:$0x3FD9]  }
0x89: {  	s3 =	sld [smem:$0x3FFE];
	_ =	sdelay $0x1  }
0x8a: {  	s1 =	srdreg.scid  }
0x8b: {  	s0 =	sand.u32 $0x1, s1  }
0x8c: {  	s16 =	sshll.u32 s0, $0xA;
	s2 =	sadd.s32 s3, s2  }
0x8d: {  	s2 =	sadd.s32 s2, s16  }
0x8e: {  	[smem:$0x3FAE] =	sst s2  }
0x8f: {  	_ = 	snop  }
0x90: {  	(tm) =	ssettm $0x1  }
0x91: {  	s17 =	sld [smem:$0x3FFB];
	_ =	sdelay $0x3  }
0x92: {  	_ =	strace s17  }
0x93: {  	s2 =	sld [smem:$0x3FFC];
	_ =	sdelay $0x3  }
0x94: {  	_ =	strace s2  }
0x95: {  	s2 =	sld [smem:$0x3FFD];
	_ =	sdelay $0x3  }
0x96: {  	_ =	strace s2  }
0x97: {  	_ =	strace $0x8FFFFFFF  }
0x98: {  	s18 =	sld [smem:$0x3FDB];
	_ =	sdelay $0x1  }
0x99: {  	s19 =	simm.s32 $_scs_section_size  }
0x9a: {  	s4 =	simm.s32 $_size__tile_overlayer_lowered;
	s5 =	simm.s32 $_tile_overlayer_lowered  }
0x9b: {  	s22 =	simm.s32 $0x1BFF;
	s21 =	sshll.u32 s5, $0x1;
	s2 =	sadd.s32 s19, s18  }
0x9c: {  	s6 =	simm.s32 $0x0;
	s20 =	sshll.u32 s4, $0x1;
	s4 =	sadd.s32 s21, s2  }
0x9d: {  	[timem:s6], [sflag:s22] =	dma.local [hbm:s4], s20  }
0x9e: {  	_ =	swait.ge [sflag:s22], s20  }
0x9f: {  	s3 =	ssub.s32 $0x0, s20;
	[sflag:s22] =	ssyncset.done $0x0  }
0xa0: {  	[sflag:s22] =	ssyncadd.s32 s3;
	_ =	sdelay $0x1  }
0xa1: {  	s23 =	simm.s32 $0x1B8B  }
0xa2: {  	_ =	swait.ge [sflag:s23], $0x1  }
0xa3: {  	[sflag:s23] =	ssyncset.done $0x0  }
0xa4: {  	s25 =	simm.s32 $0x1B8E;
	s24 =	sld [smem:$0x3FFE];
	[sflag:s23] =	ssyncadd.s32 $0xFFFFFFFF  }
0xa5: {  	s26 =	simm.s32 $execute0_lowered;
	[smem:$0x3FD2] =	sst s25  }
0xa6: {  	s4 =	sshll.u32 s26, $0x1;
	_ =	strace $0x80000046;
	[dreg:$0x1] =	wrdreg $0xFFFFFFFF  }
0xa7: {  	s28 =	simm.s32 $_size_execute0_lowered;
	s2 =	sadd.s32 s2, s4;
	[dreg:$0x0] =	wrdreg $0x0  }
0xa8: {  	s4 =	sshll.u32 s28, $0x1;
	[dreg:$0x2] =	wrdreg s2  }
0xa9: {  	[dreg:$0x3] =	wrdreg s4  }
0xaa: {  	[dreg:$0x4] =	wrdreg $0xC0  }
0xab: {  	_ =	task [dreg:s6], $0x5FFFF  }
0xac: {  	[dreg:$0x1] =	wrdreg $0xFFFFFFFF  }
0xad: {  	[dreg:$0x0] =	wrdreg $0x60  }
0xae: {  	[dreg:$0x2] =	wrdreg s24  }
0xaf: {  	[dreg:$0x3] =	wrdreg $0xED000  }
0xb0: {  	[dreg:$0x4] =	wrdreg $0xB  }
0xb1: {  	_ =	task.clear_ibuf [dreg:s6], $0x5FFFF;
	_ =	strace $0x90000046  }
0xb2: {  	s29 =	simm.s32 $0xB;
	_ =	strace $0x80000048  }
0xb3: {  	_ =	swait.ge [sflag:s29], $0x1  }
0xb4: {  	[sflag:s29] =	ssyncadd.s32 $0xFFFFFFFF  }
0xb5: {  	_ =	strace $0x90000048  }
0xb6: {  	_ =	sfence  }
0xb7: {  	s30 =	sld [smem:$0x0];
	_ =	sdelay $0x2  }
0xb8: {  	s31 =	sshll.u32 s1, $0xD;
	s1 =	sshrl.u32 s1, $0x2  }
0xb9: {  	s3 =	sand.u32 $0x4000, s31;
	s1 =	sadd.s32 s1, s30  }
0xba: {  	s0 =	sor.u32 s3, s0;
	s1 =	sshll.u32 s1, $0x11  }
0xbb: {  	s0 =	sor.u32 s1, s0  }
0xbc: {  	s0 =	sadd.s32 $0x8F2B, s0  }
0xbd: {  	[sflag:s0] =	ssyncadd.remote.s32 $0x1  }
0xbe: {  	_ =	sfence.sel $0xFFFF  }
0xbf: {  	[dreg:$0x0] =	wrdreg $0xFFFFFFFF;
	(pc) =	sbr.abs _section_cstart, $3  }
0xc0: {  	[dreg:$0x1] =	wrdreg $0xFFFFFFFF  }
0xc1: {  	_ =	task.clear_ibuf [dreg:s6], $0x2FFFF;
	_ =	strace $0x9FFFFFFF  }
0xc2: {  	(tm) =	ssettm $0x7FFFFFFF  }
0xc3: {  	_ =	shalt  }
tec
execute0_lowered:
.L_overlay_start_1:
0x0: {  	(tag) =	ssettag $0x1  }
0x1: {  	s0 =	rddreg [dreg:$0x0]  }
0x2: {  	s2 =	rddreg [dreg:$0x1];
	s22 =	simm.s32 $0x0  }
0x3: {  	s9 =	stileid.u32;
	s3 =	srdreg.scid;
	s28 =	simm.s32 $0x6300  }
0x4: {  	s29 =	simm.s32 $0x80;
	s30 =	simm.s32 $0x9500;
	s1 =	smul.u32 $0x620, s9  }
0x5: {  	s31 =	simm.s32 $0x1;
	[smem:$0x7FF] =	sst s22;
	s6 =	smul.u32 $0x42000, s9  }
0x6: {  	s3 =	sand.u32 $0x1, s3;
	s4 =	sadd.s32 $0x8A00, s0;
	s25 =	smul.u32 $0x41000, s9  }
0x7: {  	s5 =	sadd.s32 $0xCC000, s0;
	s19 =	smul.u32 $0x208, s9;
	s20 =	sadd.s32 $0xF3C00, s2  }
0x8: {  	s21 =	sadd.s32 $0x18D480, s0;
	p0 =	seq.s32 s9, $0xF;
	s7 =	ssub.s32 $0x2, s3  }
0x9: {  	_ =	strace $0x80000047;
	s23 =	smul.u32 $0x3, s3;
	s8 =	sshrl.u32 s7, $0x1  }
0xa: {  	s1 =	sadd.s32 s1, s0;
	s6 =	sshrl.u32 s6, $0x2;
	s8 =	ssub.s32 s7, s8  }
0xb: {  	s1 =	sadd.s32 $0x2800, s1;
	s7 =	sadd.s32 s6, s2;
	[dreg:$0x5] =	wrdreg s23  }
0xc: {  	s23 =	simm.s32 $0x2;
	[dreg:$0x4] =	wrdreg s1;
	s24 =	sadd.s32 $0x1800, s7  }
0xd: {  	s10 =	sadd.s32 $0x3000, s7;
	s11 =	sadd.s32 $0x4800, s7;
	s12 =	sadd.s32 $0x6000, s7  }
.Ltmp0:
0xe: {  	s13 =	sadd.s32 $0x7800, s7;
	s14 =	sadd.s32 $0x9000, s7;
	(pc) =	sbr.rel .LBB2_1-.Ltmp0, $4  }
0xf: {  	s15 =	sadd.s32 $0xA800, s7;
	s16 =	sadd.s32 $0xC000, s7;
	s17 =	sadd.s32 $0xD800, s7  }
0x10: {  	s1 =	sshrl.u32 s25, $0x2;
	s26 =	smax.u32 s8, $0x1;
	[dreg:$0x6] =	wrdreg s24  }
0x11: {  	v0 =	vimm.f32 $0.0e+00;
	s18 =	sadd.s32 $0xF000, s7;
	s1 =	sadd.s32 s1, s2;
	[dreg:$0x7] =	wrdreg s26  }
0x12: {  	v1 =	vimm.s32 $0x0;
	v2 =	vlaneseq.u32;
	v3 =	vimm.s32 $0x2090;
	s24 =	simm.s32 $0xD500;
	s26 =	simm.s32 $0x3100;
	s25 =	sshrl.u32 @!p0 s1, $0x3  }
.LBB2_11:
0x13: {  	s22 =	rddreg [dreg:$0x3]  }
0x14: {  	s0 =	rddreg [dreg:$0x7];
	s22 =	sadd.s32 $0x1, s22  }
0x15: {  	p1 =	sne.s32 s22, s0  }
.Ltmp1:
0x16: {  	_ = 	snop;
	(pc) =	sbr.rel @!p1 .LBB2_12-.Ltmp1, $1  }
0x17: {  	_ =	sdelay $0x3  }
.LBB2_1:
0x18: {  	[dreg:$0x3] =	wrdreg s22;
	s0 =	simm.s32 $0x0;
	s1 =	simm.s32 $0x200  }
.LBB2_2:
0x19: {  	p1 =	sne.s32 s1, $0x5E00;
	[tilespmem:s0+$0xD570] =	vst v0  }
0x1a: {  	[tilespmem:s0+$0xD500] =	vst v0  }
0x1b: {  	[tilespmem:s0+$0xD510] =	vst v0  }
.Ltmp2:
0x1c: {  	[tilespmem:s0+$0xD520] =	vst v0;
	(pc) =	sbr.rel @p1 .LBB2_2-.Ltmp2, $4  }
0x1d: {  	[tilespmem:s0+$0xD530] =	vst v0  }
0x1e: {  	[tilespmem:s0+$0xD540] =	vst v0  }
0x1f: {  	[tilespmem:s0+$0xD550] =	vst v0  }
0x20: {  	[tilespmem:s0+$0xD560] =	vst v0;
	s0 =	sshra.s32 s1, $0x2;
	s1 =	sadd.s32 $0x200, s1  }
0x21: {  	[tilespmem:s0+$0xD570] =	vst v0  }
0x22: {  	[tilespmem:s0+$0xD500] =	vst v0  }
0x23: {  	[tilespmem:s0+$0xD510] =	vst v0  }
0x24: {  	[tilespmem:s0+$0xD520] =	vst v0  }
0x25: {  	[tilespmem:s0+$0xD530] =	vst v0  }
0x26: {  	[tilespmem:s0+$0xD540] =	vst v0  }
0x27: {  	[tilespmem:s0+$0xD550] =	vst v0  }
.Ltmp3:
0x28: {  	[tilespmem:s0+$0xD560] =	vst v0;
	s0 =	simm.s32 $0x0;
	s1 =	rddreg [dreg:$0x4];
	(pc) =	sbr.rel .LBB2_4-.Ltmp3, $4  }
0x29: {  	[tilespmem:s0], [sflag:$0x2] =	stream.linear.gather [hbm4b:s1+s0], $0x3100, $0x38;
	[tilespmem:$0x1F500] =	vst v63  }
0x2a: {  	_ =	swait.ge [sflag:s23], $0x3100  }
0x2b: {  	[sflag:s23] =	ssyncset.done $0x0  }
0x2c: {  	[sflag:s23] =	ssyncadd.s32 $0xFFFFCF00  }
.LBB2_9:
0x2d: {  	[sflag:s23] =	ssyncadd.s32 $0xFFFFC000  }
.LBB2_10:
0x2e: {  	p1 =	sgt.u32 @p0 s22, $0x4  }
0x2f: {  	[bflag:$0x0] =	sbarrier.arrive $0xFFFF;
	p2 =	por !p1, !p0  }
0x30: {  	p1 =	por p1, !p0;
	s1 =	sshrl.u32 @!p2 s20, $0x3;
	s3 =	simm.s32 @!p2 $0x1FC2  }
0x31: {  	[hbm:s21], [sflag:s3] =	dma.local @!p2 [spmem:s1], $0x2080  }
0x32: {  	s1 =	simm.s32 @!p2 $0x2;
	s3 =	smul.u32 @!p1 $0x104800, s22  }
0x33: {  	_ =	swait.ge @!p2 [sflag:s1], $0x2080  }
0x34: {  	[sflag:s1] =	ssyncset.done @!p2 $0x0;
	s3 =	sshrl.u32 @!p1 s3, $0x3  }
0x35: {  	[sflag:s1] =	ssyncadd.s32 @!p2 $0xFFFFDF80;
	s1 =	sadd.s32 @!p1 s5, s3  }
0x36: {  	s8 =	simm.s32 @!p1 $0x1FC2;
	s3 =	sshrl.u32 @!p1 s20, $0x3;
	s1 =	sadd.s32 @!p1 $0x1E780, s1  }
0x37: {  	[hbm:s1], [sflag:s8] =	dma.local @!p1 [spmem:s3], $0x2180  }
0x38: {  	s0 =	sadd.s32 $0x1, s0;
	s1 =	simm.s32 @!p1 $0x2  }
0x39: {  	s3 =	sadd.s32 @!p0 s19, s6;
	s6 =	stileid.u32;
	_ =	swait.ge @!p1 [sflag:s1], $0x2180  }
0x3a: {  	s3 =	sshll.u32 @!p0 s3, $0x4;
	s6 =	sshll.u32 @!p0 s6, $0x6;
	[sflag:s1] =	ssyncset.done @!p1 $0x0  }
0x3b: {  	[sflag:s1] =	ssyncadd.s32 @!p1 $0xFFFFDE80;
	s1 =	sadd.s32 @!p0 s5, s3;
	s3 =	sor.u32 @!p0 $0x1C02, s6  }
0x3c: {  	[hbm:s1], [sflag:s3] =	dma.local @!p0 [spmem:s25], $0x2080  }
0x3d: {  	p1 =	sne.s32 s0, $0x3;
	s1 =	simm.s32 @!p0 $0x2  }
.Ltmp4:
0x3e: {  	_ =	swait.ge @!p0 [sflag:s1], $0x2080;
	(pc) =	sbr.rel @!p1 .LBB2_11-.Ltmp4, $3  }
0x3f: {  	[sflag:s1] =	ssyncset.done @!p0 $0x0  }
0x40: {  	[sflag:s1] =	ssyncadd.s32 @!p0 $0xFFFFDF80  }
0x41: {  	[bflag:$0x0] =	sbarrier.arrive $0xFFFF;
	_ =	sdelay $0x1  }
.LBB2_4:
0x42: {  	[spmem:s7] =	stream.linear.scatter [tilespmem:s24], [sflag:$0x2], $0x1800, $0x38;
	[tilespmem:$0x1F500] =	vst v63  }
0x43: {  	_ =	swait.ge [sflag:s23], $0x1800  }
0x44: {  	[sflag:s23] =	ssyncset.done $0x0  }
0x45: {  	s1 =	rddreg [dreg:$0x6];
	[sflag:s23] =	ssyncadd.s32 $0xFFFFE800  }
0x46: {  	[spmem:s1] =	stream.linear.scatter [tilespmem:s24], [sflag:$0x2], $0x1800, $0x38;
	[tilespmem:$0x1F500] =	vst v63  }
0x47: {  	_ =	swait.ge [sflag:s23], $0x1800  }
0x48: {  	[sflag:s23] =	ssyncset.done $0x0  }
0x49: {  	[sflag:s23] =	ssyncadd.s32 $0xFFFFE800  }
0x4a: {  	[spmem:s10] =	stream.linear.scatter [tilespmem:s24], [sflag:$0x2], $0x1800, $0x38;
	[tilespmem:$0x1F500] =	vst v63  }
0x4b: {  	_ =	swait.ge [sflag:s23], $0x1800  }
0x4c: {  	[sflag:s23] =	ssyncset.done $0x0  }
0x4d: {  	[sflag:s23] =	ssyncadd.s32 $0xFFFFE800  }
0x4e: {  	[spmem:s11] =	stream.linear.scatter [tilespmem:s24], [sflag:$0x2], $0x1800, $0x38;
	[tilespmem:$0x1F500] =	vst v63  }
0x4f: {  	_ =	swait.ge [sflag:s23], $0x1800  }
0x50: {  	[sflag:s23] =	ssyncset.done $0x0  }
0x51: {  	[sflag:s23] =	ssyncadd.s32 $0xFFFFE800  }
0x52: {  	[spmem:s12] =	stream.linear.scatter [tilespmem:s24], [sflag:$0x2], $0x1800, $0x38;
	[tilespmem:$0x1F500] =	vst v63  }
0x53: {  	_ =	swait.ge [sflag:s23], $0x1800  }
0x54: {  	[sflag:s23] =	ssyncset.done $0x0  }
0x55: {  	[sflag:s23] =	ssyncadd.s32 $0xFFFFE800  }
0x56: {  	[spmem:s13] =	stream.linear.scatter [tilespmem:s24], [sflag:$0x2], $0x1800, $0x38;
	[tilespmem:$0x1F500] =	vst v63  }
0x57: {  	_ =	swait.ge [sflag:s23], $0x1800  }
0x58: {  	[sflag:s23] =	ssyncset.done $0x0  }
0x59: {  	[sflag:s23] =	ssyncadd.s32 $0xFFFFE800  }
0x5a: {  	[spmem:s14] =	stream.linear.scatter [tilespmem:s24], [sflag:$0x2], $0x1800, $0x38;
	[tilespmem:$0x1F500] =	vst v63  }
0x5b: {  	_ =	swait.ge [sflag:s23], $0x1800  }
0x5c: {  	[sflag:s23] =	ssyncset.done $0x0  }
0x5d: {  	[sflag:s23] =	ssyncadd.s32 $0xFFFFE800  }
0x5e: {  	[spmem:s15] =	stream.linear.scatter [tilespmem:s24], [sflag:$0x2], $0x1800, $0x38;
	[tilespmem:$0x1F500] =	vst v63  }
0x5f: {  	_ =	swait.ge [sflag:s23], $0x1800  }
0x60: {  	[sflag:s23] =	ssyncset.done $0x0  }
0x61: {  	[sflag:s23] =	ssyncadd.s32 $0xFFFFE800  }
0x62: {  	[spmem:s16] =	stream.linear.scatter [tilespmem:s24], [sflag:$0x2], $0x1800, $0x38;
	[tilespmem:$0x1F500] =	vst v63  }
0x63: {  	_ =	swait.ge [sflag:s23], $0x1800  }
0x64: {  	[sflag:s23] =	ssyncset.done $0x0  }
0x65: {  	[sflag:s23] =	ssyncadd.s32 $0xFFFFE800  }
0x66: {  	[spmem:s17] =	stream.linear.scatter [tilespmem:s24], [sflag:$0x2], $0x1800, $0x38;
	[tilespmem:$0x1F500] =	vst v63  }
0x67: {  	_ =	swait.ge [sflag:s23], $0x1800  }
0x68: {  	[sflag:s23] =	ssyncset.done $0x0  }
0x69: {  	[sflag:s23] =	ssyncadd.s32 $0xFFFFE800  }
0x6a: {  	[spmem:s18] =	stream.linear.scatter [tilespmem:s24], [sflag:$0x2], $0x1800, $0x38;
	[tilespmem:$0x1F500] =	vst v63  }
0x6b: {  	_ =	swait.ge [sflag:s23], $0x1800  }
0x6c: {  	[sflag:s23] =	ssyncset.done $0x0  }
0x6d: {  	[sflag:s23] =	ssyncadd.s32 $0xFFFFE800  }
0x6e: {  	s9 =	simm.s32 $0x0;
	[bflag:$0x0] =	sbarrier.arrive $0xFFFF  }
0x6f: {  	v6 =	vld [tilespmem:s9+$0x0]  }
0x70: {  	s22 =	rddreg [dreg:$0x5]  }
0x71: {  	s22 =	sadd.s32 s22, s0  }
0x72: {  	s6 =	smul.u32 $0x2090, s22  }
0x73: {  	s1 =	simm.s32 $0x2080;
	p1 =	seq.s32 s22, $0x5  }
0x74: {  	s1 =	simm.s32 @!p1 $0x2090;
	v4 =	vmov s6;
	v7 =	vand.u32 $0xFFFF, v6  }
0x75: {  	v5 =	vmov s1;
	v7 =	vsub.s32 v7, v4  }
0x76: {  	vm0 =	vgt.s32 v7, $0xFFFFFFFF;
	vm1 =	vlt.s32 v7, v5  }
0x77: {  	vm0 =	vmand vm0, vm1  }
0x78: {  	v8 =	vsel vm0, $0x1, v1  }
0x79: {  	(xrf0) =	vadd.scan.msk.s32 $0xffff, v8;
	_ =	sdelay $0x1  }
0x7a: {  	s3 =	simm.s32 $0x80;
	s8 =	simm.s32 $0x0;
	s1 =	simm.s32 $0x40  }
.LBB2_5:
0x7b: {  	p1 =	sne.s32 s3, $0xC3C0;
	v8 =	vmov s8  }
0x7c: {  	v8 =	vadd.s32 $0xFFFFFFFF, v8  }
0x7d: {  	v8 =	vbroadcast v8, $0x0  }
0x7e: {  	v9, _, _ =	vpop (xrf0)  }
0x7f: {  	v8 =	vadd.s32 v9, v8  }
0x80: {  	(v2sf) =	vpush v8, $0xF;
	_ =	sdelay $0x2  }
0x81: {  	v6 =	vshrl.u32 v6, $0x10  }
0x82: {  	[tilespmem:v8+s26+$0x0] =	vst.idx.msk vm0, v6  }
0x83: {  	s8 =	sshra.s32 s1, $0x2;
	s1 =	smov.u32 s3;
	[tilespmem:v8+s28+$0x0] =	vst.idx.msk vm0, v7  }
0x84: {  	v6 =	vld [tilespmem:s8+$0x0];
	_ =	sdelay $0x4  }
0x85: {  	v7 =	vand.u32 $0xFFFF, v6  }
0x86: {  	v7 =	vsub.s32 v7, v4  }
0x87: {  	vm0 =	vgt.s32 v7, $0xFFFFFFFF;
	vm1 =	vlt.s32 v7, v5  }
.Ltmp5:
0x88: {  	vm0 =	vmand vm0, vm1;
	(pc) =	sbr.rel @p1 .LBB2_5-.Ltmp5, $3  }
0x89: {  	v8 =	vsel vm0, $0x1, v1;
	s8 =	spop (v2sf)  }
0x8a: {  	(xrf0) =	vadd.scan.msk.s32 $0xffff, v8;
	s8 =	sadd.s32 $0x1, s8;
	_ =	sdelay $0x1  }
0x8b: {  	s3 =	sadd.s32 $0x40, s3  }
0x8c: {  	v8 =	vmov s8  }
0x8d: {  	v8 =	vadd.s32 $0xFFFFFFFF, v8  }
0x8e: {  	v8 =	vbroadcast v8, $0x0  }
0x8f: {  	v9, _, _ =	vpop (xrf0)  }
0x90: {  	v8 =	vadd.s32 v9, v8;
	_ =	sdelay $0x2  }
0x91: {  	(v2sf) =	vpush v8, $0xF  }
0x92: {  	v6 =	vshrl.u32 v6, $0x10  }
0x93: {  	[tilespmem:v8+s26+$0x0] =	vst.idx.msk vm0, v6  }
0x94: {  	s1 =	sshra.s32 s1, $0x2;
	[tilespmem:v8+s28+$0x0] =	vst.idx.msk vm0, v7  }
0x95: {  	v6 =	vld [tilespmem:s1+$0x0];
	_ =	sdelay $0x4  }
0x96: {  	v58 =	vand.u32 $0xFFFF, v6  }
0x97: {  	v4 =	vsub.s32 v58, v4  }
0x98: {  	vm15 =	vgt.s32 v4, $0xFFFFFFFF;
	vm1 =	vlt.s32 v4, v5  }
0x99: {  	vm0 =	vmand vm15, vm1  }
0x9a: {  	v5 =	vsel vm0, $0x1, v1  }
0x9b: {  	(xrf0) =	vadd.scan.msk.s32 $0xffff, v5  }
0x9c: {  	s8 =	spop (v2sf)  }
0x9d: {  	s1 =	sadd.s32 $0x1, s8  }
0x9e: {  	v5 =	vmov s1  }
0x9f: {  	v5 =	vadd.s32 $0xFFFFFFFF, v5  }
0xa0: {  	v5 =	vbroadcast v5, $0x0  }
0xa1: {  	v59, _, _ =	vpop (xrf0)  }
0xa2: {  	v5 =	vadd.s32 v59, v5  }
0xa3: {  	(v2sf) =	vpush v5, $0xF;
	_ =	sdelay $0xe  }
0xa4: {  	s8 =	spop (v2sf)  }
0xa5: {  	s9 =	sadd.s32 $0x1, s8  }
0xa6: {  	v60 =	vadd.s32 s9, v2  }
0xa7: {  	s3 =	sadd.s32 $0x11, s8  }
0xa8: {  	v6 =	vshrl.u32 v6, $0x10;
	v61 =	vadd.s32 s3, v2  }
0xa9: {  	[tilespmem:v5+s26+$0x0] =	vst.idx.msk vm0, v6;
	s9 =	sadd.s32 $0x21, s8  }
0xaa: {  	[tilespmem:v5+s28+$0x0] =	vst.idx.msk vm0, v4;
	s3 =	simm.s32 $0x3100;
	v4 =	vadd.s32 s9, v2  }
0xab: {  	s1 =	simm.s32 $0x6300;
	s9 =	sadd.s32 $0x31, s8;
	[tilespmem:v60+s3+$0x0] =	vst.idx.msk $0xffff, v1  }
0xac: {  	v5 =	vadd.s32 s9, v2;
	[tilespmem:v60+s1+$0x0] =	vst.idx.msk $0xffff, v3  }
0xad: {  	s9 =	sadd.s32 $0x41, s8;
	[tilespmem:v61+s3+$0x0] =	vst.idx.msk $0xffff, v1  }
0xae: {  	v62 =	vadd.s32 s9, v2;
	[tilespmem:v61+s1+$0x0] =	vst.idx.msk $0xffff, v3  }
0xaf: {  	s9 =	sadd.s32 $0x51, s8;
	[tilespmem:v4+s3+$0x0] =	vst.idx.msk $0xffff, v1  }
0xb0: {  	[tilespmem:v4+s1+$0x0] =	vst.idx.msk $0xffff, v3;
	v4 =	vadd.s32 s9, v2  }
0xb1: {  	s9 =	sadd.s32 $0x61, s8;
	[tilespmem:v5+s3+$0x0] =	vst.idx.msk $0xffff, v1  }
0xb2: {  	[tilespmem:v5+s1+$0x0] =	vst.idx.msk $0xffff, v3;
	v5 =	vadd.s32 s9, v2  }
0xb3: {  	s9 =	sadd.s32 $0x71, s8;
	s8 =	sadd.s32 $0x80, s8;
	[tilespmem:v62+s3+$0x0] =	vst.idx.msk $0xffff, v1  }
0xb4: {  	v63 =	vadd.s32 s9, v2;
	s8 =	sshra.s32 s8, $0x7;
	[tilespmem:v62+s1+$0x0] =	vst.idx.msk $0xffff, v3  }
0xb5: {  	p1 =	slt.s32 s8, $0x1;
	[tilespmem:v4+s3+$0x0] =	vst.idx.msk $0xffff, v1  }
.Ltmp6:
0xb6: {  	[tilespmem:v4+s1+$0x0] =	vst.idx.msk $0xffff, v3;
	(pc) =	sbr.rel @p1 .LBB2_10-.Ltmp6, $4  }
0xb7: {  	[tilespmem:v5+s3+$0x0] =	vst.idx.msk $0xffff, v1  }
0xb8: {  	[tilespmem:v5+s1+$0x0] =	vst.idx.msk $0xffff, v3  }
0xb9: {  	[tilespmem:v63+s3+$0x0] =	vst.idx.msk $0xffff, v1  }
0xba: {  	[tilespmem:v63+s1+$0x0] =	vst.idx.msk $0xffff, v3  }
0xbb: {  	[tilespmem:s30], [sflag:$0x1] =	stream.indirect.gather [hbm4b:s4+s29], $0x80, s3, s29, $0xb8;
	[tilespmem:$0x1F500] =	vst v63  }
0xbc: {  	p1 =	sne.s32 s8, $0x1;
	_ =	swait.ge [sflag:s31], $0x4000  }
.Ltmp7:
0xbd: {  	[sflag:s31] =	ssyncset.done $0x0;
	(pc) =	sbr.rel @!p1 .LBB2_9-.Ltmp7, $4  }
0xbe: {  	[sflag:s31] =	ssyncadd.s32 $0xFFFFC000  }
0xbf: {  	[spmem:s2] =	stream.indirect.scatter.add.f32 [tilespmem:s30], [sflag:$0x2], $0x80, s1, s29, $0xb8;
	[tilespmem:$0x1F500] =	vst v63  }
0xc0: {  	_ =	swait.ge [sflag:s23], $0x4000  }
0xc1: {  	s8 =	sadd.s32 $0xFFFFFFFF, s8;
	[sflag:s23] =	ssyncset.done $0x0  }
.LBB2_8:
0xc2: {  	[sflag:s23] =	ssyncadd.s32 $0xFFFFC000;
	s3 =	sadd.s32 $0x80, s3;
	s1 =	sadd.s32 $0x80, s1  }
0xc3: {  	[tilespmem:s30], [sflag:$0x1] =	stream.indirect.gather [hbm4b:s4+s29], $0x80, s3, s29, $0xb8;
	[tilespmem:$0x1F500] =	vst v63  }
0xc4: {  	p1 =	sne.s32 s8, $0x1;
	s8 =	sadd.s32 $0xFFFFFFFF, s8;
	_ =	swait.ge [sflag:s31], $0x4000  }
.Ltmp8:
0xc5: {  	[sflag:s31] =	ssyncset.done $0x0;
	(pc) =	sbr.rel @p1 .LBB2_8-.Ltmp8, $4  }
0xc6: {  	[sflag:s31] =	ssyncadd.s32 $0xFFFFC000  }
0xc7: {  	[spmem:s2] =	stream.indirect.scatter.add.f32 [tilespmem:s30], [sflag:$0x2], $0x80, s1, s29, $0xb8;
	[tilespmem:$0x1F500] =	vst v63  }
0xc8: {  	_ =	swait.ge [sflag:s23], $0x4000  }
0xc9: {  	[sflag:s23] =	ssyncset.done $0x0  }
.Ltmp9:
0xca: {  	_ = 	snop;
	(pc) =	sbr.rel .LBB2_9-.Ltmp9, $1  }
0xcb: {  	_ =	sdelay $0x3  }
.LBB2_12:
0xcc: {  	_ =	sfence.sel $0x180000  }
0xcd: {  	[bflag:$0x0] =	sbarrier.arrive $0xFFFF  }
0xce: {  	_ =	strace $0x90000047  }
0xcf: {  	s0 =	stileid.u32;
	[bflag:$0x2] =	sbarrier.arrive $0xFFFF  }
0xd0: {  	p0 =	sne.s32 s0, $0x0;
	s0 =	rddreg [dreg:$0x2]  }
0xd1: {  	s0 =	sadd.s32 @!p0 $0x100000, s0  }
0xd2: {  	[sflag:s0] =	ssyncadd.tile.s32 @!p0 $0x1;
	_ =	shalt  }
.Lfunc_end2:
_tile_overlayer_lowered:
.L_overlay_start_2:
0xd3: {  	(tag) =	ssettag $0x2  }
0xd4: {  	s0 =	rddreg [dreg:$0x0];
	s2 =	stileid.u32  }
0xd5: {  	s1 =	rddreg [dreg:$0x1];
	p0 =	sne.s32 s2, $0x0  }
0xd6: {  	s3 =	rddreg [dreg:$0x2];
	[bflag:$0x3] =	sbarrier.arrive $0xFFFF;
	s2 =	simm.s32 @!p0 $0x1C02  }
0xd7: {  	[timem:s3], [sflag:s2] =	dma.local @!p0 [hbm:s0], s1  }
0xd8: {  	s0 =	simm.s32 @!p0 $0x2  }
0xd9: {  	_ =	swait.ge @!p0 [sflag:s0], s1  }
0xda: {  	s1 =	ssub.s32 @!p0 $0x0, s1;
	[sflag:s0] =	ssyncset.done @!p0 $0x0  }
0xdb: {  	[sflag:s0] =	ssyncadd.s32 @!p0 s1  }
0xdc: {  	[bflag:$0x3] =	sbarrier.arrive $0xFFFF  }
0xdd: {  	_ =	shalt  }

// kernel: kernel.19.cloned.1.call-start
scs
__scs_entry_jumppad:
0x0: {  	(pc) =	sbr.rel $0x88, $3  }
0x1: {  	(tag) =	ssettag $0x0;
	lr =	simm.s32 $0x1  }
0x2: {  	[smem:$0x3F87] =	sst lr;
	_ =	strace $0xD0000000  }
0x3: {  	_ = 	snop  }
0x4: {  	_ = 	snop  }
0x5: {  	_ = 	snop  }
0x6: {  	_ = 	snop  }
0x7: {  	_ = 	snop  }
__scs_overlays_trampoline_lowered:
0x8: {  	[smem:$0x3F96] =	sst s0  }
0x9: {  	[smem:$0x3F97] =	sst s1  }
0xa: {  	[smem:$0x3F98] =	sst s2  }
0xb: {  	[smem:$0x3F99] =	sst s3  }
0xc: {  	[smem:$0x3F9A] =	sst s4  }
0xd: {  	[smem:$0x3F9B] =	sst s5  }
0xe: {  	[smem:$0x3F9C] =	sst s6  }
0xf: {  	[smem:$0x3F9D] =	sst s7  }
0x10: {  	[smem:$0x3F9E] =	sst s8  }
0x11: {  	[smem:$0x3F9F] =	sst s9;
	s0 =	simm.s32 @!p0 $0x0  }
0x12: {  	s1 =	sld [smem:$0x3F85];
	s0 =	simm.s32 @p0 $0x1  }
0x13: {  	[smem:$0x3FA0] =	sst s0;
	s0 =	simm.s32 @!p1 $0x0  }
0x14: {  	s2 =	sld [smem:$0x3F84];
	s0 =	simm.s32 @p1 $0x1  }
0x15: {  	[smem:$0x3FA1] =	sst s0;
	s0 =	simm.s32 @!p2 $0x0  }
0x16: {  	s3 =	sld [smem:$0x3FDB];
	s0 =	simm.s32 @p2 $0x1  }
0x17: {  	s4 =	simm.s32 $0x1BF5;
	[smem:$0x3FA3] =	sst s0  }
0x18: {  	s0 =	sld [smem:$0x3F86];
	_ =	swait.ge [sflag:s4], $0x0  }
0x19: {  	s7 =	sld [smem:$0x3F87]  }
0x1a: {  	s8 =	sadd.s32 $0xFFFFE003, lr  }
0x1b: {  	s9 =	sadd.s32 $0xFFFFFEF7, lr;
	s5 =	simm.s32 $0xFFFFFFFF;
	p2 =	slt.u32 s8, $0xFFFFF086  }
0x1c: {  	p1 =	slt.u32 s9, $0xF7A;
	s5 =	simm.s32 @!p2 $0x0  }
0x1d: {  	s5 =	simm.s32 @p1 $0x1;
	p0 =	seq.s32 s7, s2  }
0x1e: {  	s7 =	smul.u32 @!p0 $0xF7A, s2;
	p2 =	seq.s32 @!p0 s5, $0x0  }
0x1f: {  	s9 =	smul.u32 $0xF7A, s1;
	s8 =	simm.s32 @!p0 $0x1BF5;
	p2 =	por !p2, p0  }
0x20: {  	[sflag:s8] =	ssyncset.s32 @!p0 $0xFFFFF086;
	s6 =	sadd.s32 @!p0 s3, s7;
	s7 =	simm.s32 @!p0 $0x108  }
0x21: {  	s3 =	sadd.s32 s3, s9;
	s6 =	sadd.s32 @!p0 $0x88, s6;
	s7 =	simm.s32 @p2 $0x1082  }
0x22: {  	[simem:s7], [sflag:s8] =	dma.local @!p0 [hbm:s6], $0xF7A  }
0x23: {  	s9 =	sor.u32 $0xD0000000, s2;
	s6 =	simm.s32 $0x108;
	_ =	swait.ge @!p0 [sflag:s8], $0x0  }
0x24: {  	s3 =	sadd.s32 $0x88, s3;
	s6 =	simm.s32 @!p1 $0x1082;
	[sflag:s4] =	ssyncset.s32 $0xFFFFF086  }
0x25: {  	[simem:s6], [sflag:s4] =	dma.local [hbm:s3], $0xF7A  }
0x26: {  	[smem:$0x3F87] =	sst s1;
	(tag) =	ssettag s2;
	_ =	strace s9  }
0x27: {  	s1 =	sld [smem:$0x3F97]  }
0x28: {  	s2 =	sld [smem:$0x3F98]  }
0x29: {  	s4 =	sld [smem:$0x3F9A]  }
0x2a: {  	p0 =	seq.s32 s5, $0x0;
	s5 =	sld [smem:$0x3F9B]  }
0x2b: {  	s6 =	sld [smem:$0x3F9C]  }
0x2c: {  	s7 =	sld [smem:$0x3F9D]  }
0x2d: {  	s3 =	simm.s32 $0x108;
	s8 =	sld [smem:$0x3F9E]  }
0x2e: {  	s3 =	simm.s32 @!p0 $0x1082;
	s9 =	sld [smem:$0x3F9F]  }
0x2f: {  	lr =	sadd.s32 s0, s3;
	s0 =	sld [smem:$0x3F96]  }
0x30: {  	s3 =	sld [smem:$0x3F99]  }
0x31: {  	[smem:$0x3FA2] =	sst s10  }
0x32: {  	s10 =	sld [smem:$0x3FA0];
	_ =	sdelay $0x3  }
0x33: {  	p0 =	seq.s32 s10, $0x1;
	s10 =	sld [smem:$0x3FA2];
	_ =	sdelay $0x3  }
0x34: {  	[smem:$0x3FA2] =	sst s10  }
0x35: {  	s10 =	sld [smem:$0x3FA1];
	_ =	sdelay $0x3  }
0x36: {  	p1 =	seq.s32 s10, $0x1;
	s10 =	sld [smem:$0x3FA2];
	_ =	sdelay $0x3  }
0x37: {  	[smem:$0x3FA2] =	sst s10  }
0x38: {  	s10 =	sld [smem:$0x3FA3]  }
0x39: {  	_ = 	snop;
	(pc) =	sbr.ind lr, $3  }
0x3a: {  	_ = 	snop  }
0x3b: {  	_ = 	snop  }
0x3c: {  	p2 =	seq.s32 s10, $0x1;
	s10 =	sld [smem:$0x3FA2]  }
0x3d: {  	_ =	shalt  }
0x3e: {  	_ =	shalt  }
0x3f: {  	_ =	shalt  }
0x40: {  	_ =	shalt  }
0x41: {  	_ =	shalt  }
0x42: {  	_ =	shalt  }
0x43: {  	_ =	shalt  }
0x44: {  	_ =	shalt  }
0x45: {  	_ =	shalt  }
0x46: {  	_ =	shalt  }
0x47: {  	_ =	shalt  }
0x48: {  	_ =	shalt  }
0x49: {  	_ =	shalt  }
0x4a: {  	_ =	shalt  }
0x4b: {  	_ =	shalt  }
0x4c: {  	_ =	shalt  }
0x4d: {  	_ =	shalt  }
0x4e: {  	_ =	shalt  }
0x4f: {  	_ =	shalt  }
0x50: {  	_ =	shalt  }
0x51: {  	_ =	shalt  }
0x52: {  	_ =	shalt  }
0x53: {  	_ =	shalt  }
0x54: {  	_ =	shalt  }
0x55: {  	_ =	shalt  }
0x56: {  	_ =	shalt  }
0x57: {  	_ =	shalt  }
0x58: {  	_ =	shalt  }
0x59: {  	_ =	shalt  }
0x5a: {  	_ =	shalt  }
0x5b: {  	_ =	shalt  }
0x5c: {  	_ =	shalt  }
0x5d: {  	_ =	shalt  }
0x5e: {  	_ =	shalt  }
0x5f: {  	_ =	shalt  }
0x60: {  	_ =	shalt  }
0x61: {  	_ =	shalt  }
0x62: {  	_ =	shalt  }
0x63: {  	_ =	shalt  }
0x64: {  	_ =	shalt  }
0x65: {  	_ =	shalt  }
0x66: {  	_ =	shalt  }
0x67: {  	_ =	shalt  }
0x68: {  	_ =	shalt  }
0x69: {  	_ =	shalt  }
0x6a: {  	_ =	shalt  }
0x6b: {  	_ =	shalt  }
0x6c: {  	_ =	shalt  }
0x6d: {  	_ =	shalt  }
0x6e: {  	_ =	shalt  }
0x6f: {  	_ =	shalt  }
0x70: {  	_ =	shalt  }
0x71: {  	_ =	shalt  }
0x72: {  	_ =	shalt  }
0x73: {  	_ =	shalt  }
0x74: {  	_ =	shalt  }
0x75: {  	_ =	shalt  }
0x76: {  	_ =	shalt  }
0x77: {  	_ =	shalt  }
0x78: {  	_ =	shalt  }
0x79: {  	_ =	shalt  }
0x7a: {  	_ =	shalt  }
0x7b: {  	_ =	shalt  }
0x7c: {  	_ =	shalt  }
0x7d: {  	_ =	shalt  }
0x7e: {  	_ =	shalt  }
0x7f: {  	_ =	shalt  }
0x80: {  	_ =	shalt  }
0x81: {  	_ =	shalt  }
0x82: {  	_ =	shalt  }
0x83: {  	_ =	shalt  }
0x84: {  	_ =	shalt  }
0x85: {  	_ =	shalt  }
0x86: {  	_ =	shalt  }
0x87: {  	_ =	shalt  }
.Lfunc_end0:
.L_simem_size_0:
called_computation.2_lowered:
.L_overlay_start_0:
0x88: {  	s2 =	sld [smem:$0x3FD9]  }
0x89: {  	s3 =	sld [smem:$0x3FFE];
	_ =	sdelay $0x1  }
0x8a: {  	s1 =	srdreg.scid  }
0x8b: {  	s0 =	sand.u32 $0x1, s1  }
0x8c: {  	s17 =	sshll.u32 s0, $0xA;
	s2 =	sadd.s32 s3, s2  }
0x8d: {  	s2 =	sadd.s32 s2, s17  }
0x8e: {  	[smem:$0x3FAE] =	sst s2  }
0x8f: {  	_ = 	snop  }
0x90: {  	(tm) =	ssettm $0x1  }
0x91: {  	s18 =	sld [smem:$0x3FFB];
	_ =	sdelay $0x3  }
0x92: {  	_ =	strace s18  }
0x93: {  	s2 =	sld [smem:$0x3FFC];
	_ =	sdelay $0x3  }
0x94: {  	_ =	strace s2  }
0x95: {  	s2 =	sld [smem:$0x3FFD];
	_ =	sdelay $0x3  }
0x96: {  	_ =	strace s2  }
0x97: {  	_ =	strace $0x8FFFFFFF  }
0x98: {  	s19 =	sld [smem:$0x3FDB];
	_ =	sdelay $0x1  }
0x99: {  	s20 =	simm.s32 $_scs_section_size  }
0x9a: {  	s4 =	simm.s32 $_size__tile_overlayer_lowered;
	s5 =	simm.s32 $_tile_overlayer_lowered  }
0x9b: {  	s6 =	simm.s32 $0x1BFF;
	s21 =	sshll.u32 s5, $0x1;
	s3 =	sadd.s32 s20, s19  }
0x9c: {  	s22 =	simm.s32 $0x0;
	s4 =	sshll.u32 s4, $0x1;
	s5 =	sadd.s32 s21, s3  }
0x9d: {  	[timem:s22], [sflag:s6] =	dma.local [hbm:s5], s4  }
0x9e: {  	_ =	swait.ge [sflag:s6], s4  }
0x9f: {  	s4 =	ssub.s32 $0x0, s4;
	[sflag:s6] =	ssyncset.done $0x0  }
0xa0: {  	[sflag:s6] =	ssyncadd.s32 s4;
	_ =	sdelay $0x1  }
0xa1: {  	s23 =	simm.s32 $0x1B8B  }
0xa2: {  	_ =	swait.ge [sflag:s23], $0x1  }
0xa3: {  	[sflag:s23] =	ssyncset.done $0x0  }
0xa4: {  	[sflag:s23] =	ssyncadd.s32 $0xFFFFFFFF  }
0xa5: {  	s4 =	sld [smem:$0x0]  }
0xa6: {  	s5 =	sand.u32 $0xFFFFFFFE, s1  }
0xa7: {  	p0 =	sne.s32 s1, s5  }
0xa8: {  	s5 =	sshll.u32 @p0 s5, $0xE  }
0xa9: {  	s5 =	sadd.s32 @p0 $0x11B8D, s5;
	s6 =	sshll.u32 @p0 s4, $0x11  }
0xaa: {  	s5 =	sor.u32 @p0 s6, s5  }
0xab: {  	[sflag:s5] =	ssyncadd.remote.s32 @p0 $0x1;
	_ =	sdelay $0x1  }
0xac: {  	s5 =	simm.s32 @p0 $0x1B8D  }
0xad: {  	_ =	swait.eq @p0 [sflag:s5], $0x1  }
0xae: {  	[sflag:s5] =	ssyncadd.s32 @p0 $0xFFFFFFFF  }
0xaf: {  	s6 =	sshll.u32 @!p0 s1, $0xE  }
0xb0: {  	s6 =	sor.u32 @!p0 $0x4000, s6;
	s5 =	simm.s32 @!p0 $0x1B8D  }
0xb1: {  	s4 =	sshll.u32 @!p0 s4, $0x11;
	s6 =	sadd.s32 @!p0 $0x11B8D, s6;
	_ =	swait.eq @!p0 [sflag:s5], $0x1  }
0xb2: {  	s4 =	sor.u32 @!p0 s4, s6;
	[sflag:s5] =	ssyncadd.s32 @!p0 $0xFFFFFFFF  }
0xb3: {  	s25 =	simm.s32 $0x1B8E;
	s24 =	sld [smem:$0x3FFE];
	[sflag:s4] =	ssyncadd.remote.s32 @!p0 $0x1  }
0xb4: {  	s26 =	simm.s32 $execute0_lowered;
	[smem:$0x3FD2] =	sst s25  }
0xb5: {  	s5 =	sshll.u32 s26, $0x1;
	_ =	strace $0x8000004C;
	[dreg:$0x1] =	wrdreg $0xFFFFFFFF  }
0xb6: {  	s28 =	simm.s32 $_size_execute0_lowered;
	s3 =	sadd.s32 s3, s5;
	[dreg:$0x0] =	wrdreg $0x0  }
0xb7: {  	s5 =	sshll.u32 s28, $0x1;
	[dreg:$0x2] =	wrdreg s3  }
0xb8: {  	[dreg:$0x3] =	wrdreg s5  }
0xb9: {  	[dreg:$0x4] =	wrdreg $0xC0  }
0xba: {  	_ =	task [dreg:s22], $0x5FFFF  }
0xbb: {  	[dreg:$0x1] =	wrdreg $0xFFFFFFFF  }
0xbc: {  	[dreg:$0x0] =	wrdreg $0x60  }
0xbd: {  	[dreg:$0x2] =	wrdreg s24  }
0xbe: {  	[dreg:$0x3] =	wrdreg $0xED000  }
0xbf: {  	[dreg:$0x4] =	wrdreg $0x9  }
0xc0: {  	_ =	task.clear_ibuf [dreg:s22], $0x5FFFF;
	_ =	strace $0x9000004C  }
0xc1: {  	s29 =	simm.s32 $0x9;
	_ =	strace $0x8000004E  }
0xc2: {  	_ =	swait.ge [sflag:s29], $0x1  }
0xc3: {  	[sflag:s29] =	ssyncadd.s32 $0xFFFFFFFF  }
0xc4: {  	_ =	strace $0x9000004E  }
0xc5: {  	_ =	sfence  }
0xc6: {  	s30 =	sld [smem:$0x0];
	_ =	sdelay $0x2  }
0xc7: {  	s31 =	sshll.u32 s1, $0xD;
	s1 =	sshrl.u32 s1, $0x2  }
0xc8: {  	s4 =	sand.u32 $0x4000, s31;
	s1 =	sadd.s32 s1, s30  }
0xc9: {  	s0 =	sor.u32 s4, s0;
	s1 =	sshll.u32 s1, $0x11  }
0xca: {  	s0 =	sor.u32 s1, s0  }
0xcb: {  	s0 =	sadd.s32 $0x8F2B, s0  }
0xcc: {  	[sflag:s0] =	ssyncadd.remote.s32 $0x1  }
0xcd: {  	_ =	sfence.sel $0xFFFF  }
0xce: {  	[dreg:$0x0] =	wrdreg $0xFFFFFFFF;
	(pc) =	sbr.abs _section_cstart, $3  }
0xcf: {  	[dreg:$0x1] =	wrdreg $0xFFFFFFFF  }
0xd0: {  	_ =	task.clear_ibuf [dreg:s22], $0x2FFFF;
	_ =	strace $0x9FFFFFFF  }
0xd1: {  	(tm) =	ssettm $0x7FFFFFFF  }
tec
execute0_lowered:
.L_overlay_start_1:
0x0: {  	(tag) =	ssettag $0x1  }
0x1: {  	s0 =	rddreg [dreg:$0x0]  }
0x2: {  	s2 =	rddreg [dreg:$0x1];
	s22 =	simm.s32 $0x0  }
0x3: {  	s9 =	stileid.u32;
	s3 =	srdreg.scid;
	s28 =	simm.s32 $0x6300  }
0x4: {  	s29 =	simm.s32 $0x80;
	s30 =	simm.s32 $0x9500;
	s1 =	smul.u32 $0x620, s9  }
0x5: {  	s31 =	simm.s32 $0x1;
	[smem:$0x7FF] =	sst s22;
	s6 =	smul.u32 $0x42000, s9  }
0x6: {  	s3 =	sand.u32 $0x1, s3;
	s4 =	sadd.s32 $0x8A00, s0;
	s25 =	smul.u32 $0x41000, s9  }
0x7: {  	s5 =	sadd.s32 $0x31C400, s0;
	s19 =	smul.u32 $0x208, s9;
	s20 =	sadd.s32 $0xF3C00, s2  }
0x8: {  	s21 =	sadd.s32 $0x3DD880, s0;
	p0 =	seq.s32 s9, $0xF;
	s7 =	ssub.s32 $0x2, s3  }
0x9: {  	_ =	strace $0x8000004D;
	s23 =	smul.u32 $0x3, s3;
	s8 =	sshrl.u32 s7, $0x1  }
0xa: {  	s1 =	sadd.s32 s1, s0;
	s6 =	sshrl.u32 s6, $0x2;
	s8 =	ssub.s32 s7, s8  }
0xb: {  	s1 =	sadd.s32 $0x316200, s1;
	s7 =	sadd.s32 s6, s2;
	[dreg:$0x5] =	wrdreg s23  }
0xc: {  	s23 =	simm.s32 $0x2;
	[dreg:$0x4] =	wrdreg s1;
	s24 =	sadd.s32 $0x1800, s7  }
0xd: {  	s10 =	sadd.s32 $0x3000, s7;
	s11 =	sadd.s32 $0x4800, s7;
	s12 =	sadd.s32 $0x6000, s7  }
.Ltmp0:
0xe: {  	s13 =	sadd.s32 $0x7800, s7;
	s14 =	sadd.s32 $0x9000, s7;
	(pc) =	sbr.rel .LBB2_1-.Ltmp0, $4  }
0xf: {  	s15 =	sadd.s32 $0xA800, s7;
	s16 =	sadd.s32 $0xC000, s7;
	s17 =	sadd.s32 $0xD800, s7  }
0x10: {  	s1 =	sshrl.u32 s25, $0x2;
	s26 =	smax.u32 s8, $0x1;
	[dreg:$0x6] =	wrdreg s24  }
0x11: {  	v0 =	vimm.f32 $0.0e+00;
	s18 =	sadd.s32 $0xF000, s7;
	s1 =	sadd.s32 s1, s2;
	[dreg:$0x7] =	wrdreg s26  }
0x12: {  	v1 =	vimm.s32 $0x0;
	v2 =	vlaneseq.u32;
	v3 =	vimm.s32 $0x2090;
	s24 =	simm.s32 $0xD500;
	s26 =	simm.s32 $0x3100;
	s25 =	sshrl.u32 @!p0 s1, $0x3  }
.LBB2_11:
0x13: {  	s22 =	rddreg [dreg:$0x3]  }
0x14: {  	s0 =	rddreg [dreg:$0x7];
	s22 =	sadd.s32 $0x1, s22  }
0x15: {  	p1 =	sne.s32 s22, s0  }
.Ltmp1:
0x16: {  	_ = 	snop;
	(pc) =	sbr.rel @!p1 .LBB2_12-.Ltmp1, $1  }
0x17: {  	_ =	sdelay $0x3  }
.LBB2_1:
0x18: {  	[dreg:$0x3] =	wrdreg s22;
	s0 =	simm.s32 $0x0;
	s1 =	simm.s32 $0x200  }
.LBB2_2:
0x19: {  	p1 =	sne.s32 s1, $0x5E00;
	[tilespmem:s0+$0xD570] =	vst v0  }
0x1a: {  	[tilespmem:s0+$0xD500] =	vst v0  }
0x1b: {  	[tilespmem:s0+$0xD510] =	vst v0  }
.Ltmp2:
0x1c: {  	[tilespmem:s0+$0xD520] =	vst v0;
	(pc) =	sbr.rel @p1 .LBB2_2-.Ltmp2, $4  }
0x1d: {  	[tilespmem:s0+$0xD530] =	vst v0  }
0x1e: {  	[tilespmem:s0+$0xD540] =	vst v0  }
0x1f: {  	[tilespmem:s0+$0xD550] =	vst v0  }
0x20: {  	[tilespmem:s0+$0xD560] =	vst v0;
	s0 =	sshra.s32 s1, $0x2;
	s1 =	sadd.s32 $0x200, s1  }
0x21: {  	[tilespmem:s0+$0xD570] =	vst v0  }
0x22: {  	[tilespmem:s0+$0xD500] =	vst v0  }
0x23: {  	[tilespmem:s0+$0xD510] =	vst v0  }
0x24: {  	[tilespmem:s0+$0xD520] =	vst v0  }
0x25: {  	[tilespmem:s0+$0xD530] =	vst v0  }
0x26: {  	[tilespmem:s0+$0xD540] =	vst v0  }
0x27: {  	[tilespmem:s0+$0xD550] =	vst v0  }
.Ltmp3:
0x28: {  	[tilespmem:s0+$0xD560] =	vst v0;
	s0 =	simm.s32 $0x0;
	s1 =	rddreg [dreg:$0x4];
	(pc) =	sbr.rel .LBB2_4-.Ltmp3, $4  }
0x29: {  	[tilespmem:s0], [sflag:$0x2] =	stream.linear.gather [hbm4b:s1+s0], $0x3100, $0x38;
	[tilespmem:$0x1F500] =	vst v63  }
0x2a: {  	_ =	swait.ge [sflag:s23], $0x3100  }
0x2b: {  	[sflag:s23] =	ssyncset.done $0x0  }
0x2c: {  	[sflag:s23] =	ssyncadd.s32 $0xFFFFCF00  }
.LBB2_9:
0x2d: {  	[sflag:s23] =	ssyncadd.s32 $0xFFFFC000  }
.LBB2_10:
0x2e: {  	p1 =	sgt.u32 @p0 s22, $0x4  }
0x2f: {  	[bflag:$0x0] =	sbarrier.arrive $0xFFFF;
	p2 =	por !p1, !p0  }
0x30: {  	p1 =	por p1, !p0;
	s1 =	sshrl.u32 @!p2 s20, $0x3;
	s3 =	simm.s32 @!p2 $0x1FC2  }
0x31: {  	[hbm:s21], [sflag:s3] =	dma.local @!p2 [spmem:s1], $0x2080  }
0x32: {  	s1 =	simm.s32 @!p2 $0x2;
	s3 =	smul.u32 @!p1 $0x104800, s22  }
0x33: {  	_ =	swait.ge @!p2 [sflag:s1], $0x2080  }
0x34: {  	[sflag:s1] =	ssyncset.done @!p2 $0x0;
	s3 =	sshrl.u32 @!p1 s3, $0x3  }
0x35: {  	[sflag:s1] =	ssyncadd.s32 @!p2 $0xFFFFDF80;
	s1 =	sadd.s32 @!p1 s5, s3  }
0x36: {  	s8 =	simm.s32 @!p1 $0x1FC2;
	s3 =	sshrl.u32 @!p1 s20, $0x3;
	s1 =	sadd.s32 @!p1 $0x1E780, s1  }
0x37: {  	[hbm:s1], [sflag:s8] =	dma.local @!p1 [spmem:s3], $0x2180  }
0x38: {  	s0 =	sadd.s32 $0x1, s0;
	s1 =	simm.s32 @!p1 $0x2  }
0x39: {  	s3 =	sadd.s32 @!p0 s19, s6;
	s6 =	stileid.u32;
	_ =	swait.ge @!p1 [sflag:s1], $0x2180  }
0x3a: {  	s3 =	sshll.u32 @!p0 s3, $0x4;
	s6 =	sshll.u32 @!p0 s6, $0x6;
	[sflag:s1] =	ssyncset.done @!p1 $0x0  }
0x3b: {  	[sflag:s1] =	ssyncadd.s32 @!p1 $0xFFFFDE80;
	s1 =	sadd.s32 @!p0 s5, s3;
	s3 =	sor.u32 @!p0 $0x1C02, s6  }
0x3c: {  	[hbm:s1], [sflag:s3] =	dma.local @!p0 [spmem:s25], $0x2080  }
0x3d: {  	p1 =	sne.s32 s0, $0x3;
	s1 =	simm.s32 @!p0 $0x2  }
.Ltmp4:
0x3e: {  	_ =	swait.ge @!p0 [sflag:s1], $0x2080;
	(pc) =	sbr.rel @!p1 .LBB2_11-.Ltmp4, $3  }
0x3f: {  	[sflag:s1] =	ssyncset.done @!p0 $0x0  }
0x40: {  	[sflag:s1] =	ssyncadd.s32 @!p0 $0xFFFFDF80  }
0x41: {  	[bflag:$0x0] =	sbarrier.arrive $0xFFFF;
	_ =	sdelay $0x1  }
.LBB2_4:
0x42: {  	[spmem:s7] =	stream.linear.scatter [tilespmem:s24], [sflag:$0x2], $0x1800, $0x38;
	[tilespmem:$0x1F500] =	vst v63  }
0x43: {  	_ =	swait.ge [sflag:s23], $0x1800  }
0x44: {  	[sflag:s23] =	ssyncset.done $0x0  }
0x45: {  	s1 =	rddreg [dreg:$0x6];
	[sflag:s23] =	ssyncadd.s32 $0xFFFFE800  }
0x46: {  	[spmem:s1] =	stream.linear.scatter [tilespmem:s24], [sflag:$0x2], $0x1800, $0x38;
	[tilespmem:$0x1F500] =	vst v63  }
0x47: {  	_ =	swait.ge [sflag:s23], $0x1800  }
0x48: {  	[sflag:s23] =	ssyncset.done $0x0  }
0x49: {  	[sflag:s23] =	ssyncadd.s32 $0xFFFFE800  }
0x4a: {  	[spmem:s10] =	stream.linear.scatter [tilespmem:s24], [sflag:$0x2], $0x1800, $0x38;
	[tilespmem:$0x1F500] =	vst v63  }
0x4b: {  	_ =	swait.ge [sflag:s23], $0x1800  }
0x4c: {  	[sflag:s23] =	ssyncset.done $0x0  }
0x4d: {  	[sflag:s23] =	ssyncadd.s32 $0xFFFFE800  }
0x4e: {  	[spmem:s11] =	stream.linear.scatter [tilespmem:s24], [sflag:$0x2], $0x1800, $0x38;
	[tilespmem:$0x1F500] =	vst v63  }
0x4f: {  	_ =	swait.ge [sflag:s23], $0x1800  }
0x50: {  	[sflag:s23] =	ssyncset.done $0x0  }
0x51: {  	[sflag:s23] =	ssyncadd.s32 $0xFFFFE800  }
0x52: {  	[spmem:s12] =	stream.linear.scatter [tilespmem:s24], [sflag:$0x2], $0x1800, $0x38;
	[tilespmem:$0x1F500] =	vst v63  }
0x53: {  	_ =	swait.ge [sflag:s23], $0x1800  }
0x54: {  	[sflag:s23] =	ssyncset.done $0x0  }
0x55: {  	[sflag:s23] =	ssyncadd.s32 $0xFFFFE800  }
0x56: {  	[spmem:s13] =	stream.linear.scatter [tilespmem:s24], [sflag:$0x2], $0x1800, $0x38;
	[tilespmem:$0x1F500] =	vst v63  }
0x57: {  	_ =	swait.ge [sflag:s23], $0x1800  }
0x58: {  	[sflag:s23] =	ssyncset.done $0x0  }
0x59: {  	[sflag:s23] =	ssyncadd.s32 $0xFFFFE800  }
0x5a: {  	[spmem:s14] =	stream.linear.scatter [tilespmem:s24], [sflag:$0x2], $0x1800, $0x38;
	[tilespmem:$0x1F500] =	vst v63  }
0x5b: {  	_ =	swait.ge [sflag:s23], $0x1800  }
0x5c: {  	[sflag:s23] =	ssyncset.done $0x0  }
0x5d: {  	[sflag:s23] =	ssyncadd.s32 $0xFFFFE800  }
0x5e: {  	[spmem:s15] =	stream.linear.scatter [tilespmem:s24], [sflag:$0x2], $0x1800, $0x38;
	[tilespmem:$0x1F500] =	vst v63  }
0x5f: {  	_ =	swait.ge [sflag:s23], $0x1800  }
0x60: {  	[sflag:s23] =	ssyncset.done $0x0  }
0x61: {  	[sflag:s23] =	ssyncadd.s32 $0xFFFFE800  }
0x62: {  	[spmem:s16] =	stream.linear.scatter [tilespmem:s24], [sflag:$0x2], $0x1800, $0x38;
	[tilespmem:$0x1F500] =	vst v63  }
0x63: {  	_ =	swait.ge [sflag:s23], $0x1800  }
0x64: {  	[sflag:s23] =	ssyncset.done $0x0  }
0x65: {  	[sflag:s23] =	ssyncadd.s32 $0xFFFFE800  }
0x66: {  	[spmem:s17] =	stream.linear.scatter [tilespmem:s24], [sflag:$0x2], $0x1800, $0x38;
	[tilespmem:$0x1F500] =	vst v63  }
0x67: {  	_ =	swait.ge [sflag:s23], $0x1800  }
0x68: {  	[sflag:s23] =	ssyncset.done $0x0  }
0x69: {  	[sflag:s23] =	ssyncadd.s32 $0xFFFFE800  }
0x6a: {  	[spmem:s18] =	stream.linear.scatter [tilespmem:s24], [sflag:$0x2], $0x1800, $0x38;
	[tilespmem:$0x1F500] =	vst v63  }
0x6b: {  	_ =	swait.ge [sflag:s23], $0x1800  }
0x6c: {  	[sflag:s23] =	ssyncset.done $0x0  }
0x6d: {  	[sflag:s23] =	ssyncadd.s32 $0xFFFFE800  }
0x6e: {  	s9 =	simm.s32 $0x0;
	[bflag:$0x0] =	sbarrier.arrive $0xFFFF  }
0x6f: {  	v6 =	vld [tilespmem:s9+$0x0]  }
0x70: {  	s22 =	rddreg [dreg:$0x5]  }
0x71: {  	s22 =	sadd.s32 s22, s0  }
0x72: {  	s6 =	smul.u32 $0x2090, s22  }
0x73: {  	s1 =	simm.s32 $0x2080;
	p1 =	seq.s32 s22, $0x5  }
0x74: {  	s1 =	simm.s32 @!p1 $0x2090;
	v4 =	vmov s6;
	v7 =	vand.u32 $0xFFFF, v6  }
0x75: {  	v5 =	vmov s1;
	v7 =	vsub.s32 v7, v4  }
0x76: {  	vm0 =	vgt.s32 v7, $0xFFFFFFFF;
	vm1 =	vlt.s32 v7, v5  }
0x77: {  	vm0 =	vmand vm0, vm1  }
0x78: {  	v8 =	vsel vm0, $0x1, v1  }
0x79: {  	(xrf0) =	vadd.scan.msk.s32 $0xffff, v8;
	_ =	sdelay $0x1  }
0x7a: {  	s3 =	simm.s32 $0x80;
	s8 =	simm.s32 $0x0;
	s1 =	simm.s32 $0x40  }
.LBB2_5:
0x7b: {  	p1 =	sne.s32 s3, $0xC3C0;
	v8 =	vmov s8  }
0x7c: {  	v8 =	vadd.s32 $0xFFFFFFFF, v8  }
0x7d: {  	v8 =	vbroadcast v8, $0x0  }
0x7e: {  	v9, _, _ =	vpop (xrf0)  }
0x7f: {  	v8 =	vadd.s32 v9, v8  }
0x80: {  	(v2sf) =	vpush v8, $0xF;
	_ =	sdelay $0x2  }
0x81: {  	v6 =	vshrl.u32 v6, $0x10  }
0x82: {  	[tilespmem:v8+s26+$0x0] =	vst.idx.msk vm0, v6  }
0x83: {  	s8 =	sshra.s32 s1, $0x2;
	s1 =	smov.u32 s3;
	[tilespmem:v8+s28+$0x0] =	vst.idx.msk vm0, v7  }
0x84: {  	v6 =	vld [tilespmem:s8+$0x0];
	_ =	sdelay $0x4  }
0x85: {  	v7 =	vand.u32 $0xFFFF, v6  }
0x86: {  	v7 =	vsub.s32 v7, v4  }
0x87: {  	vm0 =	vgt.s32 v7, $0xFFFFFFFF;
	vm1 =	vlt.s32 v7, v5  }
.Ltmp5:
0x88: {  	vm0 =	vmand vm0, vm1;
	(pc) =	sbr.rel @p1 .LBB2_5-.Ltmp5, $3  }
0x89: {  	v8 =	vsel vm0, $0x1, v1;
	s8 =	spop (v2sf)  }
0x8a: {  	(xrf0) =	vadd.scan.msk.s32 $0xffff, v8;
	s8 =	sadd.s32 $0x1, s8;
	_ =	sdelay $0x1  }
0x8b: {  	s3 =	sadd.s32 $0x40, s3  }
0x8c: {  	v8 =	vmov s8  }
0x8d: {  	v8 =	vadd.s32 $0xFFFFFFFF, v8  }
0x8e: {  	v8 =	vbroadcast v8, $0x0  }
0x8f: {  	v9, _, _ =	vpop (xrf0)  }
0x90: {  	v8 =	vadd.s32 v9, v8;
	_ =	sdelay $0x2  }
0x91: {  	(v2sf) =	vpush v8, $0xF  }
0x92: {  	v6 =	vshrl.u32 v6, $0x10  }
0x93: {  	[tilespmem:v8+s26+$0x0] =	vst.idx.msk vm0, v6  }
0x94: {  	s1 =	sshra.s32 s1, $0x2;
	[tilespmem:v8+s28+$0x0] =	vst.idx.msk vm0, v7  }
0x95: {  	v6 =	vld [tilespmem:s1+$0x0];
	_ =	sdelay $0x4  }
0x96: {  	v58 =	vand.u32 $0xFFFF, v6  }
0x97: {  	v4 =	vsub.s32 v58, v4  }
0x98: {  	vm15 =	vgt.s32 v4, $0xFFFFFFFF;
	vm1 =	vlt.s32 v4, v5  }
0x99: {  	vm0 =	vmand vm15, vm1  }
0x9a: {  	v5 =	vsel vm0, $0x1, v1  }
0x9b: {  	(xrf0) =	vadd.scan.msk.s32 $0xffff, v5  }
0x9c: {  	s8 =	spop (v2sf)  }
0x9d: {  	s1 =	sadd.s32 $0x1, s8  }
0x9e: {  	v5 =	vmov s1  }
0x9f: {  	v5 =	vadd.s32 $0xFFFFFFFF, v5  }
0xa0: {  	v5 =	vbroadcast v5, $0x0  }
0xa1: {  	v59, _, _ =	vpop (xrf0)  }
0xa2: {  	v5 =	vadd.s32 v59, v5  }
0xa3: {  	(v2sf) =	vpush v5, $0xF;
	_ =	sdelay $0xe  }
0xa4: {  	s8 =	spop (v2sf)  }
0xa5: {  	s9 =	sadd.s32 $0x1, s8  }
0xa6: {  	v60 =	vadd.s32 s9, v2  }
0xa7: {  	s3 =	sadd.s32 $0x11, s8  }
0xa8: {  	v6 =	vshrl.u32 v6, $0x10;
	v61 =	vadd.s32 s3, v2  }
0xa9: {  	[tilespmem:v5+s26+$0x0] =	vst.idx.msk vm0, v6;
	s9 =	sadd.s32 $0x21, s8  }
0xaa: {  	[tilespmem:v5+s28+$0x0] =	vst.idx.msk vm0, v4;
	s3 =	simm.s32 $0x3100;
	v4 =	vadd.s32 s9, v2  }
0xab: {  	s1 =	simm.s32 $0x6300;
	s9 =	sadd.s32 $0x31, s8;
	[tilespmem:v60+s3+$0x0] =	vst.idx.msk $0xffff, v1  }
0xac: {  	v5 =	vadd.s32 s9, v2;
	[tilespmem:v60+s1+$0x0] =	vst.idx.msk $0xffff, v3  }
0xad: {  	s9 =	sadd.s32 $0x41, s8;
	[tilespmem:v61+s3+$0x0] =	vst.idx.msk $0xffff, v1  }
0xae: {  	v62 =	vadd.s32 s9, v2;
	[tilespmem:v61+s1+$0x0] =	vst.idx.msk $0xffff, v3  }
0xaf: {  	s9 =	sadd.s32 $0x51, s8;
	[tilespmem:v4+s3+$0x0] =	vst.idx.msk $0xffff, v1  }
0xb0: {  	[tilespmem:v4+s1+$0x0] =	vst.idx.msk $0xffff, v3;
	v4 =	vadd.s32 s9, v2  }
0xb1: {  	s9 =	sadd.s32 $0x61, s8;
	[tilespmem:v5+s3+$0x0] =	vst.idx.msk $0xffff, v1  }
0xb2: {  	[tilespmem:v5+s1+$0x0] =	vst.idx.msk $0xffff, v3;
	v5 =	vadd.s32 s9, v2  }
0xb3: {  	s9 =	sadd.s32 $0x71, s8;
	s8 =	sadd.s32 $0x80, s8;
	[tilespmem:v62+s3+$0x0] =	vst.idx.msk $0xffff, v1  }
0xb4: {  	v63 =	vadd.s32 s9, v2;
	s8 =	sshra.s32 s8, $0x7;
	[tilespmem:v62+s1+$0x0] =	vst.idx.msk $0xffff, v3  }
0xb5: {  	p1 =	slt.s32 s8, $0x1;
	[tilespmem:v4+s3+$0x0] =	vst.idx.msk $0xffff, v1  }
.Ltmp6:
0xb6: {  	[tilespmem:v4+s1+$0x0] =	vst.idx.msk $0xffff, v3;
	(pc) =	sbr.rel @p1 .LBB2_10-.Ltmp6, $4  }
0xb7: {  	[tilespmem:v5+s3+$0x0] =	vst.idx.msk $0xffff, v1  }
0xb8: {  	[tilespmem:v5+s1+$0x0] =	vst.idx.msk $0xffff, v3  }
0xb9: {  	[tilespmem:v63+s3+$0x0] =	vst.idx.msk $0xffff, v1  }
0xba: {  	[tilespmem:v63+s1+$0x0] =	vst.idx.msk $0xffff, v3  }
0xbb: {  	[tilespmem:s30], [sflag:$0x1] =	stream.indirect.gather [hbm4b:s4+s29], $0x80, s3, s29, $0xb8;
	[tilespmem:$0x1F500] =	vst v63  }
0xbc: {  	p1 =	sne.s32 s8, $0x1;
	_ =	swait.ge [sflag:s31], $0x4000  }
.Ltmp7:
0xbd: {  	[sflag:s31] =	ssyncset.done $0x0;
	(pc) =	sbr.rel @!p1 .LBB2_9-.Ltmp7, $4  }
0xbe: {  	[sflag:s31] =	ssyncadd.s32 $0xFFFFC000  }
0xbf: {  	[spmem:s2] =	stream.indirect.scatter.add.f32 [tilespmem:s30], [sflag:$0x2], $0x80, s1, s29, $0xb8;
	[tilespmem:$0x1F500] =	vst v63  }
0xc0: {  	_ =	swait.ge [sflag:s23], $0x4000  }
0xc1: {  	s8 =	sadd.s32 $0xFFFFFFFF, s8;
	[sflag:s23] =	ssyncset.done $0x0  }
.LBB2_8:
0xc2: {  	[sflag:s23] =	ssyncadd.s32 $0xFFFFC000;
	s3 =	sadd.s32 $0x80, s3;
	s1 =	sadd.s32 $0x80, s1  }
0xc3: {  	[tilespmem:s30], [sflag:$0x1] =	stream.indirect.gather [hbm4b:s4+s29], $0x80, s3, s29, $0xb8;
	[tilespmem:$0x1F500] =	vst v63  }
0xc4: {  	p1 =	sne.s32 s8, $0x1;
	s8 =	sadd.s32 $0xFFFFFFFF, s8;
	_ =	swait.ge [sflag:s31], $0x4000  }
.Ltmp8:
0xc5: {  	[sflag:s31] =	ssyncset.done $0x0;
	(pc) =	sbr.rel @p1 .LBB2_8-.Ltmp8, $4  }
0xc6: {  	[sflag:s31] =	ssyncadd.s32 $0xFFFFC000  }
0xc7: {  	[spmem:s2] =	stream.indirect.scatter.add.f32 [tilespmem:s30], [sflag:$0x2], $0x80, s1, s29, $0xb8;
	[tilespmem:$0x1F500] =	vst v63  }
0xc8: {  	_ =	swait.ge [sflag:s23], $0x4000  }
0xc9: {  	[sflag:s23] =	ssyncset.done $0x0  }
.Ltmp9:
0xca: {  	_ = 	snop;
	(pc) =	sbr.rel .LBB2_9-.Ltmp9, $1  }
0xcb: {  	_ =	sdelay $0x3  }
.LBB2_12:
0xcc: {  	_ =	sfence.sel $0x180000  }
0xcd: {  	[bflag:$0x0] =	sbarrier.arrive $0xFFFF  }
0xce: {  	_ =	strace $0x9000004D  }
0xcf: {  	s0 =	stileid.u32;
	[bflag:$0x2] =	sbarrier.arrive $0xFFFF  }
0xd0: {  	p0 =	sne.s32 s0, $0x0;
	s0 =	rddreg [dreg:$0x2]  }
0xd1: {  	s0 =	sadd.s32 @!p0 $0x100000, s0  }
0xd2: {  	[sflag:s0] =	ssyncadd.tile.s32 @!p0 $0x1;
	_ =	shalt  }
.Lfunc_end2:
_tile_overlayer_lowered:
.L_overlay_start_2:
0xd3: {  	(tag) =	ssettag $0x2  }
0xd4: {  	s0 =	rddreg [dreg:$0x0];
	s2 =	stileid.u32  }
0xd5: {  	s1 =	rddreg [dreg:$0x1];
	p0 =	sne.s32 s2, $0x0  }
0xd6: {  	s3 =	rddreg [dreg:$0x2];
	[bflag:$0x3] =	sbarrier.arrive $0xFFFF;
	s2 =	simm.s32 @!p0 $0x1C02  }
0xd7: {  	[timem:s3], [sflag:s2] =	dma.local @!p0 [hbm:s0], s1  }
0xd8: {  	s0 =	simm.s32 @!p0 $0x2  }
0xd9: {  	_ =	swait.ge @!p0 [sflag:s0], s1  }
0xda: {  	s1 =	ssub.s32 @!p0 $0x0, s1;
	[sflag:s0] =	ssyncset.done @!p0 $0x0  }
0xdb: {  	[sflag:s0] =	ssyncadd.s32 @!p0 s1  }
0xdc: {  	[bflag:$0x3] =	sbarrier.arrive $0xFFFF  }
0xdd: {  	_ =	shalt  }

// kernel: kernel.22.cloned.1.call-start
scs
__scs_entry_jumppad:
0x0: {  	(pc) =	sbr.rel $0x88, $3  }
0x1: {  	(tag) =	ssettag $0x0;
	lr =	simm.s32 $0x1  }
0x2: {  	[smem:$0x3F87] =	sst lr;
	_ =	strace $0xD0000000  }
0x3: {  	_ = 	snop  }
0x4: {  	_ = 	snop  }
0x5: {  	_ = 	snop  }
0x6: {  	_ = 	snop  }
0x7: {  	_ = 	snop  }
__scs_overlays_trampoline_lowered:
0x8: {  	[smem:$0x3F96] =	sst s0  }
0x9: {  	[smem:$0x3F97] =	sst s1  }
0xa: {  	[smem:$0x3F98] =	sst s2  }
0xb: {  	[smem:$0x3F99] =	sst s3  }
0xc: {  	[smem:$0x3F9A] =	sst s4  }
0xd: {  	[smem:$0x3F9B] =	sst s5  }
0xe: {  	[smem:$0x3F9C] =	sst s6  }
0xf: {  	[smem:$0x3F9D] =	sst s7  }
0x10: {  	[smem:$0x3F9E] =	sst s8  }
0x11: {  	[smem:$0x3F9F] =	sst s9;
	s0 =	simm.s32 @!p0 $0x0  }
0x12: {  	s1 =	sld [smem:$0x3F85];
	s0 =	simm.s32 @p0 $0x1  }
0x13: {  	[smem:$0x3FA0] =	sst s0;
	s0 =	simm.s32 @!p1 $0x0  }
0x14: {  	s2 =	sld [smem:$0x3F84];
	s0 =	simm.s32 @p1 $0x1  }
0x15: {  	[smem:$0x3FA1] =	sst s0;
	s0 =	simm.s32 @!p2 $0x0  }
0x16: {  	s3 =	sld [smem:$0x3FDB];
	s0 =	simm.s32 @p2 $0x1  }
0x17: {  	s4 =	simm.s32 $0x1BF5;
	[smem:$0x3FA3] =	sst s0  }
0x18: {  	s0 =	sld [smem:$0x3F86];
	_ =	swait.ge [sflag:s4], $0x0  }
0x19: {  	s7 =	sld [smem:$0x3F87]  }
0x1a: {  	s8 =	sadd.s32 $0xFFFFE003, lr  }
0x1b: {  	s9 =	sadd.s32 $0xFFFFFEF7, lr;
	s5 =	simm.s32 $0xFFFFFFFF;
	p2 =	slt.u32 s8, $0xFFFFF086  }
0x1c: {  	p1 =	slt.u32 s9, $0xF7A;
	s5 =	simm.s32 @!p2 $0x0  }
0x1d: {  	s5 =	simm.s32 @p1 $0x1;
	p0 =	seq.s32 s7, s2  }
0x1e: {  	s7 =	smul.u32 @!p0 $0xF7A, s2;
	p2 =	seq.s32 @!p0 s5, $0x0  }
0x1f: {  	s9 =	smul.u32 $0xF7A, s1;
	s8 =	simm.s32 @!p0 $0x1BF5;
	p2 =	por !p2, p0  }
0x20: {  	[sflag:s8] =	ssyncset.s32 @!p0 $0xFFFFF086;
	s6 =	sadd.s32 @!p0 s3, s7;
	s7 =	simm.s32 @!p0 $0x108  }
0x21: {  	s3 =	sadd.s32 s3, s9;
	s6 =	sadd.s32 @!p0 $0x88, s6;
	s7 =	simm.s32 @p2 $0x1082  }
0x22: {  	[simem:s7], [sflag:s8] =	dma.local @!p0 [hbm:s6], $0xF7A  }
0x23: {  	s9 =	sor.u32 $0xD0000000, s2;
	s6 =	simm.s32 $0x108;
	_ =	swait.ge @!p0 [sflag:s8], $0x0  }
0x24: {  	s3 =	sadd.s32 $0x88, s3;
	s6 =	simm.s32 @!p1 $0x1082;
	[sflag:s4] =	ssyncset.s32 $0xFFFFF086  }
0x25: {  	[simem:s6], [sflag:s4] =	dma.local [hbm:s3], $0xF7A  }
0x26: {  	[smem:$0x3F87] =	sst s1;
	(tag) =	ssettag s2;
	_ =	strace s9  }
0x27: {  	s1 =	sld [smem:$0x3F97]  }
0x28: {  	s2 =	sld [smem:$0x3F98]  }
0x29: {  	s4 =	sld [smem:$0x3F9A]  }
0x2a: {  	p0 =	seq.s32 s5, $0x0;
	s5 =	sld [smem:$0x3F9B]  }
0x2b: {  	s6 =	sld [smem:$0x3F9C]  }
0x2c: {  	s7 =	sld [smem:$0x3F9D]  }
0x2d: {  	s3 =	simm.s32 $0x108;
	s8 =	sld [smem:$0x3F9E]  }
0x2e: {  	s3 =	simm.s32 @!p0 $0x1082;
	s9 =	sld [smem:$0x3F9F]  }
0x2f: {  	lr =	sadd.s32 s0, s3;
	s0 =	sld [smem:$0x3F96]  }
0x30: {  	s3 =	sld [smem:$0x3F99]  }
0x31: {  	[smem:$0x3FA2] =	sst s10  }
0x32: {  	s10 =	sld [smem:$0x3FA0];
	_ =	sdelay $0x3  }
0x33: {  	p0 =	seq.s32 s10, $0x1;
	s10 =	sld [smem:$0x3FA2];
	_ =	sdelay $0x3  }
0x34: {  	[smem:$0x3FA2] =	sst s10  }
0x35: {  	s10 =	sld [smem:$0x3FA1];
	_ =	sdelay $0x3  }
0x36: {  	p1 =	seq.s32 s10, $0x1;
	s10 =	sld [smem:$0x3FA2];
	_ =	sdelay $0x3  }
0x37: {  	[smem:$0x3FA2] =	sst s10  }
0x38: {  	s10 =	sld [smem:$0x3FA3]  }
0x39: {  	_ = 	snop;
	(pc) =	sbr.ind lr, $3  }
0x3a: {  	_ = 	snop  }
0x3b: {  	_ = 	snop  }
0x3c: {  	p2 =	seq.s32 s10, $0x1;
	s10 =	sld [smem:$0x3FA2]  }
0x3d: {  	_ =	shalt  }
0x3e: {  	_ =	shalt  }
0x3f: {  	_ =	shalt  }
0x40: {  	_ =	shalt  }
0x41: {  	_ =	shalt  }
0x42: {  	_ =	shalt  }
0x43: {  	_ =	shalt  }
0x44: {  	_ =	shalt  }
0x45: {  	_ =	shalt  }
0x46: {  	_ =	shalt  }
0x47: {  	_ =	shalt  }
0x48: {  	_ =	shalt  }
0x49: {  	_ =	shalt  }
0x4a: {  	_ =	shalt  }
0x4b: {  	_ =	shalt  }
0x4c: {  	_ =	shalt  }
0x4d: {  	_ =	shalt  }
0x4e: {  	_ =	shalt  }
0x4f: {  	_ =	shalt  }
0x50: {  	_ =	shalt  }
0x51: {  	_ =	shalt  }
0x52: {  	_ =	shalt  }
0x53: {  	_ =	shalt  }
0x54: {  	_ =	shalt  }
0x55: {  	_ =	shalt  }
0x56: {  	_ =	shalt  }
0x57: {  	_ =	shalt  }
0x58: {  	_ =	shalt  }
0x59: {  	_ =	shalt  }
0x5a: {  	_ =	shalt  }
0x5b: {  	_ =	shalt  }
0x5c: {  	_ =	shalt  }
0x5d: {  	_ =	shalt  }
0x5e: {  	_ =	shalt  }
0x5f: {  	_ =	shalt  }
0x60: {  	_ =	shalt  }
0x61: {  	_ =	shalt  }
0x62: {  	_ =	shalt  }
0x63: {  	_ =	shalt  }
0x64: {  	_ =	shalt  }
0x65: {  	_ =	shalt  }
0x66: {  	_ =	shalt  }
0x67: {  	_ =	shalt  }
0x68: {  	_ =	shalt  }
0x69: {  	_ =	shalt  }
0x6a: {  	_ =	shalt  }
0x6b: {  	_ =	shalt  }
0x6c: {  	_ =	shalt  }
0x6d: {  	_ =	shalt  }
0x6e: {  	_ =	shalt  }
0x6f: {  	_ =	shalt  }
0x70: {  	_ =	shalt  }
0x71: {  	_ =	shalt  }
0x72: {  	_ =	shalt  }
0x73: {  	_ =	shalt  }
0x74: {  	_ =	shalt  }
0x75: {  	_ =	shalt  }
0x76: {  	_ =	shalt  }
0x77: {  	_ =	shalt  }
0x78: {  	_ =	shalt  }
0x79: {  	_ =	shalt  }
0x7a: {  	_ =	shalt  }
0x7b: {  	_ =	shalt  }
0x7c: {  	_ =	shalt  }
0x7d: {  	_ =	shalt  }
0x7e: {  	_ =	shalt  }
0x7f: {  	_ =	shalt  }
0x80: {  	_ =	shalt  }
0x81: {  	_ =	shalt  }
0x82: {  	_ =	shalt  }
0x83: {  	_ =	shalt  }
0x84: {  	_ =	shalt  }
0x85: {  	_ =	shalt  }
0x86: {  	_ =	shalt  }
0x87: {  	_ =	shalt  }
.Lfunc_end0:
.L_simem_size_0:
called_computation.3_lowered:
.L_overlay_start_0:
0x88: {  	s2 =	sld [smem:$0x3FD9]  }
0x89: {  	s3 =	sld [smem:$0x3FFE];
	_ =	sdelay $0x1  }
0x8a: {  	s1 =	srdreg.scid  }
0x8b: {  	s0 =	sand.u32 $0x1, s1  }
0x8c: {  	s17 =	sshll.u32 s0, $0xA;
	s2 =	sadd.s32 s3, s2  }
0x8d: {  	s2 =	sadd.s32 s2, s17  }
0x8e: {  	[smem:$0x3FAE] =	sst s2  }
0x8f: {  	_ = 	snop  }
0x90: {  	s18 =	sld [smem:$0x3FD0];
	(tm) =	ssettm $0x1  }
0x91: {  	s19 =	sld [smem:$0x3FFB];
	_ =	sdelay $0x3  }
0x92: {  	_ =	strace s19  }
0x93: {  	s2 =	sld [smem:$0x3FFC];
	_ =	sdelay $0x3  }
0x94: {  	_ =	strace s2  }
0x95: {  	s2 =	sld [smem:$0x3FFD];
	_ =	sdelay $0x3  }
0x96: {  	_ =	strace s2  }
0x97: {  	_ =	strace $0x8FFFFFFF  }
0x98: {  	s20 =	sld [smem:$0x3FDB];
	_ =	sdelay $0x1  }
0x99: {  	s4 =	simm.s32 $_scs_section_size  }
0x9a: {  	s5 =	simm.s32 $_size__tile_overlayer_lowered;
	s6 =	simm.s32 $_tile_overlayer_lowered  }
0x9b: {  	s7 =	simm.s32 $0x1BFF;
	s21 =	sshll.u32 s6, $0x1;
	s4 =	sadd.s32 s4, s20  }
0x9c: {  	s22 =	simm.s32 $0x0;
	s5 =	sshll.u32 s5, $0x1;
	s6 =	sadd.s32 s21, s4  }
0x9d: {  	[timem:s22], [sflag:s7] =	dma.local [hbm:s6], s5  }
0x9e: {  	_ =	swait.ge [sflag:s7], s5  }
0x9f: {  	s5 =	ssub.s32 $0x0, s5;
	[sflag:s7] =	ssyncset.done $0x0  }
0xa0: {  	[sflag:s7] =	ssyncadd.s32 s5;
	_ =	sdelay $0x1  }
0xa1: {  	s23 =	simm.s32 $0x1B8B  }
0xa2: {  	_ =	swait.ge [sflag:s23], $0x1  }
0xa3: {  	[sflag:s23] =	ssyncset.done $0x0  }
0xa4: {  	[sflag:s23] =	ssyncadd.s32 $0xFFFFFFFF  }
0xa5: {  	s5 =	sld [smem:$0x0]  }
0xa6: {  	s6 =	sand.u32 $0xFFFFFFFE, s1  }
0xa7: {  	p0 =	sne.s32 s1, s6  }
0xa8: {  	s6 =	sshll.u32 @p0 s6, $0xE  }
0xa9: {  	s6 =	sadd.s32 @p0 $0x11B8D, s6;
	s7 =	sshll.u32 @p0 s5, $0x11  }
0xaa: {  	s6 =	sor.u32 @p0 s7, s6  }
0xab: {  	[sflag:s6] =	ssyncadd.remote.s32 @p0 $0x1;
	_ =	sdelay $0x1  }
0xac: {  	s6 =	simm.s32 @p0 $0x1B8D  }
0xad: {  	_ =	swait.eq @p0 [sflag:s6], $0x1  }
0xae: {  	[sflag:s6] =	ssyncadd.s32 @p0 $0xFFFFFFFF  }
0xaf: {  	s7 =	sshll.u32 @!p0 s1, $0xE  }
0xb0: {  	s7 =	sor.u32 @!p0 $0x4000, s7;
	s6 =	simm.s32 @!p0 $0x1B8D  }
0xb1: {  	s5 =	sshll.u32 @!p0 s5, $0x11;
	s7 =	sadd.s32 @!p0 $0x11B8D, s7;
	_ =	swait.eq @!p0 [sflag:s6], $0x1  }
0xb2: {  	s5 =	sor.u32 @!p0 s5, s7;
	[sflag:s6] =	ssyncadd.s32 @!p0 $0xFFFFFFFF  }
0xb3: {  	s25 =	simm.s32 $0x1B8E;
	s24 =	sld [smem:$0x3FFE];
	[sflag:s5] =	ssyncadd.remote.s32 @!p0 $0x1  }
0xb4: {  	s26 =	simm.s32 $execute0_lowered;
	[smem:$0x3FD2] =	sst s25  }
0xb5: {  	s6 =	sshll.u32 s26, $0x1;
	_ =	strace $0x8000004F;
	[dreg:$0x1] =	wrdreg $0xFFFFFFFF  }
0xb6: {  	s28 =	simm.s32 $_size_execute0_lowered;
	s4 =	sadd.s32 s4, s6;
	[dreg:$0x0] =	wrdreg $0x0  }
0xb7: {  	s6 =	sshll.u32 s28, $0x1;
	[dreg:$0x2] =	wrdreg s4  }
0xb8: {  	[dreg:$0x3] =	wrdreg s6  }
0xb9: {  	[dreg:$0x4] =	wrdreg $0xC0  }
0xba: {  	_ =	task [dreg:s22], $0x5FFFF  }
0xbb: {  	[dreg:$0x1] =	wrdreg $0xFFFFFFFF  }
0xbc: {  	[dreg:$0x0] =	wrdreg $0x60  }
0xbd: {  	[dreg:$0x2] =	wrdreg s24  }
0xbe: {  	[dreg:$0x3] =	wrdreg s18  }
0xbf: {  	[dreg:$0x4] =	wrdreg $0xED000  }
0xc0: {  	[dreg:$0x5] =	wrdreg $0xA  }
0xc1: {  	_ =	task.clear_ibuf [dreg:s22], $0x6FFFF;
	_ =	strace $0x9000004F  }
0xc2: {  	s29 =	simm.s32 $0xA;
	_ =	strace $0x80000051  }
0xc3: {  	_ =	swait.ge [sflag:s29], $0x1  }
0xc4: {  	[sflag:s29] =	ssyncadd.s32 $0xFFFFFFFF  }
0xc5: {  	_ =	strace $0x90000051  }
0xc6: {  	_ =	sfence  }
0xc7: {  	s30 =	sld [smem:$0x0];
	_ =	sdelay $0x2  }
0xc8: {  	s31 =	sshll.u32 s1, $0xD;
	s1 =	sshrl.u32 s1, $0x2  }
0xc9: {  	s4 =	sand.u32 $0x4000, s31;
	s1 =	sadd.s32 s1, s30  }
0xca: {  	s0 =	sor.u32 s4, s0;
	s1 =	sshll.u32 s1, $0x11  }
0xcb: {  	s0 =	sor.u32 s1, s0  }
0xcc: {  	s0 =	sadd.s32 $0x8F2B, s0  }
0xcd: {  	[sflag:s0] =	ssyncadd.remote.s32 $0x1  }
0xce: {  	_ =	sfence.sel $0xFFFF  }
0xcf: {  	[dreg:$0x0] =	wrdreg $0xFFFFFFFF;
	(pc) =	sbr.abs _section_cstart, $3  }
0xd0: {  	[dreg:$0x1] =	wrdreg $0xFFFFFFFF  }
0xd1: {  	_ =	task.clear_ibuf [dreg:s22], $0x2FFFF;
	_ =	strace $0x9FFFFFFF  }
0xd2: {  	(tm) =	ssettm $0x7FFFFFFF  }
0xd3: {  	_ =	shalt  }
tec
execute0_lowered:
.L_overlay_start_1:
0x0: {  	(tag) =	ssettag $0x1  }
0x1: {  	s0 =	rddreg [dreg:$0x0]  }
0x2: {  	s2 =	rddreg [dreg:$0x1]  }
0x3: {  	s1 =	rddreg [dreg:$0x2];
	s4 =	simm.s32 $0x0;
	s3 =	simm.s32 $0x0  }
0x4: {  	s20 =	srdreg.scid;
	s25 =	stileid.u32;
	s28 =	simm.s32 $0x6300  }
0x5: {  	s29 =	simm.s32 $0x80;
	s30 =	simm.s32 $0x9500;
	s6 =	smul.u32 $0x42000, s25  }
0x6: {  	s31 =	simm.s32 $0x1;
	[dreg:$0x4] =	wrdreg s3;
	s8 =	smul.u32 $0x620, s25  }
0x7: {  	[smem:$0x7FF] =	sst s4;
	s3 =	sand.u32 $0x1, s20;
	s24 =	smul.u32 $0x41000, s25  }
0x8: {  	s4 =	sadd.s32 $0x3DFE00, s0;
	s5 =	sadd.s32 $0xCC000, s0;
	s19 =	smul.u32 $0x208, s25  }
0x9: {  	s20 =	sadd.s32 $0xF3C00, s1;
	p0 =	seq.s32 s25, $0xF;
	_ =	strace $0x80000050  }
0xa: {  	s7 =	ssub.s32 $0x2, s3;
	s21 =	smul.u32 $0x3, s3;
	s2 =	sadd.s32 s2, s8  }
0xb: {  	s9 =	sshrl.u32 s7, $0x1;
	s6 =	sshrl.u32 s6, $0x2;
	[dreg:$0x5] =	wrdreg s2  }
0xc: {  	s22 =	ssub.s32 s7, s9;
	s7 =	sadd.s32 s6, s1;
	[dreg:$0x6] =	wrdreg s21  }
0xd: {  	s2 =	sshrl.u32 s24, $0x2;
	s21 =	sadd.s32 $0x18D480, s0;
	s24 =	simm.s32 $0xD500  }
0xe: {  	s23 =	sadd.s32 $0x1800, s7;
	s10 =	sadd.s32 $0x3000, s7;
	s11 =	sadd.s32 $0x4800, s7  }
.Ltmp0:
0xf: {  	s12 =	sadd.s32 $0x6000, s7;
	s13 =	sadd.s32 $0x7800, s7;
	(pc) =	sbr.rel .LBB2_1-.Ltmp0, $4  }
0x10: {  	s14 =	sadd.s32 $0x9000, s7;
	s15 =	sadd.s32 $0xA800, s7;
	s16 =	sadd.s32 $0xC000, s7  }
0x11: {  	s17 =	sadd.s32 $0xD800, s7;
	s26 =	smax.u32 s22, $0x1;
	[dreg:$0x7] =	wrdreg s23  }
0x12: {  	v0 =	vimm.f32 $0.0e+00;
	s18 =	sadd.s32 $0xF000, s7;
	s2 =	sadd.s32 s2, s1;
	[dreg:$0x8] =	wrdreg s26  }
0x13: {  	v1 =	vimm.s32 $0x0;
	v2 =	vlaneseq.u32;
	v3 =	vimm.s32 $0x2090;
	s23 =	simm.s32 $0x2;
	s25 =	sshrl.u32 @!p0 s2, $0x3;
	s26 =	simm.s32 $0x3100  }
.LBB2_11:
0x14: {  	s0 =	rddreg [dreg:$0x4]  }
0x15: {  	s2 =	rddreg [dreg:$0x8];
	s0 =	sadd.s32 $0x1, s0  }
0x16: {  	p1 =	sne.s32 s0, s2  }
.Ltmp1:
0x17: {  	_ = 	snop;
	(pc) =	sbr.rel @!p1 .LBB2_12-.Ltmp1, $2  }
0x18: {  	_ =	sdelay $0x2  }
0x19: {  	[dreg:$0x4] =	wrdreg s0  }
.LBB2_1:
0x1a: {  	s0 =	simm.s32 $0x0;
	s2 =	simm.s32 $0x200  }
.LBB2_2:
0x1b: {  	p1 =	sne.s32 s2, $0x5E00;
	[tilespmem:s0+$0xD570] =	vst v0  }
0x1c: {  	[tilespmem:s0+$0xD500] =	vst v0  }
0x1d: {  	[tilespmem:s0+$0xD510] =	vst v0  }
.Ltmp2:
0x1e: {  	[tilespmem:s0+$0xD520] =	vst v0;
	(pc) =	sbr.rel @p1 .LBB2_2-.Ltmp2, $4  }
0x1f: {  	[tilespmem:s0+$0xD530] =	vst v0  }
0x20: {  	[tilespmem:s0+$0xD540] =	vst v0  }
0x21: {  	[tilespmem:s0+$0xD550] =	vst v0  }
0x22: {  	[tilespmem:s0+$0xD560] =	vst v0;
	s0 =	sshra.s32 s2, $0x2;
	s2 =	sadd.s32 $0x200, s2  }
0x23: {  	[tilespmem:s0+$0xD570] =	vst v0  }
0x24: {  	[tilespmem:s0+$0xD500] =	vst v0  }
0x25: {  	[tilespmem:s0+$0xD510] =	vst v0  }
0x26: {  	[tilespmem:s0+$0xD520] =	vst v0  }
0x27: {  	[tilespmem:s0+$0xD530] =	vst v0  }
0x28: {  	[tilespmem:s0+$0xD540] =	vst v0  }
0x29: {  	[tilespmem:s0+$0xD550] =	vst v0  }
.Ltmp3:
0x2a: {  	[tilespmem:s0+$0xD560] =	vst v0;
	s0 =	simm.s32 $0x0;
	s2 =	rddreg [dreg:$0x5];
	(pc) =	sbr.rel .LBB2_4-.Ltmp3, $4  }
0x2b: {  	[tilespmem:s0], [sflag:$0x2] =	stream.linear.gather [hbm4b:s2+s0], $0x3100, $0x38;
	[tilespmem:$0x1F500] =	vst v63  }
0x2c: {  	_ =	swait.ge [sflag:s23], $0x3100  }
0x2d: {  	[sflag:s23] =	ssyncset.done $0x0  }
0x2e: {  	[sflag:s23] =	ssyncadd.s32 $0xFFFFCF00  }
.LBB2_9:
0x2f: {  	[sflag:s23] =	ssyncadd.s32 $0xFFFFC000  }
.LBB2_10:
0x30: {  	p1 =	sgt.u32 @p0 s22, $0x4  }
0x31: {  	[bflag:$0x0] =	sbarrier.arrive $0xFFFF;
	p2 =	por !p1, !p0  }
0x32: {  	p1 =	por p1, !p0;
	s2 =	sshrl.u32 @!p2 s20, $0x3;
	s3 =	simm.s32 @!p2 $0x1FC2  }
0x33: {  	[hbm:s21], [sflag:s3] =	dma.local @!p2 [spmem:s2], $0x2080  }
0x34: {  	s2 =	simm.s32 @!p2 $0x2;
	s3 =	smul.u32 @!p1 $0x104800, s22  }
0x35: {  	_ =	swait.ge @!p2 [sflag:s2], $0x2080  }
0x36: {  	[sflag:s2] =	ssyncset.done @!p2 $0x0;
	s3 =	sshrl.u32 @!p1 s3, $0x3  }
0x37: {  	[sflag:s2] =	ssyncadd.s32 @!p2 $0xFFFFDF80;
	s2 =	sadd.s32 @!p1 s5, s3  }
0x38: {  	s8 =	simm.s32 @!p1 $0x1FC2;
	s3 =	sshrl.u32 @!p1 s20, $0x3;
	s2 =	sadd.s32 @!p1 $0x1E780, s2  }
0x39: {  	[hbm:s2], [sflag:s8] =	dma.local @!p1 [spmem:s3], $0x2180  }
0x3a: {  	s0 =	sadd.s32 $0x1, s0;
	s2 =	simm.s32 @!p1 $0x2  }
0x3b: {  	s3 =	sadd.s32 @!p0 s19, s6;
	s6 =	stileid.u32;
	_ =	swait.ge @!p1 [sflag:s2], $0x2180  }
0x3c: {  	s3 =	sshll.u32 @!p0 s3, $0x4;
	s6 =	sshll.u32 @!p0 s6, $0x6;
	[sflag:s2] =	ssyncset.done @!p1 $0x0  }
0x3d: {  	[sflag:s2] =	ssyncadd.s32 @!p1 $0xFFFFDE80;
	s2 =	sadd.s32 @!p0 s5, s3;
	s3 =	sor.u32 @!p0 $0x1C02, s6  }
0x3e: {  	[hbm:s2], [sflag:s3] =	dma.local @!p0 [spmem:s25], $0x2080  }
0x3f: {  	p1 =	sne.s32 s0, $0x3;
	s2 =	simm.s32 @!p0 $0x2  }
.Ltmp4:
0x40: {  	_ =	swait.ge @!p0 [sflag:s2], $0x2080;
	(pc) =	sbr.rel @!p1 .LBB2_11-.Ltmp4, $3  }
0x41: {  	[sflag:s2] =	ssyncset.done @!p0 $0x0  }
0x42: {  	[sflag:s2] =	ssyncadd.s32 @!p0 $0xFFFFDF80  }
0x43: {  	[bflag:$0x0] =	sbarrier.arrive $0xFFFF;
	_ =	sdelay $0x1  }
.LBB2_4:
0x44: {  	[spmem:s7] =	stream.linear.scatter [tilespmem:s24], [sflag:$0x2], $0x1800, $0x38;
	[tilespmem:$0x1F500] =	vst v63  }
0x45: {  	_ =	swait.ge [sflag:s23], $0x1800  }
0x46: {  	[sflag:s23] =	ssyncset.done $0x0  }
0x47: {  	s2 =	rddreg [dreg:$0x7];
	[sflag:s23] =	ssyncadd.s32 $0xFFFFE800  }
0x48: {  	[spmem:s2] =	stream.linear.scatter [tilespmem:s24], [sflag:$0x2], $0x1800, $0x38;
	[tilespmem:$0x1F500] =	vst v63  }
0x49: {  	_ =	swait.ge [sflag:s23], $0x1800  }
0x4a: {  	[sflag:s23] =	ssyncset.done $0x0  }
0x4b: {  	[sflag:s23] =	ssyncadd.s32 $0xFFFFE800  }
0x4c: {  	[spmem:s10] =	stream.linear.scatter [tilespmem:s24], [sflag:$0x2], $0x1800, $0x38;
	[tilespmem:$0x1F500] =	vst v63  }
0x4d: {  	_ =	swait.ge [sflag:s23], $0x1800  }
0x4e: {  	[sflag:s23] =	ssyncset.done $0x0  }
0x4f: {  	[sflag:s23] =	ssyncadd.s32 $0xFFFFE800  }
0x50: {  	[spmem:s11] =	stream.linear.scatter [tilespmem:s24], [sflag:$0x2], $0x1800, $0x38;
	[tilespmem:$0x1F500] =	vst v63  }
0x51: {  	_ =	swait.ge [sflag:s23], $0x1800  }
0x52: {  	[sflag:s23] =	ssyncset.done $0x0  }
0x53: {  	[sflag:s23] =	ssyncadd.s32 $0xFFFFE800  }
0x54: {  	[spmem:s12] =	stream.linear.scatter [tilespmem:s24], [sflag:$0x2], $0x1800, $0x38;
	[tilespmem:$0x1F500] =	vst v63  }
0x55: {  	_ =	swait.ge [sflag:s23], $0x1800  }
0x56: {  	[sflag:s23] =	ssyncset.done $0x0  }
0x57: {  	[sflag:s23] =	ssyncadd.s32 $0xFFFFE800  }
0x58: {  	[spmem:s13] =	stream.linear.scatter [tilespmem:s24], [sflag:$0x2], $0x1800, $0x38;
	[tilespmem:$0x1F500] =	vst v63  }
0x59: {  	_ =	swait.ge [sflag:s23], $0x1800  }
0x5a: {  	[sflag:s23] =	ssyncset.done $0x0  }
0x5b: {  	[sflag:s23] =	ssyncadd.s32 $0xFFFFE800  }
0x5c: {  	[spmem:s14] =	stream.linear.scatter [tilespmem:s24], [sflag:$0x2], $0x1800, $0x38;
	[tilespmem:$0x1F500] =	vst v63  }
0x5d: {  	_ =	swait.ge [sflag:s23], $0x1800  }
0x5e: {  	[sflag:s23] =	ssyncset.done $0x0  }
0x5f: {  	[sflag:s23] =	ssyncadd.s32 $0xFFFFE800  }
0x60: {  	[spmem:s15] =	stream.linear.scatter [tilespmem:s24], [sflag:$0x2], $0x1800, $0x38;
	[tilespmem:$0x1F500] =	vst v63  }
0x61: {  	_ =	swait.ge [sflag:s23], $0x1800  }
0x62: {  	[sflag:s23] =	ssyncset.done $0x0  }
0x63: {  	[sflag:s23] =	ssyncadd.s32 $0xFFFFE800  }
0x64: {  	[spmem:s16] =	stream.linear.scatter [tilespmem:s24], [sflag:$0x2], $0x1800, $0x38;
	[tilespmem:$0x1F500] =	vst v63  }
0x65: {  	_ =	swait.ge [sflag:s23], $0x1800  }
0x66: {  	[sflag:s23] =	ssyncset.done $0x0  }
0x67: {  	[sflag:s23] =	ssyncadd.s32 $0xFFFFE800  }
0x68: {  	[spmem:s17] =	stream.linear.scatter [tilespmem:s24], [sflag:$0x2], $0x1800, $0x38;
	[tilespmem:$0x1F500] =	vst v63  }
0x69: {  	_ =	swait.ge [sflag:s23], $0x1800  }
0x6a: {  	[sflag:s23] =	ssyncset.done $0x0  }
0x6b: {  	[sflag:s23] =	ssyncadd.s32 $0xFFFFE800  }
0x6c: {  	[spmem:s18] =	stream.linear.scatter [tilespmem:s24], [sflag:$0x2], $0x1800, $0x38;
	[tilespmem:$0x1F500] =	vst v63  }
0x6d: {  	_ =	swait.ge [sflag:s23], $0x1800  }
0x6e: {  	[sflag:s23] =	ssyncset.done $0x0  }
0x6f: {  	[sflag:s23] =	ssyncadd.s32 $0xFFFFE800  }
0x70: {  	s9 =	simm.s32 $0x0;
	[bflag:$0x0] =	sbarrier.arrive $0xFFFF  }
0x71: {  	v6 =	vld [tilespmem:s9+$0x0]  }
0x72: {  	s22 =	rddreg [dreg:$0x6]  }
0x73: {  	s22 =	sadd.s32 s22, s0  }
0x74: {  	s6 =	smul.u32 $0x2090, s22  }
0x75: {  	s2 =	simm.s32 $0x2080;
	p1 =	seq.s32 s22, $0x5  }
0x76: {  	s2 =	simm.s32 @!p1 $0x2090;
	v4 =	vmov s6;
	v7 =	vand.u32 $0xFFFF, v6  }
0x77: {  	v5 =	vmov s2;
	v7 =	vsub.s32 v7, v4  }
0x78: {  	vm0 =	vgt.s32 v7, $0xFFFFFFFF;
	vm1 =	vlt.s32 v7, v5  }
0x79: {  	vm0 =	vmand vm0, vm1  }
0x7a: {  	v8 =	vsel vm0, $0x1, v1  }
0x7b: {  	(xrf0) =	vadd.scan.msk.s32 $0xffff, v8;
	_ =	sdelay $0x1  }
0x7c: {  	s3 =	simm.s32 $0x80;
	s8 =	simm.s32 $0x0;
	s2 =	simm.s32 $0x40  }
.LBB2_5:
0x7d: {  	p1 =	sne.s32 s3, $0xC3C0;
	v8 =	vmov s8  }
0x7e: {  	v8 =	vadd.s32 $0xFFFFFFFF, v8  }
0x7f: {  	v8 =	vbroadcast v8, $0x0  }
0x80: {  	v9, _, _ =	vpop (xrf0)  }
0x81: {  	v8 =	vadd.s32 v9, v8  }
0x82: {  	(v2sf) =	vpush v8, $0xF;
	_ =	sdelay $0x2  }
0x83: {  	v6 =	vshrl.u32 v6, $0x10  }
0x84: {  	[tilespmem:v8+s26+$0x0] =	vst.idx.msk vm0, v6  }
0x85: {  	s8 =	sshra.s32 s2, $0x2;
	s2 =	smov.u32 s3;
	[tilespmem:v8+s28+$0x0] =	vst.idx.msk vm0, v7  }
0x86: {  	v6 =	vld [tilespmem:s8+$0x0];
	_ =	sdelay $0x4  }
0x87: {  	v7 =	vand.u32 $0xFFFF, v6  }
0x88: {  	v7 =	vsub.s32 v7, v4  }
0x89: {  	vm0 =	vgt.s32 v7, $0xFFFFFFFF;
	vm1 =	vlt.s32 v7, v5  }
.Ltmp5:
0x8a: {  	vm0 =	vmand vm0, vm1;
	(pc) =	sbr.rel @p1 .LBB2_5-.Ltmp5, $3  }
0x8b: {  	v8 =	vsel vm0, $0x1, v1;
	s8 =	spop (v2sf)  }
0x8c: {  	(xrf0) =	vadd.scan.msk.s32 $0xffff, v8;
	s8 =	sadd.s32 $0x1, s8;
	_ =	sdelay $0x1  }
0x8d: {  	s3 =	sadd.s32 $0x40, s3  }
0x8e: {  	v8 =	vmov s8  }
0x8f: {  	v8 =	vadd.s32 $0xFFFFFFFF, v8  }
0x90: {  	v8 =	vbroadcast v8, $0x0  }
0x91: {  	v9, _, _ =	vpop (xrf0)  }
0x92: {  	v8 =	vadd.s32 v9, v8;
	_ =	sdelay $0x2  }
0x93: {  	(v2sf) =	vpush v8, $0xF  }
0x94: {  	v6 =	vshrl.u32 v6, $0x10  }
0x95: {  	[tilespmem:v8+s26+$0x0] =	vst.idx.msk vm0, v6  }
0x96: {  	s2 =	sshra.s32 s2, $0x2;
	[tilespmem:v8+s28+$0x0] =	vst.idx.msk vm0, v7  }
0x97: {  	v6 =	vld [tilespmem:s2+$0x0];
	_ =	sdelay $0x4  }
0x98: {  	v58 =	vand.u32 $0xFFFF, v6  }
0x99: {  	v4 =	vsub.s32 v58, v4  }
0x9a: {  	vm15 =	vgt.s32 v4, $0xFFFFFFFF;
	vm1 =	vlt.s32 v4, v5  }
0x9b: {  	vm0 =	vmand vm15, vm1  }
0x9c: {  	v5 =	vsel vm0, $0x1, v1  }
0x9d: {  	(xrf0) =	vadd.scan.msk.s32 $0xffff, v5  }
0x9e: {  	s8 =	spop (v2sf)  }
0x9f: {  	s2 =	sadd.s32 $0x1, s8  }
0xa0: {  	v5 =	vmov s2  }
0xa1: {  	v5 =	vadd.s32 $0xFFFFFFFF, v5  }
0xa2: {  	v5 =	vbroadcast v5, $0x0  }
0xa3: {  	v59, _, _ =	vpop (xrf0)  }
0xa4: {  	v5 =	vadd.s32 v59, v5  }
0xa5: {  	(v2sf) =	vpush v5, $0xF;
	_ =	sdelay $0xe  }
0xa6: {  	s8 =	spop (v2sf)  }
0xa7: {  	s9 =	sadd.s32 $0x1, s8  }
0xa8: {  	v60 =	vadd.s32 s9, v2  }
0xa9: {  	s3 =	sadd.s32 $0x11, s8  }
0xaa: {  	v6 =	vshrl.u32 v6, $0x10;
	v61 =	vadd.s32 s3, v2  }
0xab: {  	[tilespmem:v5+s26+$0x0] =	vst.idx.msk vm0, v6;
	s9 =	sadd.s32 $0x21, s8  }
0xac: {  	[tilespmem:v5+s28+$0x0] =	vst.idx.msk vm0, v4;
	s3 =	simm.s32 $0x3100;
	v4 =	vadd.s32 s9, v2  }
0xad: {  	s2 =	simm.s32 $0x6300;
	s9 =	sadd.s32 $0x31, s8;
	[tilespmem:v60+s3+$0x0] =	vst.idx.msk $0xffff, v1  }
0xae: {  	v5 =	vadd.s32 s9, v2;
	[tilespmem:v60+s2+$0x0] =	vst.idx.msk $0xffff, v3  }
0xaf: {  	s9 =	sadd.s32 $0x41, s8;
	[tilespmem:v61+s3+$0x0] =	vst.idx.msk $0xffff, v1  }
0xb0: {  	v62 =	vadd.s32 s9, v2;
	[tilespmem:v61+s2+$0x0] =	vst.idx.msk $0xffff, v3  }
0xb1: {  	s9 =	sadd.s32 $0x51, s8;
	[tilespmem:v4+s3+$0x0] =	vst.idx.msk $0xffff, v1  }
0xb2: {  	[tilespmem:v4+s2+$0x0] =	vst.idx.msk $0xffff, v3;
	v4 =	vadd.s32 s9, v2  }
0xb3: {  	s9 =	sadd.s32 $0x61, s8;
	[tilespmem:v5+s3+$0x0] =	vst.idx.msk $0xffff, v1  }
0xb4: {  	[tilespmem:v5+s2+$0x0] =	vst.idx.msk $0xffff, v3;
	v5 =	vadd.s32 s9, v2  }
0xb5: {  	s9 =	sadd.s32 $0x71, s8;
	s8 =	sadd.s32 $0x80, s8;
	[tilespmem:v62+s3+$0x0] =	vst.idx.msk $0xffff, v1  }
0xb6: {  	v63 =	vadd.s32 s9, v2;
	s8 =	sshra.s32 s8, $0x7;
	[tilespmem:v62+s2+$0x0] =	vst.idx.msk $0xffff, v3  }
0xb7: {  	p1 =	slt.s32 s8, $0x1;
	[tilespmem:v4+s3+$0x0] =	vst.idx.msk $0xffff, v1  }
.Ltmp6:
0xb8: {  	[tilespmem:v4+s2+$0x0] =	vst.idx.msk $0xffff, v3;
	(pc) =	sbr.rel @p1 .LBB2_10-.Ltmp6, $4  }
0xb9: {  	[tilespmem:v5+s3+$0x0] =	vst.idx.msk $0xffff, v1  }
0xba: {  	[tilespmem:v5+s2+$0x0] =	vst.idx.msk $0xffff, v3  }
0xbb: {  	[tilespmem:v63+s3+$0x0] =	vst.idx.msk $0xffff, v1  }
0xbc: {  	[tilespmem:v63+s2+$0x0] =	vst.idx.msk $0xffff, v3  }
0xbd: {  	[tilespmem:s30], [sflag:$0x1] =	stream.indirect.gather [hbm4b:s4+s29], $0x80, s3, s29, $0xb8;
	[tilespmem:$0x1F500] =	vst v63  }
0xbe: {  	p1 =	sne.s32 s8, $0x1;
	_ =	swait.ge [sflag:s31], $0x4000  }
.Ltmp7:
0xbf: {  	[sflag:s31] =	ssyncset.done $0x0;
	(pc) =	sbr.rel @!p1 .LBB2_9-.Ltmp7, $4  }
0xc0: {  	[sflag:s31] =	ssyncadd.s32 $0xFFFFC000  }
0xc1: {  	[spmem:s1] =	stream.indirect.scatter.add.f32 [tilespmem:s30], [sflag:$0x2], $0x80, s2, s29, $0xb8;
	[tilespmem:$0x1F500] =	vst v63  }
0xc2: {  	_ =	swait.ge [sflag:s23], $0x4000  }
0xc3: {  	s8 =	sadd.s32 $0xFFFFFFFF, s8;
	[sflag:s23] =	ssyncset.done $0x0  }
.LBB2_8:
0xc4: {  	[sflag:s23] =	ssyncadd.s32 $0xFFFFC000;
	s3 =	sadd.s32 $0x80, s3;
	s2 =	sadd.s32 $0x80, s2  }
0xc5: {  	[tilespmem:s30], [sflag:$0x1] =	stream.indirect.gather [hbm4b:s4+s29], $0x80, s3, s29, $0xb8;
	[tilespmem:$0x1F500] =	vst v63  }
0xc6: {  	p1 =	sne.s32 s8, $0x1;
	s8 =	sadd.s32 $0xFFFFFFFF, s8;
	_ =	swait.ge [sflag:s31], $0x4000  }
.Ltmp8:
0xc7: {  	[sflag:s31] =	ssyncset.done $0x0;
	(pc) =	sbr.rel @p1 .LBB2_8-.Ltmp8, $4  }
0xc8: {  	[sflag:s31] =	ssyncadd.s32 $0xFFFFC000  }
0xc9: {  	[spmem:s1] =	stream.indirect.scatter.add.f32 [tilespmem:s30], [sflag:$0x2], $0x80, s2, s29, $0xb8;
	[tilespmem:$0x1F500] =	vst v63  }
0xca: {  	_ =	swait.ge [sflag:s23], $0x4000  }
0xcb: {  	[sflag:s23] =	ssyncset.done $0x0  }
.Ltmp9:
0xcc: {  	_ = 	snop;
	(pc) =	sbr.rel .LBB2_9-.Ltmp9, $1  }
0xcd: {  	_ =	sdelay $0x3  }
.LBB2_12:
0xce: {  	_ =	sfence.sel $0x180000  }
0xcf: {  	[bflag:$0x0] =	sbarrier.arrive $0xFFFF  }
0xd0: {  	_ =	strace $0x90000050  }
0xd1: {  	s0 =	stileid.u32;
	[bflag:$0x2] =	sbarrier.arrive $0xFFFF  }
0xd2: {  	p0 =	sne.s32 s0, $0x0;
	s0 =	rddreg [dreg:$0x3]  }
0xd3: {  	s0 =	sadd.s32 @!p0 $0x100000, s0  }
0xd4: {  	[sflag:s0] =	ssyncadd.tile.s32 @!p0 $0x1;
	_ =	shalt  }
.Lfunc_end2:
_tile_overlayer_lowered:
.L_overlay_start_2:
0xd5: {  	(tag) =	ssettag $0x2  }
0xd6: {  	s0 =	rddreg [dreg:$0x0];
	s2 =	stileid.u32  }
0xd7: {  	s1 =	rddreg [dreg:$0x1];
	p0 =	sne.s32 s2, $0x0  }
0xd8: {  	s3 =	rddreg [dreg:$0x2];
	[bflag:$0x3] =	sbarrier.arrive $0xFFFF;
	s2 =	simm.s32 @!p0 $0x1C02  }
0xd9: {  	[timem:s3], [sflag:s2] =	dma.local @!p0 [hbm:s0], s1  }
0xda: {  	s0 =	simm.s32 @!p0 $0x2  }
0xdb: {  	_ =	swait.ge @!p0 [sflag:s0], s1  }
0xdc: {  	s1 =	ssub.s32 @!p0 $0x0, s1;
	[sflag:s0] =	ssyncset.done @!p0 $0x0  }
0xdd: {  	[sflag:s0] =	ssyncadd.s32 @!p0 s1  }
0xde: {  	[bflag:$0x3] =	sbarrier.arrive $0xFFFF  }
0xdf: {  	_ =	shalt  }

// kernel: kernel.25.cloned.1.call-start
scs
__scs_entry_jumppad:
0x0: {  	(pc) =	sbr.rel $0x88, $3  }
0x1: {  	(tag) =	ssettag $0x0;
	lr =	simm.s32 $0x1  }
0x2: {  	[smem:$0x3F87] =	sst lr;
	_ =	strace $0xD0000000  }
0x3: {  	_ = 	snop  }
0x4: {  	_ = 	snop  }
0x5: {  	_ = 	snop  }
0x6: {  	_ = 	snop  }
0x7: {  	_ = 	snop  }
__scs_overlays_trampoline_lowered:
0x8: {  	[smem:$0x3F96] =	sst s0  }
0x9: {  	[smem:$0x3F97] =	sst s1  }
0xa: {  	[smem:$0x3F98] =	sst s2  }
0xb: {  	[smem:$0x3F99] =	sst s3  }
0xc: {  	[smem:$0x3F9A] =	sst s4  }
0xd: {  	[smem:$0x3F9B] =	sst s5  }
0xe: {  	[smem:$0x3F9C] =	sst s6  }
0xf: {  	[smem:$0x3F9D] =	sst s7  }
0x10: {  	[smem:$0x3F9E] =	sst s8  }
0x11: {  	[smem:$0x3F9F] =	sst s9;
	s0 =	simm.s32 @!p0 $0x0  }
0x12: {  	s1 =	sld [smem:$0x3F85];
	s0 =	simm.s32 @p0 $0x1  }
0x13: {  	[smem:$0x3FA0] =	sst s0;
	s0 =	simm.s32 @!p1 $0x0  }
0x14: {  	s2 =	sld [smem:$0x3F84];
	s0 =	simm.s32 @p1 $0x1  }
0x15: {  	[smem:$0x3FA1] =	sst s0;
	s0 =	simm.s32 @!p2 $0x0  }
0x16: {  	s3 =	sld [smem:$0x3FDB];
	s0 =	simm.s32 @p2 $0x1  }
0x17: {  	s4 =	simm.s32 $0x1BF5;
	[smem:$0x3FA3] =	sst s0  }
0x18: {  	s0 =	sld [smem:$0x3F86];
	_ =	swait.ge [sflag:s4], $0x0  }
0x19: {  	s7 =	sld [smem:$0x3F87]  }
0x1a: {  	s8 =	sadd.s32 $0xFFFFE003, lr  }
0x1b: {  	s9 =	sadd.s32 $0xFFFFFEF7, lr;
	s5 =	simm.s32 $0xFFFFFFFF;
	p2 =	slt.u32 s8, $0xFFFFF086  }
0x1c: {  	p1 =	slt.u32 s9, $0xF7A;
	s5 =	simm.s32 @!p2 $0x0  }
0x1d: {  	s5 =	simm.s32 @p1 $0x1;
	p0 =	seq.s32 s7, s2  }
0x1e: {  	s7 =	smul.u32 @!p0 $0xF7A, s2;
	p2 =	seq.s32 @!p0 s5, $0x0  }
0x1f: {  	s9 =	smul.u32 $0xF7A, s1;
	s8 =	simm.s32 @!p0 $0x1BF5;
	p2 =	por !p2, p0  }
0x20: {  	[sflag:s8] =	ssyncset.s32 @!p0 $0xFFFFF086;
	s6 =	sadd.s32 @!p0 s3, s7;
	s7 =	simm.s32 @!p0 $0x108  }
0x21: {  	s3 =	sadd.s32 s3, s9;
	s6 =	sadd.s32 @!p0 $0x88, s6;
	s7 =	simm.s32 @p2 $0x1082  }
0x22: {  	[simem:s7], [sflag:s8] =	dma.local @!p0 [hbm:s6], $0xF7A  }
0x23: {  	s9 =	sor.u32 $0xD0000000, s2;
	s6 =	simm.s32 $0x108;
	_ =	swait.ge @!p0 [sflag:s8], $0x0  }
0x24: {  	s3 =	sadd.s32 $0x88, s3;
	s6 =	simm.s32 @!p1 $0x1082;
	[sflag:s4] =	ssyncset.s32 $0xFFFFF086  }
0x25: {  	[simem:s6], [sflag:s4] =	dma.local [hbm:s3], $0xF7A  }
0x26: {  	[smem:$0x3F87] =	sst s1;
	(tag) =	ssettag s2;
	_ =	strace s9  }
0x27: {  	s1 =	sld [smem:$0x3F97]  }
0x28: {  	s2 =	sld [smem:$0x3F98]  }
0x29: {  	s4 =	sld [smem:$0x3F9A]  }
0x2a: {  	p0 =	seq.s32 s5, $0x0;
	s5 =	sld [smem:$0x3F9B]  }
0x2b: {  	s6 =	sld [smem:$0x3F9C]  }
0x2c: {  	s7 =	sld [smem:$0x3F9D]  }
0x2d: {  	s3 =	simm.s32 $0x108;
	s8 =	sld [smem:$0x3F9E]  }
0x2e: {  	s3 =	simm.s32 @!p0 $0x1082;
	s9 =	sld [smem:$0x3F9F]  }
0x2f: {  	lr =	sadd.s32 s0, s3;
	s0 =	sld [smem:$0x3F96]  }
0x30: {  	s3 =	sld [smem:$0x3F99]  }
0x31: {  	[smem:$0x3FA2] =	sst s10  }
0x32: {  	s10 =	sld [smem:$0x3FA0];
	_ =	sdelay $0x3  }
0x33: {  	p0 =	seq.s32 s10, $0x1;
	s10 =	sld [smem:$0x3FA2];
	_ =	sdelay $0x3  }
0x34: {  	[smem:$0x3FA2] =	sst s10  }
0x35: {  	s10 =	sld [smem:$0x3FA1];
	_ =	sdelay $0x3  }
0x36: {  	p1 =	seq.s32 s10, $0x1;
	s10 =	sld [smem:$0x3FA2];
	_ =	sdelay $0x3  }
0x37: {  	[smem:$0x3FA2] =	sst s10  }
0x38: {  	s10 =	sld [smem:$0x3FA3]  }
0x39: {  	_ = 	snop;
	(pc) =	sbr.ind lr, $3  }
0x3a: {  	_ = 	snop  }
0x3b: {  	_ = 	snop  }
0x3c: {  	p2 =	seq.s32 s10, $0x1;
	s10 =	sld [smem:$0x3FA2]  }
0x3d: {  	_ =	shalt  }
0x3e: {  	_ =	shalt  }
0x3f: {  	_ =	shalt  }
0x40: {  	_ =	shalt  }
0x41: {  	_ =	shalt  }
0x42: {  	_ =	shalt  }
0x43: {  	_ =	shalt  }
0x44: {  	_ =	shalt  }
0x45: {  	_ =	shalt  }
0x46: {  	_ =	shalt  }
0x47: {  	_ =	shalt  }
0x48: {  	_ =	shalt  }
0x49: {  	_ =	shalt  }
0x4a: {  	_ =	shalt  }
0x4b: {  	_ =	shalt  }
0x4c: {  	_ =	shalt  }
0x4d: {  	_ =	shalt  }
0x4e: {  	_ =	shalt  }
0x4f: {  	_ =	shalt  }
0x50: {  	_ =	shalt  }
0x51: {  	_ =	shalt  }
0x52: {  	_ =	shalt  }
0x53: {  	_ =	shalt  }
0x54: {  	_ =	shalt  }
0x55: {  	_ =	shalt  }
0x56: {  	_ =	shalt  }
0x57: {  	_ =	shalt  }
0x58: {  	_ =	shalt  }
0x59: {  	_ =	shalt  }
0x5a: {  	_ =	shalt  }
0x5b: {  	_ =	shalt  }
0x5c: {  	_ =	shalt  }
0x5d: {  	_ =	shalt  }
0x5e: {  	_ =	shalt  }
0x5f: {  	_ =	shalt  }
0x60: {  	_ =	shalt  }
0x61: {  	_ =	shalt  }
0x62: {  	_ =	shalt  }
0x63: {  	_ =	shalt  }
0x64: {  	_ =	shalt  }
0x65: {  	_ =	shalt  }
0x66: {  	_ =	shalt  }
0x67: {  	_ =	shalt  }
0x68: {  	_ =	shalt  }
0x69: {  	_ =	shalt  }
0x6a: {  	_ =	shalt  }
0x6b: {  	_ =	shalt  }
0x6c: {  	_ =	shalt  }
0x6d: {  	_ =	shalt  }
0x6e: {  	_ =	shalt  }
0x6f: {  	_ =	shalt  }
0x70: {  	_ =	shalt  }
0x71: {  	_ =	shalt  }
0x72: {  	_ =	shalt  }
0x73: {  	_ =	shalt  }
0x74: {  	_ =	shalt  }
0x75: {  	_ =	shalt  }
0x76: {  	_ =	shalt  }
0x77: {  	_ =	shalt  }
0x78: {  	_ =	shalt  }
0x79: {  	_ =	shalt  }
0x7a: {  	_ =	shalt  }
0x7b: {  	_ =	shalt  }
0x7c: {  	_ =	shalt  }
0x7d: {  	_ =	shalt  }
0x7e: {  	_ =	shalt  }
0x7f: {  	_ =	shalt  }
0x80: {  	_ =	shalt  }
0x81: {  	_ =	shalt  }
0x82: {  	_ =	shalt  }
0x83: {  	_ =	shalt  }
0x84: {  	_ =	shalt  }
0x85: {  	_ =	shalt  }
0x86: {  	_ =	shalt  }
0x87: {  	_ =	shalt  }
.Lfunc_end0:
.L_simem_size_0:
called_computation.4_lowered:
.L_overlay_start_0:
0x88: {  	s2 =	sld [smem:$0x3FD9]  }
0x89: {  	s3 =	sld [smem:$0x3FFE];
	_ =	sdelay $0x1  }
0x8a: {  	s1 =	srdreg.scid  }
0x8b: {  	s0 =	sand.u32 $0x1, s1  }
0x8c: {  	s17 =	sshll.u32 s0, $0xA;
	s2 =	sadd.s32 s3, s2  }
0x8d: {  	s2 =	sadd.s32 s2, s17  }
0x8e: {  	[smem:$0x3FAE] =	sst s2  }
0x8f: {  	_ = 	snop  }
0x90: {  	(tm) =	ssettm $0x1  }
0x91: {  	s18 =	sld [smem:$0x3FFB];
	_ =	sdelay $0x3  }
0x92: {  	_ =	strace s18  }
0x93: {  	s2 =	sld [smem:$0x3FFC];
	_ =	sdelay $0x3  }
0x94: {  	_ =	strace s2  }
0x95: {  	s2 =	sld [smem:$0x3FFD];
	_ =	sdelay $0x3  }
0x96: {  	_ =	strace s2  }
0x97: {  	_ =	strace $0x8FFFFFFF  }
0x98: {  	s19 =	sld [smem:$0x3FDB];
	_ =	sdelay $0x1  }
0x99: {  	s20 =	simm.s32 $_scs_section_size  }
0x9a: {  	s4 =	simm.s32 $_size__tile_overlayer_lowered;
	s5 =	simm.s32 $_tile_overlayer_lowered  }
0x9b: {  	s6 =	simm.s32 $0x1BFF;
	s21 =	sshll.u32 s5, $0x1;
	s3 =	sadd.s32 s20, s19  }
0x9c: {  	s22 =	simm.s32 $0x0;
	s4 =	sshll.u32 s4, $0x1;
	s5 =	sadd.s32 s21, s3  }
0x9d: {  	[timem:s22], [sflag:s6] =	dma.local [hbm:s5], s4  }
0x9e: {  	_ =	swait.ge [sflag:s6], s4  }
0x9f: {  	s4 =	ssub.s32 $0x0, s4;
	[sflag:s6] =	ssyncset.done $0x0  }
0xa0: {  	[sflag:s6] =	ssyncadd.s32 s4;
	_ =	sdelay $0x1  }
0xa1: {  	s23 =	simm.s32 $0x1B8B  }
0xa2: {  	_ =	swait.ge [sflag:s23], $0x1  }
0xa3: {  	[sflag:s23] =	ssyncset.done $0x0  }
0xa4: {  	[sflag:s23] =	ssyncadd.s32 $0xFFFFFFFF  }
0xa5: {  	s4 =	sld [smem:$0x0]  }
0xa6: {  	s5 =	sand.u32 $0xFFFFFFFE, s1  }
0xa7: {  	p0 =	sne.s32 s1, s5  }
0xa8: {  	s5 =	sshll.u32 @p0 s5, $0xE  }
0xa9: {  	s5 =	sadd.s32 @p0 $0x11B8D, s5;
	s6 =	sshll.u32 @p0 s4, $0x11  }
0xaa: {  	s5 =	sor.u32 @p0 s6, s5  }
0xab: {  	[sflag:s5] =	ssyncadd.remote.s32 @p0 $0x1;
	_ =	sdelay $0x1  }
0xac: {  	s5 =	simm.s32 @p0 $0x1B8D  }
0xad: {  	_ =	swait.eq @p0 [sflag:s5], $0x1  }
0xae: {  	[sflag:s5] =	ssyncadd.s32 @p0 $0xFFFFFFFF  }
0xaf: {  	s6 =	sshll.u32 @!p0 s1, $0xE  }
0xb0: {  	s6 =	sor.u32 @!p0 $0x4000, s6;
	s5 =	simm.s32 @!p0 $0x1B8D  }
0xb1: {  	s4 =	sshll.u32 @!p0 s4, $0x11;
	s6 =	sadd.s32 @!p0 $0x11B8D, s6;
	_ =	swait.eq @!p0 [sflag:s5], $0x1  }
0xb2: {  	s4 =	sor.u32 @!p0 s4, s6;
	[sflag:s5] =	ssyncadd.s32 @!p0 $0xFFFFFFFF  }
0xb3: {  	s25 =	simm.s32 $0x1B8E;
	s24 =	sld [smem:$0x3FFE];
	[sflag:s4] =	ssyncadd.remote.s32 @!p0 $0x1  }
0xb4: {  	s26 =	simm.s32 $execute0_lowered;
	[smem:$0x3FD2] =	sst s25  }
0xb5: {  	s5 =	sshll.u32 s26, $0x1;
	_ =	strace $0x80000052;
	[dreg:$0x1] =	wrdreg $0xFFFFFFFF  }
0xb6: {  	s28 =	simm.s32 $_size_execute0_lowered;
	s3 =	sadd.s32 s3, s5;
	[dreg:$0x0] =	wrdreg $0x0  }
0xb7: {  	s5 =	sshll.u32 s28, $0x1;
	[dreg:$0x2] =	wrdreg s3  }
0xb8: {  	[dreg:$0x3] =	wrdreg s5  }
0xb9: {  	[dreg:$0x4] =	wrdreg $0xC0  }
0xba: {  	_ =	task [dreg:s22], $0x5FFFF  }
0xbb: {  	[dreg:$0x1] =	wrdreg $0xFFFFFFFF  }
0xbc: {  	[dreg:$0x0] =	wrdreg $0x60  }
0xbd: {  	[dreg:$0x2] =	wrdreg s24  }
0xbe: {  	[dreg:$0x3] =	wrdreg $0xED000  }
0xbf: {  	[dreg:$0x4] =	wrdreg $0x9  }
0xc0: {  	_ =	task.clear_ibuf [dreg:s22], $0x5FFFF;
	_ =	strace $0x90000052  }
0xc1: {  	s29 =	simm.s32 $0x9;
	_ =	strace $0x80000054  }
0xc2: {  	_ =	swait.ge [sflag:s29], $0x1  }
0xc3: {  	[sflag:s29] =	ssyncadd.s32 $0xFFFFFFFF  }
0xc4: {  	_ =	strace $0x90000054  }
0xc5: {  	_ =	sfence  }
0xc6: {  	s30 =	sld [smem:$0x0];
	_ =	sdelay $0x2  }
0xc7: {  	s31 =	sshll.u32 s1, $0xD;
	s1 =	sshrl.u32 s1, $0x2  }
0xc8: {  	s4 =	sand.u32 $0x4000, s31;
	s1 =	sadd.s32 s1, s30  }
0xc9: {  	s0 =	sor.u32 s4, s0;
	s1 =	sshll.u32 s1, $0x11  }
0xca: {  	s0 =	sor.u32 s1, s0  }
0xcb: {  	s0 =	sadd.s32 $0x8F2B, s0  }
0xcc: {  	[sflag:s0] =	ssyncadd.remote.s32 $0x1  }
0xcd: {  	_ =	sfence.sel $0xFFFF  }
0xce: {  	[dreg:$0x0] =	wrdreg $0xFFFFFFFF;
	(pc) =	sbr.abs _section_cstart, $3  }
0xcf: {  	[dreg:$0x1] =	wrdreg $0xFFFFFFFF  }
0xd0: {  	_ =	task.clear_ibuf [dreg:s22], $0x2FFFF;
	_ =	strace $0x9FFFFFFF  }
0xd1: {  	(tm) =	ssettm $0x7FFFFFFF  }
tec
execute0_lowered:
.L_overlay_start_1:
0x0: {  	(tag) =	ssettag $0x1  }
0x1: {  	s0 =	rddreg [dreg:$0x0]  }
0x2: {  	s2 =	rddreg [dreg:$0x1];
	s22 =	simm.s32 $0x0  }
0x3: {  	s9 =	stileid.u32;
	s3 =	srdreg.scid;
	s28 =	simm.s32 $0x6300  }
0x4: {  	s29 =	simm.s32 $0x80;
	s30 =	simm.s32 $0x9500;
	s1 =	smul.u32 $0x620, s9  }
0x5: {  	s31 =	simm.s32 $0x1;
	[smem:$0x7FF] =	sst s22;
	s6 =	smul.u32 $0x42000, s9  }
0x6: {  	s3 =	sand.u32 $0x1, s3;
	s4 =	sadd.s32 $0x18F600, s0;
	s25 =	smul.u32 $0x41000, s9  }
0x7: {  	s5 =	sadd.s32 $0x8A00, s0;
	s19 =	smul.u32 $0x208, s9;
	s20 =	sadd.s32 $0xF3C00, s2  }
0x8: {  	s21 =	sadd.s32 $0xC9E80, s0;
	p0 =	seq.s32 s9, $0xF;
	s7 =	ssub.s32 $0x2, s3  }
0x9: {  	_ =	strace $0x80000053;
	s23 =	smul.u32 $0x3, s3;
	s8 =	sshrl.u32 s7, $0x1  }
0xa: {  	s1 =	sadd.s32 s1, s0;
	s6 =	sshrl.u32 s6, $0x2;
	s8 =	ssub.s32 s7, s8  }
0xb: {  	s1 =	sadd.s32 $0x2800, s1;
	s7 =	sadd.s32 s6, s2;
	[dreg:$0x5] =	wrdreg s23  }
0xc: {  	s23 =	simm.s32 $0x2;
	[dreg:$0x4] =	wrdreg s1;
	s24 =	sadd.s32 $0x1800, s7  }
0xd: {  	s10 =	sadd.s32 $0x3000, s7;
	s11 =	sadd.s32 $0x4800, s7;
	s12 =	sadd.s32 $0x6000, s7  }
.Ltmp0:
0xe: {  	s13 =	sadd.s32 $0x7800, s7;
	s14 =	sadd.s32 $0x9000, s7;
	(pc) =	sbr.rel .LBB2_1-.Ltmp0, $4  }
0xf: {  	s15 =	sadd.s32 $0xA800, s7;
	s16 =	sadd.s32 $0xC000, s7;
	s17 =	sadd.s32 $0xD800, s7  }
0x10: {  	s1 =	sshrl.u32 s25, $0x2;
	s26 =	smax.u32 s8, $0x1;
	[dreg:$0x6] =	wrdreg s24  }
0x11: {  	v0 =	vimm.f32 $0.0e+00;
	s18 =	sadd.s32 $0xF000, s7;
	s1 =	sadd.s32 s1, s2;
	[dreg:$0x7] =	wrdreg s26  }
0x12: {  	v1 =	vimm.s32 $0x0;
	v2 =	vlaneseq.u32;
	v3 =	vimm.s32 $0x2090;
	s24 =	simm.s32 $0xD500;
	s26 =	simm.s32 $0x3100;
	s25 =	sshrl.u32 @!p0 s1, $0x3  }
.LBB2_11:
0x13: {  	s22 =	rddreg [dreg:$0x3]  }
0x14: {  	s0 =	rddreg [dreg:$0x7];
	s22 =	sadd.s32 $0x1, s22  }
0x15: {  	p1 =	sne.s32 s22, s0  }
.Ltmp1:
0x16: {  	_ = 	snop;
	(pc) =	sbr.rel @!p1 .LBB2_12-.Ltmp1, $1  }
0x17: {  	_ =	sdelay $0x3  }
.LBB2_1:
0x18: {  	[dreg:$0x3] =	wrdreg s22;
	s0 =	simm.s32 $0x0;
	s1 =	simm.s32 $0x200  }
.LBB2_2:
0x19: {  	p1 =	sne.s32 s1, $0x5E00;
	[tilespmem:s0+$0xD570] =	vst v0  }
0x1a: {  	[tilespmem:s0+$0xD500] =	vst v0  }
0x1b: {  	[tilespmem:s0+$0xD510] =	vst v0  }
.Ltmp2:
0x1c: {  	[tilespmem:s0+$0xD520] =	vst v0;
	(pc) =	sbr.rel @p1 .LBB2_2-.Ltmp2, $4  }
0x1d: {  	[tilespmem:s0+$0xD530] =	vst v0  }
0x1e: {  	[tilespmem:s0+$0xD540] =	vst v0  }
0x1f: {  	[tilespmem:s0+$0xD550] =	vst v0  }
0x20: {  	[tilespmem:s0+$0xD560] =	vst v0;
	s0 =	sshra.s32 s1, $0x2;
	s1 =	sadd.s32 $0x200, s1  }
0x21: {  	[tilespmem:s0+$0xD570] =	vst v0  }
0x22: {  	[tilespmem:s0+$0xD500] =	vst v0  }
0x23: {  	[tilespmem:s0+$0xD510] =	vst v0  }
0x24: {  	[tilespmem:s0+$0xD520] =	vst v0  }
0x25: {  	[tilespmem:s0+$0xD530] =	vst v0  }
0x26: {  	[tilespmem:s0+$0xD540] =	vst v0  }
0x27: {  	[tilespmem:s0+$0xD550] =	vst v0  }
.Ltmp3:
0x28: {  	[tilespmem:s0+$0xD560] =	vst v0;
	s0 =	simm.s32 $0x0;
	s1 =	rddreg [dreg:$0x4];
	(pc) =	sbr.rel .LBB2_4-.Ltmp3, $4  }
0x29: {  	[tilespmem:s0], [sflag:$0x2] =	stream.linear.gather [hbm4b:s1+s0], $0x3100, $0x38;
	[tilespmem:$0x1F500] =	vst v63  }
0x2a: {  	_ =	swait.ge [sflag:s23], $0x3100  }
0x2b: {  	[sflag:s23] =	ssyncset.done $0x0  }
0x2c: {  	[sflag:s23] =	ssyncadd.s32 $0xFFFFCF00  }
.LBB2_9:
0x2d: {  	[sflag:s23] =	ssyncadd.s32 $0xFFFFC000  }
.LBB2_10:
0x2e: {  	p1 =	sgt.u32 @p0 s22, $0x4  }
0x2f: {  	[bflag:$0x0] =	sbarrier.arrive $0xFFFF;
	p2 =	por !p1, !p0  }
0x30: {  	p1 =	por p1, !p0;
	s1 =	sshrl.u32 @!p2 s20, $0x3;
	s3 =	simm.s32 @!p2 $0x1FC2  }
0x31: {  	[hbm:s21], [sflag:s3] =	dma.local @!p2 [spmem:s1], $0x2080  }
0x32: {  	s1 =	simm.s32 @!p2 $0x2;
	s3 =	smul.u32 @!p1 $0x104800, s22  }
0x33: {  	_ =	swait.ge @!p2 [sflag:s1], $0x2080  }
0x34: {  	[sflag:s1] =	ssyncset.done @!p2 $0x0;
	s3 =	sshrl.u32 @!p1 s3, $0x3  }
0x35: {  	[sflag:s1] =	ssyncadd.s32 @!p2 $0xFFFFDF80;
	s1 =	sadd.s32 @!p1 s5, s3  }
0x36: {  	s8 =	simm.s32 @!p1 $0x1FC2;
	s3 =	sshrl.u32 @!p1 s20, $0x3;
	s1 =	sadd.s32 @!p1 $0x1E780, s1  }
0x37: {  	[hbm:s1], [sflag:s8] =	dma.local @!p1 [spmem:s3], $0x2180  }
0x38: {  	s0 =	sadd.s32 $0x1, s0;
	s1 =	simm.s32 @!p1 $0x2  }
0x39: {  	s3 =	sadd.s32 @!p0 s19, s6;
	s6 =	stileid.u32;
	_ =	swait.ge @!p1 [sflag:s1], $0x2180  }
0x3a: {  	s3 =	sshll.u32 @!p0 s3, $0x4;
	s6 =	sshll.u32 @!p0 s6, $0x6;
	[sflag:s1] =	ssyncset.done @!p1 $0x0  }
0x3b: {  	[sflag:s1] =	ssyncadd.s32 @!p1 $0xFFFFDE80;
	s1 =	sadd.s32 @!p0 s5, s3;
	s3 =	sor.u32 @!p0 $0x1C02, s6  }
0x3c: {  	[hbm:s1], [sflag:s3] =	dma.local @!p0 [spmem:s25], $0x2080  }
0x3d: {  	p1 =	sne.s32 s0, $0x3;
	s1 =	simm.s32 @!p0 $0x2  }
.Ltmp4:
0x3e: {  	_ =	swait.ge @!p0 [sflag:s1], $0x2080;
	(pc) =	sbr.rel @!p1 .LBB2_11-.Ltmp4, $3  }
0x3f: {  	[sflag:s1] =	ssyncset.done @!p0 $0x0  }
0x40: {  	[sflag:s1] =	ssyncadd.s32 @!p0 $0xFFFFDF80  }
0x41: {  	[bflag:$0x0] =	sbarrier.arrive $0xFFFF;
	_ =	sdelay $0x1  }
.LBB2_4:
0x42: {  	[spmem:s7] =	stream.linear.scatter [tilespmem:s24], [sflag:$0x2], $0x1800, $0x38;
	[tilespmem:$0x1F500] =	vst v63  }
0x43: {  	_ =	swait.ge [sflag:s23], $0x1800  }
0x44: {  	[sflag:s23] =	ssyncset.done $0x0  }
0x45: {  	s1 =	rddreg [dreg:$0x6];
	[sflag:s23] =	ssyncadd.s32 $0xFFFFE800  }
0x46: {  	[spmem:s1] =	stream.linear.scatter [tilespmem:s24], [sflag:$0x2], $0x1800, $0x38;
	[tilespmem:$0x1F500] =	vst v63  }
0x47: {  	_ =	swait.ge [sflag:s23], $0x1800  }
0x48: {  	[sflag:s23] =	ssyncset.done $0x0  }
0x49: {  	[sflag:s23] =	ssyncadd.s32 $0xFFFFE800  }
0x4a: {  	[spmem:s10] =	stream.linear.scatter [tilespmem:s24], [sflag:$0x2], $0x1800, $0x38;
	[tilespmem:$0x1F500] =	vst v63  }
0x4b: {  	_ =	swait.ge [sflag:s23], $0x1800  }
0x4c: {  	[sflag:s23] =	ssyncset.done $0x0  }
0x4d: {  	[sflag:s23] =	ssyncadd.s32 $0xFFFFE800  }
0x4e: {  	[spmem:s11] =	stream.linear.scatter [tilespmem:s24], [sflag:$0x2], $0x1800, $0x38;
	[tilespmem:$0x1F500] =	vst v63  }
0x4f: {  	_ =	swait.ge [sflag:s23], $0x1800  }
0x50: {  	[sflag:s23] =	ssyncset.done $0x0  }
0x51: {  	[sflag:s23] =	ssyncadd.s32 $0xFFFFE800  }
0x52: {  	[spmem:s12] =	stream.linear.scatter [tilespmem:s24], [sflag:$0x2], $0x1800, $0x38;
	[tilespmem:$0x1F500] =	vst v63  }
0x53: {  	_ =	swait.ge [sflag:s23], $0x1800  }
0x54: {  	[sflag:s23] =	ssyncset.done $0x0  }
0x55: {  	[sflag:s23] =	ssyncadd.s32 $0xFFFFE800  }
0x56: {  	[spmem:s13] =	stream.linear.scatter [tilespmem:s24], [sflag:$0x2], $0x1800, $0x38;
	[tilespmem:$0x1F500] =	vst v63  }
0x57: {  	_ =	swait.ge [sflag:s23], $0x1800  }
0x58: {  	[sflag:s23] =	ssyncset.done $0x0  }
0x59: {  	[sflag:s23] =	ssyncadd.s32 $0xFFFFE800  }
0x5a: {  	[spmem:s14] =	stream.linear.scatter [tilespmem:s24], [sflag:$0x2], $0x1800, $0x38;
	[tilespmem:$0x1F500] =	vst v63  }
0x5b: {  	_ =	swait.ge [sflag:s23], $0x1800  }
0x5c: {  	[sflag:s23] =	ssyncset.done $0x0  }
0x5d: {  	[sflag:s23] =	ssyncadd.s32 $0xFFFFE800  }
0x5e: {  	[spmem:s15] =	stream.linear.scatter [tilespmem:s24], [sflag:$0x2], $0x1800, $0x38;
	[tilespmem:$0x1F500] =	vst v63  }
0x5f: {  	_ =	swait.ge [sflag:s23], $0x1800  }
0x60: {  	[sflag:s23] =	ssyncset.done $0x0  }
0x61: {  	[sflag:s23] =	ssyncadd.s32 $0xFFFFE800  }
0x62: {  	[spmem:s16] =	stream.linear.scatter [tilespmem:s24], [sflag:$0x2], $0x1800, $0x38;
	[tilespmem:$0x1F500] =	vst v63  }
0x63: {  	_ =	swait.ge [sflag:s23], $0x1800  }
0x64: {  	[sflag:s23] =	ssyncset.done $0x0  }
0x65: {  	[sflag:s23] =	ssyncadd.s32 $0xFFFFE800  }
0x66: {  	[spmem:s17] =	stream.linear.scatter [tilespmem:s24], [sflag:$0x2], $0x1800, $0x38;
	[tilespmem:$0x1F500] =	vst v63  }
0x67: {  	_ =	swait.ge [sflag:s23], $0x1800  }
0x68: {  	[sflag:s23] =	ssyncset.done $0x0  }
0x69: {  	[sflag:s23] =	ssyncadd.s32 $0xFFFFE800  }
0x6a: {  	[spmem:s18] =	stream.linear.scatter [tilespmem:s24], [sflag:$0x2], $0x1800, $0x38;
	[tilespmem:$0x1F500] =	vst v63  }
0x6b: {  	_ =	swait.ge [sflag:s23], $0x1800  }
0x6c: {  	[sflag:s23] =	ssyncset.done $0x0  }
0x6d: {  	[sflag:s23] =	ssyncadd.s32 $0xFFFFE800  }
0x6e: {  	s9 =	simm.s32 $0x0;
	[bflag:$0x0] =	sbarrier.arrive $0xFFFF  }
0x6f: {  	v6 =	vld [tilespmem:s9+$0x0]  }
0x70: {  	s22 =	rddreg [dreg:$0x5]  }
0x71: {  	s22 =	sadd.s32 s22, s0  }
0x72: {  	s6 =	smul.u32 $0x2090, s22  }
0x73: {  	s1 =	simm.s32 $0x2080;
	p1 =	seq.s32 s22, $0x5  }
0x74: {  	s1 =	simm.s32 @!p1 $0x2090;
	v4 =	vmov s6;
	v7 =	vand.u32 $0xFFFF, v6  }
0x75: {  	v5 =	vmov s1;
	v7 =	vsub.s32 v7, v4  }
0x76: {  	vm0 =	vgt.s32 v7, $0xFFFFFFFF;
	vm1 =	vlt.s32 v7, v5  }
0x77: {  	vm0 =	vmand vm0, vm1  }
0x78: {  	v8 =	vsel vm0, $0x1, v1  }
0x79: {  	(xrf0) =	vadd.scan.msk.s32 $0xffff, v8;
	_ =	sdelay $0x1  }
0x7a: {  	s3 =	simm.s32 $0x80;
	s8 =	simm.s32 $0x0;
	s1 =	simm.s32 $0x40  }
.LBB2_5:
0x7b: {  	p1 =	sne.s32 s3, $0xC3C0;
	v8 =	vmov s8  }
0x7c: {  	v8 =	vadd.s32 $0xFFFFFFFF, v8  }
0x7d: {  	v8 =	vbroadcast v8, $0x0  }
0x7e: {  	v9, _, _ =	vpop (xrf0)  }
0x7f: {  	v8 =	vadd.s32 v9, v8  }
0x80: {  	(v2sf) =	vpush v8, $0xF;
	_ =	sdelay $0x2  }
0x81: {  	v6 =	vshrl.u32 v6, $0x10  }
0x82: {  	[tilespmem:v8+s26+$0x0] =	vst.idx.msk vm0, v6  }
0x83: {  	s8 =	sshra.s32 s1, $0x2;
	s1 =	smov.u32 s3;
	[tilespmem:v8+s28+$0x0] =	vst.idx.msk vm0, v7  }
0x84: {  	v6 =	vld [tilespmem:s8+$0x0];
	_ =	sdelay $0x4  }
0x85: {  	v7 =	vand.u32 $0xFFFF, v6  }
0x86: {  	v7 =	vsub.s32 v7, v4  }
0x87: {  	vm0 =	vgt.s32 v7, $0xFFFFFFFF;
	vm1 =	vlt.s32 v7, v5  }
.Ltmp5:
0x88: {  	vm0 =	vmand vm0, vm1;
	(pc) =	sbr.rel @p1 .LBB2_5-.Ltmp5, $3  }
0x89: {  	v8 =	vsel vm0, $0x1, v1;
	s8 =	spop (v2sf)  }
0x8a: {  	(xrf0) =	vadd.scan.msk.s32 $0xffff, v8;
	s8 =	sadd.s32 $0x1, s8;
	_ =	sdelay $0x1  }
0x8b: {  	s3 =	sadd.s32 $0x40, s3  }
0x8c: {  	v8 =	vmov s8  }
0x8d: {  	v8 =	vadd.s32 $0xFFFFFFFF, v8  }
0x8e: {  	v8 =	vbroadcast v8, $0x0  }
0x8f: {  	v9, _, _ =	vpop (xrf0)  }
0x90: {  	v8 =	vadd.s32 v9, v8;
	_ =	sdelay $0x2  }
0x91: {  	(v2sf) =	vpush v8, $0xF  }
0x92: {  	v6 =	vshrl.u32 v6, $0x10  }
0x93: {  	[tilespmem:v8+s26+$0x0] =	vst.idx.msk vm0, v6  }
0x94: {  	s1 =	sshra.s32 s1, $0x2;
	[tilespmem:v8+s28+$0x0] =	vst.idx.msk vm0, v7  }
0x95: {  	v6 =	vld [tilespmem:s1+$0x0];
	_ =	sdelay $0x4  }
0x96: {  	v58 =	vand.u32 $0xFFFF, v6  }
0x97: {  	v4 =	vsub.s32 v58, v4  }
0x98: {  	vm15 =	vgt.s32 v4, $0xFFFFFFFF;
	vm1 =	vlt.s32 v4, v5  }
0x99: {  	vm0 =	vmand vm15, vm1  }
0x9a: {  	v5 =	vsel vm0, $0x1, v1  }
0x9b: {  	(xrf0) =	vadd.scan.msk.s32 $0xffff, v5  }
0x9c: {  	s8 =	spop (v2sf)  }
0x9d: {  	s1 =	sadd.s32 $0x1, s8  }
0x9e: {  	v5 =	vmov s1  }
0x9f: {  	v5 =	vadd.s32 $0xFFFFFFFF, v5  }
0xa0: {  	v5 =	vbroadcast v5, $0x0  }
0xa1: {  	v59, _, _ =	vpop (xrf0)  }
0xa2: {  	v5 =	vadd.s32 v59, v5  }
0xa3: {  	(v2sf) =	vpush v5, $0xF;
	_ =	sdelay $0xe  }
0xa4: {  	s8 =	spop (v2sf)  }
0xa5: {  	s9 =	sadd.s32 $0x1, s8  }
0xa6: {  	v60 =	vadd.s32 s9, v2  }
0xa7: {  	s3 =	sadd.s32 $0x11, s8  }
0xa8: {  	v6 =	vshrl.u32 v6, $0x10;
	v61 =	vadd.s32 s3, v2  }
0xa9: {  	[tilespmem:v5+s26+$0x0] =	vst.idx.msk vm0, v6;
	s9 =	sadd.s32 $0x21, s8  }
0xaa: {  	[tilespmem:v5+s28+$0x0] =	vst.idx.msk vm0, v4;
	s3 =	simm.s32 $0x3100;
	v4 =	vadd.s32 s9, v2  }
0xab: {  	s1 =	simm.s32 $0x6300;
	s9 =	sadd.s32 $0x31, s8;
	[tilespmem:v60+s3+$0x0] =	vst.idx.msk $0xffff, v1  }
0xac: {  	v5 =	vadd.s32 s9, v2;
	[tilespmem:v60+s1+$0x0] =	vst.idx.msk $0xffff, v3  }
0xad: {  	s9 =	sadd.s32 $0x41, s8;
	[tilespmem:v61+s3+$0x0] =	vst.idx.msk $0xffff, v1  }
0xae: {  	v62 =	vadd.s32 s9, v2;
	[tilespmem:v61+s1+$0x0] =	vst.idx.msk $0xffff, v3  }
0xaf: {  	s9 =	sadd.s32 $0x51, s8;
	[tilespmem:v4+s3+$0x0] =	vst.idx.msk $0xffff, v1  }
0xb0: {  	[tilespmem:v4+s1+$0x0] =	vst.idx.msk $0xffff, v3;
	v4 =	vadd.s32 s9, v2  }
0xb1: {  	s9 =	sadd.s32 $0x61, s8;
	[tilespmem:v5+s3+$0x0] =	vst.idx.msk $0xffff, v1  }
0xb2: {  	[tilespmem:v5+s1+$0x0] =	vst.idx.msk $0xffff, v3;
	v5 =	vadd.s32 s9, v2  }
0xb3: {  	s9 =	sadd.s32 $0x71, s8;
	s8 =	sadd.s32 $0x80, s8;
	[tilespmem:v62+s3+$0x0] =	vst.idx.msk $0xffff, v1  }
0xb4: {  	v63 =	vadd.s32 s9, v2;
	s8 =	sshra.s32 s8, $0x7;
	[tilespmem:v62+s1+$0x0] =	vst.idx.msk $0xffff, v3  }
0xb5: {  	p1 =	slt.s32 s8, $0x1;
	[tilespmem:v4+s3+$0x0] =	vst.idx.msk $0xffff, v1  }
.Ltmp6:
0xb6: {  	[tilespmem:v4+s1+$0x0] =	vst.idx.msk $0xffff, v3;
	(pc) =	sbr.rel @p1 .LBB2_10-.Ltmp6, $4  }
0xb7: {  	[tilespmem:v5+s3+$0x0] =	vst.idx.msk $0xffff, v1  }
0xb8: {  	[tilespmem:v5+s1+$0x0] =	vst.idx.msk $0xffff, v3  }
0xb9: {  	[tilespmem:v63+s3+$0x0] =	vst.idx.msk $0xffff, v1  }
0xba: {  	[tilespmem:v63+s1+$0x0] =	vst.idx.msk $0xffff, v3  }
0xbb: {  	[tilespmem:s30], [sflag:$0x1] =	stream.indirect.gather [hbm4b:s4+s29], $0x80, s3, s29, $0xb8;
	[tilespmem:$0x1F500] =	vst v63  }
0xbc: {  	p1 =	sne.s32 s8, $0x1;
	_ =	swait.ge [sflag:s31], $0x4000  }
.Ltmp7:
0xbd: {  	[sflag:s31] =	ssyncset.done $0x0;
	(pc) =	sbr.rel @!p1 .LBB2_9-.Ltmp7, $4  }
0xbe: {  	[sflag:s31] =	ssyncadd.s32 $0xFFFFC000  }
0xbf: {  	[spmem:s2] =	stream.indirect.scatter.add.f32 [tilespmem:s30], [sflag:$0x2], $0x80, s1, s29, $0xb8;
	[tilespmem:$0x1F500] =	vst v63  }
0xc0: {  	_ =	swait.ge [sflag:s23], $0x4000  }
0xc1: {  	s8 =	sadd.s32 $0xFFFFFFFF, s8;
	[sflag:s23] =	ssyncset.done $0x0  }
.LBB2_8:
0xc2: {  	[sflag:s23] =	ssyncadd.s32 $0xFFFFC000;
	s3 =	sadd.s32 $0x80, s3;
	s1 =	sadd.s32 $0x80, s1  }
0xc3: {  	[tilespmem:s30], [sflag:$0x1] =	stream.indirect.gather [hbm4b:s4+s29], $0x80, s3, s29, $0xb8;
	[tilespmem:$0x1F500] =	vst v63  }
0xc4: {  	p1 =	sne.s32 s8, $0x1;
	s8 =	sadd.s32 $0xFFFFFFFF, s8;
	_ =	swait.ge [sflag:s31], $0x4000  }
.Ltmp8:
0xc5: {  	[sflag:s31] =	ssyncset.done $0x0;
	(pc) =	sbr.rel @p1 .LBB2_8-.Ltmp8, $4  }
0xc6: {  	[sflag:s31] =	ssyncadd.s32 $0xFFFFC000  }
0xc7: {  	[spmem:s2] =	stream.indirect.scatter.add.f32 [tilespmem:s30], [sflag:$0x2], $0x80, s1, s29, $0xb8;
	[tilespmem:$0x1F500] =	vst v63  }
0xc8: {  	_ =	swait.ge [sflag:s23], $0x4000  }
0xc9: {  	[sflag:s23] =	ssyncset.done $0x0  }
.Ltmp9:
0xca: {  	_ = 	snop;
	(pc) =	sbr.rel .LBB2_9-.Ltmp9, $1  }
0xcb: {  	_ =	sdelay $0x3  }
.LBB2_12:
0xcc: {  	_ =	sfence.sel $0x180000  }
0xcd: {  	[bflag:$0x0] =	sbarrier.arrive $0xFFFF  }
0xce: {  	_ =	strace $0x90000053  }
0xcf: {  	s0 =	stileid.u32;
	[bflag:$0x2] =	sbarrier.arrive $0xFFFF  }
0xd0: {  	p0 =	sne.s32 s0, $0x0;
	s0 =	rddreg [dreg:$0x2]  }
0xd1: {  	s0 =	sadd.s32 @!p0 $0x100000, s0  }
0xd2: {  	[sflag:s0] =	ssyncadd.tile.s32 @!p0 $0x1;
	_ =	shalt  }
.Lfunc_end2:
_tile_overlayer_lowered:
.L_overlay_start_2:
0xd3: {  	(tag) =	ssettag $0x2  }
0xd4: {  	s0 =	rddreg [dreg:$0x0];
	s2 =	stileid.u32  }
0xd5: {  	s1 =	rddreg [dreg:$0x1];
	p0 =	sne.s32 s2, $0x0  }
0xd6: {  	s3 =	rddreg [dreg:$0x2];
	[bflag:$0x3] =	sbarrier.arrive $0xFFFF;
	s2 =	simm.s32 @!p0 $0x1C02  }
0xd7: {  	[timem:s3], [sflag:s2] =	dma.local @!p0 [hbm:s0], s1  }
0xd8: {  	s0 =	simm.s32 @!p0 $0x2  }
0xd9: {  	_ =	swait.ge @!p0 [sflag:s0], s1  }
0xda: {  	s1 =	ssub.s32 @!p0 $0x0, s1;
	[sflag:s0] =	ssyncset.done @!p0 $0x0  }
0xdb: {  	[sflag:s0] =	ssyncadd.s32 @!p0 s1  }
0xdc: {  	[bflag:$0x3] =	sbarrier.arrive $0xFFFF  }
0xdd: {  	_ =	shalt  }

</sc_bundles>
